<compile_context>
chip_gen: v7x
topology: tpu7x:2x2x1
jax: 0.10.2.dev20260603
libtpu: 0.0.44.dev20260713+nightly
codegen_flags: <defaults>
</compile_context>

<pallas_src>
import functools

import jax
import jax.numpy as jnp
from jax import lax
from jax.experimental import pallas as pl
from jax.experimental.pallas import tpu as pltpu
from jax.experimental.pallas import tpu_sc as plsc

NUM_SC_CORES = 2
NUM_SC_SUBCORES = 16
NUM_WORKERS = NUM_SC_CORES * NUM_SC_SUBCORES


def _tables_body(bt_ref, pi_ref, pt_ref, ll_ref):
    bt = bt_ref[...]
    pi = pi_ref[...]
    m = bt.shape[0]
    sm_b = jax.nn.softmax(bt, axis=0)
    sm_pi = jax.nn.softmax(pi, axis=0)
    unnorm = sm_pi[None, :, :] * sm_b
    denom = jnp.sum(unnorm, axis=1)
    post = (unnorm / denom[:, None, :]).reshape(m, -1)
    d = post.shape[1]
    left = jnp.broadcast_to(post[:, None, :], (m, m, d)).reshape(m * m, d)
    right = jnp.broadcast_to(post[None, :, :], (m, m, d)).reshape(m * m, d)
    pt_ref[...] = jnp.zeros_like(pt_ref)
    pt_ref[:, :d] = left
    pt_ref[:, 256:256 + d] = right
    ll_ref[...] = jnp.log(denom)


def _transpose_body(g_ref, out_ref, d: int):
    out_ref[...] = g_ref[...][:, :d].T


def _ll_body(x_ref, tbl_ref, out_ref, m: int):
    xv = x_ref[0, :]
    tbl = tbl_ref[...]
    acc = jnp.zeros(out_ref.shape, jnp.float32)
    for mm in range(m):
        sel = (xv == mm)[None, :]
        acc = jnp.where(sel, tbl[mm][:, None], acc)
    out_ref[...] = acc


def _sc_gather(table_pad, idx, n, dpad, chunk):
    num_chunks = n // chunk
    iters = pl.cdiv(num_chunks, NUM_WORKERS)
    mesh = plsc.VectorSubcoreMesh(core_axis_name="c", subcore_axis_name="s")

    @functools.partial(
        pl.kernel,
        out_type=jax.ShapeDtypeStruct((n, dpad), jnp.float32),
        mesh=mesh,
        scratch_types=[
            pltpu.VMEM((chunk,), jnp.int32),
            pltpu.VMEM((chunk,), jnp.int32),
            pltpu.VMEM((chunk, dpad), jnp.float32),
            pltpu.VMEM((chunk, dpad), jnp.float32),
            pltpu.SemaphoreType.DMA,
            pltpu.SemaphoreType.DMA,
            pltpu.SemaphoreType.DMA,
            pltpu.SemaphoreType.DMA,
            pltpu.SemaphoreType.DMA,
            pltpu.SemaphoreType.DMA,
        ],
    )
    def gather_kernel(table_hbm, idx_hbm, out_hbm, idx0, idx1, rows0, rows1,
                      isem0, isem1, gsem0, gsem1, ssem0, ssem1):
        wid = lax.axis_index("s") * NUM_SC_CORES + lax.axis_index("c")
        rows = (rows0, rows1)
        idxb = (idx0, idx1)
        isem = (isem0, isem1)
        gsem = (gsem0, gsem1)
        ssem = (ssem0, ssem1)

        def chunk_of(k):
            return k * NUM_WORKERS + wid

        def idx_start(k):
            b = k % 2
            c = chunk_of(k)

            @pl.when(c < num_chunks)
            def _():
                pltpu.async_copy(idx_hbm.at[pl.ds(c * chunk, chunk)],
                                 idxb[b], isem[b])

        def idx_wait(k):
            b = k % 2
            c = chunk_of(k)

            @pl.when(c < num_chunks)
            def _():
                pltpu.make_async_copy(idx_hbm.at[pl.ds(c * chunk, chunk)],
                                      idxb[b], isem[b]).wait()

        def gather_start(k):
            b = k % 2
            c = chunk_of(k)

            @pl.when(c < num_chunks)
            def _():
                pltpu.async_copy(table_hbm.at[idxb[b]], rows[b], gsem[b])

        def gather_wait_store_start(k):
            b = k % 2
            c = chunk_of(k)

            @pl.when(c < num_chunks)
            def _():
                pltpu.make_async_copy(table_hbm.at[idxb[b]], rows[b],
                                      gsem[b]).wait()
                pltpu.async_copy(rows[b], out_hbm.at[pl.ds(c * chunk, chunk)],
                                 ssem[b])

        def store_drain(k):
            if k < 0:
                return
            b = k % 2
            c = chunk_of(k)

            @pl.when(c < num_chunks)
            def _():
                pltpu.make_async_copy(rows[b],
                                      out_hbm.at[pl.ds(c * chunk, chunk)],
                                      ssem[b]).wait()

        idx_start(0)
        for k in range(iters):
            store_drain(k - 2)
            idx_wait(k)
            gather_start(k)
            idx_start(k + 1)
            gather_wait_store_start(k)
        store_drain(iters - 2)
        store_drain(iters - 1)

    return gather_kernel(table_pad, idx)


def kernel(x, edge_index, h_prev, B, Pi):
    c, m, ngen = B.shape
    n = x.shape[0]
    d = c * ngen
    dpad = 512

    x = x.astype(jnp.int32)
    bt = jnp.transpose(B, (1, 0, 2))

    pair_tbl, ll_tbl = pl.pallas_call(
        _tables_body,
        out_shape=(
            jax.ShapeDtypeStruct((m * m, dpad), jnp.float32),
            jax.ShapeDtypeStruct((m, ngen), jnp.float32),
        ),
    )(bt, Pi)

    n_out = ((n + 127) // 128) * 128
    half = n_out // 2
    xpad = jnp.pad(x, (0, n_out - n))
    pair_idx = xpad[:half] * m + xpad[half:]

    chunk = 64
    assert half % chunk == 0 and chunk % 8 == 0
    gp = _sc_gather(pair_tbl, pair_idx, half, dpad, chunk)

    bnp = 2176
    gi = half // bnp
    p2d = pl.pallas_call(
        functools.partial(_transpose_body, d=d),
        grid=(gi, 2),
        in_specs=[pl.BlockSpec((bnp, 256), lambda i, h: (i, h))],
        out_specs=pl.BlockSpec((d, bnp), lambda i, h: (0, h * gi + i)),
        out_shape=jax.ShapeDtypeStruct((d, n_out), jnp.float32),
    )(gp)

    bn = 2048
    grid = pl.cdiv(n, bn)
    x2 = x.reshape(1, n)
    l2d = pl.pallas_call(
        functools.partial(_ll_body, m=m),
        grid=(grid,),
        in_specs=[
            pl.BlockSpec((1, bn), lambda i: (0, i)),
            pl.BlockSpec((m, ngen), lambda i: (0, 0)),
        ],
        out_specs=pl.BlockSpec((ngen, bn), lambda i: (0, i)),
        out_shape=jax.ShapeDtypeStruct((ngen, n), jnp.float32),
    )(x2, ll_tbl)

    log_likelihood = jnp.transpose(l2d, (1, 0))[:, None, :]
    posterior = jnp.transpose(p2d.reshape(c, ngen, -1), (2, 0, 1))[:n]
    return (log_likelihood, posterior)

# --- scband reference (transcript-rebuilt; emitter-appended) ---
"""Pipeline reference for scband-cgmm-41111426957570 (READ-ONLY COPY).

The authoritative reference and input builder live on the scoring server;
editing this copy changes nothing except your own understanding.
"""

import jax, jax.numpy as jnp
import numpy as np

N = 100000
E = 3200000
C = 20
M = 32
NGEN = 8


def setup_inputs(seed: int = 0) -> dict:
    key = jax.random.key(seed)
    k1, k2, k3, k4 = jax.random.split(key, 4)
    x = jax.random.randint(k1, (N,), 0, M)
    edge_index = jax.random.randint(k2, (2, E), 0, N)
    h_prev = jnp.zeros((N, C, 1), dtype=jnp.float32)
    # learned parameters per init_kwargs, uniform(-5, 5) init as in the module
    B = jax.random.uniform(k3, (C, M, NGEN), minval=-5.0, maxval=5.0, dtype=jnp.float32)
    Pi = jax.random.uniform(k4, (C, NGEN), minval=-5.0, maxval=5.0, dtype=jnp.float32)
    return {"x": x, "edge_index": edge_index, "h_prev": h_prev, "B": B, "Pi": Pi}


def reference(x, edge_index, h_prev, B, Pi):
    # CGMM as constructed has a single CGMMLayer_0, so only the base layer runs:
    # edge_index and h_prev are accepted (required by forward signature) but unused.
    # _softmax_reparameterization: per-generator softmax == softmax along the axis
    sm_B = jax.nn.softmax(B, axis=1)      # [C, M, NGEN]
    sm_Pi = jax.nn.softmax(Pi, axis=0)    # [C, NGEN]
    # sm_B[:, x] -> [C, N, NGEN]; permute(1,0,2) -> [N, C, NGEN]  (embedding gather)
    B_nodes = jnp.transpose(jnp.take(sm_B, x, axis=1), (1, 0, 2))
    unnorm_posterior = sm_Pi[None, :, :] * B_nodes                 # [N, C, NGEN]
    posterior = unnorm_posterior / jnp.sum(unnorm_posterior, axis=1, keepdims=True)
    log_likelihood = jnp.log(jnp.sum(unnorm_posterior, axis=1))    # [N, NGEN]
    # CGMM.forward stacks per-layer likelihoods along dim=1 -> [N, n_layers=1, NGEN]
    log_likelihood = log_likelihood[:, None, :]
    return (log_likelihood, posterior)

if __name__ == "__main__":
    import jax
    _d = setup_inputs()
    print(jax.jit(kernel)(*tuple(_d.values())))

</pallas_src>

<mosaic_0001>
#map = affine_map<(d0, d1) -> (0, 0)>
#map1 = affine_map<(d0, d1) -> (0)>
module attributes {stable_mosaic.version = 14 : i64} {
  func.func @gather_kernel(%arg0: i32, %arg1: i32, %arg2: memref<1024x512xf32, #tpu.memory_space<hbm>>, %arg3: memref<50048xi32, #tpu.memory_space<hbm>>, %arg4: memref<50048x512xf32, #tpu.memory_space<hbm>>, %arg5: memref<64xi32, #tpu.memory_space<vmem>>, %arg6: memref<64xi32, #tpu.memory_space<vmem>>, %arg7: memref<64x512xf32, #tpu.memory_space<vmem>>, %arg8: memref<64x512xf32, #tpu.memory_space<vmem>>, %arg9: memref<!tpu.dma_semaphore, #tpu.memory_space<semaphore_mem>>, %arg10: memref<!tpu.dma_semaphore, #tpu.memory_space<semaphore_mem>>, %arg11: memref<!tpu.dma_semaphore, #tpu.memory_space<semaphore_mem>>, %arg12: memref<!tpu.dma_semaphore, #tpu.memory_space<semaphore_mem>>, %arg13: memref<!tpu.dma_semaphore, #tpu.memory_space<semaphore_mem>>, %arg14: memref<!tpu.dma_semaphore, #tpu.memory_space<semaphore_mem>>) attributes {dimension_semantics = [#tpu.dimension_semantics<core_parallel>, #tpu.dimension_semantics<subcore_parallel>], iteration_bounds = array<i64: 2, 16>, scalar_prefetch = 0 : i64, scratch_operands = 10 : i64, tpu.core_type = #tpu.core_type<sc_vector_subcore>, window_params = [{transform_indices = #map}, {transform_indices = #map1}, {transform_indices = #map}]} {
    %mul3A = arith.constant 2 : i32
    %mul3A_0 = arith.muli %arg1, %mul3A : i32
    %add3A = arith.addi %mul3A_0, %arg0 : i32
    %add3A_1 = arith.constant 0 : i32
    %add3A_2 = arith.addi %add3A_1, %add3A : i32
    %lt3A = arith.constant 782 : i32
    %lt3A_3 = arith.cmpi slt, %add3A_2, %lt3A : i32
    %convert_element_type3A = arith.extui %lt3A_3 : i1 to i32
    %cond3A = arith.constant 0 : i32
    %cond3A_4 = arith.cmpi ne, %convert_element_type3A, %cond3A : i32
    scf.if %cond3A_4 {
      %mul3A_880 = arith.constant 64 : i32
      %mul3A_881 = arith.muli %add3A_2, %mul3A_880 : i32
      %dma_start3A = tpu.memref_slice %arg3[%mul3A_881] : memref<50048xi32, #tpu.memory_space<hbm>> -> memref<64xi32, #tpu.memory_space<hbm>>
      %dma_start3A_882 = tpu.memref_slice %arg3[%mul3A_881] : memref<50048xi32, #tpu.memory_space<hbm>> -> memref<64xi32, #tpu.memory_space<hbm>>
      tpu.enqueue_dma source(%dma_start3A_882 : memref<64xi32, #tpu.memory_space<hbm>>) target(%arg5 : memref<64xi32, #tpu.memory_space<vmem>>) target_semaphore(%arg9 : memref<!tpu.dma_semaphore, #tpu.memory_space<semaphore_mem>>)
    } else {
    }
    %add3A_5 = arith.constant 0 : i32
    %add3A_6 = arith.addi %add3A_5, %add3A : i32
    %lt3A_7 = arith.constant 782 : i32
    %lt3A_8 = arith.cmpi slt, %add3A_6, %lt3A_7 : i32
    %convert_element_type3A_9 = arith.extui %lt3A_8 : i1 to i32
    %cond3A_10 = arith.constant 0 : i32
    %cond3A_11 = arith.cmpi ne, %convert_element_type3A_9, %cond3A_10 : i32
    scf.if %cond3A_11 {
      %mul3A_880 = arith.constant 64 : i32
      %mul3A_881 = arith.muli %add3A_6, %mul3A_880 : i32
      %dma_wait3A = tpu.memref_slice %arg3[%mul3A_881] : memref<50048xi32, #tpu.memory_space<hbm>> -> memref<64xi32, #tpu.memory_space<hbm>>
      %dma_wait3A_882 = tpu.memref_slice %arg3[%mul3A_881] : memref<50048xi32, #tpu.memory_space<hbm>> -> memref<64xi32, #tpu.memory_space<hbm>>
      tpu.wait_dma2 semaphore(%arg9 : memref<!tpu.dma_semaphore, #tpu.memory_space<semaphore_mem>>) src(%dma_wait3A_882 : memref<64xi32, #tpu.memory_space<hbm>>) dst(%arg5 : memref<64xi32, #tpu.memory_space<vmem>>)
    } else {
    }
    %add3A_12 = arith.constant 0 : i32
    %add3A_13 = arith.addi %add3A_12, %add3A : i32
    %lt3A_14 = arith.constant 782 : i32
    %lt3A_15 = arith.cmpi slt, %add3A_13, %lt3A_14 : i32
    %convert_element_type3A_16 = arith.extui %lt3A_15 : i1 to i32
    %cond3A_17 = arith.constant 0 : i32
    %cond3A_18 = arith.cmpi ne, %convert_element_type3A_16, %cond3A_17 : i32
    scf.if %cond3A_18 {
      %dma_start3A = arith.constant 0 : i32
      %dma_start3A_880 = arith.constant 0 : i32
      %dma_start3A_881 = tpu.memref_slice %arg2[%dma_start3A, %dma_start3A_880] : memref<1024x512xf32, #tpu.memory_space<hbm>> -> memref<1024x512xf32, #tpu.memory_space<hbm>>
      tpu.enqueue_indirect_dma source(%dma_start3A_881 : memref<1024x512xf32, #tpu.memory_space<hbm>>) target(%arg7 : memref<64x512xf32, #tpu.memory_space<vmem>>) offsets(%arg5 : memref<64xi32, #tpu.memory_space<vmem>>) semaphore(%arg11 : memref<!tpu.dma_semaphore, #tpu.memory_space<semaphore_mem>>)
    } else {
    }
    %add3A_19 = arith.constant 32 : i32
    %add3A_20 = arith.addi %add3A_19, %add3A : i32
    %lt3A_21 = arith.constant 782 : i32
    %lt3A_22 = arith.cmpi slt, %add3A_20, %lt3A_21 : i32
    %convert_element_type3A_23 = arith.extui %lt3A_22 : i1 to i32
    %cond3A_24 = arith.constant 0 : i32
    %cond3A_25 = arith.cmpi ne, %convert_element_type3A_23, %cond3A_24 : i32
    scf.if %cond3A_25 {
      %mul3A_880 = arith.constant 64 : i32
      %mul3A_881 = arith.muli %add3A_20, %mul3A_880 : i32
      %dma_start3A = tpu.memref_slice %arg3[%mul3A_881] : memref<50048xi32, #tpu.memory_space<hbm>> -> memref<64xi32, #tpu.memory_space<hbm>>
      %dma_start3A_882 = tpu.memref_slice %arg3[%mul3A_881] : memref<50048xi32, #tpu.memory_space<hbm>> -> memref<64xi32, #tpu.memory_space<hbm>>
      tpu.enqueue_dma source(%dma_start3A_882 : memref<64xi32, #tpu.memory_space<hbm>>) target(%arg6 : memref<64xi32, #tpu.memory_space<vmem>>) target_semaphore(%arg10 : memref<!tpu.dma_semaphore, #tpu.memory_space<semaphore_mem>>)
    } else {
    }
    %add3A_26 = arith.constant 0 : i32
    %add3A_27 = arith.addi %add3A_26, %add3A : i32
    %lt3A_28 = arith.constant 782 : i32
    %lt3A_29 = arith.cmpi slt, %add3A_27, %lt3A_28 : i32
    %convert_element_type3A_30 = arith.extui %lt3A_29 : i1 to i32
    %cond3A_31 = arith.constant 0 : i32
    %cond3A_32 = arith.cmpi ne, %convert_element_type3A_30, %cond3A_31 : i32
    scf.if %cond3A_32 {
      %dma_wait3A = arith.constant 0 : i32
      %dma_wait3A_880 = arith.constant 0 : i32
      %dma_wait3A_881 = tpu.memref_slice %arg2[%dma_wait3A, %dma_wait3A_880] : memref<1024x512xf32, #tpu.memory_space<hbm>> -> memref<1024x512xf32, #tpu.memory_space<hbm>>
      tpu.wait_indirect_dma semaphore(%arg11 : memref<!tpu.dma_semaphore, #tpu.memory_space<semaphore_mem>>) src(%dma_wait3A_881 : memref<1024x512xf32, #tpu.memory_space<hbm>>) dst(%arg7 : memref<64x512xf32, #tpu.memory_space<vmem>>)
      %mul3A_882 = arith.constant 64 : i32
      %mul3A_883 = arith.muli %add3A_27, %mul3A_882 : i32
      %dma_start3A = arith.constant 0 : i32
      %dma_start3A_884 = tpu.memref_slice %arg4[%mul3A_883, %dma_start3A] : memref<50048x512xf32, #tpu.memory_space<hbm>> -> memref<64x512xf32, #tpu.memory_space<hbm>>
      %dma_start3A_885 = arith.constant 0 : i32
      %dma_start3A_886 = tpu.memref_slice %arg4[%mul3A_883, %dma_start3A_885] : memref<50048x512xf32, #tpu.memory_space<hbm>> -> memref<64x512xf32, #tpu.memory_space<hbm>>
      tpu.enqueue_dma source(%arg7 : memref<64x512xf32, #tpu.memory_space<vmem>>) target(%dma_start3A_886 : memref<64x512xf32, #tpu.memory_space<hbm>>) target_semaphore(%arg13 : memref<!tpu.dma_semaphore, #tpu.memory_space<semaphore_mem>>)
    } else {
    }
    %add3A_33 = arith.constant 32 : i32
    %add3A_34 = arith.addi %add3A_33, %add3A : i32
    %lt3A_35 = arith.constant 782 : i32
    %lt3A_36 = arith.cmpi slt, %add3A_34, %lt3A_35 : i32
    %convert_element_type3A_37 = arith.extui %lt3A_36 : i1 to i32
    %cond3A_38 = arith.constant 0 : i32
    %cond3A_39 = arith.cmpi ne, %convert_element_type3A_37, %cond3A_38 : i32
    scf.if %cond3A_39 {
      %mul3A_880 = arith.constant 64 : i32
      %mul3A_881 = arith.muli %add3A_34, %mul3A_880 : i32
      %dma_wait3A = tpu.memref_slice %arg3[%mul3A_881] : memref<50048xi32, #tpu.memory_space<hbm>> -> memref<64xi32, #tpu.memory_space<hbm>>
      %dma_wait3A_882 = tpu.memref_slice %arg3[%mul3A_881] : memref<50048xi32, #tpu.memory_space<hbm>> -> memref<64xi32, #tpu.memory_space<hbm>>
      tpu.wait_dma2 semaphore(%arg10 : memref<!tpu.dma_semaphore, #tpu.memory_space<semaphore_mem>>) src(%dma_wait3A_882 : memref<64xi32, #tpu.memory_space<hbm>>) dst(%arg6 : memref<64xi32, #tpu.memory_space<vmem>>)
    } else {
    }
    %add3A_40 = arith.constant 32 : i32
    %add3A_41 = arith.addi %add3A_40, %add3A : i32
    %lt3A_42 = arith.constant 782 : i32
    %lt3A_43 = arith.cmpi slt, %add3A_41, %lt3A_42 : i32
    %convert_element_type3A_44 = arith.extui %lt3A_43 : i1 to i32
    %cond3A_45 = arith.constant 0 : i32
    %cond3A_46 = arith.cmpi ne, %convert_element_type3A_44, %cond3A_45 : i32
    scf.if %cond3A_46 {
      %dma_start3A = arith.constant 0 : i32
      %dma_start3A_880 = arith.constant 0 : i32
      %dma_start3A_881 = tpu.memref_slice %arg2[%dma_start3A, %dma_start3A_880] : memref<1024x512xf32, #tpu.memory_space<hbm>> -> memref<1024x512xf32, #tpu.memory_space<hbm>>
      tpu.enqueue_indirect_dma source(%dma_start3A_881 : memref<1024x512xf32, #tpu.memory_space<hbm>>) target(%arg8 : memref<64x512xf32, #tpu.memory_space<vmem>>) offsets(%arg6 : memref<64xi32, #tpu.memory_space<vmem>>) semaphore(%arg12 : memref<!tpu.dma_semaphore, #tpu.memory_space<semaphore_mem>>)
    } else {
    }
    %add3A_47 = arith.constant 64 : i32
    %add3A_48 = arith.addi %add3A_47, %add3A : i32
    %lt3A_49 = arith.constant 782 : i32
    %lt3A_50 = arith.cmpi slt, %add3A_48, %lt3A_49 : i32
    %convert_element_type3A_51 = arith.extui %lt3A_50 : i1 to i32
    %cond3A_52 = arith.constant 0 : i32
    %cond3A_53 = arith.cmpi ne, %convert_element_type3A_51, %cond3A_52 : i32
    scf.if %cond3A_53 {
      %mul3A_880 = arith.constant 64 : i32
      %mul3A_881 = arith.muli %add3A_48, %mul3A_880 : i32
      %dma_start3A = tpu.memref_slice %arg3[%mul3A_881] : memref<50048xi32, #tpu.memory_space<hbm>> -> memref<64xi32, #tpu.memory_space<hbm>>
      %dma_start3A_882 = tpu.memref_slice %arg3[%mul3A_881] : memref<50048xi32, #tpu.memory_space<hbm>> -> memref<64xi32, #tpu.memory_space<hbm>>
      tpu.enqueue_dma source(%dma_start3A_882 : memref<64xi32, #tpu.memory_space<hbm>>) target(%arg5 : memref<64xi32, #tpu.memory_space<vmem>>) target_semaphore(%arg9 : memref<!tpu.dma_semaphore, #tpu.memory_space<semaphore_mem>>)
    } else {
    }
    %add3A_54 = arith.constant 32 : i32
    %add3A_55 = arith.addi %add3A_54, %add3A : i32
    %lt3A_56 = arith.constant 782 : i32
    %lt3A_57 = arith.cmpi slt, %add3A_55, %lt3A_56 : i32
    %convert_element_type3A_58 = arith.extui %lt3A_57 : i1 to i32
    %cond3A_59 = arith.constant 0 : i32
    %cond3A_60 = arith.cmpi ne, %convert_element_type3A_58, %cond3A_59 : i32
    scf.if %cond3A_60 {
      %dma_wait3A = arith.constant 0 : i32
      %dma_wait3A_880 = arith.constant 0 : i32
      %dma_wait3A_881 = tpu.memref_slice %arg2[%dma_wait3A, %dma_wait3A_880] : memref<1024x512xf32, #tpu.memory_space<hbm>> -> memref<1024x512xf32, #tpu.memory_space<hbm>>
      tpu.wait_indirect_dma semaphore(%arg12 : memref<!tpu.dma_semaphore, #tpu.memory_space<semaphore_mem>>) src(%dma_wait3A_881 : memref<1024x512xf32, #tpu.memory_space<hbm>>) dst(%arg8 : memref<64x512xf32, #tpu.memory_space<vmem>>)
      %mul3A_882 = arith.constant 64 : i32
      %mul3A_883 = arith.muli %add3A_55, %mul3A_882 : i32
      %dma_start3A = arith.constant 0 : i32
      %dma_start3A_884 = tpu.memref_slice %arg4[%mul3A_883, %dma_start3A] : memref<50048x512xf32, #tpu.memory_space<hbm>> -> memref<64x512xf32, #tpu.memory_space<hbm>>
      %dma_start3A_885 = arith.constant 0 : i32
      %dma_start3A_886 = tpu.memref_slice %arg4[%mul3A_883, %dma_start3A_885] : memref<50048x512xf32, #tpu.memory_space<hbm>> -> memref<64x512xf32, #tpu.memory_space<hbm>>
      tpu.enqueue_dma source(%arg8 : memref<64x512xf32, #tpu.memory_space<vmem>>) target(%dma_start3A_886 : memref<64x512xf32, #tpu.memory_space<hbm>>) target_semaphore(%arg14 : memref<!tpu.dma_semaphore, #tpu.memory_space<semaphore_mem>>)
    } else {
    }
    %add3A_61 = arith.constant 0 : i32
    %add3A_62 = arith.addi %add3A_61, %add3A : i32
    %lt3A_63 = arith.constant 782 : i32
    %lt3A_64 = arith.cmpi slt, %add3A_62, %lt3A_63 : i32
    %convert_element_type3A_65 = arith.extui %lt3A_64 : i1 to i32
    %cond3A_66 = arith.constant 0 : i32
    %cond3A_67 = arith.cmpi ne, %convert_element_type3A_65, %cond3A_66 : i32
    scf.if %cond3A_67 {
      %mul3A_880 = arith.constant 64 : i32
      %mul3A_881 = arith.muli %add3A_62, %mul3A_880 : i32
      %dma_wait3A = arith.constant 0 : i32
      %dma_wait3A_882 = tpu.memref_slice %arg4[%mul3A_881, %dma_wait3A] : memref<50048x512xf32, #tpu.memory_space<hbm>> -> memref<64x512xf32, #tpu.memory_space<hbm>>
      %dma_wait3A_883 = arith.constant 0 : i32
      %dma_wait3A_884 = tpu.memref_slice %arg4[%mul3A_881, %dma_wait3A_883] : memref<50048x512xf32, #tpu.memory_space<hbm>> -> memref<64x512xf32, #tpu.memory_space<hbm>>
      tpu.wait_dma2 semaphore(%arg13 : memref<!tpu.dma_semaphore, #tpu.memory_space<semaphore_mem>>) src(%arg7 : memref<64x512xf32, #tpu.memory_space<vmem>>) dst(%dma_wait3A_884 : memref<64x512xf32, #tpu.memory_space<hbm>>)
    } else {
    }
    %add3A_68 = arith.constant 64 : i32
    %add3A_69 = arith.addi %add3A_68, %add3A : i32
    %lt3A_70 = arith.constant 782 : i32
    %lt3A_71 = arith.cmpi slt, %add3A_69, %lt3A_70 : i32
    %convert_element_type3A_72 = arith.extui %lt3A_71 : i1 to i32
    %cond3A_73 = arith.constant 0 : i32
    %cond3A_74 = arith.cmpi ne, %convert_element_type3A_72, %cond3A_73 : i32
    scf.if %cond3A_74 {
      %mul3A_880 = arith.constant 64 : i32
      %mul3A_881 = arith.muli %add3A_69, %mul3A_880 : i32
      %dma_wait3A = tpu.memref_slice %arg3[%mul3A_881] : memref<50048xi32, #tpu.memory_space<hbm>> -> memref<64xi32, #tpu.memory_space<hbm>>
      %dma_wait3A_882 = tpu.memref_slice %arg3[%mul3A_881] : memref<50048xi32, #tpu.memory_space<hbm>> -> memref<64xi32, #tpu.memory_space<hbm>>
      tpu.wait_dma2 semaphore(%arg9 : memref<!tpu.dma_semaphore, #tpu.memory_space<semaphore_mem>>) src(%dma_wait3A_882 : memref<64xi32, #tpu.memory_space<hbm>>) dst(%arg5 : memref<64xi32, #tpu.memory_space<vmem>>)
    } else {
    }
    %add3A_75 = arith.constant 64 : i32
    %add3A_76 = arith.addi %add3A_75, %add3A : i32
    %lt3A_77 = arith.constant 782 : i32
    %lt3A_78 = arith.cmpi slt, %add3A_76, %lt3A_77 : i32
    %convert_element_type3A_79 = arith.extui %lt3A_78 : i1 to i32
    %cond3A_80 = arith.constant 0 : i32
    %cond3A_81 = arith.cmpi ne, %convert_element_type3A_79, %cond3A_80 : i32
    scf.if %cond3A_81 {
      %dma_start3A = arith.constant 0 : i32
      %dma_start3A_880 = arith.constant 0 : i32
      %dma_start3A_881 = tpu.memref_slice %arg2[%dma_start3A, %dma_start3A_880] : memref<1024x512xf32, #tpu.memory_space<hbm>> -> memref<1024x512xf32, #tpu.memory_space<hbm>>
      tpu.enqueue_indirect_dma source(%dma_start3A_881 : memref<1024x512xf32, #tpu.memory_space<hbm>>) target(%arg7 : memref<64x512xf32, #tpu.memory_space<vmem>>) offsets(%arg5 : memref<64xi32, #tpu.memory_space<vmem>>) semaphore(%arg11 : memref<!tpu.dma_semaphore, #tpu.memory_space<semaphore_mem>>)
    } else {
    }
    %add3A_82 = arith.constant 96 : i32
    %add3A_83 = arith.addi %add3A_82, %add3A : i32
    %lt3A_84 = arith.constant 782 : i32
    %lt3A_85 = arith.cmpi slt, %add3A_83, %lt3A_84 : i32
    %convert_element_type3A_86 = arith.extui %lt3A_85 : i1 to i32
    %cond3A_87 = arith.constant 0 : i32
    %cond3A_88 = arith.cmpi ne, %convert_element_type3A_86, %cond3A_87 : i32
    scf.if %cond3A_88 {
      %mul3A_880 = arith.constant 64 : i32
      %mul3A_881 = arith.muli %add3A_83, %mul3A_880 : i32
      %dma_start3A = tpu.memref_slice %arg3[%mul3A_881] : memref<50048xi32, #tpu.memory_space<hbm>> -> memref<64xi32, #tpu.memory_space<hbm>>
      %dma_start3A_882 = tpu.memref_slice %arg3[%mul3A_881] : memref<50048xi32, #tpu.memory_space<hbm>> -> memref<64xi32, #tpu.memory_space<hbm>>
      tpu.enqueue_dma source(%dma_start3A_882 : memref<64xi32, #tpu.memory_space<hbm>>) target(%arg6 : memref<64xi32, #tpu.memory_space<vmem>>) target_semaphore(%arg10 : memref<!tpu.dma_semaphore, #tpu.memory_space<semaphore_mem>>)
    } else {
    }
    %add3A_89 = arith.constant 64 : i32
    %add3A_90 = arith.addi %add3A_89, %add3A : i32
    %lt3A_91 = arith.constant 782 : i32
    %lt3A_92 = arith.cmpi slt, %add3A_90, %lt3A_91 : i32
    %convert_element_type3A_93 = arith.extui %lt3A_92 : i1 to i32
    %cond3A_94 = arith.constant 0 : i32
    %cond3A_95 = arith.cmpi ne, %convert_element_type3A_93, %cond3A_94 : i32
    scf.if %cond3A_95 {
      %dma_wait3A = arith.constant 0 : i32
      %dma_wait3A_880 = arith.constant 0 : i32
      %dma_wait3A_881 = tpu.memref_slice %arg2[%dma_wait3A, %dma_wait3A_880] : memref<1024x512xf32, #tpu.memory_space<hbm>> -> memref<1024x512xf32, #tpu.memory_space<hbm>>
      tpu.wait_indirect_dma semaphore(%arg11 : memref<!tpu.dma_semaphore, #tpu.memory_space<semaphore_mem>>) src(%dma_wait3A_881 : memref<1024x512xf32, #tpu.memory_space<hbm>>) dst(%arg7 : memref<64x512xf32, #tpu.memory_space<vmem>>)
      %mul3A_882 = arith.constant 64 : i32
      %mul3A_883 = arith.muli %add3A_90, %mul3A_882 : i32
      %dma_start3A = arith.constant 0 : i32
      %dma_start3A_884 = tpu.memref_slice %arg4[%mul3A_883, %dma_start3A] : memref<50048x512xf32, #tpu.memory_space<hbm>> -> memref<64x512xf32, #tpu.memory_space<hbm>>
      %dma_start3A_885 = arith.constant 0 : i32
      %dma_start3A_886 = tpu.memref_slice %arg4[%mul3A_883, %dma_start3A_885] : memref<50048x512xf32, #tpu.memory_space<hbm>> -> memref<64x512xf32, #tpu.memory_space<hbm>>
      tpu.enqueue_dma source(%arg7 : memref<64x512xf32, #tpu.memory_space<vmem>>) target(%dma_start3A_886 : memref<64x512xf32, #tpu.memory_space<hbm>>) target_semaphore(%arg13 : memref<!tpu.dma_semaphore, #tpu.memory_space<semaphore_mem>>)
    } else {
    }
    %add3A_96 = arith.constant 32 : i32
    %add3A_97 = arith.addi %add3A_96, %add3A : i32
    %lt3A_98 = arith.constant 782 : i32
    %lt3A_99 = arith.cmpi slt, %add3A_97, %lt3A_98 : i32
    %convert_element_type3A_100 = arith.extui %lt3A_99 : i1 to i32
    %cond3A_101 = arith.constant 0 : i32
    %cond3A_102 = arith.cmpi ne, %convert_element_type3A_100, %cond3A_101 : i32
    scf.if %cond3A_102 {
      %mul3A_880 = arith.constant 64 : i32
      %mul3A_881 = arith.muli %add3A_97, %mul3A_880 : i32
      %dma_wait3A = arith.constant 0 : i32
      %dma_wait3A_882 = tpu.memref_slice %arg4[%mul3A_881, %dma_wait3A] : memref<50048x512xf32, #tpu.memory_space<hbm>> -> memref<64x512xf32, #tpu.memory_space<hbm>>
      %dma_wait3A_883 = arith.constant 0 : i32
      %dma_wait3A_884 = tpu.memref_slice %arg4[%mul3A_881, %dma_wait3A_883] : memref<50048x512xf32, #tpu.memory_space<hbm>> -> memref<64x512xf32, #tpu.memory_space<hbm>>
      tpu.wait_dma2 semaphore(%arg14 : memref<!tpu.dma_semaphore, #tpu.memory_space<semaphore_mem>>) src(%arg8 : memref<64x512xf32, #tpu.memory_space<vmem>>) dst(%dma_wait3A_884 : memref<64x512xf32, #tpu.memory_space<hbm>>)
    } else {
    }
    %add3A_103 = arith.constant 96 : i32
    %add3A_104 = arith.addi %add3A_103, %add3A : i32
    %lt3A_105 = arith.constant 782 : i32
    %lt3A_106 = arith.cmpi slt, %add3A_104, %lt3A_105 : i32
    %convert_element_type3A_107 = arith.extui %lt3A_106 : i1 to i32
    %cond3A_108 = arith.constant 0 : i32
    %cond3A_109 = arith.cmpi ne, %convert_element_type3A_107, %cond3A_108 : i32
    scf.if %cond3A_109 {
      %mul3A_880 = arith.constant 64 : i32
      %mul3A_881 = arith.muli %add3A_104, %mul3A_880 : i32
      %dma_wait3A = tpu.memref_slice %arg3[%mul3A_881] : memref<50048xi32, #tpu.memory_space<hbm>> -> memref<64xi32, #tpu.memory_space<hbm>>
      %dma_wait3A_882 = tpu.memref_slice %arg3[%mul3A_881] : memref<50048xi32, #tpu.memory_space<hbm>> -> memref<64xi32, #tpu.memory_space<hbm>>
      tpu.wait_dma2 semaphore(%arg10 : memref<!tpu.dma_semaphore, #tpu.memory_space<semaphore_mem>>) src(%dma_wait3A_882 : memref<64xi32, #tpu.memory_space<hbm>>) dst(%arg6 : memref<64xi32, #tpu.memory_space<vmem>>)
    } else {
    }
    %add3A_110 = arith.constant 96 : i32
    %add3A_111 = arith.addi %add3A_110, %add3A : i32
    %lt3A_112 = arith.constant 782 : i32
    %lt3A_113 = arith.cmpi slt, %add3A_111, %lt3A_112 : i32
    %convert_element_type3A_114 = arith.extui %lt3A_113 : i1 to i32
    %cond3A_115 = arith.constant 0 : i32
    %cond3A_116 = arith.cmpi ne, %convert_element_type3A_114, %cond3A_115 : i32
    scf.if %cond3A_116 {
      %dma_start3A = arith.constant 0 : i32
      %dma_start3A_880 = arith.constant 0 : i32
      %dma_start3A_881 = tpu.memref_slice %arg2[%dma_start3A, %dma_start3A_880] : memref<1024x512xf32, #tpu.memory_space<hbm>> -> memref<1024x512xf32, #tpu.memory_space<hbm>>
      tpu.enqueue_indirect_dma source(%dma_start3A_881 : memref<1024x512xf32, #tpu.memory_space<hbm>>) target(%arg8 : memref<64x512xf32, #tpu.memory_space<vmem>>) offsets(%arg6 : memref<64xi32, #tpu.memory_space<vmem>>) semaphore(%arg12 : memref<!tpu.dma_semaphore, #tpu.memory_space<semaphore_mem>>)
    } else {
    }
    %add3A_117 = arith.constant 128 : i32
    %add3A_118 = arith.addi %add3A_117, %add3A : i32
    %lt3A_119 = arith.constant 782 : i32
    %lt3A_120 = arith.cmpi slt, %add3A_118, %lt3A_119 : i32
    %convert_element_type3A_121 = arith.extui %lt3A_120 : i1 to i32
    %cond3A_122 = arith.constant 0 : i32
    %cond3A_123 = arith.cmpi ne, %convert_element_type3A_121, %cond3A_122 : i32
    scf.if %cond3A_123 {
      %mul3A_880 = arith.constant 64 : i32
      %mul3A_881 = arith.muli %add3A_118, %mul3A_880 : i32
      %dma_start3A = tpu.memref_slice %arg3[%mul3A_881] : memref<50048xi32, #tpu.memory_space<hbm>> -> memref<64xi32, #tpu.memory_space<hbm>>
      %dma_start3A_882 = tpu.memref_slice %arg3[%mul3A_881] : memref<50048xi32, #tpu.memory_space<hbm>> -> memref<64xi32, #tpu.memory_space<hbm>>
      tpu.enqueue_dma source(%dma_start3A_882 : memref<64xi32, #tpu.memory_space<hbm>>) target(%arg5 : memref<64xi32, #tpu.memory_space<vmem>>) target_semaphore(%arg9 : memref<!tpu.dma_semaphore, #tpu.memory_space<semaphore_mem>>)
    } else {
    }
    %add3A_124 = arith.constant 96 : i32
    %add3A_125 = arith.addi %add3A_124, %add3A : i32
    %lt3A_126 = arith.constant 782 : i32
    %lt3A_127 = arith.cmpi slt, %add3A_125, %lt3A_126 : i32
    %convert_element_type3A_128 = arith.extui %lt3A_127 : i1 to i32
    %cond3A_129 = arith.constant 0 : i32
    %cond3A_130 = arith.cmpi ne, %convert_element_type3A_128, %cond3A_129 : i32
    scf.if %cond3A_130 {
      %dma_wait3A = arith.constant 0 : i32
      %dma_wait3A_880 = arith.constant 0 : i32
      %dma_wait3A_881 = tpu.memref_slice %arg2[%dma_wait3A, %dma_wait3A_880] : memref<1024x512xf32, #tpu.memory_space<hbm>> -> memref<1024x512xf32, #tpu.memory_space<hbm>>
      tpu.wait_indirect_dma semaphore(%arg12 : memref<!tpu.dma_semaphore, #tpu.memory_space<semaphore_mem>>) src(%dma_wait3A_881 : memref<1024x512xf32, #tpu.memory_space<hbm>>) dst(%arg8 : memref<64x512xf32, #tpu.memory_space<vmem>>)
      %mul3A_882 = arith.constant 64 : i32
      %mul3A_883 = arith.muli %add3A_125, %mul3A_882 : i32
      %dma_start3A = arith.constant 0 : i32
      %dma_start3A_884 = tpu.memref_slice %arg4[%mul3A_883, %dma_start3A] : memref<50048x512xf32, #tpu.memory_space<hbm>> -> memref<64x512xf32, #tpu.memory_space<hbm>>
      %dma_start3A_885 = arith.constant 0 : i32
      %dma_start3A_886 = tpu.memref_slice %arg4[%mul3A_883, %dma_start3A_885] : memref<50048x512xf32, #tpu.memory_space<hbm>> -> memref<64x512xf32, #tpu.memory_space<hbm>>
      tpu.enqueue_dma source(%arg8 : memref<64x512xf32, #tpu.memory_space<vmem>>) target(%dma_start3A_886 : memref<64x512xf32, #tpu.memory_space<hbm>>) target_semaphore(%arg14 : memref<!tpu.dma_semaphore, #tpu.memory_space<semaphore_mem>>)
    } else {
    }
    %add3A_131 = arith.constant 64 : i32
    %add3A_132 = arith.addi %add3A_131, %add3A : i32
    %lt3A_133 = arith.constant 782 : i32
    %lt3A_134 = arith.cmpi slt, %add3A_132, %lt3A_133 : i32
    %convert_element_type3A_135 = arith.extui %lt3A_134 : i1 to i32
    %cond3A_136 = arith.constant 0 : i32
    %cond3A_137 = arith.cmpi ne, %convert_element_type3A_135, %cond3A_136 : i32
    scf.if %cond3A_137 {
      %mul3A_880 = arith.constant 64 : i32
      %mul3A_881 = arith.muli %add3A_132, %mul3A_880 : i32
      %dma_wait3A = arith.constant 0 : i32
      %dma_wait3A_882 = tpu.memref_slice %arg4[%mul3A_881, %dma_wait3A] : memref<50048x512xf32, #tpu.memory_space<hbm>> -> memref<64x512xf32, #tpu.memory_space<hbm>>
      %dma_wait3A_883 = arith.constant 0 : i32
      %dma_wait3A_884 = tpu.memref_slice %arg4[%mul3A_881, %dma_wait3A_883] : memref<50048x512xf32, #tpu.memory_space<hbm>> -> memref<64x512xf32, #tpu.memory_space<hbm>>
      tpu.wait_dma2 semaphore(%arg13 : memref<!tpu.dma_semaphore, #tpu.memory_space<semaphore_mem>>) src(%arg7 : memref<64x512xf32, #tpu.memory_space<vmem>>) dst(%dma_wait3A_884 : memref<64x512xf32, #tpu.memory_space<hbm>>)
    } else {
    }
    %add3A_138 = arith.constant 128 : i32
    %add3A_139 = arith.addi %add3A_138, %add3A : i32
    %lt3A_140 = arith.constant 782 : i32
    %lt3A_141 = arith.cmpi slt, %add3A_139, %lt3A_140 : i32
    %convert_element_type3A_142 = arith.extui %lt3A_141 : i1 to i32
    %cond3A_143 = arith.constant 0 : i32
    %cond3A_144 = arith.cmpi ne, %convert_element_type3A_142, %cond3A_143 : i32
    scf.if %cond3A_144 {
      %mul3A_880 = arith.constant 64 : i32
      %mul3A_881 = arith.muli %add3A_139, %mul3A_880 : i32
      %dma_wait3A = tpu.memref_slice %arg3[%mul3A_881] : memref<50048xi32, #tpu.memory_space<hbm>> -> memref<64xi32, #tpu.memory_space<hbm>>
      %dma_wait3A_882 = tpu.memref_slice %arg3[%mul3A_881] : memref<50048xi32, #tpu.memory_space<hbm>> -> memref<64xi32, #tpu.memory_space<hbm>>
      tpu.wait_dma2 semaphore(%arg9 : memref<!tpu.dma_semaphore, #tpu.memory_space<semaphore_mem>>) src(%dma_wait3A_882 : memref<64xi32, #tpu.memory_space<hbm>>) dst(%arg5 : memref<64xi32, #tpu.memory_space<vmem>>)
    } else {
    }
    %add3A_145 = arith.constant 128 : i32
    %add3A_146 = arith.addi %add3A_145, %add3A : i32
    %lt3A_147 = arith.constant 782 : i32
    %lt3A_148 = arith.cmpi slt, %add3A_146, %lt3A_147 : i32
    %convert_element_type3A_149 = arith.extui %lt3A_148 : i1 to i32
    %cond3A_150 = arith.constant 0 : i32
    %cond3A_151 = arith.cmpi ne, %convert_element_type3A_149, %cond3A_150 : i32
    scf.if %cond3A_151 {
      %dma_start3A = arith.constant 0 : i32
      %dma_start3A_880 = arith.constant 0 : i32
      %dma_start3A_881 = tpu.memref_slice %arg2[%dma_start3A, %dma_start3A_880] : memref<1024x512xf32, #tpu.memory_space<hbm>> -> memref<1024x512xf32, #tpu.memory_space<hbm>>
      tpu.enqueue_indirect_dma source(%dma_start3A_881 : memref<1024x512xf32, #tpu.memory_space<hbm>>) target(%arg7 : memref<64x512xf32, #tpu.memory_space<vmem>>) offsets(%arg5 : memref<64xi32, #tpu.memory_space<vmem>>) semaphore(%arg11 : memref<!tpu.dma_semaphore, #tpu.memory_space<semaphore_mem>>)
    } else {
    }
    %add3A_152 = arith.constant 160 : i32
    %add3A_153 = arith.addi %add3A_152, %add3A : i32
    %lt3A_154 = arith.constant 782 : i32
    %lt3A_155 = arith.cmpi slt, %add3A_153, %lt3A_154 : i32
    %convert_element_type3A_156 = arith.extui %lt3A_155 : i1 to i32
    %cond3A_157 = arith.constant 0 : i32
    %cond3A_158 = arith.cmpi ne, %convert_element_type3A_156, %cond3A_157 : i32
    scf.if %cond3A_158 {
      %mul3A_880 = arith.constant 64 : i32
      %mul3A_881 = arith.muli %add3A_153, %mul3A_880 : i32
      %dma_start3A = tpu.memref_slice %arg3[%mul3A_881] : memref<50048xi32, #tpu.memory_space<hbm>> -> memref<64xi32, #tpu.memory_space<hbm>>
      %dma_start3A_882 = tpu.memref_slice %arg3[%mul3A_881] : memref<50048xi32, #tpu.memory_space<hbm>> -> memref<64xi32, #tpu.memory_space<hbm>>
      tpu.enqueue_dma source(%dma_start3A_882 : memref<64xi32, #tpu.memory_space<hbm>>) target(%arg6 : memref<64xi32, #tpu.memory_space<vmem>>) target_semaphore(%arg10 : memref<!tpu.dma_semaphore, #tpu.memory_space<semaphore_mem>>)
    } else {
    }
    %add3A_159 = arith.constant 128 : i32
    %add3A_160 = arith.addi %add3A_159, %add3A : i32
    %lt3A_161 = arith.constant 782 : i32
    %lt3A_162 = arith.cmpi slt, %add3A_160, %lt3A_161 : i32
    %convert_element_type3A_163 = arith.extui %lt3A_162 : i1 to i32
    %cond3A_164 = arith.constant 0 : i32
    %cond3A_165 = arith.cmpi ne, %convert_element_type3A_163, %cond3A_164 : i32
    scf.if %cond3A_165 {
      %dma_wait3A = arith.constant 0 : i32
      %dma_wait3A_880 = arith.constant 0 : i32
      %dma_wait3A_881 = tpu.memref_slice %arg2[%dma_wait3A, %dma_wait3A_880] : memref<1024x512xf32, #tpu.memory_space<hbm>> -> memref<1024x512xf32, #tpu.memory_space<hbm>>
      tpu.wait_indirect_dma semaphore(%arg11 : memref<!tpu.dma_semaphore, #tpu.memory_space<semaphore_mem>>) src(%dma_wait3A_881 : memref<1024x512xf32, #tpu.memory_space<hbm>>) dst(%arg7 : memref<64x512xf32, #tpu.memory_space<vmem>>)
      %mul3A_882 = arith.constant 64 : i32
      %mul3A_883 = arith.muli %add3A_160, %mul3A_882 : i32
      %dma_start3A = arith.constant 0 : i32
      %dma_start3A_884 = tpu.memref_slice %arg4[%mul3A_883, %dma_start3A] : memref<50048x512xf32, #tpu.memory_space<hbm>> -> memref<64x512xf32, #tpu.memory_space<hbm>>
      %dma_start3A_885 = arith.constant 0 : i32
      %dma_start3A_886 = tpu.memref_slice %arg4[%mul3A_883, %dma_start3A_885] : memref<50048x512xf32, #tpu.memory_space<hbm>> -> memref<64x512xf32, #tpu.memory_space<hbm>>
      tpu.enqueue_dma source(%arg7 : memref<64x512xf32, #tpu.memory_space<vmem>>) target(%dma_start3A_886 : memref<64x512xf32, #tpu.memory_space<hbm>>) target_semaphore(%arg13 : memref<!tpu.dma_semaphore, #tpu.memory_space<semaphore_mem>>)
    } else {
    }
    %add3A_166 = arith.constant 96 : i32
    %add3A_167 = arith.addi %add3A_166, %add3A : i32
    %lt3A_168 = arith.constant 782 : i32
    %lt3A_169 = arith.cmpi slt, %add3A_167, %lt3A_168 : i32
    %convert_element_type3A_170 = arith.extui %lt3A_169 : i1 to i32
    %cond3A_171 = arith.constant 0 : i32
    %cond3A_172 = arith.cmpi ne, %convert_element_type3A_170, %cond3A_171 : i32
    scf.if %cond3A_172 {
      %mul3A_880 = arith.constant 64 : i32
      %mul3A_881 = arith.muli %add3A_167, %mul3A_880 : i32
      %dma_wait3A = arith.constant 0 : i32
      %dma_wait3A_882 = tpu.memref_slice %arg4[%mul3A_881, %dma_wait3A] : memref<50048x512xf32, #tpu.memory_space<hbm>> -> memref<64x512xf32, #tpu.memory_space<hbm>>
      %dma_wait3A_883 = arith.constant 0 : i32
      %dma_wait3A_884 = tpu.memref_slice %arg4[%mul3A_881, %dma_wait3A_883] : memref<50048x512xf32, #tpu.memory_space<hbm>> -> memref<64x512xf32, #tpu.memory_space<hbm>>
      tpu.wait_dma2 semaphore(%arg14 : memref<!tpu.dma_semaphore, #tpu.memory_space<semaphore_mem>>) src(%arg8 : memref<64x512xf32, #tpu.memory_space<vmem>>) dst(%dma_wait3A_884 : memref<64x512xf32, #tpu.memory_space<hbm>>)
    } else {
    }
    %add3A_173 = arith.constant 160 : i32
    %add3A_174 = arith.addi %add3A_173, %add3A : i32
    %lt3A_175 = arith.constant 782 : i32
    %lt3A_176 = arith.cmpi slt, %add3A_174, %lt3A_175 : i32
    %convert_element_type3A_177 = arith.extui %lt3A_176 : i1 to i32
    %cond3A_178 = arith.constant 0 : i32
    %cond3A_179 = arith.cmpi ne, %convert_element_type3A_177, %cond3A_178 : i32
    scf.if %cond3A_179 {
      %mul3A_880 = arith.constant 64 : i32
      %mul3A_881 = arith.muli %add3A_174, %mul3A_880 : i32
      %dma_wait3A = tpu.memref_slice %arg3[%mul3A_881] : memref<50048xi32, #tpu.memory_space<hbm>> -> memref<64xi32, #tpu.memory_space<hbm>>
      %dma_wait3A_882 = tpu.memref_slice %arg3[%mul3A_881] : memref<50048xi32, #tpu.memory_space<hbm>> -> memref<64xi32, #tpu.memory_space<hbm>>
      tpu.wait_dma2 semaphore(%arg10 : memref<!tpu.dma_semaphore, #tpu.memory_space<semaphore_mem>>) src(%dma_wait3A_882 : memref<64xi32, #tpu.memory_space<hbm>>) dst(%arg6 : memref<64xi32, #tpu.memory_space<vmem>>)
    } else {
    }
    %add3A_180 = arith.constant 160 : i32
    %add3A_181 = arith.addi %add3A_180, %add3A : i32
    %lt3A_182 = arith.constant 782 : i32
    %lt3A_183 = arith.cmpi slt, %add3A_181, %lt3A_182 : i32
    %convert_element_type3A_184 = arith.extui %lt3A_183 : i1 to i32
    %cond3A_185 = arith.constant 0 : i32
    %cond3A_186 = arith.cmpi ne, %convert_element_type3A_184, %cond3A_185 : i32
    scf.if %cond3A_186 {
      %dma_start3A = arith.constant 0 : i32
      %dma_start3A_880 = arith.constant 0 : i32
      %dma_start3A_881 = tpu.memref_slice %arg2[%dma_start3A, %dma_start3A_880] : memref<1024x512xf32, #tpu.memory_space<hbm>> -> memref<1024x512xf32, #tpu.memory_space<hbm>>
      tpu.enqueue_indirect_dma source(%dma_start3A_881 : memref<1024x512xf32, #tpu.memory_space<hbm>>) target(%arg8 : memref<64x512xf32, #tpu.memory_space<vmem>>) offsets(%arg6 : memref<64xi32, #tpu.memory_space<vmem>>) semaphore(%arg12 : memref<!tpu.dma_semaphore, #tpu.memory_space<semaphore_mem>>)
    } else {
    }
    %add3A_187 = arith.constant 192 : i32
    %add3A_188 = arith.addi %add3A_187, %add3A : i32
    %lt3A_189 = arith.constant 782 : i32
    %lt3A_190 = arith.cmpi slt, %add3A_188, %lt3A_189 : i32
    %convert_element_type3A_191 = arith.extui %lt3A_190 : i1 to i32
    %cond3A_192 = arith.constant 0 : i32
    %cond3A_193 = arith.cmpi ne, %convert_element_type3A_191, %cond3A_192 : i32
    scf.if %cond3A_193 {
      %mul3A_880 = arith.constant 64 : i32
      %mul3A_881 = arith.muli %add3A_188, %mul3A_880 : i32
      %dma_start3A = tpu.memref_slice %arg3[%mul3A_881] : memref<50048xi32, #tpu.memory_space<hbm>> -> memref<64xi32, #tpu.memory_space<hbm>>
      %dma_start3A_882 = tpu.memref_slice %arg3[%mul3A_881] : memref<50048xi32, #tpu.memory_space<hbm>> -> memref<64xi32, #tpu.memory_space<hbm>>
      tpu.enqueue_dma source(%dma_start3A_882 : memref<64xi32, #tpu.memory_space<hbm>>) target(%arg5 : memref<64xi32, #tpu.memory_space<vmem>>) target_semaphore(%arg9 : memref<!tpu.dma_semaphore, #tpu.memory_space<semaphore_mem>>)
    } else {
    }
    %add3A_194 = arith.constant 160 : i32
    %add3A_195 = arith.addi %add3A_194, %add3A : i32
    %lt3A_196 = arith.constant 782 : i32
    %lt3A_197 = arith.cmpi slt, %add3A_195, %lt3A_196 : i32
    %convert_element_type3A_198 = arith.extui %lt3A_197 : i1 to i32
    %cond3A_199 = arith.constant 0 : i32
    %cond3A_200 = arith.cmpi ne, %convert_element_type3A_198, %cond3A_199 : i32
    scf.if %cond3A_200 {
      %dma_wait3A = arith.constant 0 : i32
      %dma_wait3A_880 = arith.constant 0 : i32
      %dma_wait3A_881 = tpu.memref_slice %arg2[%dma_wait3A, %dma_wait3A_880] : memref<1024x512xf32, #tpu.memory_space<hbm>> -> memref<1024x512xf32, #tpu.memory_space<hbm>>
      tpu.wait_indirect_dma semaphore(%arg12 : memref<!tpu.dma_semaphore, #tpu.memory_space<semaphore_mem>>) src(%dma_wait3A_881 : memref<1024x512xf32, #tpu.memory_space<hbm>>) dst(%arg8 : memref<64x512xf32, #tpu.memory_space<vmem>>)
      %mul3A_882 = arith.constant 64 : i32
      %mul3A_883 = arith.muli %add3A_195, %mul3A_882 : i32
      %dma_start3A = arith.constant 0 : i32
      %dma_start3A_884 = tpu.memref_slice %arg4[%mul3A_883, %dma_start3A] : memref<50048x512xf32, #tpu.memory_space<hbm>> -> memref<64x512xf32, #tpu.memory_space<hbm>>
      %dma_start3A_885 = arith.constant 0 : i32
      %dma_start3A_886 = tpu.memref_slice %arg4[%mul3A_883, %dma_start3A_885] : memref<50048x512xf32, #tpu.memory_space<hbm>> -> memref<64x512xf32, #tpu.memory_space<hbm>>
      tpu.enqueue_dma source(%arg8 : memref<64x512xf32, #tpu.memory_space<vmem>>) target(%dma_start3A_886 : memref<64x512xf32, #tpu.memory_space<hbm>>) target_semaphore(%arg14 : memref<!tpu.dma_semaphore, #tpu.memory_space<semaphore_mem>>)
    } else {
    }
    %add3A_201 = arith.constant 128 : i32
    %add3A_202 = arith.addi %add3A_201, %add3A : i32
    %lt3A_203 = arith.constant 782 : i32
    %lt3A_204 = arith.cmpi slt, %add3A_202, %lt3A_203 : i32
    %convert_element_type3A_205 = arith.extui %lt3A_204 : i1 to i32
    %cond3A_206 = arith.constant 0 : i32
    %cond3A_207 = arith.cmpi ne, %convert_element_type3A_205, %cond3A_206 : i32
    scf.if %cond3A_207 {
      %mul3A_880 = arith.constant 64 : i32
      %mul3A_881 = arith.muli %add3A_202, %mul3A_880 : i32
      %dma_wait3A = arith.constant 0 : i32
      %dma_wait3A_882 = tpu.memref_slice %arg4[%mul3A_881, %dma_wait3A] : memref<50048x512xf32, #tpu.memory_space<hbm>> -> memref<64x512xf32, #tpu.memory_space<hbm>>
      %dma_wait3A_883 = arith.constant 0 : i32
      %dma_wait3A_884 = tpu.memref_slice %arg4[%mul3A_881, %dma_wait3A_883] : memref<50048x512xf32, #tpu.memory_space<hbm>> -> memref<64x512xf32, #tpu.memory_space<hbm>>
      tpu.wait_dma2 semaphore(%arg13 : memref<!tpu.dma_semaphore, #tpu.memory_space<semaphore_mem>>) src(%arg7 : memref<64x512xf32, #tpu.memory_space<vmem>>) dst(%dma_wait3A_884 : memref<64x512xf32, #tpu.memory_space<hbm>>)
    } else {
    }
    %add3A_208 = arith.constant 192 : i32
    %add3A_209 = arith.addi %add3A_208, %add3A : i32
    %lt3A_210 = arith.constant 782 : i32
    %lt3A_211 = arith.cmpi slt, %add3A_209, %lt3A_210 : i32
    %convert_element_type3A_212 = arith.extui %lt3A_211 : i1 to i32
    %cond3A_213 = arith.constant 0 : i32
    %cond3A_214 = arith.cmpi ne, %convert_element_type3A_212, %cond3A_213 : i32
    scf.if %cond3A_214 {
      %mul3A_880 = arith.constant 64 : i32
      %mul3A_881 = arith.muli %add3A_209, %mul3A_880 : i32
      %dma_wait3A = tpu.memref_slice %arg3[%mul3A_881] : memref<50048xi32, #tpu.memory_space<hbm>> -> memref<64xi32, #tpu.memory_space<hbm>>
      %dma_wait3A_882 = tpu.memref_slice %arg3[%mul3A_881] : memref<50048xi32, #tpu.memory_space<hbm>> -> memref<64xi32, #tpu.memory_space<hbm>>
      tpu.wait_dma2 semaphore(%arg9 : memref<!tpu.dma_semaphore, #tpu.memory_space<semaphore_mem>>) src(%dma_wait3A_882 : memref<64xi32, #tpu.memory_space<hbm>>) dst(%arg5 : memref<64xi32, #tpu.memory_space<vmem>>)
    } else {
    }
    %add3A_215 = arith.constant 192 : i32
    %add3A_216 = arith.addi %add3A_215, %add3A : i32
    %lt3A_217 = arith.constant 782 : i32
    %lt3A_218 = arith.cmpi slt, %add3A_216, %lt3A_217 : i32
    %convert_element_type3A_219 = arith.extui %lt3A_218 : i1 to i32
    %cond3A_220 = arith.constant 0 : i32
    %cond3A_221 = arith.cmpi ne, %convert_element_type3A_219, %cond3A_220 : i32
    scf.if %cond3A_221 {
      %dma_start3A = arith.constant 0 : i32
      %dma_start3A_880 = arith.constant 0 : i32
      %dma_start3A_881 = tpu.memref_slice %arg2[%dma_start3A, %dma_start3A_880] : memref<1024x512xf32, #tpu.memory_space<hbm>> -> memref<1024x512xf32, #tpu.memory_space<hbm>>
      tpu.enqueue_indirect_dma source(%dma_start3A_881 : memref<1024x512xf32, #tpu.memory_space<hbm>>) target(%arg7 : memref<64x512xf32, #tpu.memory_space<vmem>>) offsets(%arg5 : memref<64xi32, #tpu.memory_space<vmem>>) semaphore(%arg11 : memref<!tpu.dma_semaphore, #tpu.memory_space<semaphore_mem>>)
    } else {
    }
    %add3A_222 = arith.constant 224 : i32
    %add3A_223 = arith.addi %add3A_222, %add3A : i32
    %lt3A_224 = arith.constant 782 : i32
    %lt3A_225 = arith.cmpi slt, %add3A_223, %lt3A_224 : i32
    %convert_element_type3A_226 = arith.extui %lt3A_225 : i1 to i32
    %cond3A_227 = arith.constant 0 : i32
    %cond3A_228 = arith.cmpi ne, %convert_element_type3A_226, %cond3A_227 : i32
    scf.if %cond3A_228 {
      %mul3A_880 = arith.constant 64 : i32
      %mul3A_881 = arith.muli %add3A_223, %mul3A_880 : i32
      %dma_start3A = tpu.memref_slice %arg3[%mul3A_881] : memref<50048xi32, #tpu.memory_space<hbm>> -> memref<64xi32, #tpu.memory_space<hbm>>
      %dma_start3A_882 = tpu.memref_slice %arg3[%mul3A_881] : memref<50048xi32, #tpu.memory_space<hbm>> -> memref<64xi32, #tpu.memory_space<hbm>>
      tpu.enqueue_dma source(%dma_start3A_882 : memref<64xi32, #tpu.memory_space<hbm>>) target(%arg6 : memref<64xi32, #tpu.memory_space<vmem>>) target_semaphore(%arg10 : memref<!tpu.dma_semaphore, #tpu.memory_space<semaphore_mem>>)
    } else {
    }
    %add3A_229 = arith.constant 192 : i32
    %add3A_230 = arith.addi %add3A_229, %add3A : i32
    %lt3A_231 = arith.constant 782 : i32
    %lt3A_232 = arith.cmpi slt, %add3A_230, %lt3A_231 : i32
    %convert_element_type3A_233 = arith.extui %lt3A_232 : i1 to i32
    %cond3A_234 = arith.constant 0 : i32
    %cond3A_235 = arith.cmpi ne, %convert_element_type3A_233, %cond3A_234 : i32
    scf.if %cond3A_235 {
      %dma_wait3A = arith.constant 0 : i32
      %dma_wait3A_880 = arith.constant 0 : i32
      %dma_wait3A_881 = tpu.memref_slice %arg2[%dma_wait3A, %dma_wait3A_880] : memref<1024x512xf32, #tpu.memory_space<hbm>> -> memref<1024x512xf32, #tpu.memory_space<hbm>>
      tpu.wait_indirect_dma semaphore(%arg11 : memref<!tpu.dma_semaphore, #tpu.memory_space<semaphore_mem>>) src(%dma_wait3A_881 : memref<1024x512xf32, #tpu.memory_space<hbm>>) dst(%arg7 : memref<64x512xf32, #tpu.memory_space<vmem>>)
      %mul3A_882 = arith.constant 64 : i32
      %mul3A_883 = arith.muli %add3A_230, %mul3A_882 : i32
      %dma_start3A = arith.constant 0 : i32
      %dma_start3A_884 = tpu.memref_slice %arg4[%mul3A_883, %dma_start3A] : memref<50048x512xf32, #tpu.memory_space<hbm>> -> memref<64x512xf32, #tpu.memory_space<hbm>>
      %dma_start3A_885 = arith.constant 0 : i32
      %dma_start3A_886 = tpu.memref_slice %arg4[%mul3A_883, %dma_start3A_885] : memref<50048x512xf32, #tpu.memory_space<hbm>> -> memref<64x512xf32, #tpu.memory_space<hbm>>
      tpu.enqueue_dma source(%arg7 : memref<64x512xf32, #tpu.memory_space<vmem>>) target(%dma_start3A_886 : memref<64x512xf32, #tpu.memory_space<hbm>>) target_semaphore(%arg13 : memref<!tpu.dma_semaphore, #tpu.memory_space<semaphore_mem>>)
    } else {
    }
    %add3A_236 = arith.constant 160 : i32
    %add3A_237 = arith.addi %add3A_236, %add3A : i32
    %lt3A_238 = arith.constant 782 : i32
    %lt3A_239 = arith.cmpi slt, %add3A_237, %lt3A_238 : i32
    %convert_element_type3A_240 = arith.extui %lt3A_239 : i1 to i32
    %cond3A_241 = arith.constant 0 : i32
    %cond3A_242 = arith.cmpi ne, %convert_element_type3A_240, %cond3A_241 : i32
    scf.if %cond3A_242 {
      %mul3A_880 = arith.constant 64 : i32
      %mul3A_881 = arith.muli %add3A_237, %mul3A_880 : i32
      %dma_wait3A = arith.constant 0 : i32
      %dma_wait3A_882 = tpu.memref_slice %arg4[%mul3A_881, %dma_wait3A] : memref<50048x512xf32, #tpu.memory_space<hbm>> -> memref<64x512xf32, #tpu.memory_space<hbm>>
      %dma_wait3A_883 = arith.constant 0 : i32
      %dma_wait3A_884 = tpu.memref_slice %arg4[%mul3A_881, %dma_wait3A_883] : memref<50048x512xf32, #tpu.memory_space<hbm>> -> memref<64x512xf32, #tpu.memory_space<hbm>>
      tpu.wait_dma2 semaphore(%arg14 : memref<!tpu.dma_semaphore, #tpu.memory_space<semaphore_mem>>) src(%arg8 : memref<64x512xf32, #tpu.memory_space<vmem>>) dst(%dma_wait3A_884 : memref<64x512xf32, #tpu.memory_space<hbm>>)
    } else {
    }
    %add3A_243 = arith.constant 224 : i32
    %add3A_244 = arith.addi %add3A_243, %add3A : i32
    %lt3A_245 = arith.constant 782 : i32
    %lt3A_246 = arith.cmpi slt, %add3A_244, %lt3A_245 : i32
    %convert_element_type3A_247 = arith.extui %lt3A_246 : i1 to i32
    %cond3A_248 = arith.constant 0 : i32
    %cond3A_249 = arith.cmpi ne, %convert_element_type3A_247, %cond3A_248 : i32
    scf.if %cond3A_249 {
      %mul3A_880 = arith.constant 64 : i32
      %mul3A_881 = arith.muli %add3A_244, %mul3A_880 : i32
      %dma_wait3A = tpu.memref_slice %arg3[%mul3A_881] : memref<50048xi32, #tpu.memory_space<hbm>> -> memref<64xi32, #tpu.memory_space<hbm>>
      %dma_wait3A_882 = tpu.memref_slice %arg3[%mul3A_881] : memref<50048xi32, #tpu.memory_space<hbm>> -> memref<64xi32, #tpu.memory_space<hbm>>
      tpu.wait_dma2 semaphore(%arg10 : memref<!tpu.dma_semaphore, #tpu.memory_space<semaphore_mem>>) src(%dma_wait3A_882 : memref<64xi32, #tpu.memory_space<hbm>>) dst(%arg6 : memref<64xi32, #tpu.memory_space<vmem>>)
    } else {
    }
    %add3A_250 = arith.constant 224 : i32
    %add3A_251 = arith.addi %add3A_250, %add3A : i32
    %lt3A_252 = arith.constant 782 : i32
    %lt3A_253 = arith.cmpi slt, %add3A_251, %lt3A_252 : i32
    %convert_element_type3A_254 = arith.extui %lt3A_253 : i1 to i32
    %cond3A_255 = arith.constant 0 : i32
    %cond3A_256 = arith.cmpi ne, %convert_element_type3A_254, %cond3A_255 : i32
    scf.if %cond3A_256 {
      %dma_start3A = arith.constant 0 : i32
      %dma_start3A_880 = arith.constant 0 : i32
      %dma_start3A_881 = tpu.memref_slice %arg2[%dma_start3A, %dma_start3A_880] : memref<1024x512xf32, #tpu.memory_space<hbm>> -> memref<1024x512xf32, #tpu.memory_space<hbm>>
      tpu.enqueue_indirect_dma source(%dma_start3A_881 : memref<1024x512xf32, #tpu.memory_space<hbm>>) target(%arg8 : memref<64x512xf32, #tpu.memory_space<vmem>>) offsets(%arg6 : memref<64xi32, #tpu.memory_space<vmem>>) semaphore(%arg12 : memref<!tpu.dma_semaphore, #tpu.memory_space<semaphore_mem>>)
    } else {
    }
    %add3A_257 = arith.constant 256 : i32
    %add3A_258 = arith.addi %add3A_257, %add3A : i32
    %lt3A_259 = arith.constant 782 : i32
    %lt3A_260 = arith.cmpi slt, %add3A_258, %lt3A_259 : i32
    %convert_element_type3A_261 = arith.extui %lt3A_260 : i1 to i32
    %cond3A_262 = arith.constant 0 : i32
    %cond3A_263 = arith.cmpi ne, %convert_element_type3A_261, %cond3A_262 : i32
    scf.if %cond3A_263 {
      %mul3A_880 = arith.constant 64 : i32
      %mul3A_881 = arith.muli %add3A_258, %mul3A_880 : i32
      %dma_start3A = tpu.memref_slice %arg3[%mul3A_881] : memref<50048xi32, #tpu.memory_space<hbm>> -> memref<64xi32, #tpu.memory_space<hbm>>
      %dma_start3A_882 = tpu.memref_slice %arg3[%mul3A_881] : memref<50048xi32, #tpu.memory_space<hbm>> -> memref<64xi32, #tpu.memory_space<hbm>>
      tpu.enqueue_dma source(%dma_start3A_882 : memref<64xi32, #tpu.memory_space<hbm>>) target(%arg5 : memref<64xi32, #tpu.memory_space<vmem>>) target_semaphore(%arg9 : memref<!tpu.dma_semaphore, #tpu.memory_space<semaphore_mem>>)
    } else {
    }
    %add3A_264 = arith.constant 224 : i32
    %add3A_265 = arith.addi %add3A_264, %add3A : i32
    %lt3A_266 = arith.constant 782 : i32
    %lt3A_267 = arith.cmpi slt, %add3A_265, %lt3A_266 : i32
    %convert_element_type3A_268 = arith.extui %lt3A_267 : i1 to i32
    %cond3A_269 = arith.constant 0 : i32
    %cond3A_270 = arith.cmpi ne, %convert_element_type3A_268, %cond3A_269 : i32
    scf.if %cond3A_270 {
      %dma_wait3A = arith.constant 0 : i32
      %dma_wait3A_880 = arith.constant 0 : i32
      %dma_wait3A_881 = tpu.memref_slice %arg2[%dma_wait3A, %dma_wait3A_880] : memref<1024x512xf32, #tpu.memory_space<hbm>> -> memref<1024x512xf32, #tpu.memory_space<hbm>>
      tpu.wait_indirect_dma semaphore(%arg12 : memref<!tpu.dma_semaphore, #tpu.memory_space<semaphore_mem>>) src(%dma_wait3A_881 : memref<1024x512xf32, #tpu.memory_space<hbm>>) dst(%arg8 : memref<64x512xf32, #tpu.memory_space<vmem>>)
      %mul3A_882 = arith.constant 64 : i32
      %mul3A_883 = arith.muli %add3A_265, %mul3A_882 : i32
      %dma_start3A = arith.constant 0 : i32
      %dma_start3A_884 = tpu.memref_slice %arg4[%mul3A_883, %dma_start3A] : memref<50048x512xf32, #tpu.memory_space<hbm>> -> memref<64x512xf32, #tpu.memory_space<hbm>>
      %dma_start3A_885 = arith.constant 0 : i32
      %dma_start3A_886 = tpu.memref_slice %arg4[%mul3A_883, %dma_start3A_885] : memref<50048x512xf32, #tpu.memory_space<hbm>> -> memref<64x512xf32, #tpu.memory_space<hbm>>
      tpu.enqueue_dma source(%arg8 : memref<64x512xf32, #tpu.memory_space<vmem>>) target(%dma_start3A_886 : memref<64x512xf32, #tpu.memory_space<hbm>>) target_semaphore(%arg14 : memref<!tpu.dma_semaphore, #tpu.memory_space<semaphore_mem>>)
    } else {
    }
    %add3A_271 = arith.constant 192 : i32
    %add3A_272 = arith.addi %add3A_271, %add3A : i32
    %lt3A_273 = arith.constant 782 : i32
    %lt3A_274 = arith.cmpi slt, %add3A_272, %lt3A_273 : i32
    %convert_element_type3A_275 = arith.extui %lt3A_274 : i1 to i32
    %cond3A_276 = arith.constant 0 : i32
    %cond3A_277 = arith.cmpi ne, %convert_element_type3A_275, %cond3A_276 : i32
    scf.if %cond3A_277 {
      %mul3A_880 = arith.constant 64 : i32
      %mul3A_881 = arith.muli %add3A_272, %mul3A_880 : i32
      %dma_wait3A = arith.constant 0 : i32
      %dma_wait3A_882 = tpu.memref_slice %arg4[%mul3A_881, %dma_wait3A] : memref<50048x512xf32, #tpu.memory_space<hbm>> -> memref<64x512xf32, #tpu.memory_space<hbm>>
      %dma_wait3A_883 = arith.constant 0 : i32
      %dma_wait3A_884 = tpu.memref_slice %arg4[%mul3A_881, %dma_wait3A_883] : memref<50048x512xf32, #tpu.memory_space<hbm>> -> memref<64x512xf32, #tpu.memory_space<hbm>>
      tpu.wait_dma2 semaphore(%arg13 : memref<!tpu.dma_semaphore, #tpu.memory_space<semaphore_mem>>) src(%arg7 : memref<64x512xf32, #tpu.memory_space<vmem>>) dst(%dma_wait3A_884 : memref<64x512xf32, #tpu.memory_space<hbm>>)
    } else {
    }
    %add3A_278 = arith.constant 256 : i32
    %add3A_279 = arith.addi %add3A_278, %add3A : i32
    %lt3A_280 = arith.constant 782 : i32
    %lt3A_281 = arith.cmpi slt, %add3A_279, %lt3A_280 : i32
    %convert_element_type3A_282 = arith.extui %lt3A_281 : i1 to i32
    %cond3A_283 = arith.constant 0 : i32
    %cond3A_284 = arith.cmpi ne, %convert_element_type3A_282, %cond3A_283 : i32
    scf.if %cond3A_284 {
      %mul3A_880 = arith.constant 64 : i32
      %mul3A_881 = arith.muli %add3A_279, %mul3A_880 : i32
      %dma_wait3A = tpu.memref_slice %arg3[%mul3A_881] : memref<50048xi32, #tpu.memory_space<hbm>> -> memref<64xi32, #tpu.memory_space<hbm>>
      %dma_wait3A_882 = tpu.memref_slice %arg3[%mul3A_881] : memref<50048xi32, #tpu.memory_space<hbm>> -> memref<64xi32, #tpu.memory_space<hbm>>
      tpu.wait_dma2 semaphore(%arg9 : memref<!tpu.dma_semaphore, #tpu.memory_space<semaphore_mem>>) src(%dma_wait3A_882 : memref<64xi32, #tpu.memory_space<hbm>>) dst(%arg5 : memref<64xi32, #tpu.memory_space<vmem>>)
    } else {
    }
    %add3A_285 = arith.constant 256 : i32
    %add3A_286 = arith.addi %add3A_285, %add3A : i32
    %lt3A_287 = arith.constant 782 : i32
    %lt3A_288 = arith.cmpi slt, %add3A_286, %lt3A_287 : i32
    %convert_element_type3A_289 = arith.extui %lt3A_288 : i1 to i32
    %cond3A_290 = arith.constant 0 : i32
    %cond3A_291 = arith.cmpi ne, %convert_element_type3A_289, %cond3A_290 : i32
    scf.if %cond3A_291 {
      %dma_start3A = arith.constant 0 : i32
      %dma_start3A_880 = arith.constant 0 : i32
      %dma_start3A_881 = tpu.memref_slice %arg2[%dma_start3A, %dma_start3A_880] : memref<1024x512xf32, #tpu.memory_space<hbm>> -> memref<1024x512xf32, #tpu.memory_space<hbm>>
      tpu.enqueue_indirect_dma source(%dma_start3A_881 : memref<1024x512xf32, #tpu.memory_space<hbm>>) target(%arg7 : memref<64x512xf32, #tpu.memory_space<vmem>>) offsets(%arg5 : memref<64xi32, #tpu.memory_space<vmem>>) semaphore(%arg11 : memref<!tpu.dma_semaphore, #tpu.memory_space<semaphore_mem>>)
    } else {
    }
    %add3A_292 = arith.constant 288 : i32
    %add3A_293 = arith.addi %add3A_292, %add3A : i32
    %lt3A_294 = arith.constant 782 : i32
    %lt3A_295 = arith.cmpi slt, %add3A_293, %lt3A_294 : i32
    %convert_element_type3A_296 = arith.extui %lt3A_295 : i1 to i32
    %cond3A_297 = arith.constant 0 : i32
    %cond3A_298 = arith.cmpi ne, %convert_element_type3A_296, %cond3A_297 : i32
    scf.if %cond3A_298 {
      %mul3A_880 = arith.constant 64 : i32
      %mul3A_881 = arith.muli %add3A_293, %mul3A_880 : i32
      %dma_start3A = tpu.memref_slice %arg3[%mul3A_881] : memref<50048xi32, #tpu.memory_space<hbm>> -> memref<64xi32, #tpu.memory_space<hbm>>
      %dma_start3A_882 = tpu.memref_slice %arg3[%mul3A_881] : memref<50048xi32, #tpu.memory_space<hbm>> -> memref<64xi32, #tpu.memory_space<hbm>>
      tpu.enqueue_dma source(%dma_start3A_882 : memref<64xi32, #tpu.memory_space<hbm>>) target(%arg6 : memref<64xi32, #tpu.memory_space<vmem>>) target_semaphore(%arg10 : memref<!tpu.dma_semaphore, #tpu.memory_space<semaphore_mem>>)
    } else {
    }
    %add3A_299 = arith.constant 256 : i32
    %add3A_300 = arith.addi %add3A_299, %add3A : i32
    %lt3A_301 = arith.constant 782 : i32
    %lt3A_302 = arith.cmpi slt, %add3A_300, %lt3A_301 : i32
    %convert_element_type3A_303 = arith.extui %lt3A_302 : i1 to i32
    %cond3A_304 = arith.constant 0 : i32
    %cond3A_305 = arith.cmpi ne, %convert_element_type3A_303, %cond3A_304 : i32
    scf.if %cond3A_305 {
      %dma_wait3A = arith.constant 0 : i32
      %dma_wait3A_880 = arith.constant 0 : i32
      %dma_wait3A_881 = tpu.memref_slice %arg2[%dma_wait3A, %dma_wait3A_880] : memref<1024x512xf32, #tpu.memory_space<hbm>> -> memref<1024x512xf32, #tpu.memory_space<hbm>>
      tpu.wait_indirect_dma semaphore(%arg11 : memref<!tpu.dma_semaphore, #tpu.memory_space<semaphore_mem>>) src(%dma_wait3A_881 : memref<1024x512xf32, #tpu.memory_space<hbm>>) dst(%arg7 : memref<64x512xf32, #tpu.memory_space<vmem>>)
      %mul3A_882 = arith.constant 64 : i32
      %mul3A_883 = arith.muli %add3A_300, %mul3A_882 : i32
      %dma_start3A = arith.constant 0 : i32
      %dma_start3A_884 = tpu.memref_slice %arg4[%mul3A_883, %dma_start3A] : memref<50048x512xf32, #tpu.memory_space<hbm>> -> memref<64x512xf32, #tpu.memory_space<hbm>>
      %dma_start3A_885 = arith.constant 0 : i32
      %dma_start3A_886 = tpu.memref_slice %arg4[%mul3A_883, %dma_start3A_885] : memref<50048x512xf32, #tpu.memory_space<hbm>> -> memref<64x512xf32, #tpu.memory_space<hbm>>
      tpu.enqueue_dma source(%arg7 : memref<64x512xf32, #tpu.memory_space<vmem>>) target(%dma_start3A_886 : memref<64x512xf32, #tpu.memory_space<hbm>>) target_semaphore(%arg13 : memref<!tpu.dma_semaphore, #tpu.memory_space<semaphore_mem>>)
    } else {
    }
    %add3A_306 = arith.constant 224 : i32
    %add3A_307 = arith.addi %add3A_306, %add3A : i32
    %lt3A_308 = arith.constant 782 : i32
    %lt3A_309 = arith.cmpi slt, %add3A_307, %lt3A_308 : i32
    %convert_element_type3A_310 = arith.extui %lt3A_309 : i1 to i32
    %cond3A_311 = arith.constant 0 : i32
    %cond3A_312 = arith.cmpi ne, %convert_element_type3A_310, %cond3A_311 : i32
    scf.if %cond3A_312 {
      %mul3A_880 = arith.constant 64 : i32
      %mul3A_881 = arith.muli %add3A_307, %mul3A_880 : i32
      %dma_wait3A = arith.constant 0 : i32
      %dma_wait3A_882 = tpu.memref_slice %arg4[%mul3A_881, %dma_wait3A] : memref<50048x512xf32, #tpu.memory_space<hbm>> -> memref<64x512xf32, #tpu.memory_space<hbm>>
      %dma_wait3A_883 = arith.constant 0 : i32
      %dma_wait3A_884 = tpu.memref_slice %arg4[%mul3A_881, %dma_wait3A_883] : memref<50048x512xf32, #tpu.memory_space<hbm>> -> memref<64x512xf32, #tpu.memory_space<hbm>>
      tpu.wait_dma2 semaphore(%arg14 : memref<!tpu.dma_semaphore, #tpu.memory_space<semaphore_mem>>) src(%arg8 : memref<64x512xf32, #tpu.memory_space<vmem>>) dst(%dma_wait3A_884 : memref<64x512xf32, #tpu.memory_space<hbm>>)
    } else {
    }
    %add3A_313 = arith.constant 288 : i32
    %add3A_314 = arith.addi %add3A_313, %add3A : i32
    %lt3A_315 = arith.constant 782 : i32
    %lt3A_316 = arith.cmpi slt, %add3A_314, %lt3A_315 : i32
    %convert_element_type3A_317 = arith.extui %lt3A_316 : i1 to i32
    %cond3A_318 = arith.constant 0 : i32
    %cond3A_319 = arith.cmpi ne, %convert_element_type3A_317, %cond3A_318 : i32
    scf.if %cond3A_319 {
      %mul3A_880 = arith.constant 64 : i32
      %mul3A_881 = arith.muli %add3A_314, %mul3A_880 : i32
      %dma_wait3A = tpu.memref_slice %arg3[%mul3A_881] : memref<50048xi32, #tpu.memory_space<hbm>> -> memref<64xi32, #tpu.memory_space<hbm>>
      %dma_wait3A_882 = tpu.memref_slice %arg3[%mul3A_881] : memref<50048xi32, #tpu.memory_space<hbm>> -> memref<64xi32, #tpu.memory_space<hbm>>
      tpu.wait_dma2 semaphore(%arg10 : memref<!tpu.dma_semaphore, #tpu.memory_space<semaphore_mem>>) src(%dma_wait3A_882 : memref<64xi32, #tpu.memory_space<hbm>>) dst(%arg6 : memref<64xi32, #tpu.memory_space<vmem>>)
    } else {
    }
    %add3A_320 = arith.constant 288 : i32
    %add3A_321 = arith.addi %add3A_320, %add3A : i32
    %lt3A_322 = arith.constant 782 : i32
    %lt3A_323 = arith.cmpi slt, %add3A_321, %lt3A_322 : i32
    %convert_element_type3A_324 = arith.extui %lt3A_323 : i1 to i32
    %cond3A_325 = arith.constant 0 : i32
    %cond3A_326 = arith.cmpi ne, %convert_element_type3A_324, %cond3A_325 : i32
    scf.if %cond3A_326 {
      %dma_start3A = arith.constant 0 : i32
      %dma_start3A_880 = arith.constant 0 : i32
      %dma_start3A_881 = tpu.memref_slice %arg2[%dma_start3A, %dma_start3A_880] : memref<1024x512xf32, #tpu.memory_space<hbm>> -> memref<1024x512xf32, #tpu.memory_space<hbm>>
      tpu.enqueue_indirect_dma source(%dma_start3A_881 : memref<1024x512xf32, #tpu.memory_space<hbm>>) target(%arg8 : memref<64x512xf32, #tpu.memory_space<vmem>>) offsets(%arg6 : memref<64xi32, #tpu.memory_space<vmem>>) semaphore(%arg12 : memref<!tpu.dma_semaphore, #tpu.memory_space<semaphore_mem>>)
    } else {
    }
    %add3A_327 = arith.constant 320 : i32
    %add3A_328 = arith.addi %add3A_327, %add3A : i32
    %lt3A_329 = arith.constant 782 : i32
    %lt3A_330 = arith.cmpi slt, %add3A_328, %lt3A_329 : i32
    %convert_element_type3A_331 = arith.extui %lt3A_330 : i1 to i32
    %cond3A_332 = arith.constant 0 : i32
    %cond3A_333 = arith.cmpi ne, %convert_element_type3A_331, %cond3A_332 : i32
    scf.if %cond3A_333 {
      %mul3A_880 = arith.constant 64 : i32
      %mul3A_881 = arith.muli %add3A_328, %mul3A_880 : i32
      %dma_start3A = tpu.memref_slice %arg3[%mul3A_881] : memref<50048xi32, #tpu.memory_space<hbm>> -> memref<64xi32, #tpu.memory_space<hbm>>
      %dma_start3A_882 = tpu.memref_slice %arg3[%mul3A_881] : memref<50048xi32, #tpu.memory_space<hbm>> -> memref<64xi32, #tpu.memory_space<hbm>>
      tpu.enqueue_dma source(%dma_start3A_882 : memref<64xi32, #tpu.memory_space<hbm>>) target(%arg5 : memref<64xi32, #tpu.memory_space<vmem>>) target_semaphore(%arg9 : memref<!tpu.dma_semaphore, #tpu.memory_space<semaphore_mem>>)
    } else {
    }
    %add3A_334 = arith.constant 288 : i32
    %add3A_335 = arith.addi %add3A_334, %add3A : i32
    %lt3A_336 = arith.constant 782 : i32
    %lt3A_337 = arith.cmpi slt, %add3A_335, %lt3A_336 : i32
    %convert_element_type3A_338 = arith.extui %lt3A_337 : i1 to i32
    %cond3A_339 = arith.constant 0 : i32
    %cond3A_340 = arith.cmpi ne, %convert_element_type3A_338, %cond3A_339 : i32
    scf.if %cond3A_340 {
      %dma_wait3A = arith.constant 0 : i32
      %dma_wait3A_880 = arith.constant 0 : i32
      %dma_wait3A_881 = tpu.memref_slice %arg2[%dma_wait3A, %dma_wait3A_880] : memref<1024x512xf32, #tpu.memory_space<hbm>> -> memref<1024x512xf32, #tpu.memory_space<hbm>>
      tpu.wait_indirect_dma semaphore(%arg12 : memref<!tpu.dma_semaphore, #tpu.memory_space<semaphore_mem>>) src(%dma_wait3A_881 : memref<1024x512xf32, #tpu.memory_space<hbm>>) dst(%arg8 : memref<64x512xf32, #tpu.memory_space<vmem>>)
      %mul3A_882 = arith.constant 64 : i32
      %mul3A_883 = arith.muli %add3A_335, %mul3A_882 : i32
      %dma_start3A = arith.constant 0 : i32
      %dma_start3A_884 = tpu.memref_slice %arg4[%mul3A_883, %dma_start3A] : memref<50048x512xf32, #tpu.memory_space<hbm>> -> memref<64x512xf32, #tpu.memory_space<hbm>>
      %dma_start3A_885 = arith.constant 0 : i32
      %dma_start3A_886 = tpu.memref_slice %arg4[%mul3A_883, %dma_start3A_885] : memref<50048x512xf32, #tpu.memory_space<hbm>> -> memref<64x512xf32, #tpu.memory_space<hbm>>
      tpu.enqueue_dma source(%arg8 : memref<64x512xf32, #tpu.memory_space<vmem>>) target(%dma_start3A_886 : memref<64x512xf32, #tpu.memory_space<hbm>>) target_semaphore(%arg14 : memref<!tpu.dma_semaphore, #tpu.memory_space<semaphore_mem>>)
    } else {
    }
    %add3A_341 = arith.constant 256 : i32
    %add3A_342 = arith.addi %add3A_341, %add3A : i32
    %lt3A_343 = arith.constant 782 : i32
    %lt3A_344 = arith.cmpi slt, %add3A_342, %lt3A_343 : i32
    %convert_element_type3A_345 = arith.extui %lt3A_344 : i1 to i32
    %cond3A_346 = arith.constant 0 : i32
    %cond3A_347 = arith.cmpi ne, %convert_element_type3A_345, %cond3A_346 : i32
    scf.if %cond3A_347 {
      %mul3A_880 = arith.constant 64 : i32
      %mul3A_881 = arith.muli %add3A_342, %mul3A_880 : i32
      %dma_wait3A = arith.constant 0 : i32
      %dma_wait3A_882 = tpu.memref_slice %arg4[%mul3A_881, %dma_wait3A] : memref<50048x512xf32, #tpu.memory_space<hbm>> -> memref<64x512xf32, #tpu.memory_space<hbm>>
      %dma_wait3A_883 = arith.constant 0 : i32
      %dma_wait3A_884 = tpu.memref_slice %arg4[%mul3A_881, %dma_wait3A_883] : memref<50048x512xf32, #tpu.memory_space<hbm>> -> memref<64x512xf32, #tpu.memory_space<hbm>>
      tpu.wait_dma2 semaphore(%arg13 : memref<!tpu.dma_semaphore, #tpu.memory_space<semaphore_mem>>) src(%arg7 : memref<64x512xf32, #tpu.memory_space<vmem>>) dst(%dma_wait3A_884 : memref<64x512xf32, #tpu.memory_space<hbm>>)
    } else {
    }
    %add3A_348 = arith.constant 320 : i32
    %add3A_349 = arith.addi %add3A_348, %add3A : i32
    %lt3A_350 = arith.constant 782 : i32
    %lt3A_351 = arith.cmpi slt, %add3A_349, %lt3A_350 : i32
    %convert_element_type3A_352 = arith.extui %lt3A_351 : i1 to i32
    %cond3A_353 = arith.constant 0 : i32
    %cond3A_354 = arith.cmpi ne, %convert_element_type3A_352, %cond3A_353 : i32
    scf.if %cond3A_354 {
      %mul3A_880 = arith.constant 64 : i32
      %mul3A_881 = arith.muli %add3A_349, %mul3A_880 : i32
      %dma_wait3A = tpu.memref_slice %arg3[%mul3A_881] : memref<50048xi32, #tpu.memory_space<hbm>> -> memref<64xi32, #tpu.memory_space<hbm>>
      %dma_wait3A_882 = tpu.memref_slice %arg3[%mul3A_881] : memref<50048xi32, #tpu.memory_space<hbm>> -> memref<64xi32, #tpu.memory_space<hbm>>
      tpu.wait_dma2 semaphore(%arg9 : memref<!tpu.dma_semaphore, #tpu.memory_space<semaphore_mem>>) src(%dma_wait3A_882 : memref<64xi32, #tpu.memory_space<hbm>>) dst(%arg5 : memref<64xi32, #tpu.memory_space<vmem>>)
    } else {
    }
    %add3A_355 = arith.constant 320 : i32
    %add3A_356 = arith.addi %add3A_355, %add3A : i32
    %lt3A_357 = arith.constant 782 : i32
    %lt3A_358 = arith.cmpi slt, %add3A_356, %lt3A_357 : i32
    %convert_element_type3A_359 = arith.extui %lt3A_358 : i1 to i32
    %cond3A_360 = arith.constant 0 : i32
    %cond3A_361 = arith.cmpi ne, %convert_element_type3A_359, %cond3A_360 : i32
    scf.if %cond3A_361 {
      %dma_start3A = arith.constant 0 : i32
      %dma_start3A_880 = arith.constant 0 : i32
      %dma_start3A_881 = tpu.memref_slice %arg2[%dma_start3A, %dma_start3A_880] : memref<1024x512xf32, #tpu.memory_space<hbm>> -> memref<1024x512xf32, #tpu.memory_space<hbm>>
      tpu.enqueue_indirect_dma source(%dma_start3A_881 : memref<1024x512xf32, #tpu.memory_space<hbm>>) target(%arg7 : memref<64x512xf32, #tpu.memory_space<vmem>>) offsets(%arg5 : memref<64xi32, #tpu.memory_space<vmem>>) semaphore(%arg11 : memref<!tpu.dma_semaphore, #tpu.memory_space<semaphore_mem>>)
    } else {
    }
    %add3A_362 = arith.constant 352 : i32
    %add3A_363 = arith.addi %add3A_362, %add3A : i32
    %lt3A_364 = arith.constant 782 : i32
    %lt3A_365 = arith.cmpi slt, %add3A_363, %lt3A_364 : i32
    %convert_element_type3A_366 = arith.extui %lt3A_365 : i1 to i32
    %cond3A_367 = arith.constant 0 : i32
    %cond3A_368 = arith.cmpi ne, %convert_element_type3A_366, %cond3A_367 : i32
    scf.if %cond3A_368 {
      %mul3A_880 = arith.constant 64 : i32
      %mul3A_881 = arith.muli %add3A_363, %mul3A_880 : i32
      %dma_start3A = tpu.memref_slice %arg3[%mul3A_881] : memref<50048xi32, #tpu.memory_space<hbm>> -> memref<64xi32, #tpu.memory_space<hbm>>
      %dma_start3A_882 = tpu.memref_slice %arg3[%mul3A_881] : memref<50048xi32, #tpu.memory_space<hbm>> -> memref<64xi32, #tpu.memory_space<hbm>>
      tpu.enqueue_dma source(%dma_start3A_882 : memref<64xi32, #tpu.memory_space<hbm>>) target(%arg6 : memref<64xi32, #tpu.memory_space<vmem>>) target_semaphore(%arg10 : memref<!tpu.dma_semaphore, #tpu.memory_space<semaphore_mem>>)
    } else {
    }
    %add3A_369 = arith.constant 320 : i32
    %add3A_370 = arith.addi %add3A_369, %add3A : i32
    %lt3A_371 = arith.constant 782 : i32
    %lt3A_372 = arith.cmpi slt, %add3A_370, %lt3A_371 : i32
    %convert_element_type3A_373 = arith.extui %lt3A_372 : i1 to i32
    %cond3A_374 = arith.constant 0 : i32
    %cond3A_375 = arith.cmpi ne, %convert_element_type3A_373, %cond3A_374 : i32
    scf.if %cond3A_375 {
      %dma_wait3A = arith.constant 0 : i32
      %dma_wait3A_880 = arith.constant 0 : i32
      %dma_wait3A_881 = tpu.memref_slice %arg2[%dma_wait3A, %dma_wait3A_880] : memref<1024x512xf32, #tpu.memory_space<hbm>> -> memref<1024x512xf32, #tpu.memory_space<hbm>>
      tpu.wait_indirect_dma semaphore(%arg11 : memref<!tpu.dma_semaphore, #tpu.memory_space<semaphore_mem>>) src(%dma_wait3A_881 : memref<1024x512xf32, #tpu.memory_space<hbm>>) dst(%arg7 : memref<64x512xf32, #tpu.memory_space<vmem>>)
      %mul3A_882 = arith.constant 64 : i32
      %mul3A_883 = arith.muli %add3A_370, %mul3A_882 : i32
      %dma_start3A = arith.constant 0 : i32
      %dma_start3A_884 = tpu.memref_slice %arg4[%mul3A_883, %dma_start3A] : memref<50048x512xf32, #tpu.memory_space<hbm>> -> memref<64x512xf32, #tpu.memory_space<hbm>>
      %dma_start3A_885 = arith.constant 0 : i32
      %dma_start3A_886 = tpu.memref_slice %arg4[%mul3A_883, %dma_start3A_885] : memref<50048x512xf32, #tpu.memory_space<hbm>> -> memref<64x512xf32, #tpu.memory_space<hbm>>
      tpu.enqueue_dma source(%arg7 : memref<64x512xf32, #tpu.memory_space<vmem>>) target(%dma_start3A_886 : memref<64x512xf32, #tpu.memory_space<hbm>>) target_semaphore(%arg13 : memref<!tpu.dma_semaphore, #tpu.memory_space<semaphore_mem>>)
    } else {
    }
    %add3A_376 = arith.constant 288 : i32
    %add3A_377 = arith.addi %add3A_376, %add3A : i32
    %lt3A_378 = arith.constant 782 : i32
    %lt3A_379 = arith.cmpi slt, %add3A_377, %lt3A_378 : i32
    %convert_element_type3A_380 = arith.extui %lt3A_379 : i1 to i32
    %cond3A_381 = arith.constant 0 : i32
    %cond3A_382 = arith.cmpi ne, %convert_element_type3A_380, %cond3A_381 : i32
    scf.if %cond3A_382 {
      %mul3A_880 = arith.constant 64 : i32
      %mul3A_881 = arith.muli %add3A_377, %mul3A_880 : i32
      %dma_wait3A = arith.constant 0 : i32
      %dma_wait3A_882 = tpu.memref_slice %arg4[%mul3A_881, %dma_wait3A] : memref<50048x512xf32, #tpu.memory_space<hbm>> -> memref<64x512xf32, #tpu.memory_space<hbm>>
      %dma_wait3A_883 = arith.constant 0 : i32
      %dma_wait3A_884 = tpu.memref_slice %arg4[%mul3A_881, %dma_wait3A_883] : memref<50048x512xf32, #tpu.memory_space<hbm>> -> memref<64x512xf32, #tpu.memory_space<hbm>>
      tpu.wait_dma2 semaphore(%arg14 : memref<!tpu.dma_semaphore, #tpu.memory_space<semaphore_mem>>) src(%arg8 : memref<64x512xf32, #tpu.memory_space<vmem>>) dst(%dma_wait3A_884 : memref<64x512xf32, #tpu.memory_space<hbm>>)
    } else {
    }
    %add3A_383 = arith.constant 352 : i32
    %add3A_384 = arith.addi %add3A_383, %add3A : i32
    %lt3A_385 = arith.constant 782 : i32
    %lt3A_386 = arith.cmpi slt, %add3A_384, %lt3A_385 : i32
    %convert_element_type3A_387 = arith.extui %lt3A_386 : i1 to i32
    %cond3A_388 = arith.constant 0 : i32
    %cond3A_389 = arith.cmpi ne, %convert_element_type3A_387, %cond3A_388 : i32
    scf.if %cond3A_389 {
      %mul3A_880 = arith.constant 64 : i32
      %mul3A_881 = arith.muli %add3A_384, %mul3A_880 : i32
      %dma_wait3A = tpu.memref_slice %arg3[%mul3A_881] : memref<50048xi32, #tpu.memory_space<hbm>> -> memref<64xi32, #tpu.memory_space<hbm>>
      %dma_wait3A_882 = tpu.memref_slice %arg3[%mul3A_881] : memref<50048xi32, #tpu.memory_space<hbm>> -> memref<64xi32, #tpu.memory_space<hbm>>
      tpu.wait_dma2 semaphore(%arg10 : memref<!tpu.dma_semaphore, #tpu.memory_space<semaphore_mem>>) src(%dma_wait3A_882 : memref<64xi32, #tpu.memory_space<hbm>>) dst(%arg6 : memref<64xi32, #tpu.memory_space<vmem>>)
    } else {
    }
    %add3A_390 = arith.constant 352 : i32
    %add3A_391 = arith.addi %add3A_390, %add3A : i32
    %lt3A_392 = arith.constant 782 : i32
    %lt3A_393 = arith.cmpi slt, %add3A_391, %lt3A_392 : i32
    %convert_element_type3A_394 = arith.extui %lt3A_393 : i1 to i32
    %cond3A_395 = arith.constant 0 : i32
    %cond3A_396 = arith.cmpi ne, %convert_element_type3A_394, %cond3A_395 : i32
    scf.if %cond3A_396 {
      %dma_start3A = arith.constant 0 : i32
      %dma_start3A_880 = arith.constant 0 : i32
      %dma_start3A_881 = tpu.memref_slice %arg2[%dma_start3A, %dma_start3A_880] : memref<1024x512xf32, #tpu.memory_space<hbm>> -> memref<1024x512xf32, #tpu.memory_space<hbm>>
      tpu.enqueue_indirect_dma source(%dma_start3A_881 : memref<1024x512xf32, #tpu.memory_space<hbm>>) target(%arg8 : memref<64x512xf32, #tpu.memory_space<vmem>>) offsets(%arg6 : memref<64xi32, #tpu.memory_space<vmem>>) semaphore(%arg12 : memref<!tpu.dma_semaphore, #tpu.memory_space<semaphore_mem>>)
    } else {
    }
    %add3A_397 = arith.constant 384 : i32
    %add3A_398 = arith.addi %add3A_397, %add3A : i32
    %lt3A_399 = arith.constant 782 : i32
    %lt3A_400 = arith.cmpi slt, %add3A_398, %lt3A_399 : i32
    %convert_element_type3A_401 = arith.extui %lt3A_400 : i1 to i32
    %cond3A_402 = arith.constant 0 : i32
    %cond3A_403 = arith.cmpi ne, %convert_element_type3A_401, %cond3A_402 : i32
    scf.if %cond3A_403 {
      %mul3A_880 = arith.constant 64 : i32
      %mul3A_881 = arith.muli %add3A_398, %mul3A_880 : i32
      %dma_start3A = tpu.memref_slice %arg3[%mul3A_881] : memref<50048xi32, #tpu.memory_space<hbm>> -> memref<64xi32, #tpu.memory_space<hbm>>
      %dma_start3A_882 = tpu.memref_slice %arg3[%mul3A_881] : memref<50048xi32, #tpu.memory_space<hbm>> -> memref<64xi32, #tpu.memory_space<hbm>>
      tpu.enqueue_dma source(%dma_start3A_882 : memref<64xi32, #tpu.memory_space<hbm>>) target(%arg5 : memref<64xi32, #tpu.memory_space<vmem>>) target_semaphore(%arg9 : memref<!tpu.dma_semaphore, #tpu.memory_space<semaphore_mem>>)
    } else {
    }
    %add3A_404 = arith.constant 352 : i32
    %add3A_405 = arith.addi %add3A_404, %add3A : i32
    %lt3A_406 = arith.constant 782 : i32
    %lt3A_407 = arith.cmpi slt, %add3A_405, %lt3A_406 : i32
    %convert_element_type3A_408 = arith.extui %lt3A_407 : i1 to i32
    %cond3A_409 = arith.constant 0 : i32
    %cond3A_410 = arith.cmpi ne, %convert_element_type3A_408, %cond3A_409 : i32
    scf.if %cond3A_410 {
      %dma_wait3A = arith.constant 0 : i32
      %dma_wait3A_880 = arith.constant 0 : i32
      %dma_wait3A_881 = tpu.memref_slice %arg2[%dma_wait3A, %dma_wait3A_880] : memref<1024x512xf32, #tpu.memory_space<hbm>> -> memref<1024x512xf32, #tpu.memory_space<hbm>>
      tpu.wait_indirect_dma semaphore(%arg12 : memref<!tpu.dma_semaphore, #tpu.memory_space<semaphore_mem>>) src(%dma_wait3A_881 : memref<1024x512xf32, #tpu.memory_space<hbm>>) dst(%arg8 : memref<64x512xf32, #tpu.memory_space<vmem>>)
      %mul3A_882 = arith.constant 64 : i32
      %mul3A_883 = arith.muli %add3A_405, %mul3A_882 : i32
      %dma_start3A = arith.constant 0 : i32
      %dma_start3A_884 = tpu.memref_slice %arg4[%mul3A_883, %dma_start3A] : memref<50048x512xf32, #tpu.memory_space<hbm>> -> memref<64x512xf32, #tpu.memory_space<hbm>>
      %dma_start3A_885 = arith.constant 0 : i32
      %dma_start3A_886 = tpu.memref_slice %arg4[%mul3A_883, %dma_start3A_885] : memref<50048x512xf32, #tpu.memory_space<hbm>> -> memref<64x512xf32, #tpu.memory_space<hbm>>
      tpu.enqueue_dma source(%arg8 : memref<64x512xf32, #tpu.memory_space<vmem>>) target(%dma_start3A_886 : memref<64x512xf32, #tpu.memory_space<hbm>>) target_semaphore(%arg14 : memref<!tpu.dma_semaphore, #tpu.memory_space<semaphore_mem>>)
    } else {
    }
    %add3A_411 = arith.constant 320 : i32
    %add3A_412 = arith.addi %add3A_411, %add3A : i32
    %lt3A_413 = arith.constant 782 : i32
    %lt3A_414 = arith.cmpi slt, %add3A_412, %lt3A_413 : i32
    %convert_element_type3A_415 = arith.extui %lt3A_414 : i1 to i32
    %cond3A_416 = arith.constant 0 : i32
    %cond3A_417 = arith.cmpi ne, %convert_element_type3A_415, %cond3A_416 : i32
    scf.if %cond3A_417 {
      %mul3A_880 = arith.constant 64 : i32
      %mul3A_881 = arith.muli %add3A_412, %mul3A_880 : i32
      %dma_wait3A = arith.constant 0 : i32
      %dma_wait3A_882 = tpu.memref_slice %arg4[%mul3A_881, %dma_wait3A] : memref<50048x512xf32, #tpu.memory_space<hbm>> -> memref<64x512xf32, #tpu.memory_space<hbm>>
      %dma_wait3A_883 = arith.constant 0 : i32
      %dma_wait3A_884 = tpu.memref_slice %arg4[%mul3A_881, %dma_wait3A_883] : memref<50048x512xf32, #tpu.memory_space<hbm>> -> memref<64x512xf32, #tpu.memory_space<hbm>>
      tpu.wait_dma2 semaphore(%arg13 : memref<!tpu.dma_semaphore, #tpu.memory_space<semaphore_mem>>) src(%arg7 : memref<64x512xf32, #tpu.memory_space<vmem>>) dst(%dma_wait3A_884 : memref<64x512xf32, #tpu.memory_space<hbm>>)
    } else {
    }
    %add3A_418 = arith.constant 384 : i32
    %add3A_419 = arith.addi %add3A_418, %add3A : i32
    %lt3A_420 = arith.constant 782 : i32
    %lt3A_421 = arith.cmpi slt, %add3A_419, %lt3A_420 : i32
    %convert_element_type3A_422 = arith.extui %lt3A_421 : i1 to i32
    %cond3A_423 = arith.constant 0 : i32
    %cond3A_424 = arith.cmpi ne, %convert_element_type3A_422, %cond3A_423 : i32
    scf.if %cond3A_424 {
      %mul3A_880 = arith.constant 64 : i32
      %mul3A_881 = arith.muli %add3A_419, %mul3A_880 : i32
      %dma_wait3A = tpu.memref_slice %arg3[%mul3A_881] : memref<50048xi32, #tpu.memory_space<hbm>> -> memref<64xi32, #tpu.memory_space<hbm>>
      %dma_wait3A_882 = tpu.memref_slice %arg3[%mul3A_881] : memref<50048xi32, #tpu.memory_space<hbm>> -> memref<64xi32, #tpu.memory_space<hbm>>
      tpu.wait_dma2 semaphore(%arg9 : memref<!tpu.dma_semaphore, #tpu.memory_space<semaphore_mem>>) src(%dma_wait3A_882 : memref<64xi32, #tpu.memory_space<hbm>>) dst(%arg5 : memref<64xi32, #tpu.memory_space<vmem>>)
    } else {
    }
    %add3A_425 = arith.constant 384 : i32
    %add3A_426 = arith.addi %add3A_425, %add3A : i32
    %lt3A_427 = arith.constant 782 : i32
    %lt3A_428 = arith.cmpi slt, %add3A_426, %lt3A_427 : i32
    %convert_element_type3A_429 = arith.extui %lt3A_428 : i1 to i32
    %cond3A_430 = arith.constant 0 : i32
    %cond3A_431 = arith.cmpi ne, %convert_element_type3A_429, %cond3A_430 : i32
    scf.if %cond3A_431 {
      %dma_start3A = arith.constant 0 : i32
      %dma_start3A_880 = arith.constant 0 : i32
      %dma_start3A_881 = tpu.memref_slice %arg2[%dma_start3A, %dma_start3A_880] : memref<1024x512xf32, #tpu.memory_space<hbm>> -> memref<1024x512xf32, #tpu.memory_space<hbm>>
      tpu.enqueue_indirect_dma source(%dma_start3A_881 : memref<1024x512xf32, #tpu.memory_space<hbm>>) target(%arg7 : memref<64x512xf32, #tpu.memory_space<vmem>>) offsets(%arg5 : memref<64xi32, #tpu.memory_space<vmem>>) semaphore(%arg11 : memref<!tpu.dma_semaphore, #tpu.memory_space<semaphore_mem>>)
    } else {
    }
    %add3A_432 = arith.constant 416 : i32
    %add3A_433 = arith.addi %add3A_432, %add3A : i32
    %lt3A_434 = arith.constant 782 : i32
    %lt3A_435 = arith.cmpi slt, %add3A_433, %lt3A_434 : i32
    %convert_element_type3A_436 = arith.extui %lt3A_435 : i1 to i32
    %cond3A_437 = arith.constant 0 : i32
    %cond3A_438 = arith.cmpi ne, %convert_element_type3A_436, %cond3A_437 : i32
    scf.if %cond3A_438 {
      %mul3A_880 = arith.constant 64 : i32
      %mul3A_881 = arith.muli %add3A_433, %mul3A_880 : i32
      %dma_start3A = tpu.memref_slice %arg3[%mul3A_881] : memref<50048xi32, #tpu.memory_space<hbm>> -> memref<64xi32, #tpu.memory_space<hbm>>
      %dma_start3A_882 = tpu.memref_slice %arg3[%mul3A_881] : memref<50048xi32, #tpu.memory_space<hbm>> -> memref<64xi32, #tpu.memory_space<hbm>>
      tpu.enqueue_dma source(%dma_start3A_882 : memref<64xi32, #tpu.memory_space<hbm>>) target(%arg6 : memref<64xi32, #tpu.memory_space<vmem>>) target_semaphore(%arg10 : memref<!tpu.dma_semaphore, #tpu.memory_space<semaphore_mem>>)
    } else {
    }
    %add3A_439 = arith.constant 384 : i32
    %add3A_440 = arith.addi %add3A_439, %add3A : i32
    %lt3A_441 = arith.constant 782 : i32
    %lt3A_442 = arith.cmpi slt, %add3A_440, %lt3A_441 : i32
    %convert_element_type3A_443 = arith.extui %lt3A_442 : i1 to i32
    %cond3A_444 = arith.constant 0 : i32
    %cond3A_445 = arith.cmpi ne, %convert_element_type3A_443, %cond3A_444 : i32
    scf.if %cond3A_445 {
      %dma_wait3A = arith.constant 0 : i32
      %dma_wait3A_880 = arith.constant 0 : i32
      %dma_wait3A_881 = tpu.memref_slice %arg2[%dma_wait3A, %dma_wait3A_880] : memref<1024x512xf32, #tpu.memory_space<hbm>> -> memref<1024x512xf32, #tpu.memory_space<hbm>>
      tpu.wait_indirect_dma semaphore(%arg11 : memref<!tpu.dma_semaphore, #tpu.memory_space<semaphore_mem>>) src(%dma_wait3A_881 : memref<1024x512xf32, #tpu.memory_space<hbm>>) dst(%arg7 : memref<64x512xf32, #tpu.memory_space<vmem>>)
      %mul3A_882 = arith.constant 64 : i32
      %mul3A_883 = arith.muli %add3A_440, %mul3A_882 : i32
      %dma_start3A = arith.constant 0 : i32
      %dma_start3A_884 = tpu.memref_slice %arg4[%mul3A_883, %dma_start3A] : memref<50048x512xf32, #tpu.memory_space<hbm>> -> memref<64x512xf32, #tpu.memory_space<hbm>>
      %dma_start3A_885 = arith.constant 0 : i32
      %dma_start3A_886 = tpu.memref_slice %arg4[%mul3A_883, %dma_start3A_885] : memref<50048x512xf32, #tpu.memory_space<hbm>> -> memref<64x512xf32, #tpu.memory_space<hbm>>
      tpu.enqueue_dma source(%arg7 : memref<64x512xf32, #tpu.memory_space<vmem>>) target(%dma_start3A_886 : memref<64x512xf32, #tpu.memory_space<hbm>>) target_semaphore(%arg13 : memref<!tpu.dma_semaphore, #tpu.memory_space<semaphore_mem>>)
    } else {
    }
    %add3A_446 = arith.constant 352 : i32
    %add3A_447 = arith.addi %add3A_446, %add3A : i32
    %lt3A_448 = arith.constant 782 : i32
    %lt3A_449 = arith.cmpi slt, %add3A_447, %lt3A_448 : i32
    %convert_element_type3A_450 = arith.extui %lt3A_449 : i1 to i32
    %cond3A_451 = arith.constant 0 : i32
    %cond3A_452 = arith.cmpi ne, %convert_element_type3A_450, %cond3A_451 : i32
    scf.if %cond3A_452 {
      %mul3A_880 = arith.constant 64 : i32
      %mul3A_881 = arith.muli %add3A_447, %mul3A_880 : i32
      %dma_wait3A = arith.constant 0 : i32
      %dma_wait3A_882 = tpu.memref_slice %arg4[%mul3A_881, %dma_wait3A] : memref<50048x512xf32, #tpu.memory_space<hbm>> -> memref<64x512xf32, #tpu.memory_space<hbm>>
      %dma_wait3A_883 = arith.constant 0 : i32
      %dma_wait3A_884 = tpu.memref_slice %arg4[%mul3A_881, %dma_wait3A_883] : memref<50048x512xf32, #tpu.memory_space<hbm>> -> memref<64x512xf32, #tpu.memory_space<hbm>>
      tpu.wait_dma2 semaphore(%arg14 : memref<!tpu.dma_semaphore, #tpu.memory_space<semaphore_mem>>) src(%arg8 : memref<64x512xf32, #tpu.memory_space<vmem>>) dst(%dma_wait3A_884 : memref<64x512xf32, #tpu.memory_space<hbm>>)
    } else {
    }
    %add3A_453 = arith.constant 416 : i32
    %add3A_454 = arith.addi %add3A_453, %add3A : i32
    %lt3A_455 = arith.constant 782 : i32
    %lt3A_456 = arith.cmpi slt, %add3A_454, %lt3A_455 : i32
    %convert_element_type3A_457 = arith.extui %lt3A_456 : i1 to i32
    %cond3A_458 = arith.constant 0 : i32
    %cond3A_459 = arith.cmpi ne, %convert_element_type3A_457, %cond3A_458 : i32
    scf.if %cond3A_459 {
      %mul3A_880 = arith.constant 64 : i32
      %mul3A_881 = arith.muli %add3A_454, %mul3A_880 : i32
      %dma_wait3A = tpu.memref_slice %arg3[%mul3A_881] : memref<50048xi32, #tpu.memory_space<hbm>> -> memref<64xi32, #tpu.memory_space<hbm>>
      %dma_wait3A_882 = tpu.memref_slice %arg3[%mul3A_881] : memref<50048xi32, #tpu.memory_space<hbm>> -> memref<64xi32, #tpu.memory_space<hbm>>
      tpu.wait_dma2 semaphore(%arg10 : memref<!tpu.dma_semaphore, #tpu.memory_space<semaphore_mem>>) src(%dma_wait3A_882 : memref<64xi32, #tpu.memory_space<hbm>>) dst(%arg6 : memref<64xi32, #tpu.memory_space<vmem>>)
    } else {
    }
    %add3A_460 = arith.constant 416 : i32
    %add3A_461 = arith.addi %add3A_460, %add3A : i32
    %lt3A_462 = arith.constant 782 : i32
    %lt3A_463 = arith.cmpi slt, %add3A_461, %lt3A_462 : i32
    %convert_element_type3A_464 = arith.extui %lt3A_463 : i1 to i32
    %cond3A_465 = arith.constant 0 : i32
    %cond3A_466 = arith.cmpi ne, %convert_element_type3A_464, %cond3A_465 : i32
    scf.if %cond3A_466 {
      %dma_start3A = arith.constant 0 : i32
      %dma_start3A_880 = arith.constant 0 : i32
      %dma_start3A_881 = tpu.memref_slice %arg2[%dma_start3A, %dma_start3A_880] : memref<1024x512xf32, #tpu.memory_space<hbm>> -> memref<1024x512xf32, #tpu.memory_space<hbm>>
      tpu.enqueue_indirect_dma source(%dma_start3A_881 : memref<1024x512xf32, #tpu.memory_space<hbm>>) target(%arg8 : memref<64x512xf32, #tpu.memory_space<vmem>>) offsets(%arg6 : memref<64xi32, #tpu.memory_space<vmem>>) semaphore(%arg12 : memref<!tpu.dma_semaphore, #tpu.memory_space<semaphore_mem>>)
    } else {
    }
    %add3A_467 = arith.constant 448 : i32
    %add3A_468 = arith.addi %add3A_467, %add3A : i32
    %lt3A_469 = arith.constant 782 : i32
    %lt3A_470 = arith.cmpi slt, %add3A_468, %lt3A_469 : i32
    %convert_element_type3A_471 = arith.extui %lt3A_470 : i1 to i32
    %cond3A_472 = arith.constant 0 : i32
    %cond3A_473 = arith.cmpi ne, %convert_element_type3A_471, %cond3A_472 : i32
    scf.if %cond3A_473 {
      %mul3A_880 = arith.constant 64 : i32
      %mul3A_881 = arith.muli %add3A_468, %mul3A_880 : i32
      %dma_start3A = tpu.memref_slice %arg3[%mul3A_881] : memref<50048xi32, #tpu.memory_space<hbm>> -> memref<64xi32, #tpu.memory_space<hbm>>
      %dma_start3A_882 = tpu.memref_slice %arg3[%mul3A_881] : memref<50048xi32, #tpu.memory_space<hbm>> -> memref<64xi32, #tpu.memory_space<hbm>>
      tpu.enqueue_dma source(%dma_start3A_882 : memref<64xi32, #tpu.memory_space<hbm>>) target(%arg5 : memref<64xi32, #tpu.memory_space<vmem>>) target_semaphore(%arg9 : memref<!tpu.dma_semaphore, #tpu.memory_space<semaphore_mem>>)
    } else {
    }
    %add3A_474 = arith.constant 416 : i32
    %add3A_475 = arith.addi %add3A_474, %add3A : i32
    %lt3A_476 = arith.constant 782 : i32
    %lt3A_477 = arith.cmpi slt, %add3A_475, %lt3A_476 : i32
    %convert_element_type3A_478 = arith.extui %lt3A_477 : i1 to i32
    %cond3A_479 = arith.constant 0 : i32
    %cond3A_480 = arith.cmpi ne, %convert_element_type3A_478, %cond3A_479 : i32
    scf.if %cond3A_480 {
      %dma_wait3A = arith.constant 0 : i32
      %dma_wait3A_880 = arith.constant 0 : i32
      %dma_wait3A_881 = tpu.memref_slice %arg2[%dma_wait3A, %dma_wait3A_880] : memref<1024x512xf32, #tpu.memory_space<hbm>> -> memref<1024x512xf32, #tpu.memory_space<hbm>>
      tpu.wait_indirect_dma semaphore(%arg12 : memref<!tpu.dma_semaphore, #tpu.memory_space<semaphore_mem>>) src(%dma_wait3A_881 : memref<1024x512xf32, #tpu.memory_space<hbm>>) dst(%arg8 : memref<64x512xf32, #tpu.memory_space<vmem>>)
      %mul3A_882 = arith.constant 64 : i32
      %mul3A_883 = arith.muli %add3A_475, %mul3A_882 : i32
      %dma_start3A = arith.constant 0 : i32
      %dma_start3A_884 = tpu.memref_slice %arg4[%mul3A_883, %dma_start3A] : memref<50048x512xf32, #tpu.memory_space<hbm>> -> memref<64x512xf32, #tpu.memory_space<hbm>>
      %dma_start3A_885 = arith.constant 0 : i32
      %dma_start3A_886 = tpu.memref_slice %arg4[%mul3A_883, %dma_start3A_885] : memref<50048x512xf32, #tpu.memory_space<hbm>> -> memref<64x512xf32, #tpu.memory_space<hbm>>
      tpu.enqueue_dma source(%arg8 : memref<64x512xf32, #tpu.memory_space<vmem>>) target(%dma_start3A_886 : memref<64x512xf32, #tpu.memory_space<hbm>>) target_semaphore(%arg14 : memref<!tpu.dma_semaphore, #tpu.memory_space<semaphore_mem>>)
    } else {
    }
    %add3A_481 = arith.constant 384 : i32
    %add3A_482 = arith.addi %add3A_481, %add3A : i32
    %lt3A_483 = arith.constant 782 : i32
    %lt3A_484 = arith.cmpi slt, %add3A_482, %lt3A_483 : i32
    %convert_element_type3A_485 = arith.extui %lt3A_484 : i1 to i32
    %cond3A_486 = arith.constant 0 : i32
    %cond3A_487 = arith.cmpi ne, %convert_element_type3A_485, %cond3A_486 : i32
    scf.if %cond3A_487 {
      %mul3A_880 = arith.constant 64 : i32
      %mul3A_881 = arith.muli %add3A_482, %mul3A_880 : i32
      %dma_wait3A = arith.constant 0 : i32
      %dma_wait3A_882 = tpu.memref_slice %arg4[%mul3A_881, %dma_wait3A] : memref<50048x512xf32, #tpu.memory_space<hbm>> -> memref<64x512xf32, #tpu.memory_space<hbm>>
      %dma_wait3A_883 = arith.constant 0 : i32
      %dma_wait3A_884 = tpu.memref_slice %arg4[%mul3A_881, %dma_wait3A_883] : memref<50048x512xf32, #tpu.memory_space<hbm>> -> memref<64x512xf32, #tpu.memory_space<hbm>>
      tpu.wait_dma2 semaphore(%arg13 : memref<!tpu.dma_semaphore, #tpu.memory_space<semaphore_mem>>) src(%arg7 : memref<64x512xf32, #tpu.memory_space<vmem>>) dst(%dma_wait3A_884 : memref<64x512xf32, #tpu.memory_space<hbm>>)
    } else {
    }
    %add3A_488 = arith.constant 448 : i32
    %add3A_489 = arith.addi %add3A_488, %add3A : i32
    %lt3A_490 = arith.constant 782 : i32
    %lt3A_491 = arith.cmpi slt, %add3A_489, %lt3A_490 : i32
    %convert_element_type3A_492 = arith.extui %lt3A_491 : i1 to i32
    %cond3A_493 = arith.constant 0 : i32
    %cond3A_494 = arith.cmpi ne, %convert_element_type3A_492, %cond3A_493 : i32
    scf.if %cond3A_494 {
      %mul3A_880 = arith.constant 64 : i32
      %mul3A_881 = arith.muli %add3A_489, %mul3A_880 : i32
      %dma_wait3A = tpu.memref_slice %arg3[%mul3A_881] : memref<50048xi32, #tpu.memory_space<hbm>> -> memref<64xi32, #tpu.memory_space<hbm>>
      %dma_wait3A_882 = tpu.memref_slice %arg3[%mul3A_881] : memref<50048xi32, #tpu.memory_space<hbm>> -> memref<64xi32, #tpu.memory_space<hbm>>
      tpu.wait_dma2 semaphore(%arg9 : memref<!tpu.dma_semaphore, #tpu.memory_space<semaphore_mem>>) src(%dma_wait3A_882 : memref<64xi32, #tpu.memory_space<hbm>>) dst(%arg5 : memref<64xi32, #tpu.memory_space<vmem>>)
    } else {
    }
    %add3A_495 = arith.constant 448 : i32
    %add3A_496 = arith.addi %add3A_495, %add3A : i32
    %lt3A_497 = arith.constant 782 : i32
    %lt3A_498 = arith.cmpi slt, %add3A_496, %lt3A_497 : i32
    %convert_element_type3A_499 = arith.extui %lt3A_498 : i1 to i32
    %cond3A_500 = arith.constant 0 : i32
    %cond3A_501 = arith.cmpi ne, %convert_element_type3A_499, %cond3A_500 : i32
    scf.if %cond3A_501 {
      %dma_start3A = arith.constant 0 : i32
      %dma_start3A_880 = arith.constant 0 : i32
      %dma_start3A_881 = tpu.memref_slice %arg2[%dma_start3A, %dma_start3A_880] : memref<1024x512xf32, #tpu.memory_space<hbm>> -> memref<1024x512xf32, #tpu.memory_space<hbm>>
      tpu.enqueue_indirect_dma source(%dma_start3A_881 : memref<1024x512xf32, #tpu.memory_space<hbm>>) target(%arg7 : memref<64x512xf32, #tpu.memory_space<vmem>>) offsets(%arg5 : memref<64xi32, #tpu.memory_space<vmem>>) semaphore(%arg11 : memref<!tpu.dma_semaphore, #tpu.memory_space<semaphore_mem>>)
    } else {
    }
    %add3A_502 = arith.constant 480 : i32
    %add3A_503 = arith.addi %add3A_502, %add3A : i32
    %lt3A_504 = arith.constant 782 : i32
    %lt3A_505 = arith.cmpi slt, %add3A_503, %lt3A_504 : i32
    %convert_element_type3A_506 = arith.extui %lt3A_505 : i1 to i32
    %cond3A_507 = arith.constant 0 : i32
    %cond3A_508 = arith.cmpi ne, %convert_element_type3A_506, %cond3A_507 : i32
    scf.if %cond3A_508 {
      %mul3A_880 = arith.constant 64 : i32
      %mul3A_881 = arith.muli %add3A_503, %mul3A_880 : i32
      %dma_start3A = tpu.memref_slice %arg3[%mul3A_881] : memref<50048xi32, #tpu.memory_space<hbm>> -> memref<64xi32, #tpu.memory_space<hbm>>
      %dma_start3A_882 = tpu.memref_slice %arg3[%mul3A_881] : memref<50048xi32, #tpu.memory_space<hbm>> -> memref<64xi32, #tpu.memory_space<hbm>>
      tpu.enqueue_dma source(%dma_start3A_882 : memref<64xi32, #tpu.memory_space<hbm>>) target(%arg6 : memref<64xi32, #tpu.memory_space<vmem>>) target_semaphore(%arg10 : memref<!tpu.dma_semaphore, #tpu.memory_space<semaphore_mem>>)
    } else {
    }
    %add3A_509 = arith.constant 448 : i32
    %add3A_510 = arith.addi %add3A_509, %add3A : i32
    %lt3A_511 = arith.constant 782 : i32
    %lt3A_512 = arith.cmpi slt, %add3A_510, %lt3A_511 : i32
    %convert_element_type3A_513 = arith.extui %lt3A_512 : i1 to i32
    %cond3A_514 = arith.constant 0 : i32
    %cond3A_515 = arith.cmpi ne, %convert_element_type3A_513, %cond3A_514 : i32
    scf.if %cond3A_515 {
      %dma_wait3A = arith.constant 0 : i32
      %dma_wait3A_880 = arith.constant 0 : i32
      %dma_wait3A_881 = tpu.memref_slice %arg2[%dma_wait3A, %dma_wait3A_880] : memref<1024x512xf32, #tpu.memory_space<hbm>> -> memref<1024x512xf32, #tpu.memory_space<hbm>>
      tpu.wait_indirect_dma semaphore(%arg11 : memref<!tpu.dma_semaphore, #tpu.memory_space<semaphore_mem>>) src(%dma_wait3A_881 : memref<1024x512xf32, #tpu.memory_space<hbm>>) dst(%arg7 : memref<64x512xf32, #tpu.memory_space<vmem>>)
      %mul3A_882 = arith.constant 64 : i32
      %mul3A_883 = arith.muli %add3A_510, %mul3A_882 : i32
      %dma_start3A = arith.constant 0 : i32
      %dma_start3A_884 = tpu.memref_slice %arg4[%mul3A_883, %dma_start3A] : memref<50048x512xf32, #tpu.memory_space<hbm>> -> memref<64x512xf32, #tpu.memory_space<hbm>>
      %dma_start3A_885 = arith.constant 0 : i32
      %dma_start3A_886 = tpu.memref_slice %arg4[%mul3A_883, %dma_start3A_885] : memref<50048x512xf32, #tpu.memory_space<hbm>> -> memref<64x512xf32, #tpu.memory_space<hbm>>
      tpu.enqueue_dma source(%arg7 : memref<64x512xf32, #tpu.memory_space<vmem>>) target(%dma_start3A_886 : memref<64x512xf32, #tpu.memory_space<hbm>>) target_semaphore(%arg13 : memref<!tpu.dma_semaphore, #tpu.memory_space<semaphore_mem>>)
    } else {
    }
    %add3A_516 = arith.constant 416 : i32
    %add3A_517 = arith.addi %add3A_516, %add3A : i32
    %lt3A_518 = arith.constant 782 : i32
    %lt3A_519 = arith.cmpi slt, %add3A_517, %lt3A_518 : i32
    %convert_element_type3A_520 = arith.extui %lt3A_519 : i1 to i32
    %cond3A_521 = arith.constant 0 : i32
    %cond3A_522 = arith.cmpi ne, %convert_element_type3A_520, %cond3A_521 : i32
    scf.if %cond3A_522 {
      %mul3A_880 = arith.constant 64 : i32
      %mul3A_881 = arith.muli %add3A_517, %mul3A_880 : i32
      %dma_wait3A = arith.constant 0 : i32
      %dma_wait3A_882 = tpu.memref_slice %arg4[%mul3A_881, %dma_wait3A] : memref<50048x512xf32, #tpu.memory_space<hbm>> -> memref<64x512xf32, #tpu.memory_space<hbm>>
      %dma_wait3A_883 = arith.constant 0 : i32
      %dma_wait3A_884 = tpu.memref_slice %arg4[%mul3A_881, %dma_wait3A_883] : memref<50048x512xf32, #tpu.memory_space<hbm>> -> memref<64x512xf32, #tpu.memory_space<hbm>>
      tpu.wait_dma2 semaphore(%arg14 : memref<!tpu.dma_semaphore, #tpu.memory_space<semaphore_mem>>) src(%arg8 : memref<64x512xf32, #tpu.memory_space<vmem>>) dst(%dma_wait3A_884 : memref<64x512xf32, #tpu.memory_space<hbm>>)
    } else {
    }
    %add3A_523 = arith.constant 480 : i32
    %add3A_524 = arith.addi %add3A_523, %add3A : i32
    %lt3A_525 = arith.constant 782 : i32
    %lt3A_526 = arith.cmpi slt, %add3A_524, %lt3A_525 : i32
    %convert_element_type3A_527 = arith.extui %lt3A_526 : i1 to i32
    %cond3A_528 = arith.constant 0 : i32
    %cond3A_529 = arith.cmpi ne, %convert_element_type3A_527, %cond3A_528 : i32
    scf.if %cond3A_529 {
      %mul3A_880 = arith.constant 64 : i32
      %mul3A_881 = arith.muli %add3A_524, %mul3A_880 : i32
      %dma_wait3A = tpu.memref_slice %arg3[%mul3A_881] : memref<50048xi32, #tpu.memory_space<hbm>> -> memref<64xi32, #tpu.memory_space<hbm>>
      %dma_wait3A_882 = tpu.memref_slice %arg3[%mul3A_881] : memref<50048xi32, #tpu.memory_space<hbm>> -> memref<64xi32, #tpu.memory_space<hbm>>
      tpu.wait_dma2 semaphore(%arg10 : memref<!tpu.dma_semaphore, #tpu.memory_space<semaphore_mem>>) src(%dma_wait3A_882 : memref<64xi32, #tpu.memory_space<hbm>>) dst(%arg6 : memref<64xi32, #tpu.memory_space<vmem>>)
    } else {
    }
    %add3A_530 = arith.constant 480 : i32
    %add3A_531 = arith.addi %add3A_530, %add3A : i32
    %lt3A_532 = arith.constant 782 : i32
    %lt3A_533 = arith.cmpi slt, %add3A_531, %lt3A_532 : i32
    %convert_element_type3A_534 = arith.extui %lt3A_533 : i1 to i32
    %cond3A_535 = arith.constant 0 : i32
    %cond3A_536 = arith.cmpi ne, %convert_element_type3A_534, %cond3A_535 : i32
    scf.if %cond3A_536 {
      %dma_start3A = arith.constant 0 : i32
      %dma_start3A_880 = arith.constant 0 : i32
      %dma_start3A_881 = tpu.memref_slice %arg2[%dma_start3A, %dma_start3A_880] : memref<1024x512xf32, #tpu.memory_space<hbm>> -> memref<1024x512xf32, #tpu.memory_space<hbm>>
      tpu.enqueue_indirect_dma source(%dma_start3A_881 : memref<1024x512xf32, #tpu.memory_space<hbm>>) target(%arg8 : memref<64x512xf32, #tpu.memory_space<vmem>>) offsets(%arg6 : memref<64xi32, #tpu.memory_space<vmem>>) semaphore(%arg12 : memref<!tpu.dma_semaphore, #tpu.memory_space<semaphore_mem>>)
    } else {
    }
    %add3A_537 = arith.constant 512 : i32
    %add3A_538 = arith.addi %add3A_537, %add3A : i32
    %lt3A_539 = arith.constant 782 : i32
    %lt3A_540 = arith.cmpi slt, %add3A_538, %lt3A_539 : i32
    %convert_element_type3A_541 = arith.extui %lt3A_540 : i1 to i32
    %cond3A_542 = arith.constant 0 : i32
    %cond3A_543 = arith.cmpi ne, %convert_element_type3A_541, %cond3A_542 : i32
    scf.if %cond3A_543 {
      %mul3A_880 = arith.constant 64 : i32
      %mul3A_881 = arith.muli %add3A_538, %mul3A_880 : i32
      %dma_start3A = tpu.memref_slice %arg3[%mul3A_881] : memref<50048xi32, #tpu.memory_space<hbm>> -> memref<64xi32, #tpu.memory_space<hbm>>
      %dma_start3A_882 = tpu.memref_slice %arg3[%mul3A_881] : memref<50048xi32, #tpu.memory_space<hbm>> -> memref<64xi32, #tpu.memory_space<hbm>>
      tpu.enqueue_dma source(%dma_start3A_882 : memref<64xi32, #tpu.memory_space<hbm>>) target(%arg5 : memref<64xi32, #tpu.memory_space<vmem>>) target_semaphore(%arg9 : memref<!tpu.dma_semaphore, #tpu.memory_space<semaphore_mem>>)
    } else {
    }
    %add3A_544 = arith.constant 480 : i32
    %add3A_545 = arith.addi %add3A_544, %add3A : i32
    %lt3A_546 = arith.constant 782 : i32
    %lt3A_547 = arith.cmpi slt, %add3A_545, %lt3A_546 : i32
    %convert_element_type3A_548 = arith.extui %lt3A_547 : i1 to i32
    %cond3A_549 = arith.constant 0 : i32
    %cond3A_550 = arith.cmpi ne, %convert_element_type3A_548, %cond3A_549 : i32
    scf.if %cond3A_550 {
      %dma_wait3A = arith.constant 0 : i32
      %dma_wait3A_880 = arith.constant 0 : i32
      %dma_wait3A_881 = tpu.memref_slice %arg2[%dma_wait3A, %dma_wait3A_880] : memref<1024x512xf32, #tpu.memory_space<hbm>> -> memref<1024x512xf32, #tpu.memory_space<hbm>>
      tpu.wait_indirect_dma semaphore(%arg12 : memref<!tpu.dma_semaphore, #tpu.memory_space<semaphore_mem>>) src(%dma_wait3A_881 : memref<1024x512xf32, #tpu.memory_space<hbm>>) dst(%arg8 : memref<64x512xf32, #tpu.memory_space<vmem>>)
      %mul3A_882 = arith.constant 64 : i32
      %mul3A_883 = arith.muli %add3A_545, %mul3A_882 : i32
      %dma_start3A = arith.constant 0 : i32
      %dma_start3A_884 = tpu.memref_slice %arg4[%mul3A_883, %dma_start3A] : memref<50048x512xf32, #tpu.memory_space<hbm>> -> memref<64x512xf32, #tpu.memory_space<hbm>>
      %dma_start3A_885 = arith.constant 0 : i32
      %dma_start3A_886 = tpu.memref_slice %arg4[%mul3A_883, %dma_start3A_885] : memref<50048x512xf32, #tpu.memory_space<hbm>> -> memref<64x512xf32, #tpu.memory_space<hbm>>
      tpu.enqueue_dma source(%arg8 : memref<64x512xf32, #tpu.memory_space<vmem>>) target(%dma_start3A_886 : memref<64x512xf32, #tpu.memory_space<hbm>>) target_semaphore(%arg14 : memref<!tpu.dma_semaphore, #tpu.memory_space<semaphore_mem>>)
    } else {
    }
    %add3A_551 = arith.constant 448 : i32
    %add3A_552 = arith.addi %add3A_551, %add3A : i32
    %lt3A_553 = arith.constant 782 : i32
    %lt3A_554 = arith.cmpi slt, %add3A_552, %lt3A_553 : i32
    %convert_element_type3A_555 = arith.extui %lt3A_554 : i1 to i32
    %cond3A_556 = arith.constant 0 : i32
    %cond3A_557 = arith.cmpi ne, %convert_element_type3A_555, %cond3A_556 : i32
    scf.if %cond3A_557 {
      %mul3A_880 = arith.constant 64 : i32
      %mul3A_881 = arith.muli %add3A_552, %mul3A_880 : i32
      %dma_wait3A = arith.constant 0 : i32
      %dma_wait3A_882 = tpu.memref_slice %arg4[%mul3A_881, %dma_wait3A] : memref<50048x512xf32, #tpu.memory_space<hbm>> -> memref<64x512xf32, #tpu.memory_space<hbm>>
      %dma_wait3A_883 = arith.constant 0 : i32
      %dma_wait3A_884 = tpu.memref_slice %arg4[%mul3A_881, %dma_wait3A_883] : memref<50048x512xf32, #tpu.memory_space<hbm>> -> memref<64x512xf32, #tpu.memory_space<hbm>>
      tpu.wait_dma2 semaphore(%arg13 : memref<!tpu.dma_semaphore, #tpu.memory_space<semaphore_mem>>) src(%arg7 : memref<64x512xf32, #tpu.memory_space<vmem>>) dst(%dma_wait3A_884 : memref<64x512xf32, #tpu.memory_space<hbm>>)
    } else {
    }
    %add3A_558 = arith.constant 512 : i32
    %add3A_559 = arith.addi %add3A_558, %add3A : i32
    %lt3A_560 = arith.constant 782 : i32
    %lt3A_561 = arith.cmpi slt, %add3A_559, %lt3A_560 : i32
    %convert_element_type3A_562 = arith.extui %lt3A_561 : i1 to i32
    %cond3A_563 = arith.constant 0 : i32
    %cond3A_564 = arith.cmpi ne, %convert_element_type3A_562, %cond3A_563 : i32
    scf.if %cond3A_564 {
      %mul3A_880 = arith.constant 64 : i32
      %mul3A_881 = arith.muli %add3A_559, %mul3A_880 : i32
      %dma_wait3A = tpu.memref_slice %arg3[%mul3A_881] : memref<50048xi32, #tpu.memory_space<hbm>> -> memref<64xi32, #tpu.memory_space<hbm>>
      %dma_wait3A_882 = tpu.memref_slice %arg3[%mul3A_881] : memref<50048xi32, #tpu.memory_space<hbm>> -> memref<64xi32, #tpu.memory_space<hbm>>
      tpu.wait_dma2 semaphore(%arg9 : memref<!tpu.dma_semaphore, #tpu.memory_space<semaphore_mem>>) src(%dma_wait3A_882 : memref<64xi32, #tpu.memory_space<hbm>>) dst(%arg5 : memref<64xi32, #tpu.memory_space<vmem>>)
    } else {
    }
    %add3A_565 = arith.constant 512 : i32
    %add3A_566 = arith.addi %add3A_565, %add3A : i32
    %lt3A_567 = arith.constant 782 : i32
    %lt3A_568 = arith.cmpi slt, %add3A_566, %lt3A_567 : i32
    %convert_element_type3A_569 = arith.extui %lt3A_568 : i1 to i32
    %cond3A_570 = arith.constant 0 : i32
    %cond3A_571 = arith.cmpi ne, %convert_element_type3A_569, %cond3A_570 : i32
    scf.if %cond3A_571 {
      %dma_start3A = arith.constant 0 : i32
      %dma_start3A_880 = arith.constant 0 : i32
      %dma_start3A_881 = tpu.memref_slice %arg2[%dma_start3A, %dma_start3A_880] : memref<1024x512xf32, #tpu.memory_space<hbm>> -> memref<1024x512xf32, #tpu.memory_space<hbm>>
      tpu.enqueue_indirect_dma source(%dma_start3A_881 : memref<1024x512xf32, #tpu.memory_space<hbm>>) target(%arg7 : memref<64x512xf32, #tpu.memory_space<vmem>>) offsets(%arg5 : memref<64xi32, #tpu.memory_space<vmem>>) semaphore(%arg11 : memref<!tpu.dma_semaphore, #tpu.memory_space<semaphore_mem>>)
    } else {
    }
    %add3A_572 = arith.constant 544 : i32
    %add3A_573 = arith.addi %add3A_572, %add3A : i32
    %lt3A_574 = arith.constant 782 : i32
    %lt3A_575 = arith.cmpi slt, %add3A_573, %lt3A_574 : i32
    %convert_element_type3A_576 = arith.extui %lt3A_575 : i1 to i32
    %cond3A_577 = arith.constant 0 : i32
    %cond3A_578 = arith.cmpi ne, %convert_element_type3A_576, %cond3A_577 : i32
    scf.if %cond3A_578 {
      %mul3A_880 = arith.constant 64 : i32
      %mul3A_881 = arith.muli %add3A_573, %mul3A_880 : i32
      %dma_start3A = tpu.memref_slice %arg3[%mul3A_881] : memref<50048xi32, #tpu.memory_space<hbm>> -> memref<64xi32, #tpu.memory_space<hbm>>
      %dma_start3A_882 = tpu.memref_slice %arg3[%mul3A_881] : memref<50048xi32, #tpu.memory_space<hbm>> -> memref<64xi32, #tpu.memory_space<hbm>>
      tpu.enqueue_dma source(%dma_start3A_882 : memref<64xi32, #tpu.memory_space<hbm>>) target(%arg6 : memref<64xi32, #tpu.memory_space<vmem>>) target_semaphore(%arg10 : memref<!tpu.dma_semaphore, #tpu.memory_space<semaphore_mem>>)
    } else {
    }
    %add3A_579 = arith.constant 512 : i32
    %add3A_580 = arith.addi %add3A_579, %add3A : i32
    %lt3A_581 = arith.constant 782 : i32
    %lt3A_582 = arith.cmpi slt, %add3A_580, %lt3A_581 : i32
    %convert_element_type3A_583 = arith.extui %lt3A_582 : i1 to i32
    %cond3A_584 = arith.constant 0 : i32
    %cond3A_585 = arith.cmpi ne, %convert_element_type3A_583, %cond3A_584 : i32
    scf.if %cond3A_585 {
      %dma_wait3A = arith.constant 0 : i32
      %dma_wait3A_880 = arith.constant 0 : i32
      %dma_wait3A_881 = tpu.memref_slice %arg2[%dma_wait3A, %dma_wait3A_880] : memref<1024x512xf32, #tpu.memory_space<hbm>> -> memref<1024x512xf32, #tpu.memory_space<hbm>>
      tpu.wait_indirect_dma semaphore(%arg11 : memref<!tpu.dma_semaphore, #tpu.memory_space<semaphore_mem>>) src(%dma_wait3A_881 : memref<1024x512xf32, #tpu.memory_space<hbm>>) dst(%arg7 : memref<64x512xf32, #tpu.memory_space<vmem>>)
      %mul3A_882 = arith.constant 64 : i32
      %mul3A_883 = arith.muli %add3A_580, %mul3A_882 : i32
      %dma_start3A = arith.constant 0 : i32
      %dma_start3A_884 = tpu.memref_slice %arg4[%mul3A_883, %dma_start3A] : memref<50048x512xf32, #tpu.memory_space<hbm>> -> memref<64x512xf32, #tpu.memory_space<hbm>>
      %dma_start3A_885 = arith.constant 0 : i32
      %dma_start3A_886 = tpu.memref_slice %arg4[%mul3A_883, %dma_start3A_885] : memref<50048x512xf32, #tpu.memory_space<hbm>> -> memref<64x512xf32, #tpu.memory_space<hbm>>
      tpu.enqueue_dma source(%arg7 : memref<64x512xf32, #tpu.memory_space<vmem>>) target(%dma_start3A_886 : memref<64x512xf32, #tpu.memory_space<hbm>>) target_semaphore(%arg13 : memref<!tpu.dma_semaphore, #tpu.memory_space<semaphore_mem>>)
    } else {
    }
    %add3A_586 = arith.constant 480 : i32
    %add3A_587 = arith.addi %add3A_586, %add3A : i32
    %lt3A_588 = arith.constant 782 : i32
    %lt3A_589 = arith.cmpi slt, %add3A_587, %lt3A_588 : i32
    %convert_element_type3A_590 = arith.extui %lt3A_589 : i1 to i32
    %cond3A_591 = arith.constant 0 : i32
    %cond3A_592 = arith.cmpi ne, %convert_element_type3A_590, %cond3A_591 : i32
    scf.if %cond3A_592 {
      %mul3A_880 = arith.constant 64 : i32
      %mul3A_881 = arith.muli %add3A_587, %mul3A_880 : i32
      %dma_wait3A = arith.constant 0 : i32
      %dma_wait3A_882 = tpu.memref_slice %arg4[%mul3A_881, %dma_wait3A] : memref<50048x512xf32, #tpu.memory_space<hbm>> -> memref<64x512xf32, #tpu.memory_space<hbm>>
      %dma_wait3A_883 = arith.constant 0 : i32
      %dma_wait3A_884 = tpu.memref_slice %arg4[%mul3A_881, %dma_wait3A_883] : memref<50048x512xf32, #tpu.memory_space<hbm>> -> memref<64x512xf32, #tpu.memory_space<hbm>>
      tpu.wait_dma2 semaphore(%arg14 : memref<!tpu.dma_semaphore, #tpu.memory_space<semaphore_mem>>) src(%arg8 : memref<64x512xf32, #tpu.memory_space<vmem>>) dst(%dma_wait3A_884 : memref<64x512xf32, #tpu.memory_space<hbm>>)
    } else {
    }
    %add3A_593 = arith.constant 544 : i32
    %add3A_594 = arith.addi %add3A_593, %add3A : i32
    %lt3A_595 = arith.constant 782 : i32
    %lt3A_596 = arith.cmpi slt, %add3A_594, %lt3A_595 : i32
    %convert_element_type3A_597 = arith.extui %lt3A_596 : i1 to i32
    %cond3A_598 = arith.constant 0 : i32
    %cond3A_599 = arith.cmpi ne, %convert_element_type3A_597, %cond3A_598 : i32
    scf.if %cond3A_599 {
      %mul3A_880 = arith.constant 64 : i32
      %mul3A_881 = arith.muli %add3A_594, %mul3A_880 : i32
      %dma_wait3A = tpu.memref_slice %arg3[%mul3A_881] : memref<50048xi32, #tpu.memory_space<hbm>> -> memref<64xi32, #tpu.memory_space<hbm>>
      %dma_wait3A_882 = tpu.memref_slice %arg3[%mul3A_881] : memref<50048xi32, #tpu.memory_space<hbm>> -> memref<64xi32, #tpu.memory_space<hbm>>
      tpu.wait_dma2 semaphore(%arg10 : memref<!tpu.dma_semaphore, #tpu.memory_space<semaphore_mem>>) src(%dma_wait3A_882 : memref<64xi32, #tpu.memory_space<hbm>>) dst(%arg6 : memref<64xi32, #tpu.memory_space<vmem>>)
    } else {
    }
    %add3A_600 = arith.constant 544 : i32
    %add3A_601 = arith.addi %add3A_600, %add3A : i32
    %lt3A_602 = arith.constant 782 : i32
    %lt3A_603 = arith.cmpi slt, %add3A_601, %lt3A_602 : i32
    %convert_element_type3A_604 = arith.extui %lt3A_603 : i1 to i32
    %cond3A_605 = arith.constant 0 : i32
    %cond3A_606 = arith.cmpi ne, %convert_element_type3A_604, %cond3A_605 : i32
    scf.if %cond3A_606 {
      %dma_start3A = arith.constant 0 : i32
      %dma_start3A_880 = arith.constant 0 : i32
      %dma_start3A_881 = tpu.memref_slice %arg2[%dma_start3A, %dma_start3A_880] : memref<1024x512xf32, #tpu.memory_space<hbm>> -> memref<1024x512xf32, #tpu.memory_space<hbm>>
      tpu.enqueue_indirect_dma source(%dma_start3A_881 : memref<1024x512xf32, #tpu.memory_space<hbm>>) target(%arg8 : memref<64x512xf32, #tpu.memory_space<vmem>>) offsets(%arg6 : memref<64xi32, #tpu.memory_space<vmem>>) semaphore(%arg12 : memref<!tpu.dma_semaphore, #tpu.memory_space<semaphore_mem>>)
    } else {
    }
    %add3A_607 = arith.constant 576 : i32
    %add3A_608 = arith.addi %add3A_607, %add3A : i32
    %lt3A_609 = arith.constant 782 : i32
    %lt3A_610 = arith.cmpi slt, %add3A_608, %lt3A_609 : i32
    %convert_element_type3A_611 = arith.extui %lt3A_610 : i1 to i32
    %cond3A_612 = arith.constant 0 : i32
    %cond3A_613 = arith.cmpi ne, %convert_element_type3A_611, %cond3A_612 : i32
    scf.if %cond3A_613 {
      %mul3A_880 = arith.constant 64 : i32
      %mul3A_881 = arith.muli %add3A_608, %mul3A_880 : i32
      %dma_start3A = tpu.memref_slice %arg3[%mul3A_881] : memref<50048xi32, #tpu.memory_space<hbm>> -> memref<64xi32, #tpu.memory_space<hbm>>
      %dma_start3A_882 = tpu.memref_slice %arg3[%mul3A_881] : memref<50048xi32, #tpu.memory_space<hbm>> -> memref<64xi32, #tpu.memory_space<hbm>>
      tpu.enqueue_dma source(%dma_start3A_882 : memref<64xi32, #tpu.memory_space<hbm>>) target(%arg5 : memref<64xi32, #tpu.memory_space<vmem>>) target_semaphore(%arg9 : memref<!tpu.dma_semaphore, #tpu.memory_space<semaphore_mem>>)
    } else {
    }
    %add3A_614 = arith.constant 544 : i32
    %add3A_615 = arith.addi %add3A_614, %add3A : i32
    %lt3A_616 = arith.constant 782 : i32
    %lt3A_617 = arith.cmpi slt, %add3A_615, %lt3A_616 : i32
    %convert_element_type3A_618 = arith.extui %lt3A_617 : i1 to i32
    %cond3A_619 = arith.constant 0 : i32
    %cond3A_620 = arith.cmpi ne, %convert_element_type3A_618, %cond3A_619 : i32
    scf.if %cond3A_620 {
      %dma_wait3A = arith.constant 0 : i32
      %dma_wait3A_880 = arith.constant 0 : i32
      %dma_wait3A_881 = tpu.memref_slice %arg2[%dma_wait3A, %dma_wait3A_880] : memref<1024x512xf32, #tpu.memory_space<hbm>> -> memref<1024x512xf32, #tpu.memory_space<hbm>>
      tpu.wait_indirect_dma semaphore(%arg12 : memref<!tpu.dma_semaphore, #tpu.memory_space<semaphore_mem>>) src(%dma_wait3A_881 : memref<1024x512xf32, #tpu.memory_space<hbm>>) dst(%arg8 : memref<64x512xf32, #tpu.memory_space<vmem>>)
      %mul3A_882 = arith.constant 64 : i32
      %mul3A_883 = arith.muli %add3A_615, %mul3A_882 : i32
      %dma_start3A = arith.constant 0 : i32
      %dma_start3A_884 = tpu.memref_slice %arg4[%mul3A_883, %dma_start3A] : memref<50048x512xf32, #tpu.memory_space<hbm>> -> memref<64x512xf32, #tpu.memory_space<hbm>>
      %dma_start3A_885 = arith.constant 0 : i32
      %dma_start3A_886 = tpu.memref_slice %arg4[%mul3A_883, %dma_start3A_885] : memref<50048x512xf32, #tpu.memory_space<hbm>> -> memref<64x512xf32, #tpu.memory_space<hbm>>
      tpu.enqueue_dma source(%arg8 : memref<64x512xf32, #tpu.memory_space<vmem>>) target(%dma_start3A_886 : memref<64x512xf32, #tpu.memory_space<hbm>>) target_semaphore(%arg14 : memref<!tpu.dma_semaphore, #tpu.memory_space<semaphore_mem>>)
    } else {
    }
    %add3A_621 = arith.constant 512 : i32
    %add3A_622 = arith.addi %add3A_621, %add3A : i32
    %lt3A_623 = arith.constant 782 : i32
    %lt3A_624 = arith.cmpi slt, %add3A_622, %lt3A_623 : i32
    %convert_element_type3A_625 = arith.extui %lt3A_624 : i1 to i32
    %cond3A_626 = arith.constant 0 : i32
    %cond3A_627 = arith.cmpi ne, %convert_element_type3A_625, %cond3A_626 : i32
    scf.if %cond3A_627 {
      %mul3A_880 = arith.constant 64 : i32
      %mul3A_881 = arith.muli %add3A_622, %mul3A_880 : i32
      %dma_wait3A = arith.constant 0 : i32
      %dma_wait3A_882 = tpu.memref_slice %arg4[%mul3A_881, %dma_wait3A] : memref<50048x512xf32, #tpu.memory_space<hbm>> -> memref<64x512xf32, #tpu.memory_space<hbm>>
      %dma_wait3A_883 = arith.constant 0 : i32
      %dma_wait3A_884 = tpu.memref_slice %arg4[%mul3A_881, %dma_wait3A_883] : memref<50048x512xf32, #tpu.memory_space<hbm>> -> memref<64x512xf32, #tpu.memory_space<hbm>>
      tpu.wait_dma2 semaphore(%arg13 : memref<!tpu.dma_semaphore, #tpu.memory_space<semaphore_mem>>) src(%arg7 : memref<64x512xf32, #tpu.memory_space<vmem>>) dst(%dma_wait3A_884 : memref<64x512xf32, #tpu.memory_space<hbm>>)
    } else {
    }
    %add3A_628 = arith.constant 576 : i32
    %add3A_629 = arith.addi %add3A_628, %add3A : i32
    %lt3A_630 = arith.constant 782 : i32
    %lt3A_631 = arith.cmpi slt, %add3A_629, %lt3A_630 : i32
    %convert_element_type3A_632 = arith.extui %lt3A_631 : i1 to i32
    %cond3A_633 = arith.constant 0 : i32
    %cond3A_634 = arith.cmpi ne, %convert_element_type3A_632, %cond3A_633 : i32
    scf.if %cond3A_634 {
      %mul3A_880 = arith.constant 64 : i32
      %mul3A_881 = arith.muli %add3A_629, %mul3A_880 : i32
      %dma_wait3A = tpu.memref_slice %arg3[%mul3A_881] : memref<50048xi32, #tpu.memory_space<hbm>> -> memref<64xi32, #tpu.memory_space<hbm>>
      %dma_wait3A_882 = tpu.memref_slice %arg3[%mul3A_881] : memref<50048xi32, #tpu.memory_space<hbm>> -> memref<64xi32, #tpu.memory_space<hbm>>
      tpu.wait_dma2 semaphore(%arg9 : memref<!tpu.dma_semaphore, #tpu.memory_space<semaphore_mem>>) src(%dma_wait3A_882 : memref<64xi32, #tpu.memory_space<hbm>>) dst(%arg5 : memref<64xi32, #tpu.memory_space<vmem>>)
    } else {
    }
    %add3A_635 = arith.constant 576 : i32
    %add3A_636 = arith.addi %add3A_635, %add3A : i32
    %lt3A_637 = arith.constant 782 : i32
    %lt3A_638 = arith.cmpi slt, %add3A_636, %lt3A_637 : i32
    %convert_element_type3A_639 = arith.extui %lt3A_638 : i1 to i32
    %cond3A_640 = arith.constant 0 : i32
    %cond3A_641 = arith.cmpi ne, %convert_element_type3A_639, %cond3A_640 : i32
    scf.if %cond3A_641 {
      %dma_start3A = arith.constant 0 : i32
      %dma_start3A_880 = arith.constant 0 : i32
      %dma_start3A_881 = tpu.memref_slice %arg2[%dma_start3A, %dma_start3A_880] : memref<1024x512xf32, #tpu.memory_space<hbm>> -> memref<1024x512xf32, #tpu.memory_space<hbm>>
      tpu.enqueue_indirect_dma source(%dma_start3A_881 : memref<1024x512xf32, #tpu.memory_space<hbm>>) target(%arg7 : memref<64x512xf32, #tpu.memory_space<vmem>>) offsets(%arg5 : memref<64xi32, #tpu.memory_space<vmem>>) semaphore(%arg11 : memref<!tpu.dma_semaphore, #tpu.memory_space<semaphore_mem>>)
    } else {
    }
    %add3A_642 = arith.constant 608 : i32
    %add3A_643 = arith.addi %add3A_642, %add3A : i32
    %lt3A_644 = arith.constant 782 : i32
    %lt3A_645 = arith.cmpi slt, %add3A_643, %lt3A_644 : i32
    %convert_element_type3A_646 = arith.extui %lt3A_645 : i1 to i32
    %cond3A_647 = arith.constant 0 : i32
    %cond3A_648 = arith.cmpi ne, %convert_element_type3A_646, %cond3A_647 : i32
    scf.if %cond3A_648 {
      %mul3A_880 = arith.constant 64 : i32
      %mul3A_881 = arith.muli %add3A_643, %mul3A_880 : i32
      %dma_start3A = tpu.memref_slice %arg3[%mul3A_881] : memref<50048xi32, #tpu.memory_space<hbm>> -> memref<64xi32, #tpu.memory_space<hbm>>
      %dma_start3A_882 = tpu.memref_slice %arg3[%mul3A_881] : memref<50048xi32, #tpu.memory_space<hbm>> -> memref<64xi32, #tpu.memory_space<hbm>>
      tpu.enqueue_dma source(%dma_start3A_882 : memref<64xi32, #tpu.memory_space<hbm>>) target(%arg6 : memref<64xi32, #tpu.memory_space<vmem>>) target_semaphore(%arg10 : memref<!tpu.dma_semaphore, #tpu.memory_space<semaphore_mem>>)
    } else {
    }
    %add3A_649 = arith.constant 576 : i32
    %add3A_650 = arith.addi %add3A_649, %add3A : i32
    %lt3A_651 = arith.constant 782 : i32
    %lt3A_652 = arith.cmpi slt, %add3A_650, %lt3A_651 : i32
    %convert_element_type3A_653 = arith.extui %lt3A_652 : i1 to i32
    %cond3A_654 = arith.constant 0 : i32
    %cond3A_655 = arith.cmpi ne, %convert_element_type3A_653, %cond3A_654 : i32
    scf.if %cond3A_655 {
      %dma_wait3A = arith.constant 0 : i32
      %dma_wait3A_880 = arith.constant 0 : i32
      %dma_wait3A_881 = tpu.memref_slice %arg2[%dma_wait3A, %dma_wait3A_880] : memref<1024x512xf32, #tpu.memory_space<hbm>> -> memref<1024x512xf32, #tpu.memory_space<hbm>>
      tpu.wait_indirect_dma semaphore(%arg11 : memref<!tpu.dma_semaphore, #tpu.memory_space<semaphore_mem>>) src(%dma_wait3A_881 : memref<1024x512xf32, #tpu.memory_space<hbm>>) dst(%arg7 : memref<64x512xf32, #tpu.memory_space<vmem>>)
      %mul3A_882 = arith.constant 64 : i32
      %mul3A_883 = arith.muli %add3A_650, %mul3A_882 : i32
      %dma_start3A = arith.constant 0 : i32
      %dma_start3A_884 = tpu.memref_slice %arg4[%mul3A_883, %dma_start3A] : memref<50048x512xf32, #tpu.memory_space<hbm>> -> memref<64x512xf32, #tpu.memory_space<hbm>>
      %dma_start3A_885 = arith.constant 0 : i32
      %dma_start3A_886 = tpu.memref_slice %arg4[%mul3A_883, %dma_start3A_885] : memref<50048x512xf32, #tpu.memory_space<hbm>> -> memref<64x512xf32, #tpu.memory_space<hbm>>
      tpu.enqueue_dma source(%arg7 : memref<64x512xf32, #tpu.memory_space<vmem>>) target(%dma_start3A_886 : memref<64x512xf32, #tpu.memory_space<hbm>>) target_semaphore(%arg13 : memref<!tpu.dma_semaphore, #tpu.memory_space<semaphore_mem>>)
    } else {
    }
    %add3A_656 = arith.constant 544 : i32
    %add3A_657 = arith.addi %add3A_656, %add3A : i32
    %lt3A_658 = arith.constant 782 : i32
    %lt3A_659 = arith.cmpi slt, %add3A_657, %lt3A_658 : i32
    %convert_element_type3A_660 = arith.extui %lt3A_659 : i1 to i32
    %cond3A_661 = arith.constant 0 : i32
    %cond3A_662 = arith.cmpi ne, %convert_element_type3A_660, %cond3A_661 : i32
    scf.if %cond3A_662 {
      %mul3A_880 = arith.constant 64 : i32
      %mul3A_881 = arith.muli %add3A_657, %mul3A_880 : i32
      %dma_wait3A = arith.constant 0 : i32
      %dma_wait3A_882 = tpu.memref_slice %arg4[%mul3A_881, %dma_wait3A] : memref<50048x512xf32, #tpu.memory_space<hbm>> -> memref<64x512xf32, #tpu.memory_space<hbm>>
      %dma_wait3A_883 = arith.constant 0 : i32
      %dma_wait3A_884 = tpu.memref_slice %arg4[%mul3A_881, %dma_wait3A_883] : memref<50048x512xf32, #tpu.memory_space<hbm>> -> memref<64x512xf32, #tpu.memory_space<hbm>>
      tpu.wait_dma2 semaphore(%arg14 : memref<!tpu.dma_semaphore, #tpu.memory_space<semaphore_mem>>) src(%arg8 : memref<64x512xf32, #tpu.memory_space<vmem>>) dst(%dma_wait3A_884 : memref<64x512xf32, #tpu.memory_space<hbm>>)
    } else {
    }
    %add3A_663 = arith.constant 608 : i32
    %add3A_664 = arith.addi %add3A_663, %add3A : i32
    %lt3A_665 = arith.constant 782 : i32
    %lt3A_666 = arith.cmpi slt, %add3A_664, %lt3A_665 : i32
    %convert_element_type3A_667 = arith.extui %lt3A_666 : i1 to i32
    %cond3A_668 = arith.constant 0 : i32
    %cond3A_669 = arith.cmpi ne, %convert_element_type3A_667, %cond3A_668 : i32
    scf.if %cond3A_669 {
      %mul3A_880 = arith.constant 64 : i32
      %mul3A_881 = arith.muli %add3A_664, %mul3A_880 : i32
      %dma_wait3A = tpu.memref_slice %arg3[%mul3A_881] : memref<50048xi32, #tpu.memory_space<hbm>> -> memref<64xi32, #tpu.memory_space<hbm>>
      %dma_wait3A_882 = tpu.memref_slice %arg3[%mul3A_881] : memref<50048xi32, #tpu.memory_space<hbm>> -> memref<64xi32, #tpu.memory_space<hbm>>
      tpu.wait_dma2 semaphore(%arg10 : memref<!tpu.dma_semaphore, #tpu.memory_space<semaphore_mem>>) src(%dma_wait3A_882 : memref<64xi32, #tpu.memory_space<hbm>>) dst(%arg6 : memref<64xi32, #tpu.memory_space<vmem>>)
    } else {
    }
    %add3A_670 = arith.constant 608 : i32
    %add3A_671 = arith.addi %add3A_670, %add3A : i32
    %lt3A_672 = arith.constant 782 : i32
    %lt3A_673 = arith.cmpi slt, %add3A_671, %lt3A_672 : i32
    %convert_element_type3A_674 = arith.extui %lt3A_673 : i1 to i32
    %cond3A_675 = arith.constant 0 : i32
    %cond3A_676 = arith.cmpi ne, %convert_element_type3A_674, %cond3A_675 : i32
    scf.if %cond3A_676 {
      %dma_start3A = arith.constant 0 : i32
      %dma_start3A_880 = arith.constant 0 : i32
      %dma_start3A_881 = tpu.memref_slice %arg2[%dma_start3A, %dma_start3A_880] : memref<1024x512xf32, #tpu.memory_space<hbm>> -> memref<1024x512xf32, #tpu.memory_space<hbm>>
      tpu.enqueue_indirect_dma source(%dma_start3A_881 : memref<1024x512xf32, #tpu.memory_space<hbm>>) target(%arg8 : memref<64x512xf32, #tpu.memory_space<vmem>>) offsets(%arg6 : memref<64xi32, #tpu.memory_space<vmem>>) semaphore(%arg12 : memref<!tpu.dma_semaphore, #tpu.memory_space<semaphore_mem>>)
    } else {
    }
    %add3A_677 = arith.constant 640 : i32
    %add3A_678 = arith.addi %add3A_677, %add3A : i32
    %lt3A_679 = arith.constant 782 : i32
    %lt3A_680 = arith.cmpi slt, %add3A_678, %lt3A_679 : i32
    %convert_element_type3A_681 = arith.extui %lt3A_680 : i1 to i32
    %cond3A_682 = arith.constant 0 : i32
    %cond3A_683 = arith.cmpi ne, %convert_element_type3A_681, %cond3A_682 : i32
    scf.if %cond3A_683 {
      %mul3A_880 = arith.constant 64 : i32
      %mul3A_881 = arith.muli %add3A_678, %mul3A_880 : i32
      %dma_start3A = tpu.memref_slice %arg3[%mul3A_881] : memref<50048xi32, #tpu.memory_space<hbm>> -> memref<64xi32, #tpu.memory_space<hbm>>
      %dma_start3A_882 = tpu.memref_slice %arg3[%mul3A_881] : memref<50048xi32, #tpu.memory_space<hbm>> -> memref<64xi32, #tpu.memory_space<hbm>>
      tpu.enqueue_dma source(%dma_start3A_882 : memref<64xi32, #tpu.memory_space<hbm>>) target(%arg5 : memref<64xi32, #tpu.memory_space<vmem>>) target_semaphore(%arg9 : memref<!tpu.dma_semaphore, #tpu.memory_space<semaphore_mem>>)
    } else {
    }
    %add3A_684 = arith.constant 608 : i32
    %add3A_685 = arith.addi %add3A_684, %add3A : i32
    %lt3A_686 = arith.constant 782 : i32
    %lt3A_687 = arith.cmpi slt, %add3A_685, %lt3A_686 : i32
    %convert_element_type3A_688 = arith.extui %lt3A_687 : i1 to i32
    %cond3A_689 = arith.constant 0 : i32
    %cond3A_690 = arith.cmpi ne, %convert_element_type3A_688, %cond3A_689 : i32
    scf.if %cond3A_690 {
      %dma_wait3A = arith.constant 0 : i32
      %dma_wait3A_880 = arith.constant 0 : i32
      %dma_wait3A_881 = tpu.memref_slice %arg2[%dma_wait3A, %dma_wait3A_880] : memref<1024x512xf32, #tpu.memory_space<hbm>> -> memref<1024x512xf32, #tpu.memory_space<hbm>>
      tpu.wait_indirect_dma semaphore(%arg12 : memref<!tpu.dma_semaphore, #tpu.memory_space<semaphore_mem>>) src(%dma_wait3A_881 : memref<1024x512xf32, #tpu.memory_space<hbm>>) dst(%arg8 : memref<64x512xf32, #tpu.memory_space<vmem>>)
      %mul3A_882 = arith.constant 64 : i32
      %mul3A_883 = arith.muli %add3A_685, %mul3A_882 : i32
      %dma_start3A = arith.constant 0 : i32
      %dma_start3A_884 = tpu.memref_slice %arg4[%mul3A_883, %dma_start3A] : memref<50048x512xf32, #tpu.memory_space<hbm>> -> memref<64x512xf32, #tpu.memory_space<hbm>>
      %dma_start3A_885 = arith.constant 0 : i32
      %dma_start3A_886 = tpu.memref_slice %arg4[%mul3A_883, %dma_start3A_885] : memref<50048x512xf32, #tpu.memory_space<hbm>> -> memref<64x512xf32, #tpu.memory_space<hbm>>
      tpu.enqueue_dma source(%arg8 : memref<64x512xf32, #tpu.memory_space<vmem>>) target(%dma_start3A_886 : memref<64x512xf32, #tpu.memory_space<hbm>>) target_semaphore(%arg14 : memref<!tpu.dma_semaphore, #tpu.memory_space<semaphore_mem>>)
    } else {
    }
    %add3A_691 = arith.constant 576 : i32
    %add3A_692 = arith.addi %add3A_691, %add3A : i32
    %lt3A_693 = arith.constant 782 : i32
    %lt3A_694 = arith.cmpi slt, %add3A_692, %lt3A_693 : i32
    %convert_element_type3A_695 = arith.extui %lt3A_694 : i1 to i32
    %cond3A_696 = arith.constant 0 : i32
    %cond3A_697 = arith.cmpi ne, %convert_element_type3A_695, %cond3A_696 : i32
    scf.if %cond3A_697 {
      %mul3A_880 = arith.constant 64 : i32
      %mul3A_881 = arith.muli %add3A_692, %mul3A_880 : i32
      %dma_wait3A = arith.constant 0 : i32
      %dma_wait3A_882 = tpu.memref_slice %arg4[%mul3A_881, %dma_wait3A] : memref<50048x512xf32, #tpu.memory_space<hbm>> -> memref<64x512xf32, #tpu.memory_space<hbm>>
      %dma_wait3A_883 = arith.constant 0 : i32
      %dma_wait3A_884 = tpu.memref_slice %arg4[%mul3A_881, %dma_wait3A_883] : memref<50048x512xf32, #tpu.memory_space<hbm>> -> memref<64x512xf32, #tpu.memory_space<hbm>>
      tpu.wait_dma2 semaphore(%arg13 : memref<!tpu.dma_semaphore, #tpu.memory_space<semaphore_mem>>) src(%arg7 : memref<64x512xf32, #tpu.memory_space<vmem>>) dst(%dma_wait3A_884 : memref<64x512xf32, #tpu.memory_space<hbm>>)
    } else {
    }
    %add3A_698 = arith.constant 640 : i32
    %add3A_699 = arith.addi %add3A_698, %add3A : i32
    %lt3A_700 = arith.constant 782 : i32
    %lt3A_701 = arith.cmpi slt, %add3A_699, %lt3A_700 : i32
    %convert_element_type3A_702 = arith.extui %lt3A_701 : i1 to i32
    %cond3A_703 = arith.constant 0 : i32
    %cond3A_704 = arith.cmpi ne, %convert_element_type3A_702, %cond3A_703 : i32
    scf.if %cond3A_704 {
      %mul3A_880 = arith.constant 64 : i32
      %mul3A_881 = arith.muli %add3A_699, %mul3A_880 : i32
      %dma_wait3A = tpu.memref_slice %arg3[%mul3A_881] : memref<50048xi32, #tpu.memory_space<hbm>> -> memref<64xi32, #tpu.memory_space<hbm>>
      %dma_wait3A_882 = tpu.memref_slice %arg3[%mul3A_881] : memref<50048xi32, #tpu.memory_space<hbm>> -> memref<64xi32, #tpu.memory_space<hbm>>
      tpu.wait_dma2 semaphore(%arg9 : memref<!tpu.dma_semaphore, #tpu.memory_space<semaphore_mem>>) src(%dma_wait3A_882 : memref<64xi32, #tpu.memory_space<hbm>>) dst(%arg5 : memref<64xi32, #tpu.memory_space<vmem>>)
    } else {
    }
    %add3A_705 = arith.constant 640 : i32
    %add3A_706 = arith.addi %add3A_705, %add3A : i32
    %lt3A_707 = arith.constant 782 : i32
    %lt3A_708 = arith.cmpi slt, %add3A_706, %lt3A_707 : i32
    %convert_element_type3A_709 = arith.extui %lt3A_708 : i1 to i32
    %cond3A_710 = arith.constant 0 : i32
    %cond3A_711 = arith.cmpi ne, %convert_element_type3A_709, %cond3A_710 : i32
    scf.if %cond3A_711 {
      %dma_start3A = arith.constant 0 : i32
      %dma_start3A_880 = arith.constant 0 : i32
      %dma_start3A_881 = tpu.memref_slice %arg2[%dma_start3A, %dma_start3A_880] : memref<1024x512xf32, #tpu.memory_space<hbm>> -> memref<1024x512xf32, #tpu.memory_space<hbm>>
      tpu.enqueue_indirect_dma source(%dma_start3A_881 : memref<1024x512xf32, #tpu.memory_space<hbm>>) target(%arg7 : memref<64x512xf32, #tpu.memory_space<vmem>>) offsets(%arg5 : memref<64xi32, #tpu.memory_space<vmem>>) semaphore(%arg11 : memref<!tpu.dma_semaphore, #tpu.memory_space<semaphore_mem>>)
    } else {
    }
    %add3A_712 = arith.constant 672 : i32
    %add3A_713 = arith.addi %add3A_712, %add3A : i32
    %lt3A_714 = arith.constant 782 : i32
    %lt3A_715 = arith.cmpi slt, %add3A_713, %lt3A_714 : i32
    %convert_element_type3A_716 = arith.extui %lt3A_715 : i1 to i32
    %cond3A_717 = arith.constant 0 : i32
    %cond3A_718 = arith.cmpi ne, %convert_element_type3A_716, %cond3A_717 : i32
    scf.if %cond3A_718 {
      %mul3A_880 = arith.constant 64 : i32
      %mul3A_881 = arith.muli %add3A_713, %mul3A_880 : i32
      %dma_start3A = tpu.memref_slice %arg3[%mul3A_881] : memref<50048xi32, #tpu.memory_space<hbm>> -> memref<64xi32, #tpu.memory_space<hbm>>
      %dma_start3A_882 = tpu.memref_slice %arg3[%mul3A_881] : memref<50048xi32, #tpu.memory_space<hbm>> -> memref<64xi32, #tpu.memory_space<hbm>>
      tpu.enqueue_dma source(%dma_start3A_882 : memref<64xi32, #tpu.memory_space<hbm>>) target(%arg6 : memref<64xi32, #tpu.memory_space<vmem>>) target_semaphore(%arg10 : memref<!tpu.dma_semaphore, #tpu.memory_space<semaphore_mem>>)
    } else {
    }
    %add3A_719 = arith.constant 640 : i32
    %add3A_720 = arith.addi %add3A_719, %add3A : i32
    %lt3A_721 = arith.constant 782 : i32
    %lt3A_722 = arith.cmpi slt, %add3A_720, %lt3A_721 : i32
    %convert_element_type3A_723 = arith.extui %lt3A_722 : i1 to i32
    %cond3A_724 = arith.constant 0 : i32
    %cond3A_725 = arith.cmpi ne, %convert_element_type3A_723, %cond3A_724 : i32
    scf.if %cond3A_725 {
      %dma_wait3A = arith.constant 0 : i32
      %dma_wait3A_880 = arith.constant 0 : i32
      %dma_wait3A_881 = tpu.memref_slice %arg2[%dma_wait3A, %dma_wait3A_880] : memref<1024x512xf32, #tpu.memory_space<hbm>> -> memref<1024x512xf32, #tpu.memory_space<hbm>>
      tpu.wait_indirect_dma semaphore(%arg11 : memref<!tpu.dma_semaphore, #tpu.memory_space<semaphore_mem>>) src(%dma_wait3A_881 : memref<1024x512xf32, #tpu.memory_space<hbm>>) dst(%arg7 : memref<64x512xf32, #tpu.memory_space<vmem>>)
      %mul3A_882 = arith.constant 64 : i32
      %mul3A_883 = arith.muli %add3A_720, %mul3A_882 : i32
      %dma_start3A = arith.constant 0 : i32
      %dma_start3A_884 = tpu.memref_slice %arg4[%mul3A_883, %dma_start3A] : memref<50048x512xf32, #tpu.memory_space<hbm>> -> memref<64x512xf32, #tpu.memory_space<hbm>>
      %dma_start3A_885 = arith.constant 0 : i32
      %dma_start3A_886 = tpu.memref_slice %arg4[%mul3A_883, %dma_start3A_885] : memref<50048x512xf32, #tpu.memory_space<hbm>> -> memref<64x512xf32, #tpu.memory_space<hbm>>
      tpu.enqueue_dma source(%arg7 : memref<64x512xf32, #tpu.memory_space<vmem>>) target(%dma_start3A_886 : memref<64x512xf32, #tpu.memory_space<hbm>>) target_semaphore(%arg13 : memref<!tpu.dma_semaphore, #tpu.memory_space<semaphore_mem>>)
    } else {
    }
    %add3A_726 = arith.constant 608 : i32
    %add3A_727 = arith.addi %add3A_726, %add3A : i32
    %lt3A_728 = arith.constant 782 : i32
    %lt3A_729 = arith.cmpi slt, %add3A_727, %lt3A_728 : i32
    %convert_element_type3A_730 = arith.extui %lt3A_729 : i1 to i32
    %cond3A_731 = arith.constant 0 : i32
    %cond3A_732 = arith.cmpi ne, %convert_element_type3A_730, %cond3A_731 : i32
    scf.if %cond3A_732 {
      %mul3A_880 = arith.constant 64 : i32
      %mul3A_881 = arith.muli %add3A_727, %mul3A_880 : i32
      %dma_wait3A = arith.constant 0 : i32
      %dma_wait3A_882 = tpu.memref_slice %arg4[%mul3A_881, %dma_wait3A] : memref<50048x512xf32, #tpu.memory_space<hbm>> -> memref<64x512xf32, #tpu.memory_space<hbm>>
      %dma_wait3A_883 = arith.constant 0 : i32
      %dma_wait3A_884 = tpu.memref_slice %arg4[%mul3A_881, %dma_wait3A_883] : memref<50048x512xf32, #tpu.memory_space<hbm>> -> memref<64x512xf32, #tpu.memory_space<hbm>>
      tpu.wait_dma2 semaphore(%arg14 : memref<!tpu.dma_semaphore, #tpu.memory_space<semaphore_mem>>) src(%arg8 : memref<64x512xf32, #tpu.memory_space<vmem>>) dst(%dma_wait3A_884 : memref<64x512xf32, #tpu.memory_space<hbm>>)
    } else {
    }
    %add3A_733 = arith.constant 672 : i32
    %add3A_734 = arith.addi %add3A_733, %add3A : i32
    %lt3A_735 = arith.constant 782 : i32
    %lt3A_736 = arith.cmpi slt, %add3A_734, %lt3A_735 : i32
    %convert_element_type3A_737 = arith.extui %lt3A_736 : i1 to i32
    %cond3A_738 = arith.constant 0 : i32
    %cond3A_739 = arith.cmpi ne, %convert_element_type3A_737, %cond3A_738 : i32
    scf.if %cond3A_739 {
      %mul3A_880 = arith.constant 64 : i32
      %mul3A_881 = arith.muli %add3A_734, %mul3A_880 : i32
      %dma_wait3A = tpu.memref_slice %arg3[%mul3A_881] : memref<50048xi32, #tpu.memory_space<hbm>> -> memref<64xi32, #tpu.memory_space<hbm>>
      %dma_wait3A_882 = tpu.memref_slice %arg3[%mul3A_881] : memref<50048xi32, #tpu.memory_space<hbm>> -> memref<64xi32, #tpu.memory_space<hbm>>
      tpu.wait_dma2 semaphore(%arg10 : memref<!tpu.dma_semaphore, #tpu.memory_space<semaphore_mem>>) src(%dma_wait3A_882 : memref<64xi32, #tpu.memory_space<hbm>>) dst(%arg6 : memref<64xi32, #tpu.memory_space<vmem>>)
    } else {
    }
    %add3A_740 = arith.constant 672 : i32
    %add3A_741 = arith.addi %add3A_740, %add3A : i32
    %lt3A_742 = arith.constant 782 : i32
    %lt3A_743 = arith.cmpi slt, %add3A_741, %lt3A_742 : i32
    %convert_element_type3A_744 = arith.extui %lt3A_743 : i1 to i32
    %cond3A_745 = arith.constant 0 : i32
    %cond3A_746 = arith.cmpi ne, %convert_element_type3A_744, %cond3A_745 : i32
    scf.if %cond3A_746 {
      %dma_start3A = arith.constant 0 : i32
      %dma_start3A_880 = arith.constant 0 : i32
      %dma_start3A_881 = tpu.memref_slice %arg2[%dma_start3A, %dma_start3A_880] : memref<1024x512xf32, #tpu.memory_space<hbm>> -> memref<1024x512xf32, #tpu.memory_space<hbm>>
      tpu.enqueue_indirect_dma source(%dma_start3A_881 : memref<1024x512xf32, #tpu.memory_space<hbm>>) target(%arg8 : memref<64x512xf32, #tpu.memory_space<vmem>>) offsets(%arg6 : memref<64xi32, #tpu.memory_space<vmem>>) semaphore(%arg12 : memref<!tpu.dma_semaphore, #tpu.memory_space<semaphore_mem>>)
    } else {
    }
    %add3A_747 = arith.constant 704 : i32
    %add3A_748 = arith.addi %add3A_747, %add3A : i32
    %lt3A_749 = arith.constant 782 : i32
    %lt3A_750 = arith.cmpi slt, %add3A_748, %lt3A_749 : i32
    %convert_element_type3A_751 = arith.extui %lt3A_750 : i1 to i32
    %cond3A_752 = arith.constant 0 : i32
    %cond3A_753 = arith.cmpi ne, %convert_element_type3A_751, %cond3A_752 : i32
    scf.if %cond3A_753 {
      %mul3A_880 = arith.constant 64 : i32
      %mul3A_881 = arith.muli %add3A_748, %mul3A_880 : i32
      %dma_start3A = tpu.memref_slice %arg3[%mul3A_881] : memref<50048xi32, #tpu.memory_space<hbm>> -> memref<64xi32, #tpu.memory_space<hbm>>
      %dma_start3A_882 = tpu.memref_slice %arg3[%mul3A_881] : memref<50048xi32, #tpu.memory_space<hbm>> -> memref<64xi32, #tpu.memory_space<hbm>>
      tpu.enqueue_dma source(%dma_start3A_882 : memref<64xi32, #tpu.memory_space<hbm>>) target(%arg5 : memref<64xi32, #tpu.memory_space<vmem>>) target_semaphore(%arg9 : memref<!tpu.dma_semaphore, #tpu.memory_space<semaphore_mem>>)
    } else {
    }
    %add3A_754 = arith.constant 672 : i32
    %add3A_755 = arith.addi %add3A_754, %add3A : i32
    %lt3A_756 = arith.constant 782 : i32
    %lt3A_757 = arith.cmpi slt, %add3A_755, %lt3A_756 : i32
    %convert_element_type3A_758 = arith.extui %lt3A_757 : i1 to i32
    %cond3A_759 = arith.constant 0 : i32
    %cond3A_760 = arith.cmpi ne, %convert_element_type3A_758, %cond3A_759 : i32
    scf.if %cond3A_760 {
      %dma_wait3A = arith.constant 0 : i32
      %dma_wait3A_880 = arith.constant 0 : i32
      %dma_wait3A_881 = tpu.memref_slice %arg2[%dma_wait3A, %dma_wait3A_880] : memref<1024x512xf32, #tpu.memory_space<hbm>> -> memref<1024x512xf32, #tpu.memory_space<hbm>>
      tpu.wait_indirect_dma semaphore(%arg12 : memref<!tpu.dma_semaphore, #tpu.memory_space<semaphore_mem>>) src(%dma_wait3A_881 : memref<1024x512xf32, #tpu.memory_space<hbm>>) dst(%arg8 : memref<64x512xf32, #tpu.memory_space<vmem>>)
      %mul3A_882 = arith.constant 64 : i32
      %mul3A_883 = arith.muli %add3A_755, %mul3A_882 : i32
      %dma_start3A = arith.constant 0 : i32
      %dma_start3A_884 = tpu.memref_slice %arg4[%mul3A_883, %dma_start3A] : memref<50048x512xf32, #tpu.memory_space<hbm>> -> memref<64x512xf32, #tpu.memory_space<hbm>>
      %dma_start3A_885 = arith.constant 0 : i32
      %dma_start3A_886 = tpu.memref_slice %arg4[%mul3A_883, %dma_start3A_885] : memref<50048x512xf32, #tpu.memory_space<hbm>> -> memref<64x512xf32, #tpu.memory_space<hbm>>
      tpu.enqueue_dma source(%arg8 : memref<64x512xf32, #tpu.memory_space<vmem>>) target(%dma_start3A_886 : memref<64x512xf32, #tpu.memory_space<hbm>>) target_semaphore(%arg14 : memref<!tpu.dma_semaphore, #tpu.memory_space<semaphore_mem>>)
    } else {
    }
    %add3A_761 = arith.constant 640 : i32
    %add3A_762 = arith.addi %add3A_761, %add3A : i32
    %lt3A_763 = arith.constant 782 : i32
    %lt3A_764 = arith.cmpi slt, %add3A_762, %lt3A_763 : i32
    %convert_element_type3A_765 = arith.extui %lt3A_764 : i1 to i32
    %cond3A_766 = arith.constant 0 : i32
    %cond3A_767 = arith.cmpi ne, %convert_element_type3A_765, %cond3A_766 : i32
    scf.if %cond3A_767 {
      %mul3A_880 = arith.constant 64 : i32
      %mul3A_881 = arith.muli %add3A_762, %mul3A_880 : i32
      %dma_wait3A = arith.constant 0 : i32
      %dma_wait3A_882 = tpu.memref_slice %arg4[%mul3A_881, %dma_wait3A] : memref<50048x512xf32, #tpu.memory_space<hbm>> -> memref<64x512xf32, #tpu.memory_space<hbm>>
      %dma_wait3A_883 = arith.constant 0 : i32
      %dma_wait3A_884 = tpu.memref_slice %arg4[%mul3A_881, %dma_wait3A_883] : memref<50048x512xf32, #tpu.memory_space<hbm>> -> memref<64x512xf32, #tpu.memory_space<hbm>>
      tpu.wait_dma2 semaphore(%arg13 : memref<!tpu.dma_semaphore, #tpu.memory_space<semaphore_mem>>) src(%arg7 : memref<64x512xf32, #tpu.memory_space<vmem>>) dst(%dma_wait3A_884 : memref<64x512xf32, #tpu.memory_space<hbm>>)
    } else {
    }
    %add3A_768 = arith.constant 704 : i32
    %add3A_769 = arith.addi %add3A_768, %add3A : i32
    %lt3A_770 = arith.constant 782 : i32
    %lt3A_771 = arith.cmpi slt, %add3A_769, %lt3A_770 : i32
    %convert_element_type3A_772 = arith.extui %lt3A_771 : i1 to i32
    %cond3A_773 = arith.constant 0 : i32
    %cond3A_774 = arith.cmpi ne, %convert_element_type3A_772, %cond3A_773 : i32
    scf.if %cond3A_774 {
      %mul3A_880 = arith.constant 64 : i32
      %mul3A_881 = arith.muli %add3A_769, %mul3A_880 : i32
      %dma_wait3A = tpu.memref_slice %arg3[%mul3A_881] : memref<50048xi32, #tpu.memory_space<hbm>> -> memref<64xi32, #tpu.memory_space<hbm>>
      %dma_wait3A_882 = tpu.memref_slice %arg3[%mul3A_881] : memref<50048xi32, #tpu.memory_space<hbm>> -> memref<64xi32, #tpu.memory_space<hbm>>
      tpu.wait_dma2 semaphore(%arg9 : memref<!tpu.dma_semaphore, #tpu.memory_space<semaphore_mem>>) src(%dma_wait3A_882 : memref<64xi32, #tpu.memory_space<hbm>>) dst(%arg5 : memref<64xi32, #tpu.memory_space<vmem>>)
    } else {
    }
    %add3A_775 = arith.constant 704 : i32
    %add3A_776 = arith.addi %add3A_775, %add3A : i32
    %lt3A_777 = arith.constant 782 : i32
    %lt3A_778 = arith.cmpi slt, %add3A_776, %lt3A_777 : i32
    %convert_element_type3A_779 = arith.extui %lt3A_778 : i1 to i32
    %cond3A_780 = arith.constant 0 : i32
    %cond3A_781 = arith.cmpi ne, %convert_element_type3A_779, %cond3A_780 : i32
    scf.if %cond3A_781 {
      %dma_start3A = arith.constant 0 : i32
      %dma_start3A_880 = arith.constant 0 : i32
      %dma_start3A_881 = tpu.memref_slice %arg2[%dma_start3A, %dma_start3A_880] : memref<1024x512xf32, #tpu.memory_space<hbm>> -> memref<1024x512xf32, #tpu.memory_space<hbm>>
      tpu.enqueue_indirect_dma source(%dma_start3A_881 : memref<1024x512xf32, #tpu.memory_space<hbm>>) target(%arg7 : memref<64x512xf32, #tpu.memory_space<vmem>>) offsets(%arg5 : memref<64xi32, #tpu.memory_space<vmem>>) semaphore(%arg11 : memref<!tpu.dma_semaphore, #tpu.memory_space<semaphore_mem>>)
    } else {
    }
    %add3A_782 = arith.constant 736 : i32
    %add3A_783 = arith.addi %add3A_782, %add3A : i32
    %lt3A_784 = arith.constant 782 : i32
    %lt3A_785 = arith.cmpi slt, %add3A_783, %lt3A_784 : i32
    %convert_element_type3A_786 = arith.extui %lt3A_785 : i1 to i32
    %cond3A_787 = arith.constant 0 : i32
    %cond3A_788 = arith.cmpi ne, %convert_element_type3A_786, %cond3A_787 : i32
    scf.if %cond3A_788 {
      %mul3A_880 = arith.constant 64 : i32
      %mul3A_881 = arith.muli %add3A_783, %mul3A_880 : i32
      %dma_start3A = tpu.memref_slice %arg3[%mul3A_881] : memref<50048xi32, #tpu.memory_space<hbm>> -> memref<64xi32, #tpu.memory_space<hbm>>
      %dma_start3A_882 = tpu.memref_slice %arg3[%mul3A_881] : memref<50048xi32, #tpu.memory_space<hbm>> -> memref<64xi32, #tpu.memory_space<hbm>>
      tpu.enqueue_dma source(%dma_start3A_882 : memref<64xi32, #tpu.memory_space<hbm>>) target(%arg6 : memref<64xi32, #tpu.memory_space<vmem>>) target_semaphore(%arg10 : memref<!tpu.dma_semaphore, #tpu.memory_space<semaphore_mem>>)
    } else {
    }
    %add3A_789 = arith.constant 704 : i32
    %add3A_790 = arith.addi %add3A_789, %add3A : i32
    %lt3A_791 = arith.constant 782 : i32
    %lt3A_792 = arith.cmpi slt, %add3A_790, %lt3A_791 : i32
    %convert_element_type3A_793 = arith.extui %lt3A_792 : i1 to i32
    %cond3A_794 = arith.constant 0 : i32
    %cond3A_795 = arith.cmpi ne, %convert_element_type3A_793, %cond3A_794 : i32
    scf.if %cond3A_795 {
      %dma_wait3A = arith.constant 0 : i32
      %dma_wait3A_880 = arith.constant 0 : i32
      %dma_wait3A_881 = tpu.memref_slice %arg2[%dma_wait3A, %dma_wait3A_880] : memref<1024x512xf32, #tpu.memory_space<hbm>> -> memref<1024x512xf32, #tpu.memory_space<hbm>>
      tpu.wait_indirect_dma semaphore(%arg11 : memref<!tpu.dma_semaphore, #tpu.memory_space<semaphore_mem>>) src(%dma_wait3A_881 : memref<1024x512xf32, #tpu.memory_space<hbm>>) dst(%arg7 : memref<64x512xf32, #tpu.memory_space<vmem>>)
      %mul3A_882 = arith.constant 64 : i32
      %mul3A_883 = arith.muli %add3A_790, %mul3A_882 : i32
      %dma_start3A = arith.constant 0 : i32
      %dma_start3A_884 = tpu.memref_slice %arg4[%mul3A_883, %dma_start3A] : memref<50048x512xf32, #tpu.memory_space<hbm>> -> memref<64x512xf32, #tpu.memory_space<hbm>>
      %dma_start3A_885 = arith.constant 0 : i32
      %dma_start3A_886 = tpu.memref_slice %arg4[%mul3A_883, %dma_start3A_885] : memref<50048x512xf32, #tpu.memory_space<hbm>> -> memref<64x512xf32, #tpu.memory_space<hbm>>
      tpu.enqueue_dma source(%arg7 : memref<64x512xf32, #tpu.memory_space<vmem>>) target(%dma_start3A_886 : memref<64x512xf32, #tpu.memory_space<hbm>>) target_semaphore(%arg13 : memref<!tpu.dma_semaphore, #tpu.memory_space<semaphore_mem>>)
    } else {
    }
    %add3A_796 = arith.constant 672 : i32
    %add3A_797 = arith.addi %add3A_796, %add3A : i32
    %lt3A_798 = arith.constant 782 : i32
    %lt3A_799 = arith.cmpi slt, %add3A_797, %lt3A_798 : i32
    %convert_element_type3A_800 = arith.extui %lt3A_799 : i1 to i32
    %cond3A_801 = arith.constant 0 : i32
    %cond3A_802 = arith.cmpi ne, %convert_element_type3A_800, %cond3A_801 : i32
    scf.if %cond3A_802 {
      %mul3A_880 = arith.constant 64 : i32
      %mul3A_881 = arith.muli %add3A_797, %mul3A_880 : i32
      %dma_wait3A = arith.constant 0 : i32
      %dma_wait3A_882 = tpu.memref_slice %arg4[%mul3A_881, %dma_wait3A] : memref<50048x512xf32, #tpu.memory_space<hbm>> -> memref<64x512xf32, #tpu.memory_space<hbm>>
      %dma_wait3A_883 = arith.constant 0 : i32
      %dma_wait3A_884 = tpu.memref_slice %arg4[%mul3A_881, %dma_wait3A_883] : memref<50048x512xf32, #tpu.memory_space<hbm>> -> memref<64x512xf32, #tpu.memory_space<hbm>>
      tpu.wait_dma2 semaphore(%arg14 : memref<!tpu.dma_semaphore, #tpu.memory_space<semaphore_mem>>) src(%arg8 : memref<64x512xf32, #tpu.memory_space<vmem>>) dst(%dma_wait3A_884 : memref<64x512xf32, #tpu.memory_space<hbm>>)
    } else {
    }
    %add3A_803 = arith.constant 736 : i32
    %add3A_804 = arith.addi %add3A_803, %add3A : i32
    %lt3A_805 = arith.constant 782 : i32
    %lt3A_806 = arith.cmpi slt, %add3A_804, %lt3A_805 : i32
    %convert_element_type3A_807 = arith.extui %lt3A_806 : i1 to i32
    %cond3A_808 = arith.constant 0 : i32
    %cond3A_809 = arith.cmpi ne, %convert_element_type3A_807, %cond3A_808 : i32
    scf.if %cond3A_809 {
      %mul3A_880 = arith.constant 64 : i32
      %mul3A_881 = arith.muli %add3A_804, %mul3A_880 : i32
      %dma_wait3A = tpu.memref_slice %arg3[%mul3A_881] : memref<50048xi32, #tpu.memory_space<hbm>> -> memref<64xi32, #tpu.memory_space<hbm>>
      %dma_wait3A_882 = tpu.memref_slice %arg3[%mul3A_881] : memref<50048xi32, #tpu.memory_space<hbm>> -> memref<64xi32, #tpu.memory_space<hbm>>
      tpu.wait_dma2 semaphore(%arg10 : memref<!tpu.dma_semaphore, #tpu.memory_space<semaphore_mem>>) src(%dma_wait3A_882 : memref<64xi32, #tpu.memory_space<hbm>>) dst(%arg6 : memref<64xi32, #tpu.memory_space<vmem>>)
    } else {
    }
    %add3A_810 = arith.constant 736 : i32
    %add3A_811 = arith.addi %add3A_810, %add3A : i32
    %lt3A_812 = arith.constant 782 : i32
    %lt3A_813 = arith.cmpi slt, %add3A_811, %lt3A_812 : i32
    %convert_element_type3A_814 = arith.extui %lt3A_813 : i1 to i32
    %cond3A_815 = arith.constant 0 : i32
    %cond3A_816 = arith.cmpi ne, %convert_element_type3A_814, %cond3A_815 : i32
    scf.if %cond3A_816 {
      %dma_start3A = arith.constant 0 : i32
      %dma_start3A_880 = arith.constant 0 : i32
      %dma_start3A_881 = tpu.memref_slice %arg2[%dma_start3A, %dma_start3A_880] : memref<1024x512xf32, #tpu.memory_space<hbm>> -> memref<1024x512xf32, #tpu.memory_space<hbm>>
      tpu.enqueue_indirect_dma source(%dma_start3A_881 : memref<1024x512xf32, #tpu.memory_space<hbm>>) target(%arg8 : memref<64x512xf32, #tpu.memory_space<vmem>>) offsets(%arg6 : memref<64xi32, #tpu.memory_space<vmem>>) semaphore(%arg12 : memref<!tpu.dma_semaphore, #tpu.memory_space<semaphore_mem>>)
    } else {
    }
    %add3A_817 = arith.constant 768 : i32
    %add3A_818 = arith.addi %add3A_817, %add3A : i32
    %lt3A_819 = arith.constant 782 : i32
    %lt3A_820 = arith.cmpi slt, %add3A_818, %lt3A_819 : i32
    %convert_element_type3A_821 = arith.extui %lt3A_820 : i1 to i32
    %cond3A_822 = arith.constant 0 : i32
    %cond3A_823 = arith.cmpi ne, %convert_element_type3A_821, %cond3A_822 : i32
    scf.if %cond3A_823 {
      %mul3A_880 = arith.constant 64 : i32
      %mul3A_881 = arith.muli %add3A_818, %mul3A_880 : i32
      %dma_start3A = tpu.memref_slice %arg3[%mul3A_881] : memref<50048xi32, #tpu.memory_space<hbm>> -> memref<64xi32, #tpu.memory_space<hbm>>
      %dma_start3A_882 = tpu.memref_slice %arg3[%mul3A_881] : memref<50048xi32, #tpu.memory_space<hbm>> -> memref<64xi32, #tpu.memory_space<hbm>>
      tpu.enqueue_dma source(%dma_start3A_882 : memref<64xi32, #tpu.memory_space<hbm>>) target(%arg5 : memref<64xi32, #tpu.memory_space<vmem>>) target_semaphore(%arg9 : memref<!tpu.dma_semaphore, #tpu.memory_space<semaphore_mem>>)
    } else {
    }
    %add3A_824 = arith.constant 736 : i32
    %add3A_825 = arith.addi %add3A_824, %add3A : i32
    %lt3A_826 = arith.constant 782 : i32
    %lt3A_827 = arith.cmpi slt, %add3A_825, %lt3A_826 : i32
    %convert_element_type3A_828 = arith.extui %lt3A_827 : i1 to i32
    %cond3A_829 = arith.constant 0 : i32
    %cond3A_830 = arith.cmpi ne, %convert_element_type3A_828, %cond3A_829 : i32
    scf.if %cond3A_830 {
      %dma_wait3A = arith.constant 0 : i32
      %dma_wait3A_880 = arith.constant 0 : i32
      %dma_wait3A_881 = tpu.memref_slice %arg2[%dma_wait3A, %dma_wait3A_880] : memref<1024x512xf32, #tpu.memory_space<hbm>> -> memref<1024x512xf32, #tpu.memory_space<hbm>>
      tpu.wait_indirect_dma semaphore(%arg12 : memref<!tpu.dma_semaphore, #tpu.memory_space<semaphore_mem>>) src(%dma_wait3A_881 : memref<1024x512xf32, #tpu.memory_space<hbm>>) dst(%arg8 : memref<64x512xf32, #tpu.memory_space<vmem>>)
      %mul3A_882 = arith.constant 64 : i32
      %mul3A_883 = arith.muli %add3A_825, %mul3A_882 : i32
      %dma_start3A = arith.constant 0 : i32
      %dma_start3A_884 = tpu.memref_slice %arg4[%mul3A_883, %dma_start3A] : memref<50048x512xf32, #tpu.memory_space<hbm>> -> memref<64x512xf32, #tpu.memory_space<hbm>>
      %dma_start3A_885 = arith.constant 0 : i32
      %dma_start3A_886 = tpu.memref_slice %arg4[%mul3A_883, %dma_start3A_885] : memref<50048x512xf32, #tpu.memory_space<hbm>> -> memref<64x512xf32, #tpu.memory_space<hbm>>
      tpu.enqueue_dma source(%arg8 : memref<64x512xf32, #tpu.memory_space<vmem>>) target(%dma_start3A_886 : memref<64x512xf32, #tpu.memory_space<hbm>>) target_semaphore(%arg14 : memref<!tpu.dma_semaphore, #tpu.memory_space<semaphore_mem>>)
    } else {
    }
    %add3A_831 = arith.constant 704 : i32
    %add3A_832 = arith.addi %add3A_831, %add3A : i32
    %lt3A_833 = arith.constant 782 : i32
    %lt3A_834 = arith.cmpi slt, %add3A_832, %lt3A_833 : i32
    %convert_element_type3A_835 = arith.extui %lt3A_834 : i1 to i32
    %cond3A_836 = arith.constant 0 : i32
    %cond3A_837 = arith.cmpi ne, %convert_element_type3A_835, %cond3A_836 : i32
    scf.if %cond3A_837 {
      %mul3A_880 = arith.constant 64 : i32
      %mul3A_881 = arith.muli %add3A_832, %mul3A_880 : i32
      %dma_wait3A = arith.constant 0 : i32
      %dma_wait3A_882 = tpu.memref_slice %arg4[%mul3A_881, %dma_wait3A] : memref<50048x512xf32, #tpu.memory_space<hbm>> -> memref<64x512xf32, #tpu.memory_space<hbm>>
      %dma_wait3A_883 = arith.constant 0 : i32
      %dma_wait3A_884 = tpu.memref_slice %arg4[%mul3A_881, %dma_wait3A_883] : memref<50048x512xf32, #tpu.memory_space<hbm>> -> memref<64x512xf32, #tpu.memory_space<hbm>>
      tpu.wait_dma2 semaphore(%arg13 : memref<!tpu.dma_semaphore, #tpu.memory_space<semaphore_mem>>) src(%arg7 : memref<64x512xf32, #tpu.memory_space<vmem>>) dst(%dma_wait3A_884 : memref<64x512xf32, #tpu.memory_space<hbm>>)
    } else {
    }
    %add3A_838 = arith.constant 768 : i32
    %add3A_839 = arith.addi %add3A_838, %add3A : i32
    %lt3A_840 = arith.constant 782 : i32
    %lt3A_841 = arith.cmpi slt, %add3A_839, %lt3A_840 : i32
    %convert_element_type3A_842 = arith.extui %lt3A_841 : i1 to i32
    %cond3A_843 = arith.constant 0 : i32
    %cond3A_844 = arith.cmpi ne, %convert_element_type3A_842, %cond3A_843 : i32
    scf.if %cond3A_844 {
      %mul3A_880 = arith.constant 64 : i32
      %mul3A_881 = arith.muli %add3A_839, %mul3A_880 : i32
      %dma_wait3A = tpu.memref_slice %arg3[%mul3A_881] : memref<50048xi32, #tpu.memory_space<hbm>> -> memref<64xi32, #tpu.memory_space<hbm>>
      %dma_wait3A_882 = tpu.memref_slice %arg3[%mul3A_881] : memref<50048xi32, #tpu.memory_space<hbm>> -> memref<64xi32, #tpu.memory_space<hbm>>
      tpu.wait_dma2 semaphore(%arg9 : memref<!tpu.dma_semaphore, #tpu.memory_space<semaphore_mem>>) src(%dma_wait3A_882 : memref<64xi32, #tpu.memory_space<hbm>>) dst(%arg5 : memref<64xi32, #tpu.memory_space<vmem>>)
    } else {
    }
    %add3A_845 = arith.constant 768 : i32
    %add3A_846 = arith.addi %add3A_845, %add3A : i32
    %lt3A_847 = arith.constant 782 : i32
    %lt3A_848 = arith.cmpi slt, %add3A_846, %lt3A_847 : i32
    %convert_element_type3A_849 = arith.extui %lt3A_848 : i1 to i32
    %cond3A_850 = arith.constant 0 : i32
    %cond3A_851 = arith.cmpi ne, %convert_element_type3A_849, %cond3A_850 : i32
    scf.if %cond3A_851 {
      %dma_start3A = arith.constant 0 : i32
      %dma_start3A_880 = arith.constant 0 : i32
      %dma_start3A_881 = tpu.memref_slice %arg2[%dma_start3A, %dma_start3A_880] : memref<1024x512xf32, #tpu.memory_space<hbm>> -> memref<1024x512xf32, #tpu.memory_space<hbm>>
      tpu.enqueue_indirect_dma source(%dma_start3A_881 : memref<1024x512xf32, #tpu.memory_space<hbm>>) target(%arg7 : memref<64x512xf32, #tpu.memory_space<vmem>>) offsets(%arg5 : memref<64xi32, #tpu.memory_space<vmem>>) semaphore(%arg11 : memref<!tpu.dma_semaphore, #tpu.memory_space<semaphore_mem>>)
    } else {
    }
    %add3A_852 = arith.constant 800 : i32
    %add3A_853 = arith.addi %add3A_852, %add3A : i32
    %lt3A_854 = arith.constant 782 : i32
    %lt3A_855 = arith.cmpi slt, %add3A_853, %lt3A_854 : i32
    %convert_element_type3A_856 = arith.extui %lt3A_855 : i1 to i32
    %cond3A_857 = arith.constant 0 : i32
    %cond3A_858 = arith.cmpi ne, %convert_element_type3A_856, %cond3A_857 : i32
    scf.if %cond3A_858 {
      %mul3A_880 = arith.constant 64 : i32
      %mul3A_881 = arith.muli %add3A_853, %mul3A_880 : i32
      %dma_start3A = tpu.memref_slice %arg3[%mul3A_881] : memref<50048xi32, #tpu.memory_space<hbm>> -> memref<64xi32, #tpu.memory_space<hbm>>
      %dma_start3A_882 = tpu.memref_slice %arg3[%mul3A_881] : memref<50048xi32, #tpu.memory_space<hbm>> -> memref<64xi32, #tpu.memory_space<hbm>>
      tpu.enqueue_dma source(%dma_start3A_882 : memref<64xi32, #tpu.memory_space<hbm>>) target(%arg6 : memref<64xi32, #tpu.memory_space<vmem>>) target_semaphore(%arg10 : memref<!tpu.dma_semaphore, #tpu.memory_space<semaphore_mem>>)
    } else {
    }
    %add3A_859 = arith.constant 768 : i32
    %add3A_860 = arith.addi %add3A_859, %add3A : i32
    %lt3A_861 = arith.constant 782 : i32
    %lt3A_862 = arith.cmpi slt, %add3A_860, %lt3A_861 : i32
    %convert_element_type3A_863 = arith.extui %lt3A_862 : i1 to i32
    %cond3A_864 = arith.constant 0 : i32
    %cond3A_865 = arith.cmpi ne, %convert_element_type3A_863, %cond3A_864 : i32
    scf.if %cond3A_865 {
      %dma_wait3A = arith.constant 0 : i32
      %dma_wait3A_880 = arith.constant 0 : i32
      %dma_wait3A_881 = tpu.memref_slice %arg2[%dma_wait3A, %dma_wait3A_880] : memref<1024x512xf32, #tpu.memory_space<hbm>> -> memref<1024x512xf32, #tpu.memory_space<hbm>>
      tpu.wait_indirect_dma semaphore(%arg11 : memref<!tpu.dma_semaphore, #tpu.memory_space<semaphore_mem>>) src(%dma_wait3A_881 : memref<1024x512xf32, #tpu.memory_space<hbm>>) dst(%arg7 : memref<64x512xf32, #tpu.memory_space<vmem>>)
      %mul3A_882 = arith.constant 64 : i32
      %mul3A_883 = arith.muli %add3A_860, %mul3A_882 : i32
      %dma_start3A = arith.constant 0 : i32
      %dma_start3A_884 = tpu.memref_slice %arg4[%mul3A_883, %dma_start3A] : memref<50048x512xf32, #tpu.memory_space<hbm>> -> memref<64x512xf32, #tpu.memory_space<hbm>>
      %dma_start3A_885 = arith.constant 0 : i32
      %dma_start3A_886 = tpu.memref_slice %arg4[%mul3A_883, %dma_start3A_885] : memref<50048x512xf32, #tpu.memory_space<hbm>> -> memref<64x512xf32, #tpu.memory_space<hbm>>
      tpu.enqueue_dma source(%arg7 : memref<64x512xf32, #tpu.memory_space<vmem>>) target(%dma_start3A_886 : memref<64x512xf32, #tpu.memory_space<hbm>>) target_semaphore(%arg13 : memref<!tpu.dma_semaphore, #tpu.memory_space<semaphore_mem>>)
    } else {
    }
    %add3A_866 = arith.constant 736 : i32
    %add3A_867 = arith.addi %add3A_866, %add3A : i32
    %lt3A_868 = arith.constant 782 : i32
    %lt3A_869 = arith.cmpi slt, %add3A_867, %lt3A_868 : i32
    %convert_element_type3A_870 = arith.extui %lt3A_869 : i1 to i32
    %cond3A_871 = arith.constant 0 : i32
    %cond3A_872 = arith.cmpi ne, %convert_element_type3A_870, %cond3A_871 : i32
    scf.if %cond3A_872 {
      %mul3A_880 = arith.constant 64 : i32
      %mul3A_881 = arith.muli %add3A_867, %mul3A_880 : i32
      %dma_wait3A = arith.constant 0 : i32
      %dma_wait3A_882 = tpu.memref_slice %arg4[%mul3A_881, %dma_wait3A] : memref<50048x512xf32, #tpu.memory_space<hbm>> -> memref<64x512xf32, #tpu.memory_space<hbm>>
      %dma_wait3A_883 = arith.constant 0 : i32
      %dma_wait3A_884 = tpu.memref_slice %arg4[%mul3A_881, %dma_wait3A_883] : memref<50048x512xf32, #tpu.memory_space<hbm>> -> memref<64x512xf32, #tpu.memory_space<hbm>>
      tpu.wait_dma2 semaphore(%arg14 : memref<!tpu.dma_semaphore, #tpu.memory_space<semaphore_mem>>) src(%arg8 : memref<64x512xf32, #tpu.memory_space<vmem>>) dst(%dma_wait3A_884 : memref<64x512xf32, #tpu.memory_space<hbm>>)
    } else {
    }
    %add3A_873 = arith.constant 768 : i32
    %add3A_874 = arith.addi %add3A_873, %add3A : i32
    %lt3A_875 = arith.constant 782 : i32
    %lt3A_876 = arith.cmpi slt, %add3A_874, %lt3A_875 : i32
    %convert_element_type3A_877 = arith.extui %lt3A_876 : i1 to i32
    %cond3A_878 = arith.constant 0 : i32
    %cond3A_879 = arith.cmpi ne, %convert_element_type3A_877, %cond3A_878 : i32
    scf.if %cond3A_879 {
      %mul3A_880 = arith.constant 64 : i32
      %mul3A_881 = arith.muli %add3A_874, %mul3A_880 : i32
      %dma_wait3A = arith.constant 0 : i32
      %dma_wait3A_882 = tpu.memref_slice %arg4[%mul3A_881, %dma_wait3A] : memref<50048x512xf32, #tpu.memory_space<hbm>> -> memref<64x512xf32, #tpu.memory_space<hbm>>
      %dma_wait3A_883 = arith.constant 0 : i32
      %dma_wait3A_884 = tpu.memref_slice %arg4[%mul3A_881, %dma_wait3A_883] : memref<50048x512xf32, #tpu.memory_space<hbm>> -> memref<64x512xf32, #tpu.memory_space<hbm>>
      tpu.wait_dma2 semaphore(%arg13 : memref<!tpu.dma_semaphore, #tpu.memory_space<semaphore_mem>>) src(%arg7 : memref<64x512xf32, #tpu.memory_space<vmem>>) dst(%dma_wait3A_884 : memref<64x512xf32, #tpu.memory_space<hbm>>)
    } else {
    }
    return
  }
}

module attributes {stable_mosaic.version = 14 : i64} {
  func.func @_tables_body(%arg0: memref<32x20x8xf32, #tpu.memory_space<vmem>>, %arg1: memref<20x8xf32, #tpu.memory_space<vmem>>, %arg2: memref<1024x512xf32, #tpu.memory_space<vmem>>, %arg3: memref<32x8xf32, #tpu.memory_space<vmem>>) attributes {dimension_semantics = [], scalar_prefetch = 0 : i64, scratch_operands = 0 : i64, tpu.core_type = #tpu.core_type<tc>} {
    %get3A = arith.constant 0 : index
    %get3A_0 = arith.constant 0 : index
    %get3A_1 = arith.constant 0 : index
    %get3A_2 = vector.load %arg0[%get3A, %get3A_0, %get3A_1] : memref<32x20x8xf32, #tpu.memory_space<vmem>>, vector<32x20x8xf32>
    %get3A_3 = arith.constant 0 : index
    %get3A_4 = arith.constant 0 : index
    %get3A_5 = vector.load %arg1[%get3A_3, %get3A_4] : memref<20x8xf32, #tpu.memory_space<vmem>>, vector<20x8xf32>
    %reduce_max3A = arith.constant dense<0xFF800000> : vector<20x8xf32>
    %reduce_max3A_6 = vector.multi_reduction <maximumf>, %get3A_2, %reduce_max3A [0] : vector<32x20x8xf32> to vector<20x8xf32>
    %max3A = arith.constant 0xFF800000 : f32
    %max3A_7 = vector.broadcast %max3A : f32 to vector<20x8xf32>
    %max3A_8 = arith.maximumf %max3A_7, %reduce_max3A_6 : vector<20x8xf32>
    %broadcast_in_dim3A = vector.shape_cast %max3A_8 : vector<20x8xf32> to vector<1x20x8xf32>
    %sub3A = vector.broadcast %broadcast_in_dim3A : vector<1x20x8xf32> to vector<32x20x8xf32>
    %sub3A_9 = arith.subf %get3A_2, %sub3A : vector<32x20x8xf32>
    %exp3A = math.exp %sub3A_9 : vector<32x20x8xf32>
    %reduce_sum3A = arith.constant dense<0.000000e+00> : vector<20x8xf32>
    %reduce_sum3A_10 = vector.multi_reduction <add>, %exp3A, %reduce_sum3A [0] : vector<32x20x8xf32> to vector<20x8xf32>
    %broadcast_in_dim3A_11 = vector.shape_cast %reduce_sum3A_10 : vector<20x8xf32> to vector<1x20x8xf32>
    %div3A = vector.broadcast %broadcast_in_dim3A_11 : vector<1x20x8xf32> to vector<32x20x8xf32>
    %div3A_12 = arith.divf %exp3A, %div3A : vector<32x20x8xf32>
    %reduce_max3A_13 = arith.constant dense<0xFF800000> : vector<8xf32>
    %reduce_max3A_14 = vector.multi_reduction <maximumf>, %get3A_5, %reduce_max3A_13 [0] : vector<20x8xf32> to vector<8xf32>
    %max3A_15 = arith.constant 0xFF800000 : f32
    %max3A_16 = vector.broadcast %max3A_15 : f32 to vector<8xf32>
    %max3A_17 = arith.maximumf %max3A_16, %reduce_max3A_14 : vector<8xf32>
    %broadcast_in_dim3A_18 = vector.shape_cast %max3A_17 : vector<8xf32> to vector<1x8xf32>
    %sub3A_19 = vector.broadcast %broadcast_in_dim3A_18 : vector<1x8xf32> to vector<20x8xf32>
    %sub3A_20 = arith.subf %get3A_5, %sub3A_19 : vector<20x8xf32>
    %exp3A_21 = math.exp %sub3A_20 : vector<20x8xf32>
    %reduce_sum3A_22 = arith.constant dense<0.000000e+00> : vector<8xf32>
    %reduce_sum3A_23 = vector.multi_reduction <add>, %exp3A_21, %reduce_sum3A_22 [0] : vector<20x8xf32> to vector<8xf32>
    %broadcast_in_dim3A_24 = vector.shape_cast %reduce_sum3A_23 : vector<8xf32> to vector<1x8xf32>
    %div3A_25 = vector.broadcast %broadcast_in_dim3A_24 : vector<1x8xf32> to vector<20x8xf32>
    %div3A_26 = arith.divf %exp3A_21, %div3A_25 : vector<20x8xf32>
    %broadcast_in_dim3A_27 = vector.shape_cast %div3A_26 : vector<20x8xf32> to vector<1x20x8xf32>
    %mul3A = vector.broadcast %broadcast_in_dim3A_27 : vector<1x20x8xf32> to vector<32x20x8xf32>
    %mul3A_28 = arith.mulf %mul3A, %div3A_12 : vector<32x20x8xf32>
    %reduce_sum3A_29 = arith.constant dense<0.000000e+00> : vector<32x8xf32>
    %reduce_sum3A_30 = vector.multi_reduction <add>, %mul3A_28, %reduce_sum3A_29 [1] : vector<32x20x8xf32> to vector<32x8xf32>
    %broadcast_in_dim3A_31 = vector.shape_cast %reduce_sum3A_30 : vector<32x8xf32> to vector<32x1x8xf32>
    %div3A_32 = vector.broadcast %broadcast_in_dim3A_31 : vector<32x1x8xf32> to vector<32x20x8xf32>
    %div3A_33 = arith.divf %mul3A_28, %div3A_32 : vector<32x20x8xf32>
    %reshape3A = vector.shape_cast %div3A_33 : vector<32x20x8xf32> to vector<32x160xf32>
    %broadcast_in_dim3A_34 = vector.shape_cast %reshape3A : vector<32x160xf32> to vector<32x1x160xf32>
    %broadcast_in_dim3A_35 = vector.shape_cast %broadcast_in_dim3A_34 : vector<32x1x160xf32> to vector<32x1x160xf32>
    %broadcast_in_dim3A_36 = vector.broadcast %broadcast_in_dim3A_35 : vector<32x1x160xf32> to vector<32x32x160xf32>
    %reshape3A_37 = vector.shape_cast %broadcast_in_dim3A_36 : vector<32x32x160xf32> to vector<1024x160xf32>
    %broadcast_in_dim3A_38 = vector.shape_cast %reshape3A : vector<32x160xf32> to vector<1x32x160xf32>
    %broadcast_in_dim3A_39 = vector.shape_cast %broadcast_in_dim3A_38 : vector<1x32x160xf32> to vector<1x32x160xf32>
    %broadcast_in_dim3A_40 = vector.broadcast %broadcast_in_dim3A_39 : vector<1x32x160xf32> to vector<32x32x160xf32>
    %reshape3A_41 = vector.shape_cast %broadcast_in_dim3A_40 : vector<32x32x160xf32> to vector<1024x160xf32>
    %broadcast_in_dim3A_42 = arith.constant 0.000000e+00 : f32
    %broadcast_in_dim3A_43 = vector.broadcast %broadcast_in_dim3A_42 : f32 to vector<1024x512xf32>
    %swap3A = arith.constant 0 : index
    %swap3A_44 = arith.constant 0 : index
    %swap3A_45 = vector.load %arg2[%swap3A, %swap3A_44] : memref<1024x512xf32, #tpu.memory_space<vmem>>, vector<1024x512xf32>
    tpu.vector_store %arg2[%swap3A, %swap3A_44], %broadcast_in_dim3A_43 {strides = array<i32>} : memref<1024x512xf32, #tpu.memory_space<vmem>>, vector<1024x512xf32>,
    %swap3A_46 = arith.constant 0 : index
    %swap3A_47 = arith.constant 0 : index
    %swap3A_48 = vector.load %arg2[%swap3A_46, %swap3A_47] : memref<1024x512xf32, #tpu.memory_space<vmem>>, vector<1024x160xf32>
    tpu.vector_store %arg2[%swap3A_46, %swap3A_47], %reshape3A_37 {strides = array<i32>} : memref<1024x512xf32, #tpu.memory_space<vmem>>, vector<1024x160xf32>,
    %swap3A_49 = arith.constant 0 : index
    %swap3A_50 = arith.constant 256 : index
    %swap3A_51 = vector.load %arg2[%swap3A_49, %swap3A_50] : memref<1024x512xf32, #tpu.memory_space<vmem>>, vector<1024x160xf32>
    tpu.vector_store %arg2[%swap3A_49, %swap3A_50], %reshape3A_41 {strides = array<i32>} : memref<1024x512xf32, #tpu.memory_space<vmem>>, vector<1024x160xf32>,
    %log3A = math.log %reduce_sum3A_30 : vector<32x8xf32>
    %swap3A_52 = arith.constant 0 : index
    %swap3A_53 = arith.constant 0 : index
    %swap3A_54 = vector.load %arg3[%swap3A_52, %swap3A_53] : memref<32x8xf32, #tpu.memory_space<vmem>>, vector<32x8xf32>
    tpu.vector_store %arg3[%swap3A_52, %swap3A_53], %log3A {strides = array<i32>} : memref<32x8xf32, #tpu.memory_space<vmem>>, vector<32x8xf32>,
    return
  }
}

module attributes {stable_mosaic.version = 14 : i64} {
  func.func @_ll_body(%arg0: i32, %arg1: memref<1x2048xi32, #tpu.memory_space<vmem>>, %arg2: memref<32x8xf32, #tpu.memory_space<vmem>>, %arg3: memref<8x2048xf32, #tpu.memory_space<vmem>>) attributes {dimension_semantics = [#tpu.dimension_semantics<arbitrary>], iteration_bounds = array<i64: 49>, scalar_prefetch = 0 : i64, scratch_operands = 0 : i64, tpu.core_type = #tpu.core_type<tc>, window_params = [{transform_indices = @transform_0, window_bounds = array<i64: 1, 2048>}, {pipeline_mode = #tpu.pipeline_mode<synchronous>, transform_indices = @transform_1, window_bounds = array<i64: 32, 8>}, {transform_indices = @transform_2, window_bounds = array<i64: 8, 2048>}]} {
    %get3A = arith.constant 0 : index
    %get3A_0 = arith.constant 0 : index
    %get3A_1 = vector.load %arg1[%get3A, %get3A_0] : memref<1x2048xi32, #tpu.memory_space<vmem>>, vector<1x2048xi32>
    %get3A_2 = vector.shape_cast %get3A_1 : vector<1x2048xi32> to vector<2048xi32>
    %get3A_3 = arith.constant 0 : index
    %get3A_4 = arith.constant 0 : index
    %get3A_5 = vector.load %arg2[%get3A_3, %get3A_4] : memref<32x8xf32, #tpu.memory_space<vmem>>, vector<32x8xf32>
    %broadcast_in_dim3A = arith.constant 0.000000e+00 : f32
    %broadcast_in_dim3A_6 = vector.broadcast %broadcast_in_dim3A : f32 to vector<8x2048xf32>
    %eq3A = arith.constant 0 : i32
    %eq3A_7 = vector.broadcast %eq3A : i32 to vector<2048xi32>
    %eq3A_8 = arith.cmpi eq, %get3A_2, %eq3A_7 : vector<2048xi32>
    %broadcast_in_dim3A_9 = vector.shape_cast %eq3A_8 : vector<2048xi1> to vector<1x2048xi1>
    %slice3A = vector.extract_strided_slice %get3A_5 {offsets = [0, 0], sizes = [1, 8], strides = [1, 1]} : vector<32x8xf32> to vector<1x8xf32>
    %squeeze3A = vector.shape_cast %slice3A : vector<1x8xf32> to vector<8xf32>
    %broadcast_in_dim3A_10 = vector.shape_cast %squeeze3A : vector<8xf32> to vector<8x1xf32>
    %broadcast_in_dim3A_11 = vector.shape_cast %broadcast_in_dim3A_9 : vector<1x2048xi1> to vector<1x2048xi1>
    %broadcast_in_dim3A_12 = vector.broadcast %broadcast_in_dim3A_11 : vector<1x2048xi1> to vector<8x2048xi1>
    %broadcast_in_dim3A_13 = vector.shape_cast %broadcast_in_dim3A_10 : vector<8x1xf32> to vector<8x1xf32>
    %broadcast_in_dim3A_14 = vector.broadcast %broadcast_in_dim3A_13 : vector<8x1xf32> to vector<8x2048xf32>
    %select_n3A = arith.select %broadcast_in_dim3A_12, %broadcast_in_dim3A_14, %broadcast_in_dim3A_6 : vector<8x2048xi1>, vector<8x2048xf32>
    %eq3A_15 = arith.constant 1 : i32
    %eq3A_16 = vector.broadcast %eq3A_15 : i32 to vector<2048xi32>
    %eq3A_17 = arith.cmpi eq, %get3A_2, %eq3A_16 : vector<2048xi32>
    %broadcast_in_dim3A_18 = vector.shape_cast %eq3A_17 : vector<2048xi1> to vector<1x2048xi1>
    %slice3A_19 = vector.extract_strided_slice %get3A_5 {offsets = [1, 0], sizes = [1, 8], strides = [1, 1]} : vector<32x8xf32> to vector<1x8xf32>
    %squeeze3A_20 = vector.shape_cast %slice3A_19 : vector<1x8xf32> to vector<8xf32>
    %broadcast_in_dim3A_21 = vector.shape_cast %squeeze3A_20 : vector<8xf32> to vector<8x1xf32>
    %broadcast_in_dim3A_22 = vector.shape_cast %broadcast_in_dim3A_18 : vector<1x2048xi1> to vector<1x2048xi1>
    %broadcast_in_dim3A_23 = vector.broadcast %broadcast_in_dim3A_22 : vector<1x2048xi1> to vector<8x2048xi1>
    %broadcast_in_dim3A_24 = vector.shape_cast %broadcast_in_dim3A_21 : vector<8x1xf32> to vector<8x1xf32>
    %broadcast_in_dim3A_25 = vector.broadcast %broadcast_in_dim3A_24 : vector<8x1xf32> to vector<8x2048xf32>
    %select_n3A_26 = arith.select %broadcast_in_dim3A_23, %broadcast_in_dim3A_25, %select_n3A : vector<8x2048xi1>, vector<8x2048xf32>
    %eq3A_27 = arith.constant 2 : i32
    %eq3A_28 = vector.broadcast %eq3A_27 : i32 to vector<2048xi32>
    %eq3A_29 = arith.cmpi eq, %get3A_2, %eq3A_28 : vector<2048xi32>
    %broadcast_in_dim3A_30 = vector.shape_cast %eq3A_29 : vector<2048xi1> to vector<1x2048xi1>
    %slice3A_31 = vector.extract_strided_slice %get3A_5 {offsets = [2, 0], sizes = [1, 8], strides = [1, 1]} : vector<32x8xf32> to vector<1x8xf32>
    %squeeze3A_32 = vector.shape_cast %slice3A_31 : vector<1x8xf32> to vector<8xf32>
    %broadcast_in_dim3A_33 = vector.shape_cast %squeeze3A_32 : vector<8xf32> to vector<8x1xf32>
    %broadcast_in_dim3A_34 = vector.shape_cast %broadcast_in_dim3A_30 : vector<1x2048xi1> to vector<1x2048xi1>
    %broadcast_in_dim3A_35 = vector.broadcast %broadcast_in_dim3A_34 : vector<1x2048xi1> to vector<8x2048xi1>
    %broadcast_in_dim3A_36 = vector.shape_cast %broadcast_in_dim3A_33 : vector<8x1xf32> to vector<8x1xf32>
    %broadcast_in_dim3A_37 = vector.broadcast %broadcast_in_dim3A_36 : vector<8x1xf32> to vector<8x2048xf32>
    %select_n3A_38 = arith.select %broadcast_in_dim3A_35, %broadcast_in_dim3A_37, %select_n3A_26 : vector<8x2048xi1>, vector<8x2048xf32>
    %eq3A_39 = arith.constant 3 : i32
    %eq3A_40 = vector.broadcast %eq3A_39 : i32 to vector<2048xi32>
    %eq3A_41 = arith.cmpi eq, %get3A_2, %eq3A_40 : vector<2048xi32>
    %broadcast_in_dim3A_42 = vector.shape_cast %eq3A_41 : vector<2048xi1> to vector<1x2048xi1>
    %slice3A_43 = vector.extract_strided_slice %get3A_5 {offsets = [3, 0], sizes = [1, 8], strides = [1, 1]} : vector<32x8xf32> to vector<1x8xf32>
    %squeeze3A_44 = vector.shape_cast %slice3A_43 : vector<1x8xf32> to vector<8xf32>
    %broadcast_in_dim3A_45 = vector.shape_cast %squeeze3A_44 : vector<8xf32> to vector<8x1xf32>
    %broadcast_in_dim3A_46 = vector.shape_cast %broadcast_in_dim3A_42 : vector<1x2048xi1> to vector<1x2048xi1>
    %broadcast_in_dim3A_47 = vector.broadcast %broadcast_in_dim3A_46 : vector<1x2048xi1> to vector<8x2048xi1>
    %broadcast_in_dim3A_48 = vector.shape_cast %broadcast_in_dim3A_45 : vector<8x1xf32> to vector<8x1xf32>
    %broadcast_in_dim3A_49 = vector.broadcast %broadcast_in_dim3A_48 : vector<8x1xf32> to vector<8x2048xf32>
    %select_n3A_50 = arith.select %broadcast_in_dim3A_47, %broadcast_in_dim3A_49, %select_n3A_38 : vector<8x2048xi1>, vector<8x2048xf32>
    %eq3A_51 = arith.constant 4 : i32
    %eq3A_52 = vector.broadcast %eq3A_51 : i32 to vector<2048xi32>
    %eq3A_53 = arith.cmpi eq, %get3A_2, %eq3A_52 : vector<2048xi32>
    %broadcast_in_dim3A_54 = vector.shape_cast %eq3A_53 : vector<2048xi1> to vector<1x2048xi1>
    %slice3A_55 = vector.extract_strided_slice %get3A_5 {offsets = [4, 0], sizes = [1, 8], strides = [1, 1]} : vector<32x8xf32> to vector<1x8xf32>
    %squeeze3A_56 = vector.shape_cast %slice3A_55 : vector<1x8xf32> to vector<8xf32>
    %broadcast_in_dim3A_57 = vector.shape_cast %squeeze3A_56 : vector<8xf32> to vector<8x1xf32>
    %broadcast_in_dim3A_58 = vector.shape_cast %broadcast_in_dim3A_54 : vector<1x2048xi1> to vector<1x2048xi1>
    %broadcast_in_dim3A_59 = vector.broadcast %broadcast_in_dim3A_58 : vector<1x2048xi1> to vector<8x2048xi1>
    %broadcast_in_dim3A_60 = vector.shape_cast %broadcast_in_dim3A_57 : vector<8x1xf32> to vector<8x1xf32>
    %broadcast_in_dim3A_61 = vector.broadcast %broadcast_in_dim3A_60 : vector<8x1xf32> to vector<8x2048xf32>
    %select_n3A_62 = arith.select %broadcast_in_dim3A_59, %broadcast_in_dim3A_61, %select_n3A_50 : vector<8x2048xi1>, vector<8x2048xf32>
    %eq3A_63 = arith.constant 5 : i32
    %eq3A_64 = vector.broadcast %eq3A_63 : i32 to vector<2048xi32>
    %eq3A_65 = arith.cmpi eq, %get3A_2, %eq3A_64 : vector<2048xi32>
    %broadcast_in_dim3A_66 = vector.shape_cast %eq3A_65 : vector<2048xi1> to vector<1x2048xi1>
    %slice3A_67 = vector.extract_strided_slice %get3A_5 {offsets = [5, 0], sizes = [1, 8], strides = [1, 1]} : vector<32x8xf32> to vector<1x8xf32>
    %squeeze3A_68 = vector.shape_cast %slice3A_67 : vector<1x8xf32> to vector<8xf32>
    %broadcast_in_dim3A_69 = vector.shape_cast %squeeze3A_68 : vector<8xf32> to vector<8x1xf32>
    %broadcast_in_dim3A_70 = vector.shape_cast %broadcast_in_dim3A_66 : vector<1x2048xi1> to vector<1x2048xi1>
    %broadcast_in_dim3A_71 = vector.broadcast %broadcast_in_dim3A_70 : vector<1x2048xi1> to vector<8x2048xi1>
    %broadcast_in_dim3A_72 = vector.shape_cast %broadcast_in_dim3A_69 : vector<8x1xf32> to vector<8x1xf32>
    %broadcast_in_dim3A_73 = vector.broadcast %broadcast_in_dim3A_72 : vector<8x1xf32> to vector<8x2048xf32>
    %select_n3A_74 = arith.select %broadcast_in_dim3A_71, %broadcast_in_dim3A_73, %select_n3A_62 : vector<8x2048xi1>, vector<8x2048xf32>
    %eq3A_75 = arith.constant 6 : i32
    %eq3A_76 = vector.broadcast %eq3A_75 : i32 to vector<2048xi32>
    %eq3A_77 = arith.cmpi eq, %get3A_2, %eq3A_76 : vector<2048xi32>
    %broadcast_in_dim3A_78 = vector.shape_cast %eq3A_77 : vector<2048xi1> to vector<1x2048xi1>
    %slice3A_79 = vector.extract_strided_slice %get3A_5 {offsets = [6, 0], sizes = [1, 8], strides = [1, 1]} : vector<32x8xf32> to vector<1x8xf32>
    %squeeze3A_80 = vector.shape_cast %slice3A_79 : vector<1x8xf32> to vector<8xf32>
    %broadcast_in_dim3A_81 = vector.shape_cast %squeeze3A_80 : vector<8xf32> to vector<8x1xf32>
    %broadcast_in_dim3A_82 = vector.shape_cast %broadcast_in_dim3A_78 : vector<1x2048xi1> to vector<1x2048xi1>
    %broadcast_in_dim3A_83 = vector.broadcast %broadcast_in_dim3A_82 : vector<1x2048xi1> to vector<8x2048xi1>
    %broadcast_in_dim3A_84 = vector.shape_cast %broadcast_in_dim3A_81 : vector<8x1xf32> to vector<8x1xf32>
    %broadcast_in_dim3A_85 = vector.broadcast %broadcast_in_dim3A_84 : vector<8x1xf32> to vector<8x2048xf32>
    %select_n3A_86 = arith.select %broadcast_in_dim3A_83, %broadcast_in_dim3A_85, %select_n3A_74 : vector<8x2048xi1>, vector<8x2048xf32>
    %eq3A_87 = arith.constant 7 : i32
    %eq3A_88 = vector.broadcast %eq3A_87 : i32 to vector<2048xi32>
    %eq3A_89 = arith.cmpi eq, %get3A_2, %eq3A_88 : vector<2048xi32>
    %broadcast_in_dim3A_90 = vector.shape_cast %eq3A_89 : vector<2048xi1> to vector<1x2048xi1>
    %slice3A_91 = vector.extract_strided_slice %get3A_5 {offsets = [7, 0], sizes = [1, 8], strides = [1, 1]} : vector<32x8xf32> to vector<1x8xf32>
    %squeeze3A_92 = vector.shape_cast %slice3A_91 : vector<1x8xf32> to vector<8xf32>
    %broadcast_in_dim3A_93 = vector.shape_cast %squeeze3A_92 : vector<8xf32> to vector<8x1xf32>
    %broadcast_in_dim3A_94 = vector.shape_cast %broadcast_in_dim3A_90 : vector<1x2048xi1> to vector<1x2048xi1>
    %broadcast_in_dim3A_95 = vector.broadcast %broadcast_in_dim3A_94 : vector<1x2048xi1> to vector<8x2048xi1>
    %broadcast_in_dim3A_96 = vector.shape_cast %broadcast_in_dim3A_93 : vector<8x1xf32> to vector<8x1xf32>
    %broadcast_in_dim3A_97 = vector.broadcast %broadcast_in_dim3A_96 : vector<8x1xf32> to vector<8x2048xf32>
    %select_n3A_98 = arith.select %broadcast_in_dim3A_95, %broadcast_in_dim3A_97, %select_n3A_86 : vector<8x2048xi1>, vector<8x2048xf32>
    %eq3A_99 = arith.constant 8 : i32
    %eq3A_100 = vector.broadcast %eq3A_99 : i32 to vector<2048xi32>
    %eq3A_101 = arith.cmpi eq, %get3A_2, %eq3A_100 : vector<2048xi32>
    %broadcast_in_dim3A_102 = vector.shape_cast %eq3A_101 : vector<2048xi1> to vector<1x2048xi1>
    %slice3A_103 = vector.extract_strided_slice %get3A_5 {offsets = [8, 0], sizes = [1, 8], strides = [1, 1]} : vector<32x8xf32> to vector<1x8xf32>
    %squeeze3A_104 = vector.shape_cast %slice3A_103 : vector<1x8xf32> to vector<8xf32>
    %broadcast_in_dim3A_105 = vector.shape_cast %squeeze3A_104 : vector<8xf32> to vector<8x1xf32>
    %broadcast_in_dim3A_106 = vector.shape_cast %broadcast_in_dim3A_102 : vector<1x2048xi1> to vector<1x2048xi1>
    %broadcast_in_dim3A_107 = vector.broadcast %broadcast_in_dim3A_106 : vector<1x2048xi1> to vector<8x2048xi1>
    %broadcast_in_dim3A_108 = vector.shape_cast %broadcast_in_dim3A_105 : vector<8x1xf32> to vector<8x1xf32>
    %broadcast_in_dim3A_109 = vector.broadcast %broadcast_in_dim3A_108 : vector<8x1xf32> to vector<8x2048xf32>
    %select_n3A_110 = arith.select %broadcast_in_dim3A_107, %broadcast_in_dim3A_109, %select_n3A_98 : vector<8x2048xi1>, vector<8x2048xf32>
    %eq3A_111 = arith.constant 9 : i32
    %eq3A_112 = vector.broadcast %eq3A_111 : i32 to vector<2048xi32>
    %eq3A_113 = arith.cmpi eq, %get3A_2, %eq3A_112 : vector<2048xi32>
    %broadcast_in_dim3A_114 = vector.shape_cast %eq3A_113 : vector<2048xi1> to vector<1x2048xi1>
    %slice3A_115 = vector.extract_strided_slice %get3A_5 {offsets = [9, 0], sizes = [1, 8], strides = [1, 1]} : vector<32x8xf32> to vector<1x8xf32>
    %squeeze3A_116 = vector.shape_cast %slice3A_115 : vector<1x8xf32> to vector<8xf32>
    %broadcast_in_dim3A_117 = vector.shape_cast %squeeze3A_116 : vector<8xf32> to vector<8x1xf32>
    %broadcast_in_dim3A_118 = vector.shape_cast %broadcast_in_dim3A_114 : vector<1x2048xi1> to vector<1x2048xi1>
    %broadcast_in_dim3A_119 = vector.broadcast %broadcast_in_dim3A_118 : vector<1x2048xi1> to vector<8x2048xi1>
    %broadcast_in_dim3A_120 = vector.shape_cast %broadcast_in_dim3A_117 : vector<8x1xf32> to vector<8x1xf32>
    %broadcast_in_dim3A_121 = vector.broadcast %broadcast_in_dim3A_120 : vector<8x1xf32> to vector<8x2048xf32>
    %select_n3A_122 = arith.select %broadcast_in_dim3A_119, %broadcast_in_dim3A_121, %select_n3A_110 : vector<8x2048xi1>, vector<8x2048xf32>
    %eq3A_123 = arith.constant 10 : i32
    %eq3A_124 = vector.broadcast %eq3A_123 : i32 to vector<2048xi32>
    %eq3A_125 = arith.cmpi eq, %get3A_2, %eq3A_124 : vector<2048xi32>
    %broadcast_in_dim3A_126 = vector.shape_cast %eq3A_125 : vector<2048xi1> to vector<1x2048xi1>
    %slice3A_127 = vector.extract_strided_slice %get3A_5 {offsets = [10, 0], sizes = [1, 8], strides = [1, 1]} : vector<32x8xf32> to vector<1x8xf32>
    %squeeze3A_128 = vector.shape_cast %slice3A_127 : vector<1x8xf32> to vector<8xf32>
    %broadcast_in_dim3A_129 = vector.shape_cast %squeeze3A_128 : vector<8xf32> to vector<8x1xf32>
    %broadcast_in_dim3A_130 = vector.shape_cast %broadcast_in_dim3A_126 : vector<1x2048xi1> to vector<1x2048xi1>
    %broadcast_in_dim3A_131 = vector.broadcast %broadcast_in_dim3A_130 : vector<1x2048xi1> to vector<8x2048xi1>
    %broadcast_in_dim3A_132 = vector.shape_cast %broadcast_in_dim3A_129 : vector<8x1xf32> to vector<8x1xf32>
    %broadcast_in_dim3A_133 = vector.broadcast %broadcast_in_dim3A_132 : vector<8x1xf32> to vector<8x2048xf32>
    %select_n3A_134 = arith.select %broadcast_in_dim3A_131, %broadcast_in_dim3A_133, %select_n3A_122 : vector<8x2048xi1>, vector<8x2048xf32>
    %eq3A_135 = arith.constant 11 : i32
    %eq3A_136 = vector.broadcast %eq3A_135 : i32 to vector<2048xi32>
    %eq3A_137 = arith.cmpi eq, %get3A_2, %eq3A_136 : vector<2048xi32>
    %broadcast_in_dim3A_138 = vector.shape_cast %eq3A_137 : vector<2048xi1> to vector<1x2048xi1>
    %slice3A_139 = vector.extract_strided_slice %get3A_5 {offsets = [11, 0], sizes = [1, 8], strides = [1, 1]} : vector<32x8xf32> to vector<1x8xf32>
    %squeeze3A_140 = vector.shape_cast %slice3A_139 : vector<1x8xf32> to vector<8xf32>
    %broadcast_in_dim3A_141 = vector.shape_cast %squeeze3A_140 : vector<8xf32> to vector<8x1xf32>
    %broadcast_in_dim3A_142 = vector.shape_cast %broadcast_in_dim3A_138 : vector<1x2048xi1> to vector<1x2048xi1>
    %broadcast_in_dim3A_143 = vector.broadcast %broadcast_in_dim3A_142 : vector<1x2048xi1> to vector<8x2048xi1>
    %broadcast_in_dim3A_144 = vector.shape_cast %broadcast_in_dim3A_141 : vector<8x1xf32> to vector<8x1xf32>
    %broadcast_in_dim3A_145 = vector.broadcast %broadcast_in_dim3A_144 : vector<8x1xf32> to vector<8x2048xf32>
    %select_n3A_146 = arith.select %broadcast_in_dim3A_143, %broadcast_in_dim3A_145, %select_n3A_134 : vector<8x2048xi1>, vector<8x2048xf32>
    %eq3A_147 = arith.constant 12 : i32
    %eq3A_148 = vector.broadcast %eq3A_147 : i32 to vector<2048xi32>
    %eq3A_149 = arith.cmpi eq, %get3A_2, %eq3A_148 : vector<2048xi32>
    %broadcast_in_dim3A_150 = vector.shape_cast %eq3A_149 : vector<2048xi1> to vector<1x2048xi1>
    %slice3A_151 = vector.extract_strided_slice %get3A_5 {offsets = [12, 0], sizes = [1, 8], strides = [1, 1]} : vector<32x8xf32> to vector<1x8xf32>
    %squeeze3A_152 = vector.shape_cast %slice3A_151 : vector<1x8xf32> to vector<8xf32>
    %broadcast_in_dim3A_153 = vector.shape_cast %squeeze3A_152 : vector<8xf32> to vector<8x1xf32>
    %broadcast_in_dim3A_154 = vector.shape_cast %broadcast_in_dim3A_150 : vector<1x2048xi1> to vector<1x2048xi1>
    %broadcast_in_dim3A_155 = vector.broadcast %broadcast_in_dim3A_154 : vector<1x2048xi1> to vector<8x2048xi1>
    %broadcast_in_dim3A_156 = vector.shape_cast %broadcast_in_dim3A_153 : vector<8x1xf32> to vector<8x1xf32>
    %broadcast_in_dim3A_157 = vector.broadcast %broadcast_in_dim3A_156 : vector<8x1xf32> to vector<8x2048xf32>
    %select_n3A_158 = arith.select %broadcast_in_dim3A_155, %broadcast_in_dim3A_157, %select_n3A_146 : vector<8x2048xi1>, vector<8x2048xf32>
    %eq3A_159 = arith.constant 13 : i32
    %eq3A_160 = vector.broadcast %eq3A_159 : i32 to vector<2048xi32>
    %eq3A_161 = arith.cmpi eq, %get3A_2, %eq3A_160 : vector<2048xi32>
    %broadcast_in_dim3A_162 = vector.shape_cast %eq3A_161 : vector<2048xi1> to vector<1x2048xi1>
    %slice3A_163 = vector.extract_strided_slice %get3A_5 {offsets = [13, 0], sizes = [1, 8], strides = [1, 1]} : vector<32x8xf32> to vector<1x8xf32>
    %squeeze3A_164 = vector.shape_cast %slice3A_163 : vector<1x8xf32> to vector<8xf32>
    %broadcast_in_dim3A_165 = vector.shape_cast %squeeze3A_164 : vector<8xf32> to vector<8x1xf32>
    %broadcast_in_dim3A_166 = vector.shape_cast %broadcast_in_dim3A_162 : vector<1x2048xi1> to vector<1x2048xi1>
    %broadcast_in_dim3A_167 = vector.broadcast %broadcast_in_dim3A_166 : vector<1x2048xi1> to vector<8x2048xi1>
    %broadcast_in_dim3A_168 = vector.shape_cast %broadcast_in_dim3A_165 : vector<8x1xf32> to vector<8x1xf32>
    %broadcast_in_dim3A_169 = vector.broadcast %broadcast_in_dim3A_168 : vector<8x1xf32> to vector<8x2048xf32>
    %select_n3A_170 = arith.select %broadcast_in_dim3A_167, %broadcast_in_dim3A_169, %select_n3A_158 : vector<8x2048xi1>, vector<8x2048xf32>
    %eq3A_171 = arith.constant 14 : i32
    %eq3A_172 = vector.broadcast %eq3A_171 : i32 to vector<2048xi32>
    %eq3A_173 = arith.cmpi eq, %get3A_2, %eq3A_172 : vector<2048xi32>
    %broadcast_in_dim3A_174 = vector.shape_cast %eq3A_173 : vector<2048xi1> to vector<1x2048xi1>
    %slice3A_175 = vector.extract_strided_slice %get3A_5 {offsets = [14, 0], sizes = [1, 8], strides = [1, 1]} : vector<32x8xf32> to vector<1x8xf32>
    %squeeze3A_176 = vector.shape_cast %slice3A_175 : vector<1x8xf32> to vector<8xf32>
    %broadcast_in_dim3A_177 = vector.shape_cast %squeeze3A_176 : vector<8xf32> to vector<8x1xf32>
    %broadcast_in_dim3A_178 = vector.shape_cast %broadcast_in_dim3A_174 : vector<1x2048xi1> to vector<1x2048xi1>
    %broadcast_in_dim3A_179 = vector.broadcast %broadcast_in_dim3A_178 : vector<1x2048xi1> to vector<8x2048xi1>
    %broadcast_in_dim3A_180 = vector.shape_cast %broadcast_in_dim3A_177 : vector<8x1xf32> to vector<8x1xf32>
    %broadcast_in_dim3A_181 = vector.broadcast %broadcast_in_dim3A_180 : vector<8x1xf32> to vector<8x2048xf32>
    %select_n3A_182 = arith.select %broadcast_in_dim3A_179, %broadcast_in_dim3A_181, %select_n3A_170 : vector<8x2048xi1>, vector<8x2048xf32>
    %eq3A_183 = arith.constant 15 : i32
    %eq3A_184 = vector.broadcast %eq3A_183 : i32 to vector<2048xi32>
    %eq3A_185 = arith.cmpi eq, %get3A_2, %eq3A_184 : vector<2048xi32>
    %broadcast_in_dim3A_186 = vector.shape_cast %eq3A_185 : vector<2048xi1> to vector<1x2048xi1>
    %slice3A_187 = vector.extract_strided_slice %get3A_5 {offsets = [15, 0], sizes = [1, 8], strides = [1, 1]} : vector<32x8xf32> to vector<1x8xf32>
    %squeeze3A_188 = vector.shape_cast %slice3A_187 : vector<1x8xf32> to vector<8xf32>
    %broadcast_in_dim3A_189 = vector.shape_cast %squeeze3A_188 : vector<8xf32> to vector<8x1xf32>
    %broadcast_in_dim3A_190 = vector.shape_cast %broadcast_in_dim3A_186 : vector<1x2048xi1> to vector<1x2048xi1>
    %broadcast_in_dim3A_191 = vector.broadcast %broadcast_in_dim3A_190 : vector<1x2048xi1> to vector<8x2048xi1>
    %broadcast_in_dim3A_192 = vector.shape_cast %broadcast_in_dim3A_189 : vector<8x1xf32> to vector<8x1xf32>
    %broadcast_in_dim3A_193 = vector.broadcast %broadcast_in_dim3A_192 : vector<8x1xf32> to vector<8x2048xf32>
    %select_n3A_194 = arith.select %broadcast_in_dim3A_191, %broadcast_in_dim3A_193, %select_n3A_182 : vector<8x2048xi1>, vector<8x2048xf32>
    %eq3A_195 = arith.constant 16 : i32
    %eq3A_196 = vector.broadcast %eq3A_195 : i32 to vector<2048xi32>
    %eq3A_197 = arith.cmpi eq, %get3A_2, %eq3A_196 : vector<2048xi32>
    %broadcast_in_dim3A_198 = vector.shape_cast %eq3A_197 : vector<2048xi1> to vector<1x2048xi1>
    %slice3A_199 = vector.extract_strided_slice %get3A_5 {offsets = [16, 0], sizes = [1, 8], strides = [1, 1]} : vector<32x8xf32> to vector<1x8xf32>
    %squeeze3A_200 = vector.shape_cast %slice3A_199 : vector<1x8xf32> to vector<8xf32>
    %broadcast_in_dim3A_201 = vector.shape_cast %squeeze3A_200 : vector<8xf32> to vector<8x1xf32>
    %broadcast_in_dim3A_202 = vector.shape_cast %broadcast_in_dim3A_198 : vector<1x2048xi1> to vector<1x2048xi1>
    %broadcast_in_dim3A_203 = vector.broadcast %broadcast_in_dim3A_202 : vector<1x2048xi1> to vector<8x2048xi1>
    %broadcast_in_dim3A_204 = vector.shape_cast %broadcast_in_dim3A_201 : vector<8x1xf32> to vector<8x1xf32>
    %broadcast_in_dim3A_205 = vector.broadcast %broadcast_in_dim3A_204 : vector<8x1xf32> to vector<8x2048xf32>
    %select_n3A_206 = arith.select %broadcast_in_dim3A_203, %broadcast_in_dim3A_205, %select_n3A_194 : vector<8x2048xi1>, vector<8x2048xf32>
    %eq3A_207 = arith.constant 17 : i32
    %eq3A_208 = vector.broadcast %eq3A_207 : i32 to vector<2048xi32>
    %eq3A_209 = arith.cmpi eq, %get3A_2, %eq3A_208 : vector<2048xi32>
    %broadcast_in_dim3A_210 = vector.shape_cast %eq3A_209 : vector<2048xi1> to vector<1x2048xi1>
    %slice3A_211 = vector.extract_strided_slice %get3A_5 {offsets = [17, 0], sizes = [1, 8], strides = [1, 1]} : vector<32x8xf32> to vector<1x8xf32>
    %squeeze3A_212 = vector.shape_cast %slice3A_211 : vector<1x8xf32> to vector<8xf32>
    %broadcast_in_dim3A_213 = vector.shape_cast %squeeze3A_212 : vector<8xf32> to vector<8x1xf32>
    %broadcast_in_dim3A_214 = vector.shape_cast %broadcast_in_dim3A_210 : vector<1x2048xi1> to vector<1x2048xi1>
    %broadcast_in_dim3A_215 = vector.broadcast %broadcast_in_dim3A_214 : vector<1x2048xi1> to vector<8x2048xi1>
    %broadcast_in_dim3A_216 = vector.shape_cast %broadcast_in_dim3A_213 : vector<8x1xf32> to vector<8x1xf32>
    %broadcast_in_dim3A_217 = vector.broadcast %broadcast_in_dim3A_216 : vector<8x1xf32> to vector<8x2048xf32>
    %select_n3A_218 = arith.select %broadcast_in_dim3A_215, %broadcast_in_dim3A_217, %select_n3A_206 : vector<8x2048xi1>, vector<8x2048xf32>
    %eq3A_219 = arith.constant 18 : i32
    %eq3A_220 = vector.broadcast %eq3A_219 : i32 to vector<2048xi32>
    %eq3A_221 = arith.cmpi eq, %get3A_2, %eq3A_220 : vector<2048xi32>
    %broadcast_in_dim3A_222 = vector.shape_cast %eq3A_221 : vector<2048xi1> to vector<1x2048xi1>
    %slice3A_223 = vector.extract_strided_slice %get3A_5 {offsets = [18, 0], sizes = [1, 8], strides = [1, 1]} : vector<32x8xf32> to vector<1x8xf32>
    %squeeze3A_224 = vector.shape_cast %slice3A_223 : vector<1x8xf32> to vector<8xf32>
    %broadcast_in_dim3A_225 = vector.shape_cast %squeeze3A_224 : vector<8xf32> to vector<8x1xf32>
    %broadcast_in_dim3A_226 = vector.shape_cast %broadcast_in_dim3A_222 : vector<1x2048xi1> to vector<1x2048xi1>
    %broadcast_in_dim3A_227 = vector.broadcast %broadcast_in_dim3A_226 : vector<1x2048xi1> to vector<8x2048xi1>
    %broadcast_in_dim3A_228 = vector.shape_cast %broadcast_in_dim3A_225 : vector<8x1xf32> to vector<8x1xf32>
    %broadcast_in_dim3A_229 = vector.broadcast %broadcast_in_dim3A_228 : vector<8x1xf32> to vector<8x2048xf32>
    %select_n3A_230 = arith.select %broadcast_in_dim3A_227, %broadcast_in_dim3A_229, %select_n3A_218 : vector<8x2048xi1>, vector<8x2048xf32>
    %eq3A_231 = arith.constant 19 : i32
    %eq3A_232 = vector.broadcast %eq3A_231 : i32 to vector<2048xi32>
    %eq3A_233 = arith.cmpi eq, %get3A_2, %eq3A_232 : vector<2048xi32>
    %broadcast_in_dim3A_234 = vector.shape_cast %eq3A_233 : vector<2048xi1> to vector<1x2048xi1>
    %slice3A_235 = vector.extract_strided_slice %get3A_5 {offsets = [19, 0], sizes = [1, 8], strides = [1, 1]} : vector<32x8xf32> to vector<1x8xf32>
    %squeeze3A_236 = vector.shape_cast %slice3A_235 : vector<1x8xf32> to vector<8xf32>
    %broadcast_in_dim3A_237 = vector.shape_cast %squeeze3A_236 : vector<8xf32> to vector<8x1xf32>
    %broadcast_in_dim3A_238 = vector.shape_cast %broadcast_in_dim3A_234 : vector<1x2048xi1> to vector<1x2048xi1>
    %broadcast_in_dim3A_239 = vector.broadcast %broadcast_in_dim3A_238 : vector<1x2048xi1> to vector<8x2048xi1>
    %broadcast_in_dim3A_240 = vector.shape_cast %broadcast_in_dim3A_237 : vector<8x1xf32> to vector<8x1xf32>
    %broadcast_in_dim3A_241 = vector.broadcast %broadcast_in_dim3A_240 : vector<8x1xf32> to vector<8x2048xf32>
    %select_n3A_242 = arith.select %broadcast_in_dim3A_239, %broadcast_in_dim3A_241, %select_n3A_230 : vector<8x2048xi1>, vector<8x2048xf32>
    %eq3A_243 = arith.constant 20 : i32
    %eq3A_244 = vector.broadcast %eq3A_243 : i32 to vector<2048xi32>
    %eq3A_245 = arith.cmpi eq, %get3A_2, %eq3A_244 : vector<2048xi32>
    %broadcast_in_dim3A_246 = vector.shape_cast %eq3A_245 : vector<2048xi1> to vector<1x2048xi1>
    %slice3A_247 = vector.extract_strided_slice %get3A_5 {offsets = [20, 0], sizes = [1, 8], strides = [1, 1]} : vector<32x8xf32> to vector<1x8xf32>
    %squeeze3A_248 = vector.shape_cast %slice3A_247 : vector<1x8xf32> to vector<8xf32>
    %broadcast_in_dim3A_249 = vector.shape_cast %squeeze3A_248 : vector<8xf32> to vector<8x1xf32>
    %broadcast_in_dim3A_250 = vector.shape_cast %broadcast_in_dim3A_246 : vector<1x2048xi1> to vector<1x2048xi1>
    %broadcast_in_dim3A_251 = vector.broadcast %broadcast_in_dim3A_250 : vector<1x2048xi1> to vector<8x2048xi1>
    %broadcast_in_dim3A_252 = vector.shape_cast %broadcast_in_dim3A_249 : vector<8x1xf32> to vector<8x1xf32>
    %broadcast_in_dim3A_253 = vector.broadcast %broadcast_in_dim3A_252 : vector<8x1xf32> to vector<8x2048xf32>
    %select_n3A_254 = arith.select %broadcast_in_dim3A_251, %broadcast_in_dim3A_253, %select_n3A_242 : vector<8x2048xi1>, vector<8x2048xf32>
    %eq3A_255 = arith.constant 21 : i32
    %eq3A_256 = vector.broadcast %eq3A_255 : i32 to vector<2048xi32>
    %eq3A_257 = arith.cmpi eq, %get3A_2, %eq3A_256 : vector<2048xi32>
    %broadcast_in_dim3A_258 = vector.shape_cast %eq3A_257 : vector<2048xi1> to vector<1x2048xi1>
    %slice3A_259 = vector.extract_strided_slice %get3A_5 {offsets = [21, 0], sizes = [1, 8], strides = [1, 1]} : vector<32x8xf32> to vector<1x8xf32>
    %squeeze3A_260 = vector.shape_cast %slice3A_259 : vector<1x8xf32> to vector<8xf32>
    %broadcast_in_dim3A_261 = vector.shape_cast %squeeze3A_260 : vector<8xf32> to vector<8x1xf32>
    %broadcast_in_dim3A_262 = vector.shape_cast %broadcast_in_dim3A_258 : vector<1x2048xi1> to vector<1x2048xi1>
    %broadcast_in_dim3A_263 = vector.broadcast %broadcast_in_dim3A_262 : vector<1x2048xi1> to vector<8x2048xi1>
    %broadcast_in_dim3A_264 = vector.shape_cast %broadcast_in_dim3A_261 : vector<8x1xf32> to vector<8x1xf32>
    %broadcast_in_dim3A_265 = vector.broadcast %broadcast_in_dim3A_264 : vector<8x1xf32> to vector<8x2048xf32>
    %select_n3A_266 = arith.select %broadcast_in_dim3A_263, %broadcast_in_dim3A_265, %select_n3A_254 : vector<8x2048xi1>, vector<8x2048xf32>
    %eq3A_267 = arith.constant 22 : i32
    %eq3A_268 = vector.broadcast %eq3A_267 : i32 to vector<2048xi32>
    %eq3A_269 = arith.cmpi eq, %get3A_2, %eq3A_268 : vector<2048xi32>
    %broadcast_in_dim3A_270 = vector.shape_cast %eq3A_269 : vector<2048xi1> to vector<1x2048xi1>
    %slice3A_271 = vector.extract_strided_slice %get3A_5 {offsets = [22, 0], sizes = [1, 8], strides = [1, 1]} : vector<32x8xf32> to vector<1x8xf32>
    %squeeze3A_272 = vector.shape_cast %slice3A_271 : vector<1x8xf32> to vector<8xf32>
    %broadcast_in_dim3A_273 = vector.shape_cast %squeeze3A_272 : vector<8xf32> to vector<8x1xf32>
    %broadcast_in_dim3A_274 = vector.shape_cast %broadcast_in_dim3A_270 : vector<1x2048xi1> to vector<1x2048xi1>
    %broadcast_in_dim3A_275 = vector.broadcast %broadcast_in_dim3A_274 : vector<1x2048xi1> to vector<8x2048xi1>
    %broadcast_in_dim3A_276 = vector.shape_cast %broadcast_in_dim3A_273 : vector<8x1xf32> to vector<8x1xf32>
    %broadcast_in_dim3A_277 = vector.broadcast %broadcast_in_dim3A_276 : vector<8x1xf32> to vector<8x2048xf32>
    %select_n3A_278 = arith.select %broadcast_in_dim3A_275, %broadcast_in_dim3A_277, %select_n3A_266 : vector<8x2048xi1>, vector<8x2048xf32>
    %eq3A_279 = arith.constant 23 : i32
    %eq3A_280 = vector.broadcast %eq3A_279 : i32 to vector<2048xi32>
    %eq3A_281 = arith.cmpi eq, %get3A_2, %eq3A_280 : vector<2048xi32>
    %broadcast_in_dim3A_282 = vector.shape_cast %eq3A_281 : vector<2048xi1> to vector<1x2048xi1>
    %slice3A_283 = vector.extract_strided_slice %get3A_5 {offsets = [23, 0], sizes = [1, 8], strides = [1, 1]} : vector<32x8xf32> to vector<1x8xf32>
    %squeeze3A_284 = vector.shape_cast %slice3A_283 : vector<1x8xf32> to vector<8xf32>
    %broadcast_in_dim3A_285 = vector.shape_cast %squeeze3A_284 : vector<8xf32> to vector<8x1xf32>
    %broadcast_in_dim3A_286 = vector.shape_cast %broadcast_in_dim3A_282 : vector<1x2048xi1> to vector<1x2048xi1>
    %broadcast_in_dim3A_287 = vector.broadcast %broadcast_in_dim3A_286 : vector<1x2048xi1> to vector<8x2048xi1>
    %broadcast_in_dim3A_288 = vector.shape_cast %broadcast_in_dim3A_285 : vector<8x1xf32> to vector<8x1xf32>
    %broadcast_in_dim3A_289 = vector.broadcast %broadcast_in_dim3A_288 : vector<8x1xf32> to vector<8x2048xf32>
    %select_n3A_290 = arith.select %broadcast_in_dim3A_287, %broadcast_in_dim3A_289, %select_n3A_278 : vector<8x2048xi1>, vector<8x2048xf32>
    %eq3A_291 = arith.constant 24 : i32
    %eq3A_292 = vector.broadcast %eq3A_291 : i32 to vector<2048xi32>
    %eq3A_293 = arith.cmpi eq, %get3A_2, %eq3A_292 : vector<2048xi32>
    %broadcast_in_dim3A_294 = vector.shape_cast %eq3A_293 : vector<2048xi1> to vector<1x2048xi1>
    %slice3A_295 = vector.extract_strided_slice %get3A_5 {offsets = [24, 0], sizes = [1, 8], strides = [1, 1]} : vector<32x8xf32> to vector<1x8xf32>
    %squeeze3A_296 = vector.shape_cast %slice3A_295 : vector<1x8xf32> to vector<8xf32>
    %broadcast_in_dim3A_297 = vector.shape_cast %squeeze3A_296 : vector<8xf32> to vector<8x1xf32>
    %broadcast_in_dim3A_298 = vector.shape_cast %broadcast_in_dim3A_294 : vector<1x2048xi1> to vector<1x2048xi1>
    %broadcast_in_dim3A_299 = vector.broadcast %broadcast_in_dim3A_298 : vector<1x2048xi1> to vector<8x2048xi1>
    %broadcast_in_dim3A_300 = vector.shape_cast %broadcast_in_dim3A_297 : vector<8x1xf32> to vector<8x1xf32>
    %broadcast_in_dim3A_301 = vector.broadcast %broadcast_in_dim3A_300 : vector<8x1xf32> to vector<8x2048xf32>
    %select_n3A_302 = arith.select %broadcast_in_dim3A_299, %broadcast_in_dim3A_301, %select_n3A_290 : vector<8x2048xi1>, vector<8x2048xf32>
    %eq3A_303 = arith.constant 25 : i32
    %eq3A_304 = vector.broadcast %eq3A_303 : i32 to vector<2048xi32>
    %eq3A_305 = arith.cmpi eq, %get3A_2, %eq3A_304 : vector<2048xi32>
    %broadcast_in_dim3A_306 = vector.shape_cast %eq3A_305 : vector<2048xi1> to vector<1x2048xi1>
    %slice3A_307 = vector.extract_strided_slice %get3A_5 {offsets = [25, 0], sizes = [1, 8], strides = [1, 1]} : vector<32x8xf32> to vector<1x8xf32>
    %squeeze3A_308 = vector.shape_cast %slice3A_307 : vector<1x8xf32> to vector<8xf32>
    %broadcast_in_dim3A_309 = vector.shape_cast %squeeze3A_308 : vector<8xf32> to vector<8x1xf32>
    %broadcast_in_dim3A_310 = vector.shape_cast %broadcast_in_dim3A_306 : vector<1x2048xi1> to vector<1x2048xi1>
    %broadcast_in_dim3A_311 = vector.broadcast %broadcast_in_dim3A_310 : vector<1x2048xi1> to vector<8x2048xi1>
    %broadcast_in_dim3A_312 = vector.shape_cast %broadcast_in_dim3A_309 : vector<8x1xf32> to vector<8x1xf32>
    %broadcast_in_dim3A_313 = vector.broadcast %broadcast_in_dim3A_312 : vector<8x1xf32> to vector<8x2048xf32>
    %select_n3A_314 = arith.select %broadcast_in_dim3A_311, %broadcast_in_dim3A_313, %select_n3A_302 : vector<8x2048xi1>, vector<8x2048xf32>
    %eq3A_315 = arith.constant 26 : i32
    %eq3A_316 = vector.broadcast %eq3A_315 : i32 to vector<2048xi32>
    %eq3A_317 = arith.cmpi eq, %get3A_2, %eq3A_316 : vector<2048xi32>
    %broadcast_in_dim3A_318 = vector.shape_cast %eq3A_317 : vector<2048xi1> to vector<1x2048xi1>
    %slice3A_319 = vector.extract_strided_slice %get3A_5 {offsets = [26, 0], sizes = [1, 8], strides = [1, 1]} : vector<32x8xf32> to vector<1x8xf32>
    %squeeze3A_320 = vector.shape_cast %slice3A_319 : vector<1x8xf32> to vector<8xf32>
    %broadcast_in_dim3A_321 = vector.shape_cast %squeeze3A_320 : vector<8xf32> to vector<8x1xf32>
    %broadcast_in_dim3A_322 = vector.shape_cast %broadcast_in_dim3A_318 : vector<1x2048xi1> to vector<1x2048xi1>
    %broadcast_in_dim3A_323 = vector.broadcast %broadcast_in_dim3A_322 : vector<1x2048xi1> to vector<8x2048xi1>
    %broadcast_in_dim3A_324 = vector.shape_cast %broadcast_in_dim3A_321 : vector<8x1xf32> to vector<8x1xf32>
    %broadcast_in_dim3A_325 = vector.broadcast %broadcast_in_dim3A_324 : vector<8x1xf32> to vector<8x2048xf32>
    %select_n3A_326 = arith.select %broadcast_in_dim3A_323, %broadcast_in_dim3A_325, %select_n3A_314 : vector<8x2048xi1>, vector<8x2048xf32>
    %eq3A_327 = arith.constant 27 : i32
    %eq3A_328 = vector.broadcast %eq3A_327 : i32 to vector<2048xi32>
    %eq3A_329 = arith.cmpi eq, %get3A_2, %eq3A_328 : vector<2048xi32>
    %broadcast_in_dim3A_330 = vector.shape_cast %eq3A_329 : vector<2048xi1> to vector<1x2048xi1>
    %slice3A_331 = vector.extract_strided_slice %get3A_5 {offsets = [27, 0], sizes = [1, 8], strides = [1, 1]} : vector<32x8xf32> to vector<1x8xf32>
    %squeeze3A_332 = vector.shape_cast %slice3A_331 : vector<1x8xf32> to vector<8xf32>
    %broadcast_in_dim3A_333 = vector.shape_cast %squeeze3A_332 : vector<8xf32> to vector<8x1xf32>
    %broadcast_in_dim3A_334 = vector.shape_cast %broadcast_in_dim3A_330 : vector<1x2048xi1> to vector<1x2048xi1>
    %broadcast_in_dim3A_335 = vector.broadcast %broadcast_in_dim3A_334 : vector<1x2048xi1> to vector<8x2048xi1>
    %broadcast_in_dim3A_336 = vector.shape_cast %broadcast_in_dim3A_333 : vector<8x1xf32> to vector<8x1xf32>
    %broadcast_in_dim3A_337 = vector.broadcast %broadcast_in_dim3A_336 : vector<8x1xf32> to vector<8x2048xf32>
    %select_n3A_338 = arith.select %broadcast_in_dim3A_335, %broadcast_in_dim3A_337, %select_n3A_326 : vector<8x2048xi1>, vector<8x2048xf32>
    %eq3A_339 = arith.constant 28 : i32
    %eq3A_340 = vector.broadcast %eq3A_339 : i32 to vector<2048xi32>
    %eq3A_341 = arith.cmpi eq, %get3A_2, %eq3A_340 : vector<2048xi32>
    %broadcast_in_dim3A_342 = vector.shape_cast %eq3A_341 : vector<2048xi1> to vector<1x2048xi1>
    %slice3A_343 = vector.extract_strided_slice %get3A_5 {offsets = [28, 0], sizes = [1, 8], strides = [1, 1]} : vector<32x8xf32> to vector<1x8xf32>
    %squeeze3A_344 = vector.shape_cast %slice3A_343 : vector<1x8xf32> to vector<8xf32>
    %broadcast_in_dim3A_345 = vector.shape_cast %squeeze3A_344 : vector<8xf32> to vector<8x1xf32>
    %broadcast_in_dim3A_346 = vector.shape_cast %broadcast_in_dim3A_342 : vector<1x2048xi1> to vector<1x2048xi1>
    %broadcast_in_dim3A_347 = vector.broadcast %broadcast_in_dim3A_346 : vector<1x2048xi1> to vector<8x2048xi1>
    %broadcast_in_dim3A_348 = vector.shape_cast %broadcast_in_dim3A_345 : vector<8x1xf32> to vector<8x1xf32>
    %broadcast_in_dim3A_349 = vector.broadcast %broadcast_in_dim3A_348 : vector<8x1xf32> to vector<8x2048xf32>
    %select_n3A_350 = arith.select %broadcast_in_dim3A_347, %broadcast_in_dim3A_349, %select_n3A_338 : vector<8x2048xi1>, vector<8x2048xf32>
    %eq3A_351 = arith.constant 29 : i32
    %eq3A_352 = vector.broadcast %eq3A_351 : i32 to vector<2048xi32>
    %eq3A_353 = arith.cmpi eq, %get3A_2, %eq3A_352 : vector<2048xi32>
    %broadcast_in_dim3A_354 = vector.shape_cast %eq3A_353 : vector<2048xi1> to vector<1x2048xi1>
    %slice3A_355 = vector.extract_strided_slice %get3A_5 {offsets = [29, 0], sizes = [1, 8], strides = [1, 1]} : vector<32x8xf32> to vector<1x8xf32>
    %squeeze3A_356 = vector.shape_cast %slice3A_355 : vector<1x8xf32> to vector<8xf32>
    %broadcast_in_dim3A_357 = vector.shape_cast %squeeze3A_356 : vector<8xf32> to vector<8x1xf32>
    %broadcast_in_dim3A_358 = vector.shape_cast %broadcast_in_dim3A_354 : vector<1x2048xi1> to vector<1x2048xi1>
    %broadcast_in_dim3A_359 = vector.broadcast %broadcast_in_dim3A_358 : vector<1x2048xi1> to vector<8x2048xi1>
    %broadcast_in_dim3A_360 = vector.shape_cast %broadcast_in_dim3A_357 : vector<8x1xf32> to vector<8x1xf32>
    %broadcast_in_dim3A_361 = vector.broadcast %broadcast_in_dim3A_360 : vector<8x1xf32> to vector<8x2048xf32>
    %select_n3A_362 = arith.select %broadcast_in_dim3A_359, %broadcast_in_dim3A_361, %select_n3A_350 : vector<8x2048xi1>, vector<8x2048xf32>
    %eq3A_363 = arith.constant 30 : i32
    %eq3A_364 = vector.broadcast %eq3A_363 : i32 to vector<2048xi32>
    %eq3A_365 = arith.cmpi eq, %get3A_2, %eq3A_364 : vector<2048xi32>
    %broadcast_in_dim3A_366 = vector.shape_cast %eq3A_365 : vector<2048xi1> to vector<1x2048xi1>
    %slice3A_367 = vector.extract_strided_slice %get3A_5 {offsets = [30, 0], sizes = [1, 8], strides = [1, 1]} : vector<32x8xf32> to vector<1x8xf32>
    %squeeze3A_368 = vector.shape_cast %slice3A_367 : vector<1x8xf32> to vector<8xf32>
    %broadcast_in_dim3A_369 = vector.shape_cast %squeeze3A_368 : vector<8xf32> to vector<8x1xf32>
    %broadcast_in_dim3A_370 = vector.shape_cast %broadcast_in_dim3A_366 : vector<1x2048xi1> to vector<1x2048xi1>
    %broadcast_in_dim3A_371 = vector.broadcast %broadcast_in_dim3A_370 : vector<1x2048xi1> to vector<8x2048xi1>
    %broadcast_in_dim3A_372 = vector.shape_cast %broadcast_in_dim3A_369 : vector<8x1xf32> to vector<8x1xf32>
    %broadcast_in_dim3A_373 = vector.broadcast %broadcast_in_dim3A_372 : vector<8x1xf32> to vector<8x2048xf32>
    %select_n3A_374 = arith.select %broadcast_in_dim3A_371, %broadcast_in_dim3A_373, %select_n3A_362 : vector<8x2048xi1>, vector<8x2048xf32>
    %eq3A_375 = arith.constant 31 : i32
    %eq3A_376 = vector.broadcast %eq3A_375 : i32 to vector<2048xi32>
    %eq3A_377 = arith.cmpi eq, %get3A_2, %eq3A_376 : vector<2048xi32>
    %broadcast_in_dim3A_378 = vector.shape_cast %eq3A_377 : vector<2048xi1> to vector<1x2048xi1>
    %slice3A_379 = vector.extract_strided_slice %get3A_5 {offsets = [31, 0], sizes = [1, 8], strides = [1, 1]} : vector<32x8xf32> to vector<1x8xf32>
    %squeeze3A_380 = vector.shape_cast %slice3A_379 : vector<1x8xf32> to vector<8xf32>
    %broadcast_in_dim3A_381 = vector.shape_cast %squeeze3A_380 : vector<8xf32> to vector<8x1xf32>
    %broadcast_in_dim3A_382 = vector.shape_cast %broadcast_in_dim3A_378 : vector<1x2048xi1> to vector<1x2048xi1>
    %broadcast_in_dim3A_383 = vector.broadcast %broadcast_in_dim3A_382 : vector<1x2048xi1> to vector<8x2048xi1>
    %broadcast_in_dim3A_384 = vector.shape_cast %broadcast_in_dim3A_381 : vector<8x1xf32> to vector<8x1xf32>
    %broadcast_in_dim3A_385 = vector.broadcast %broadcast_in_dim3A_384 : vector<8x1xf32> to vector<8x2048xf32>
    %select_n3A_386 = arith.select %broadcast_in_dim3A_383, %broadcast_in_dim3A_385, %select_n3A_374 : vector<8x2048xi1>, vector<8x2048xf32>
    %swap3A = arith.constant 0 : index
    %swap3A_387 = arith.constant 0 : index
    %swap3A_388 = vector.load %arg3[%swap3A, %swap3A_387] : memref<8x2048xf32, #tpu.memory_space<vmem>>, vector<8x2048xf32>
    tpu.vector_store %arg3[%swap3A, %swap3A_387], %select_n3A_386 {strides = array<i32>} : memref<8x2048xf32, #tpu.memory_space<vmem>>, vector<8x2048xf32>,
    return
  }
  func.func @transform_0(%arg0: i32) -> (i32, i32) {
    %c0_i32 = arith.constant 0 : i32
    %c0_i32_0 = arith.constant 0 : i32
    return %c0_i32, %arg0 : i32, i32
  }
  func.func @transform_1(%arg0: i32) -> (i32, i32) {
    %c0_i32 = arith.constant 0 : i32
    %c0_i32_0 = arith.constant 0 : i32
    %c0_i32_1 = arith.constant 0 : i32
    return %c0_i32, %c0_i32_0 : i32, i32
  }
  func.func @transform_2(%arg0: i32) -> (i32, i32) {
    %c0_i32 = arith.constant 0 : i32
    %c0_i32_0 = arith.constant 0 : i32
    return %c0_i32, %arg0 : i32, i32
  }
}

module attributes {stable_mosaic.version = 14 : i64} {
  func.func @_transpose_body(%arg0: i32, %arg1: i32, %arg2: memref<2176x256xf32, #tpu.memory_space<vmem>>, %arg3: memref<160x2176xf32, #tpu.memory_space<vmem>>) attributes {dimension_semantics = [#tpu.dimension_semantics<arbitrary>, #tpu.dimension_semantics<arbitrary>], iteration_bounds = array<i64: 23, 2>, scalar_prefetch = 0 : i64, scratch_operands = 0 : i64, tpu.core_type = #tpu.core_type<tc>, window_params = [{transform_indices = @transform_0, window_bounds = array<i64: 2176, 256>}, {transform_indices = @transform_1, window_bounds = array<i64: 160, 2176>}]} {
    %get3A = arith.constant 0 : index
    %get3A_0 = arith.constant 0 : index
    %get3A_1 = vector.load %arg2[%get3A, %get3A_0] : memref<2176x256xf32, #tpu.memory_space<vmem>>, vector<2176x256xf32>
    %slice3A = vector.extract_strided_slice %get3A_1 {offsets = [0, 0], sizes = [2176, 160], strides = [1, 1]} : vector<2176x256xf32> to vector<2176x160xf32>
    %transpose3A = tpu.transpose %slice3A, [1, 0] : vector<2176x160xf32> -> vector<160x2176xf32>
    %swap3A = arith.constant 0 : index
    %swap3A_2 = arith.constant 0 : index
    %swap3A_3 = vector.load %arg3[%swap3A, %swap3A_2] : memref<160x2176xf32, #tpu.memory_space<vmem>>, vector<160x2176xf32>
    tpu.vector_store %arg3[%swap3A, %swap3A_2], %transpose3A {strides = array<i32>} : memref<160x2176xf32, #tpu.memory_space<vmem>>, vector<160x2176xf32>,
    return
  }
  func.func @transform_0(%arg0: i32, %arg1: i32) -> (i32, i32) {
    %c0_i32 = arith.constant 0 : i32
    return %arg0, %arg1 : i32, i32
  }
  func.func @transform_1(%arg0: i32, %arg1: i32) -> (i32, i32) {
    %mul3A = arith.constant 23 : i32
    %mul3A_0 = arith.muli %arg1, %mul3A : i32
    %add3A = arith.addi %mul3A_0, %arg0 : i32
    %c0_i32 = arith.constant 0 : i32
    %c0_i32_1 = arith.constant 0 : i32
    return %c0_i32, %add3A : i32, i32
  }
}

</mosaic_0001>

<sc_bundles>
// kernel: kernel.6.cloned.1.call-start
scs
__scs_entry_jumppad:
0x0: {  	(pc) =	sbr.rel $0x88, $3  }
0x1: {  	(tag) =	ssettag $0x0;
	lr =	simm.s32 $0x1  }
0x2: {  	[smem:$0x3F9E] =	sst lr;
	_ =	strace $0xD0000000  }
0x3: {  	_ = 	snop  }
0x4: {  	_ = 	snop  }
0x5: {  	_ = 	snop  }
0x6: {  	_ = 	snop  }
0x7: {  	_ = 	snop  }
__scs_overlays_trampoline_lowered:
0x8: {  	[smem:$0x3FAD] =	sst s0  }
0x9: {  	[smem:$0x3FAE] =	sst s1  }
0xa: {  	[smem:$0x3FAF] =	sst s2  }
0xb: {  	[smem:$0x3FB0] =	sst s3  }
0xc: {  	[smem:$0x3FB1] =	sst s4  }
0xd: {  	[smem:$0x3FB2] =	sst s5  }
0xe: {  	[smem:$0x3FB3] =	sst s6  }
0xf: {  	[smem:$0x3FB4] =	sst s7  }
0x10: {  	[smem:$0x3FB5] =	sst s8  }
0x11: {  	[smem:$0x3FB6] =	sst s9;
	s0 =	simm.s32 @!p0 $0x0  }
0x12: {  	s1 =	sld [smem:$0x3F9C];
	s0 =	simm.s32 @p0 $0x1  }
0x13: {  	[smem:$0x3FB7] =	sst s0;
	s0 =	simm.s32 @!p1 $0x0  }
0x14: {  	s2 =	sld [smem:$0x3F9B];
	s0 =	simm.s32 @p1 $0x1  }
0x15: {  	[smem:$0x3FB8] =	sst s0;
	s0 =	simm.s32 @!p2 $0x0  }
0x16: {  	s3 =	sld [smem:$0x3FDB];
	s0 =	simm.s32 @p2 $0x1  }
0x17: {  	s4 =	simm.s32 $0x1BF5;
	[smem:$0x3FBA] =	sst s0  }
0x18: {  	s0 =	sld [smem:$0x3F9D];
	_ =	swait.ge [sflag:s4], $0x0  }
0x19: {  	s7 =	sld [smem:$0x3F9E]  }
0x1a: {  	s8 =	sadd.s32 $0xFFFFE003, lr  }
0x1b: {  	s9 =	sadd.s32 $0xFFFFFEF7, lr;
	s5 =	simm.s32 $0xFFFFFFFF;
	p2 =	slt.u32 s8, $0xFFFFF086  }
0x1c: {  	p1 =	slt.u32 s9, $0xF7A;
	s5 =	simm.s32 @!p2 $0x0  }
0x1d: {  	s5 =	simm.s32 @p1 $0x1;
	p0 =	seq.s32 s7, s2  }
0x1e: {  	s7 =	smul.u32 @!p0 $0xF7A, s2;
	p2 =	seq.s32 @!p0 s5, $0x0  }
0x1f: {  	s9 =	smul.u32 $0xF7A, s1;
	s8 =	simm.s32 @!p0 $0x1BF5;
	p2 =	por !p2, p0  }
0x20: {  	[sflag:s8] =	ssyncset.s32 @!p0 $0xFFFFF086;
	s6 =	sadd.s32 @!p0 s3, s7;
	s7 =	simm.s32 @!p0 $0x108  }
0x21: {  	s3 =	sadd.s32 s3, s9;
	s6 =	sadd.s32 @!p0 $0x88, s6;
	s7 =	simm.s32 @p2 $0x1082  }
0x22: {  	[simem:s7], [sflag:s8] =	dma.local @!p0 [hbm:s6], $0xF7A  }
0x23: {  	s9 =	sor.u32 $0xD0000000, s2;
	s6 =	simm.s32 $0x108;
	_ =	swait.ge @!p0 [sflag:s8], $0x0  }
0x24: {  	s3 =	sadd.s32 $0x88, s3;
	s6 =	simm.s32 @!p1 $0x1082;
	[sflag:s4] =	ssyncset.s32 $0xFFFFF086  }
0x25: {  	[simem:s6], [sflag:s4] =	dma.local [hbm:s3], $0xF7A  }
0x26: {  	[smem:$0x3F9E] =	sst s1;
	(tag) =	ssettag s2;
	_ =	strace s9  }
0x27: {  	s1 =	sld [smem:$0x3FAE]  }
0x28: {  	s2 =	sld [smem:$0x3FAF]  }
0x29: {  	s4 =	sld [smem:$0x3FB1]  }
0x2a: {  	p0 =	seq.s32 s5, $0x0;
	s5 =	sld [smem:$0x3FB2]  }
0x2b: {  	s6 =	sld [smem:$0x3FB3]  }
0x2c: {  	s7 =	sld [smem:$0x3FB4]  }
0x2d: {  	s3 =	simm.s32 $0x108;
	s8 =	sld [smem:$0x3FB5]  }
0x2e: {  	s3 =	simm.s32 @!p0 $0x1082;
	s9 =	sld [smem:$0x3FB6]  }
0x2f: {  	lr =	sadd.s32 s0, s3;
	s0 =	sld [smem:$0x3FAD]  }
0x30: {  	s3 =	sld [smem:$0x3FB0]  }
0x31: {  	[smem:$0x3FB9] =	sst s10  }
0x32: {  	s10 =	sld [smem:$0x3FB7];
	_ =	sdelay $0x3  }
0x33: {  	p0 =	seq.s32 s10, $0x1;
	s10 =	sld [smem:$0x3FB9];
	_ =	sdelay $0x3  }
0x34: {  	[smem:$0x3FB9] =	sst s10  }
0x35: {  	s10 =	sld [smem:$0x3FB8];
	_ =	sdelay $0x3  }
0x36: {  	p1 =	seq.s32 s10, $0x1;
	s10 =	sld [smem:$0x3FB9];
	_ =	sdelay $0x3  }
0x37: {  	[smem:$0x3FB9] =	sst s10  }
0x38: {  	s10 =	sld [smem:$0x3FBA]  }
0x39: {  	_ = 	snop;
	(pc) =	sbr.ind lr, $3  }
0x3a: {  	_ = 	snop  }
0x3b: {  	_ = 	snop  }
0x3c: {  	p2 =	seq.s32 s10, $0x1;
	s10 =	sld [smem:$0x3FB9]  }
0x3d: {  	_ =	shalt  }
0x3e: {  	_ =	shalt  }
0x3f: {  	_ =	shalt  }
0x40: {  	_ =	shalt  }
0x41: {  	_ =	shalt  }
0x42: {  	_ =	shalt  }
0x43: {  	_ =	shalt  }
0x44: {  	_ =	shalt  }
0x45: {  	_ =	shalt  }
0x46: {  	_ =	shalt  }
0x47: {  	_ =	shalt  }
0x48: {  	_ =	shalt  }
0x49: {  	_ =	shalt  }
0x4a: {  	_ =	shalt  }
0x4b: {  	_ =	shalt  }
0x4c: {  	_ =	shalt  }
0x4d: {  	_ =	shalt  }
0x4e: {  	_ =	shalt  }
0x4f: {  	_ =	shalt  }
0x50: {  	_ =	shalt  }
0x51: {  	_ =	shalt  }
0x52: {  	_ =	shalt  }
0x53: {  	_ =	shalt  }
0x54: {  	_ =	shalt  }
0x55: {  	_ =	shalt  }
0x56: {  	_ =	shalt  }
0x57: {  	_ =	shalt  }
0x58: {  	_ =	shalt  }
0x59: {  	_ =	shalt  }
0x5a: {  	_ =	shalt  }
0x5b: {  	_ =	shalt  }
0x5c: {  	_ =	shalt  }
0x5d: {  	_ =	shalt  }
0x5e: {  	_ =	shalt  }
0x5f: {  	_ =	shalt  }
0x60: {  	_ =	shalt  }
0x61: {  	_ =	shalt  }
0x62: {  	_ =	shalt  }
0x63: {  	_ =	shalt  }
0x64: {  	_ =	shalt  }
0x65: {  	_ =	shalt  }
0x66: {  	_ =	shalt  }
0x67: {  	_ =	shalt  }
0x68: {  	_ =	shalt  }
0x69: {  	_ =	shalt  }
0x6a: {  	_ =	shalt  }
0x6b: {  	_ =	shalt  }
0x6c: {  	_ =	shalt  }
0x6d: {  	_ =	shalt  }
0x6e: {  	_ =	shalt  }
0x6f: {  	_ =	shalt  }
0x70: {  	_ =	shalt  }
0x71: {  	_ =	shalt  }
0x72: {  	_ =	shalt  }
0x73: {  	_ =	shalt  }
0x74: {  	_ =	shalt  }
0x75: {  	_ =	shalt  }
0x76: {  	_ =	shalt  }
0x77: {  	_ =	shalt  }
0x78: {  	_ =	shalt  }
0x79: {  	_ =	shalt  }
0x7a: {  	_ =	shalt  }
0x7b: {  	_ =	shalt  }
0x7c: {  	_ =	shalt  }
0x7d: {  	_ =	shalt  }
0x7e: {  	_ =	shalt  }
0x7f: {  	_ =	shalt  }
0x80: {  	_ =	shalt  }
0x81: {  	_ =	shalt  }
0x82: {  	_ =	shalt  }
0x83: {  	_ =	shalt  }
0x84: {  	_ =	shalt  }
0x85: {  	_ =	shalt  }
0x86: {  	_ =	shalt  }
0x87: {  	_ =	shalt  }
.Lfunc_end0:
.L_simem_size_0:
called_computation_lowered:
.L_overlay_start_0:
0x88: {  	s2 =	sld [smem:$0x3FD9]  }
0x89: {  	s3 =	sld [smem:$0x3FFE];
	_ =	sdelay $0x1  }
0x8a: {  	s1 =	srdreg.scid  }
0x8b: {  	s0 =	sand.u32 $0x1, s1  }
0x8c: {  	s14 =	sshll.u32 s0, $0xA;
	s2 =	sadd.s32 s3, s2  }
0x8d: {  	s2 =	sadd.s32 s2, s14  }
0x8e: {  	[smem:$0x3FC5] =	sst s2  }
0x8f: {  	_ = 	snop  }
0x90: {  	s2 =	sld [smem:$0x3FD0];
	_ =	sdelay $0x2  }
0x91: {  	s15 =	simm.s32 $0xA;
	s4 =	simm.s32 $0x10  }
0x92: {  	[smem:s4], [sflag:s15] =	dma.local [hbm:s2], $0x1  }
0x93: {  	_ =	swait.eq [sflag:s15], $0x1  }
0x94: {  	[sflag:s15] =	ssyncset.done $0x0  }
0x95: {  	[sflag:s15] =	ssyncadd.s32 $0xFFFFFFFF  }
0x96: {  	s16 =	sld [smem:$0x11];
	(tm) =	ssettm $0x1  }
0x97: {  	s17 =	sld [smem:$0x3FFB];
	_ =	sdelay $0x3  }
0x98: {  	_ =	strace s17  }
0x99: {  	s3 =	sld [smem:$0x3FFC];
	_ =	sdelay $0x3  }
0x9a: {  	_ =	strace s3  }
0x9b: {  	s3 =	sld [smem:$0x3FFD];
	_ =	sdelay $0x3  }
0x9c: {  	_ =	strace s3  }
0x9d: {  	_ =	strace $0x8FFFFFFF  }
0x9e: {  	s18 =	sld [smem:$0x3FDB];
	_ =	sdelay $0x1  }
0x9f: {  	s19 =	simm.s32 $_scs_section_size  }
0xa0: {  	s5 =	simm.s32 $_size__tile_overlayer_lowered;
	s6 =	simm.s32 $_tile_overlayer_lowered  }
0xa1: {  	s22 =	simm.s32 $0x1BFF;
	s21 =	sshll.u32 s6, $0x1;
	s3 =	sadd.s32 s19, s18  }
0xa2: {  	s7 =	simm.s32 $0x0;
	s20 =	sshll.u32 s5, $0x1;
	s5 =	sadd.s32 s21, s3  }
0xa3: {  	[timem:s7], [sflag:s22] =	dma.local [hbm:s5], s20  }
0xa4: {  	_ =	swait.ge [sflag:s22], s20  }
0xa5: {  	s4 =	ssub.s32 $0x0, s20;
	[sflag:s22] =	ssyncset.done $0x0  }
0xa6: {  	[sflag:s22] =	ssyncadd.s32 s4;
	_ =	sdelay $0x1  }
0xa7: {  	s23 =	simm.s32 $0x1B8B  }
0xa8: {  	_ =	swait.ge [sflag:s23], $0x1  }
0xa9: {  	[sflag:s23] =	ssyncset.done $0x0  }
0xaa: {  	s25 =	simm.s32 $0x1B8E;
	s24 =	sld [smem:$0x3FFE];
	[sflag:s23] =	ssyncadd.s32 $0xFFFFFFFF  }
0xab: {  	s26 =	simm.s32 $execute0_lowered;
	[smem:$0x3FD2] =	sst s25  }
0xac: {  	s5 =	sshll.u32 s26, $0x1;
	_ =	strace $0x80000046;
	[dreg:$0x1] =	wrdreg $0xFFFFFFFF  }
0xad: {  	s28 =	simm.s32 $_size_execute0_lowered;
	s3 =	sadd.s32 s3, s5;
	[dreg:$0x0] =	wrdreg $0x0  }
0xae: {  	s5 =	sshll.u32 s28, $0x1;
	[dreg:$0x2] =	wrdreg s3  }
0xaf: {  	[dreg:$0x3] =	wrdreg s5  }
0xb0: {  	[dreg:$0x4] =	wrdreg $0xC0  }
0xb1: {  	_ =	task [dreg:s7], $0x5FFFF  }
0xb2: {  	[dreg:$0x1] =	wrdreg $0xFFFFFFFF  }
0xb3: {  	[dreg:$0x0] =	wrdreg $0x60  }
0xb4: {  	[dreg:$0x2] =	wrdreg s16  }
0xb5: {  	[dreg:$0x3] =	wrdreg s24  }
0xb6: {  	[dreg:$0x4] =	wrdreg $0x9  }
0xb7: {  	_ =	task.clear_ibuf [dreg:s7], $0x5FFFF;
	_ =	strace $0x90000046  }
0xb8: {  	s29 =	simm.s32 $0x9;
	_ =	strace $0x80000048  }
0xb9: {  	_ =	swait.ge [sflag:s29], $0x1  }
0xba: {  	[sflag:s29] =	ssyncadd.s32 $0xFFFFFFFF  }
0xbb: {  	_ =	strace $0x90000048  }
0xbc: {  	_ =	sfence  }
0xbd: {  	s30 =	sld [smem:$0x0];
	_ =	sdelay $0x2  }
0xbe: {  	s31 =	sshll.u32 s1, $0xD;
	s1 =	sshrl.u32 s1, $0x2  }
0xbf: {  	s3 =	sand.u32 $0x4000, s31;
	s1 =	sadd.s32 s1, s30  }
0xc0: {  	s0 =	sor.u32 s3, s0;
	s1 =	sshll.u32 s1, $0x11  }
0xc1: {  	s0 =	sor.u32 s1, s0  }
0xc2: {  	s0 =	sadd.s32 $0x8F2B, s0  }
0xc3: {  	[sflag:s0] =	ssyncadd.remote.s32 $0x1  }
0xc4: {  	_ =	sfence.sel $0xFFFF  }
0xc5: {  	[dreg:$0x0] =	wrdreg $0xFFFFFFFF;
	(pc) =	sbr.abs _section_cstart, $3  }
0xc6: {  	[dreg:$0x1] =	wrdreg $0xFFFFFFFF  }
0xc7: {  	_ =	task.clear_ibuf [dreg:s7], $0x2FFFF;
	_ =	strace $0x9FFFFFFF  }
0xc8: {  	(tm) =	ssettm $0x7FFFFFFF  }
0xc9: {  	_ =	shalt  }
tec
execute0_lowered:
.L_overlay_start_1:
0x0: {  	(tag) =	ssettag $0x1  }
0x1: {  	s0 =	srdreg.scid  }
0x2: {  	s2 =	stileid.u32;
	s1 =	rddreg [dreg:$0x1];
	s0 =	sand.u32 $0x1, s0  }
0x3: {  	s2 =	sshll.u32 s2, $0x1;
	s3 =	sadd.s32 $0xA00, s1;
	s5 =	ssub.s32 $0x2, s0  }
0x4: {  	s1 =	sadd.s32 $0x2400, s1;
	s2 =	sor.u32 s0, s2;
	s10 =	sshrl.u32 s5, $0x1  }
0x5: {  	s6 =	sshll.u32 s2, $0x3;
	s4 =	sor.u32 $0x20, s2;
	s7 =	sor.u32 $0x80, s2  }
0x6: {  	s25 =	sor.u32 $0x260, s2;
	s28 =	sor.u32 $0x2C0, s2;
	s29 =	sor.u32 $0x300, s2  }
0x7: {  	s0 =	ssub.s32 s5, s10;
	s11 =	sadd.s32 s3, s6;
	s12 =	sshll.u32 s4, $0x3  }
0x8: {  	s6 =	sor.u32 $0x40, s2;
	s14 =	sshll.u32 s7, $0x3;
	s10 =	sor.u32 $0xE0, s2  }
0x9: {  	s24 =	sshll.u32 s25, $0x3;
	s31 =	sshll.u32 s29, $0x3;
	s4 =	sshll.u32 s4, $0xC  }
0xa: {  	[dreg:$0x3] =	wrdreg s11;
	s5 =	sadd.s32 s3, s12;
	s8 =	sshll.u32 s6, $0x3  }
0xb: {  	s16 =	sshll.u32 s10, $0x3;
	s4 =	sadd.s32 s1, s4;
	[dreg:$0x4] =	wrdreg s5  }
0xc: {  	s5 =	sor.u32 $0x60, s2;
	s8 =	sadd.s32 s3, s8;
	[dreg:$0x1d] =	wrdreg s4  }
0xd: {  	s9 =	sshll.u32 s5, $0x3;
	[dreg:$0x5] =	wrdreg s8;
	s8 =	sadd.s32 s3, s14  }
0xe: {  	s4 =	sshll.u32 s5, $0xC;
	s5 =	sshll.u32 s7, $0xC;
	s13 =	sadd.s32 s3, s9  }
0xf: {  	[dreg:$0x7] =	wrdreg s8;
	s9 =	sor.u32 $0xA0, s2;
	s8 =	sor.u32 $0xC0, s2  }
0x10: {  	[dreg:$0x6] =	wrdreg s13;
	s11 =	sshll.u32 s9, $0x3;
	s12 =	sshll.u32 s8, $0x3  }
0x11: {  	s13 =	sor.u32 $0x140, s2;
	s7 =	sshll.u32 s9, $0xC;
	s8 =	sshll.u32 s8, $0xC  }
0x12: {  	s9 =	sshll.u32 s10, $0xC;
	s11 =	sadd.s32 s3, s11;
	s15 =	sadd.s32 s3, s12  }
0x13: {  	s12 =	sor.u32 $0x100, s2;
	s18 =	sshll.u32 s13, $0x3;
	[dreg:$0x8] =	wrdreg s11  }
0x14: {  	s10 =	sadd.s32 s1, s9;
	[dreg:$0x9] =	wrdreg s15;
	s11 =	sadd.s32 s3, s16  }
0x15: {  	s14 =	sshll.u32 s12, $0x3;
	s16 =	sor.u32 $0x1A0, s2;
	[smem:$0x7EC] =	sst s10  }
0x16: {  	[dreg:$0xa] =	wrdreg s11;
	s11 =	sor.u32 $0x120, s2;
	s14 =	sadd.s32 s3, s14  }
0x17: {  	s20 =	sshll.u32 s16, $0x3;
	s9 =	sshll.u32 s16, $0xC;
	s15 =	sshll.u32 s11, $0x3  }
0x18: {  	[dreg:$0xb] =	wrdreg s14;
	s14 =	sadd.s32 s3, s18;
	s10 =	sadd.s32 s1, s9  }
0x19: {  	s17 =	sadd.s32 s3, s15;
	[dreg:$0xd] =	wrdreg s14;
	s15 =	sor.u32 $0x160, s2  }
0x1a: {  	s14 =	sor.u32 $0x180, s2;
	[dreg:$0xc] =	wrdreg s17;
	s17 =	sshll.u32 s15, $0x3  }
0x1b: {  	[smem:$0x7F2] =	sst s10;
	s18 =	sshll.u32 s14, $0x3;
	s17 =	sadd.s32 s3, s17  }
0x1c: {  	s9 =	simm.s32 $0x900;
	s19 =	sadd.s32 s3, s18;
	[dreg:$0xe] =	wrdreg s17  }
0x1d: {  	s18 =	sor.u32 $0x1C0, s2;
	[dreg:$0xf] =	wrdreg s19;
	s17 =	sadd.s32 s3, s20  }
0x1e: {  	s20 =	sshll.u32 s18, $0x3;
	s19 =	sor.u32 $0x200, s2;
	[dreg:$0x10] =	wrdreg s17  }
0x1f: {  	s17 =	sor.u32 $0x1E0, s2;
	s20 =	sadd.s32 s3, s20;
	s22 =	sshll.u32 s19, $0x3  }
0x20: {  	s21 =	sshll.u32 s17, $0x3;
	[dreg:$0x11] =	wrdreg s20;
	s20 =	sadd.s32 s3, s22  }
0x21: {  	s21 =	sadd.s32 s3, s21;
	[dreg:$0x13] =	wrdreg s20;
	s20 =	sor.u32 $0x220, s2  }
0x22: {  	[dreg:$0x12] =	wrdreg s21;
	s21 =	sor.u32 $0x240, s2;
	s22 =	sshll.u32 s20, $0x3  }
0x23: {  	s10 =	simm.s32 $0x3;
	s23 =	sshll.u32 s21, $0x3;
	s22 =	sadd.s32 s3, s22  }
0x24: {  	s16 =	sshll.u32 s21, $0xC;
	[dreg:$0x14] =	wrdreg s22;
	s23 =	sadd.s32 s3, s23  }
0x25: {  	s22 =	sadd.s32 s3, s24;
	[dreg:$0x15] =	wrdreg s23;
	s23 =	sor.u32 $0x2A0, s2  }
0x26: {  	[dreg:$0x16] =	wrdreg s22;
	s22 =	sor.u32 $0x280, s2;
	s26 =	sshll.u32 s23, $0x3  }
0x27: {  	s21 =	sshll.u32 s28, $0xC;
	s24 =	sshll.u32 s22, $0x3;
	s26 =	sadd.s32 s3, s26  }
0x28: {  	s24 =	sadd.s32 s3, s24;
	[dreg:$0x18] =	wrdreg s26;
	s26 =	sshll.u32 s28, $0x3  }
0x29: {  	[dreg:$0x17] =	wrdreg s24;
	s24 =	sadd.s32 s3, s26;
	s26 =	sor.u32 $0x2E0, s2  }
0x2a: {  	s2 =	sshll.u32 s2, $0xC;
	[dreg:$0x19] =	wrdreg s24;
	s24 =	simm.s32 $0x0  }
0x2b: {  	s30 =	sshll.u32 s26, $0x3;
	s2 =	sadd.s32 s1, s2;
	[smem:$0x7FF] =	sst s24  }
0x2c: {  	s28 =	simm.s32 $0x2100;
	s30 =	sadd.s32 s3, s30;
	[dreg:$0x1c] =	wrdreg s2  }
0x2d: {  	s3 =	sadd.s32 s3, s31;
	s31 =	simm.s32 $0x5;
	[dreg:$0x1a] =	wrdreg s30  }
0x2e: {  	[dreg:$0x1b] =	wrdreg s3;
	s3 =	sshll.u32 s6, $0xC;
	s6 =	sadd.s32 s1, s5  }
0x2f: {  	s5 =	sshll.u32 s13, $0xC;
	s13 =	sshll.u32 s19, $0xC;
	s19 =	sshll.u32 s22, $0xC  }
0x30: {  	s22 =	sadd.s32 s1, s21;
	s30 =	simm.s32 $0x8100;
	s2 =	sadd.s32 s1, s3  }
0x31: {  	[smem:$0x7E9] =	sst s6;
	s3 =	sshll.u32 s12, $0xC;
	s6 =	sadd.s32 s1, s5  }
0x32: {  	s12 =	sshll.u32 s17, $0xC;
	s17 =	sshll.u32 s25, $0xC;
	[smem:$0x7FB] =	sst s22  }
0x33: {  	s25 =	sshll.u32 s29, $0xC;
	s22 =	simm.s32 $0x1;
	s5 =	simm.s32 $0x5900  }
0x34: {  	s29 =	simm.s32 $0x7900;
	[dreg:$0x1e] =	wrdreg s2;
	s2 =	sadd.s32 s1, s4  }
0x35: {  	s4 =	sshll.u32 s11, $0xC;
	[smem:$0x7EF] =	sst s6;
	s11 =	sshll.u32 s18, $0xC  }
0x36: {  	s18 =	sadd.s32 s1, s17;
	s17 =	smax.u32 s0, $0x1;
	s0 =	simm.s32 $0x2900  }
0x37: {  	s6 =	simm.s32 $0x6100;
	[dreg:$0x1f] =	wrdreg s2;
	s2 =	sadd.s32 s1, s7  }
0x38: {  	s7 =	sshll.u32 s15, $0xC;
	s15 =	sshll.u32 s20, $0xC;
	[smem:$0x7F8] =	sst s18  }
0x39: {  	s20 =	sshll.u32 s23, $0xC;
	s18 =	rddreg [dreg:$0x0];
	s23 =	sshll.u32 s26, $0xC  }
0x3a: {  	s26 =	stileid.u32;
	[smem:$0x7EA] =	sst s2;
	s2 =	sadd.s32 s1, s8  }
0x3b: {  	s8 =	sshll.u32 s14, $0xC;
	s14 =	sadd.s32 s1, s13;
	[smem:$0x7EB] =	sst s2  }
0x3c: {  	p0 =	sgt.u32 s26, $0x6;
	s2 =	sadd.s32 s1, s3;
	[smem:$0x7F5] =	sst s14  }
0x3d: {  	s21 =	sadd.s32 $0x100, s18;
	[smem:$0x7ED] =	sst s2;
	s2 =	sadd.s32 s1, s4  }
0x3e: {  	s13 =	simm.s32 $0x1100;
	[smem:$0x7EE] =	sst s2;
	s2 =	sadd.s32 s1, s7  }
0x3f: {  	s26 =	simm.s32 $0x3100;
	[smem:$0x7F0] =	sst s2;
	s2 =	sadd.s32 s1, s8  }
0x40: {  	s3 =	simm.s32 $0x4900;
	[smem:$0x7F1] =	sst s2;
	s2 =	sadd.s32 s1, s11  }
0x41: {  	s14 =	simm.s32 $0x4;
	[smem:$0x7F3] =	sst s2;
	s2 =	sadd.s32 s1, s12  }
0x42: {  	s4 =	simm.s32 $0x5100;
	[smem:$0x7F4] =	sst s2;
	s2 =	sadd.s32 s1, s15  }
0x43: {  	s7 =	simm.s32 $0x6900;
	[smem:$0x7F6] =	sst s2;
	s2 =	sadd.s32 s1, s16  }
0x44: {  	s8 =	simm.s32 $0x7100;
	[smem:$0x7F7] =	sst s2;
	s2 =	sadd.s32 s1, s19  }
.Ltmp0:
0x45: {  	[smem:$0x7F9] =	sst s2;
	s2 =	sadd.s32 s1, s20;
	(pc) =	sbr.rel .LBB2_1-.Ltmp0, $4  }
0x46: {  	s11 =	simm.s32 $0x2;
	[smem:$0x7FA] =	sst s2;
	s2 =	sadd.s32 s1, s23  }
0x47: {  	v2 =	vlaneseq.u32;
	s16 =	simm.s32 $0x6;
	s1 =	sadd.s32 s1, s25;
	[smem:$0x7FC] =	sst s2  }
0x48: {  	vm0 =	vmmov $0xffff;
	v1 =	vshrl.u32 v2, $0x3;
	s23 =	simm.s32 $0x100;
	s25 =	simm.s32 $0x1900;
	[smem:$0x7FD] =	sst s1  }
0x49: {  	v0 =	vand.u32 $0x7, v2;
	v2 =	vor.u32 $0x8, v2;
	v1 =	vmul.u32 $0x8, v1;
	s1 =	simm.s32 $0x3900;
	s2 =	simm.s32 $0x4100;
	_ =	strace $0x80000047  }
.LBB2_3:
0x4a: {  	_ =	swait.ge [sflag:s14], $0x8000  }
0x4b: {  	s19 =	simm.s32 $0x5;
	s9 =	simm.s32 $0x900;
	s13 =	simm.s32 $0x1100  }
0x4c: {  	s25 =	simm.s32 $0x1900;
	s28 =	simm.s32 $0x2100;
	s0 =	simm.s32 $0x2900  }
0x4d: {  	s26 =	simm.s32 $0x3100;
	s1 =	simm.s32 $0x3900;
	s2 =	simm.s32 $0x4100  }
0x4e: {  	s3 =	simm.s32 $0x4900;
	s4 =	simm.s32 $0x5100;
	s17 =	sld [smem:$0x7FC]  }
0x4f: {  	s5 =	simm.s32 $0x5900;
	s6 =	simm.s32 $0x6100;
	[sflag:s14] =	ssyncset.done $0x0  }
0x50: {  	s7 =	simm.s32 $0x6900;
	s8 =	simm.s32 $0x7100;
	[sflag:s14] =	ssyncadd.s32 $0xFFFF8000  }
0x51: {  	[hbm4b:s17+s24] =	stream.linear.scatter [tilespmem:s30], [sflag:$0x6], $0x8000, $0x38;
	[tilespmem:$0x10100] =	vst v63  }
0x52: {  	s29 =	simm.s32 $0x7900;
	s20 =	sld [smem:$0x7E8];
	s17 =	simm.s32 $0x6  }
.LBB2_4:
0x53: {  	_ =	sdelay $0x1  }
0x54: {  	s20 =	sadd.s32 $0xFFFFFFFF, s20  }
0x55: {  	_ =	swait.ge [sflag:s19], $0x8000;
	p1 =	sne.s32 s20, $0x0  }
.Ltmp1:
0x56: {  	[sflag:s19] =	ssyncset.done $0x0;
	(pc) =	sbr.rel @!p1 .LBB2_5-.Ltmp1, $4  }
0x57: {  	[sflag:s19] =	ssyncadd.s32 $0xFFFF8000  }
0x58: {  	_ =	swait.ge [sflag:s17], $0x8000  }
0x59: {  	[sflag:s17] =	ssyncset.done $0x0  }
0x5a: {  	[sflag:s17] =	ssyncadd.s32 $0xFFFF8000;
	s17 =	smov.u32 s20  }
.LBB2_1:
0x5b: {  	[smem:$0x7E8] =	sst s17  }
0x5c: {  	s20 =	rddreg [dreg:$0x3]  }
0x5d: {  	[tilespmem:s24], [sflag:$0x1] =	stream.linear.gather [hbm4b:s20+s24], $0x40, $0x38;
	[tilespmem:$0x10100] =	vst v63  }
0x5e: {  	_ =	swait.ge [sflag:s22], $0x40  }
0x5f: {  	[sflag:s22] =	ssyncset.done $0x0  }
0x60: {  	[sflag:s22] =	ssyncadd.s32 $0xFFFFFFC0  }
0x61: {  	v3 =	vld [tilespmem:$0x0];
	_ =	sdelay $0x4  }
0x62: {  	v4 =	vshll.u32 v3, $0x2  }
0x63: {  	v3 =	vand.u32 $0x7, v3;
	v4 =	vand.u32 $0xFFFFFFE0, v4  }
0x64: {  	v3 =	vor.u32 v3, v4  }
0x65: {  	v4 =	vperm.xlane v3, v0;
	_ =	sdelay $0x1  }
0x66: {  	v4 =	vadd.s32 v1, v4;
	_ =	sdelay $0x1  }
0x67: {  	v3 =	vperm.xlane v3, v2;
	_ =	sdelay $0x1  }
0x68: {  	v3 =	vadd.s32 v1, v3  }
0x69: {  	[tilespmem:s23], [sflag:$0x3] =	stream.indirect_vreg.gather [hbm4b:s18+s24], $0x80, v4, vm0, $0xb8;
	[tilespmem:$0x10100] =	vst v63  }
0x6a: {  	_ = 	snop  }
0x6b: {  	[tilespmem:s9], [sflag:$0x3] =	stream.indirect_vreg.gather [hbm4b:s21+s24], $0x80, v4, vm0, $0xb8;
	[tilespmem:$0x10100] =	vst v63  }
0x6c: {  	_ = 	snop  }
0x6d: {  	[tilespmem:s13], [sflag:$0x3] =	stream.indirect_vreg.gather [hbm4b:s18+s24], $0x80, v3, vm0, $0xb8;
	[tilespmem:$0x10100] =	vst v63  }
0x6e: {  	_ = 	snop  }
0x6f: {  	[tilespmem:s25], [sflag:$0x3] =	stream.indirect_vreg.gather [hbm4b:s21+s24], $0x80, v3, vm0, $0xb8;
	[tilespmem:$0x10100] =	vst v63  }
0x70: {  	v3 =	vld [tilespmem:$0x10];
	_ =	sdelay $0x4  }
0x71: {  	v25 =	vshll.u32 v3, $0x2  }
0x72: {  	v3 =	vand.u32 $0x7, v3;
	v4 =	vand.u32 $0xFFFFFFE0, v25  }
0x73: {  	v3 =	vor.u32 v3, v4  }
0x74: {  	v4 =	vperm.xlane v3, v0;
	_ =	sdelay $0x1  }
0x75: {  	v4 =	vadd.s32 v1, v4;
	_ =	sdelay $0x1  }
0x76: {  	v3 =	vperm.xlane v3, v2;
	_ =	sdelay $0x1  }
0x77: {  	v3 =	vadd.s32 v1, v3  }
0x78: {  	[tilespmem:s28], [sflag:$0x3] =	stream.indirect_vreg.gather [hbm4b:s18+s24], $0x80, v4, vm0, $0xb8;
	[tilespmem:$0x10100] =	vst v63  }
0x79: {  	_ = 	snop  }
0x7a: {  	[tilespmem:s0], [sflag:$0x3] =	stream.indirect_vreg.gather [hbm4b:s21+s24], $0x80, v4, vm0, $0xb8;
	[tilespmem:$0x10100] =	vst v63  }
0x7b: {  	_ = 	snop  }
0x7c: {  	[tilespmem:s26], [sflag:$0x3] =	stream.indirect_vreg.gather [hbm4b:s18+s24], $0x80, v3, vm0, $0xb8;
	[tilespmem:$0x10100] =	vst v63  }
0x7d: {  	_ = 	snop  }
0x7e: {  	[tilespmem:s1], [sflag:$0x3] =	stream.indirect_vreg.gather [hbm4b:s21+s24], $0x80, v3, vm0, $0xb8;
	[tilespmem:$0x10100] =	vst v63  }
0x7f: {  	v3 =	vld [tilespmem:$0x20];
	_ =	sdelay $0x4  }
0x80: {  	v26 =	vshll.u32 v3, $0x2  }
0x81: {  	v3 =	vand.u32 $0x7, v3;
	v4 =	vand.u32 $0xFFFFFFE0, v26  }
0x82: {  	v3 =	vor.u32 v3, v4  }
0x83: {  	v4 =	vperm.xlane v3, v0;
	_ =	sdelay $0x1  }
0x84: {  	v4 =	vadd.s32 v1, v4;
	_ =	sdelay $0x1  }
0x85: {  	v3 =	vperm.xlane v3, v2;
	_ =	sdelay $0x1  }
0x86: {  	v3 =	vadd.s32 v1, v3  }
0x87: {  	[tilespmem:s2], [sflag:$0x3] =	stream.indirect_vreg.gather [hbm4b:s18+s24], $0x80, v4, vm0, $0xb8;
	[tilespmem:$0x10100] =	vst v63  }
0x88: {  	_ = 	snop  }
0x89: {  	[tilespmem:s3], [sflag:$0x3] =	stream.indirect_vreg.gather [hbm4b:s21+s24], $0x80, v4, vm0, $0xb8;
	[tilespmem:$0x10100] =	vst v63  }
0x8a: {  	_ = 	snop  }
0x8b: {  	[tilespmem:s4], [sflag:$0x3] =	stream.indirect_vreg.gather [hbm4b:s18+s24], $0x80, v3, vm0, $0xb8;
	[tilespmem:$0x10100] =	vst v63  }
0x8c: {  	_ = 	snop  }
0x8d: {  	[tilespmem:s5], [sflag:$0x3] =	stream.indirect_vreg.gather [hbm4b:s21+s24], $0x80, v3, vm0, $0xb8;
	[tilespmem:$0x10100] =	vst v63  }
0x8e: {  	v3 =	vld [tilespmem:$0x30];
	_ =	sdelay $0x4  }
0x8f: {  	v27 =	vshll.u32 v3, $0x2  }
0x90: {  	v3 =	vand.u32 $0x7, v3;
	v4 =	vand.u32 $0xFFFFFFE0, v27  }
0x91: {  	v3 =	vor.u32 v3, v4  }
0x92: {  	v4 =	vperm.xlane v3, v0;
	_ =	sdelay $0x1  }
0x93: {  	v4 =	vadd.s32 v1, v4;
	_ =	sdelay $0x1  }
0x94: {  	v3 =	vperm.xlane v3, v2;
	_ =	sdelay $0x1  }
0x95: {  	v3 =	vadd.s32 v1, v3  }
0x96: {  	[tilespmem:s6], [sflag:$0x3] =	stream.indirect_vreg.gather [hbm4b:s18+s24], $0x80, v4, vm0, $0xb8;
	[tilespmem:$0x10100] =	vst v63  }
0x97: {  	_ = 	snop  }
0x98: {  	[tilespmem:s7], [sflag:$0x3] =	stream.indirect_vreg.gather [hbm4b:s21+s24], $0x80, v4, vm0, $0xb8;
	[tilespmem:$0x10100] =	vst v63  }
0x99: {  	_ = 	snop  }
0x9a: {  	[tilespmem:s8], [sflag:$0x3] =	stream.indirect_vreg.gather [hbm4b:s18+s24], $0x80, v3, vm0, $0xb8;
	[tilespmem:$0x10100] =	vst v63  }
0x9b: {  	_ = 	snop  }
0x9c: {  	[tilespmem:s29], [sflag:$0x3] =	stream.indirect_vreg.gather [hbm4b:s21+s24], $0x80, v3, vm0, $0xb8;
	[tilespmem:$0x10100] =	vst v63  }
0x9d: {  	s0 =	rddreg [dreg:$0x4];
	s1 =	simm.s32 $0x80  }
0x9e: {  	[tilespmem:s1], [sflag:$0x2] =	stream.linear.gather [hbm4b:s0+s24], $0x40, $0x38;
	[tilespmem:$0x10100] =	vst v63  }
0x9f: {  	_ =	swait.ge [sflag:s10], $0x8000  }
0xa0: {  	[sflag:s10] =	ssyncset.done $0x0  }
0xa1: {  	s2 =	rddreg [dreg:$0x1c];
	[sflag:s10] =	ssyncadd.s32 $0xFFFF8000  }
0xa2: {  	[hbm4b:s2+s24] =	stream.linear.scatter [tilespmem:s23], [sflag:$0x5], $0x8000, $0x38;
	[tilespmem:$0x10100] =	vst v63  }
0xa3: {  	_ =	swait.ge [sflag:s11], $0x40  }
0xa4: {  	[sflag:s11] =	ssyncset.done $0x0  }
0xa5: {  	[sflag:s11] =	ssyncadd.s32 $0xFFFFFFC0  }
0xa6: {  	v3 =	vld [tilespmem:$0x80];
	_ =	sdelay $0x4  }
0xa7: {  	v28 =	vshll.u32 v3, $0x2  }
0xa8: {  	v3 =	vand.u32 $0x7, v3;
	v4 =	vand.u32 $0xFFFFFFE0, v28  }
0xa9: {  	v3 =	vor.u32 v3, v4  }
0xaa: {  	v4 =	vperm.xlane v3, v0;
	_ =	sdelay $0x1  }
0xab: {  	v4 =	vadd.s32 v1, v4;
	_ =	sdelay $0x1  }
0xac: {  	v3 =	vperm.xlane v3, v2;
	_ =	sdelay $0x1  }
0xad: {  	v3 =	vadd.s32 v1, v3  }
0xae: {  	[tilespmem:s30], [sflag:$0x4] =	stream.indirect_vreg.gather [hbm4b:s18+s24], $0x80, v4, vm0, $0xb8;
	[tilespmem:$0x10100] =	vst v63  }
0xaf: {  	s3 =	simm.s32 $0x8900  }
0xb0: {  	[tilespmem:s3], [sflag:$0x4] =	stream.indirect_vreg.gather [hbm4b:s21+s24], $0x80, v4, vm0, $0xb8;
	[tilespmem:$0x10100] =	vst v63  }
0xb1: {  	s4 =	simm.s32 $0x9100  }
0xb2: {  	[tilespmem:s4], [sflag:$0x4] =	stream.indirect_vreg.gather [hbm4b:s18+s24], $0x80, v3, vm0, $0xb8;
	[tilespmem:$0x10100] =	vst v63  }
0xb3: {  	s5 =	simm.s32 $0x9900  }
0xb4: {  	[tilespmem:s5], [sflag:$0x4] =	stream.indirect_vreg.gather [hbm4b:s21+s24], $0x80, v3, vm0, $0xb8;
	[tilespmem:$0x10100] =	vst v63  }
0xb5: {  	v3 =	vld [tilespmem:$0x90];
	_ =	sdelay $0x4  }
0xb6: {  	v29 =	vshll.u32 v3, $0x2  }
0xb7: {  	v3 =	vand.u32 $0x7, v3;
	v4 =	vand.u32 $0xFFFFFFE0, v29  }
0xb8: {  	v3 =	vor.u32 v3, v4  }
0xb9: {  	v4 =	vperm.xlane v3, v0;
	_ =	sdelay $0x1  }
0xba: {  	v4 =	vadd.s32 v1, v4;
	_ =	sdelay $0x1  }
0xbb: {  	v3 =	vperm.xlane v3, v2;
	_ =	sdelay $0x1  }
0xbc: {  	s17 =	simm.s32 $0xA100;
	v3 =	vadd.s32 v1, v3  }
0xbd: {  	[tilespmem:s17], [sflag:$0x4] =	stream.indirect_vreg.gather [hbm4b:s18+s24], $0x80, v4, vm0, $0xb8;
	[tilespmem:$0x10100] =	vst v63  }
0xbe: {  	s5 =	simm.s32 $0xA900  }
0xbf: {  	[tilespmem:s5], [sflag:$0x4] =	stream.indirect_vreg.gather [hbm4b:s21+s24], $0x80, v4, vm0, $0xb8;
	[tilespmem:$0x10100] =	vst v63  }
0xc0: {  	s17 =	simm.s32 $0xB100  }
0xc1: {  	[tilespmem:s17], [sflag:$0x4] =	stream.indirect_vreg.gather [hbm4b:s18+s24], $0x80, v3, vm0, $0xb8;
	[tilespmem:$0x10100] =	vst v63  }
0xc2: {  	s4 =	simm.s32 $0xB900  }
0xc3: {  	[tilespmem:s4], [sflag:$0x4] =	stream.indirect_vreg.gather [hbm4b:s21+s24], $0x80, v3, vm0, $0xb8;
	[tilespmem:$0x10100] =	vst v63  }
0xc4: {  	v3 =	vld [tilespmem:$0xA0];
	_ =	sdelay $0x4  }
0xc5: {  	v30 =	vshll.u32 v3, $0x2  }
0xc6: {  	v3 =	vand.u32 $0x7, v3;
	v4 =	vand.u32 $0xFFFFFFE0, v30  }
0xc7: {  	v3 =	vor.u32 v3, v4  }
0xc8: {  	v4 =	vperm.xlane v3, v0;
	_ =	sdelay $0x1  }
0xc9: {  	v4 =	vadd.s32 v1, v4;
	_ =	sdelay $0x1  }
0xca: {  	v3 =	vperm.xlane v3, v2;
	_ =	sdelay $0x1  }
0xcb: {  	s17 =	simm.s32 $0xC100;
	v3 =	vadd.s32 v1, v3  }
0xcc: {  	[tilespmem:s17], [sflag:$0x4] =	stream.indirect_vreg.gather [hbm4b:s18+s24], $0x80, v4, vm0, $0xb8;
	[tilespmem:$0x10100] =	vst v63  }
0xcd: {  	s4 =	simm.s32 $0xC900  }
0xce: {  	[tilespmem:s4], [sflag:$0x4] =	stream.indirect_vreg.gather [hbm4b:s21+s24], $0x80, v4, vm0, $0xb8;
	[tilespmem:$0x10100] =	vst v63  }
0xcf: {  	s17 =	simm.s32 $0xD100  }
0xd0: {  	[tilespmem:s17], [sflag:$0x4] =	stream.indirect_vreg.gather [hbm4b:s18+s24], $0x80, v3, vm0, $0xb8;
	[tilespmem:$0x10100] =	vst v63  }
0xd1: {  	s4 =	simm.s32 $0xD900  }
0xd2: {  	[tilespmem:s4], [sflag:$0x4] =	stream.indirect_vreg.gather [hbm4b:s21+s24], $0x80, v3, vm0, $0xb8;
	[tilespmem:$0x10100] =	vst v63  }
0xd3: {  	v3 =	vld [tilespmem:$0xB0];
	_ =	sdelay $0x4  }
0xd4: {  	v31 =	vshll.u32 v3, $0x2  }
0xd5: {  	v3 =	vand.u32 $0x7, v3;
	v4 =	vand.u32 $0xFFFFFFE0, v31  }
0xd6: {  	v3 =	vor.u32 v3, v4  }
0xd7: {  	v4 =	vperm.xlane v3, v0;
	_ =	sdelay $0x1  }
0xd8: {  	v4 =	vadd.s32 v1, v4;
	_ =	sdelay $0x1  }
0xd9: {  	v3 =	vperm.xlane v3, v2;
	_ =	sdelay $0x1  }
0xda: {  	s17 =	simm.s32 $0xE100;
	v3 =	vadd.s32 v1, v3  }
0xdb: {  	[tilespmem:s17], [sflag:$0x4] =	stream.indirect_vreg.gather [hbm4b:s18+s24], $0x80, v4, vm0, $0xb8;
	[tilespmem:$0x10100] =	vst v63  }
0xdc: {  	s17 =	simm.s32 $0xE900  }
0xdd: {  	[tilespmem:s17], [sflag:$0x4] =	stream.indirect_vreg.gather [hbm4b:s21+s24], $0x80, v4, vm0, $0xb8;
	[tilespmem:$0x10100] =	vst v63  }
0xde: {  	s17 =	simm.s32 $0xF100  }
0xdf: {  	[tilespmem:s17], [sflag:$0x4] =	stream.indirect_vreg.gather [hbm4b:s18+s24], $0x80, v3, vm0, $0xb8;
	[tilespmem:$0x10100] =	vst v63  }
0xe0: {  	s17 =	simm.s32 $0xF900  }
0xe1: {  	[tilespmem:s17], [sflag:$0x4] =	stream.indirect_vreg.gather [hbm4b:s21+s24], $0x80, v3, vm0, $0xb8;
	[tilespmem:$0x10100] =	vst v63  }
0xe2: {  	s5 =	rddreg [dreg:$0x5]  }
0xe3: {  	[tilespmem:s24], [sflag:$0x1] =	stream.linear.gather [hbm4b:s5+s24], $0x40, $0x38;
	[tilespmem:$0x10100] =	vst v63  }
0xe4: {  	_ =	swait.ge [sflag:s14], $0x8000  }
0xe5: {  	[sflag:s14] =	ssyncset.done $0x0  }
0xe6: {  	s23 =	simm.s32 $0x8100;
	s5 =	rddreg [dreg:$0x1d];
	[sflag:s14] =	ssyncadd.s32 $0xFFFF8000  }
0xe7: {  	[hbm4b:s5+s24] =	stream.linear.scatter [tilespmem:s23], [sflag:$0x6], $0x8000, $0x38;
	[tilespmem:$0x10100] =	vst v63  }
0xe8: {  	_ =	swait.ge [sflag:s31], $0x8000  }
0xe9: {  	[sflag:s31] =	ssyncset.done $0x0  }
0xea: {  	[sflag:s31] =	ssyncadd.s32 $0xFFFF8000  }
0xeb: {  	_ =	swait.ge [sflag:s22], $0x40  }
0xec: {  	[sflag:s22] =	ssyncset.done $0x0  }
0xed: {  	[sflag:s22] =	ssyncadd.s32 $0xFFFFFFC0  }
0xee: {  	v3 =	vld [tilespmem:$0x0];
	_ =	sdelay $0x4  }
0xef: {  	v32 =	vshll.u32 v3, $0x2  }
0xf0: {  	v3 =	vand.u32 $0x7, v3;
	v4 =	vand.u32 $0xFFFFFFE0, v32  }
0xf1: {  	v3 =	vor.u32 v3, v4  }
0xf2: {  	v4 =	vperm.xlane v3, v0;
	_ =	sdelay $0x1  }
0xf3: {  	v4 =	vadd.s32 v1, v4;
	_ =	sdelay $0x1  }
0xf4: {  	v3 =	vperm.xlane v3, v2;
	_ =	sdelay $0x1  }
0xf5: {  	s23 =	simm.s32 $0x100;
	v3 =	vadd.s32 v1, v3  }
0xf6: {  	[tilespmem:s23], [sflag:$0x3] =	stream.indirect_vreg.gather [hbm4b:s18+s24], $0x80, v4, vm0, $0xb8;
	[tilespmem:$0x10100] =	vst v63  }
0xf7: {  	s1 =	simm.s32 $0x900  }
0xf8: {  	[tilespmem:s1], [sflag:$0x3] =	stream.indirect_vreg.gather [hbm4b:s21+s24], $0x80, v4, vm0, $0xb8;
	[tilespmem:$0x10100] =	vst v63  }
0xf9: {  	s15 =	simm.s32 $0x1100  }
0xfa: {  	[tilespmem:s15], [sflag:$0x3] =	stream.indirect_vreg.gather [hbm4b:s18+s24], $0x80, v3, vm0, $0xb8;
	[tilespmem:$0x10100] =	vst v63  }
0xfb: {  	s12 =	simm.s32 $0x1900  }
0xfc: {  	[tilespmem:s12], [sflag:$0x3] =	stream.indirect_vreg.gather [hbm4b:s21+s24], $0x80, v3, vm0, $0xb8;
	[tilespmem:$0x10100] =	vst v63  }
0xfd: {  	v3 =	vld [tilespmem:$0x10];
	_ =	sdelay $0x4  }
0xfe: {  	v33 =	vshll.u32 v3, $0x2  }
0xff: {  	v3 =	vand.u32 $0x7, v3;
	v4 =	vand.u32 $0xFFFFFFE0, v33  }
0x100: {  	v3 =	vor.u32 v3, v4  }
0x101: {  	v4 =	vperm.xlane v3, v0;
	_ =	sdelay $0x1  }
0x102: {  	v4 =	vadd.s32 v1, v4;
	_ =	sdelay $0x1  }
0x103: {  	v3 =	vperm.xlane v3, v2;
	_ =	sdelay $0x1  }
0x104: {  	s7 =	simm.s32 $0x2100;
	v3 =	vadd.s32 v1, v3  }
0x105: {  	[tilespmem:s7], [sflag:$0x3] =	stream.indirect_vreg.gather [hbm4b:s18+s24], $0x80, v4, vm0, $0xb8;
	[tilespmem:$0x10100] =	vst v63  }
0x106: {  	s2 =	simm.s32 $0x2900  }
0x107: {  	[tilespmem:s2], [sflag:$0x3] =	stream.indirect_vreg.gather [hbm4b:s21+s24], $0x80, v4, vm0, $0xb8;
	[tilespmem:$0x10100] =	vst v63  }
0x108: {  	s3 =	simm.s32 $0x3100  }
0x109: {  	[tilespmem:s3], [sflag:$0x3] =	stream.indirect_vreg.gather [hbm4b:s18+s24], $0x80, v3, vm0, $0xb8;
	[tilespmem:$0x10100] =	vst v63  }
0x10a: {  	s6 =	simm.s32 $0x3900  }
0x10b: {  	[tilespmem:s6], [sflag:$0x3] =	stream.indirect_vreg.gather [hbm4b:s21+s24], $0x80, v3, vm0, $0xb8;
	[tilespmem:$0x10100] =	vst v63  }
0x10c: {  	v3 =	vld [tilespmem:$0x20];
	_ =	sdelay $0x4  }
0x10d: {  	v34 =	vshll.u32 v3, $0x2  }
0x10e: {  	v3 =	vand.u32 $0x7, v3;
	v4 =	vand.u32 $0xFFFFFFE0, v34  }
0x10f: {  	v3 =	vor.u32 v3, v4  }
0x110: {  	v4 =	vperm.xlane v3, v0;
	_ =	sdelay $0x1  }
0x111: {  	v4 =	vadd.s32 v1, v4;
	_ =	sdelay $0x1  }
0x112: {  	v3 =	vperm.xlane v3, v2;
	_ =	sdelay $0x1  }
0x113: {  	s8 =	simm.s32 $0x4100;
	v3 =	vadd.s32 v1, v3  }
0x114: {  	[tilespmem:s8], [sflag:$0x3] =	stream.indirect_vreg.gather [hbm4b:s18+s24], $0x80, v4, vm0, $0xb8;
	[tilespmem:$0x10100] =	vst v63  }
0x115: {  	s9 =	simm.s32 $0x4900  }
0x116: {  	[tilespmem:s9], [sflag:$0x3] =	stream.indirect_vreg.gather [hbm4b:s21+s24], $0x80, v4, vm0, $0xb8;
	[tilespmem:$0x10100] =	vst v63  }
0x117: {  	s13 =	simm.s32 $0x5100  }
0x118: {  	[tilespmem:s13], [sflag:$0x3] =	stream.indirect_vreg.gather [hbm4b:s18+s24], $0x80, v3, vm0, $0xb8;
	[tilespmem:$0x10100] =	vst v63  }
0x119: {  	s19 =	simm.s32 $0x5900  }
0x11a: {  	[tilespmem:s19], [sflag:$0x3] =	stream.indirect_vreg.gather [hbm4b:s21+s24], $0x80, v3, vm0, $0xb8;
	[tilespmem:$0x10100] =	vst v63  }
0x11b: {  	v3 =	vld [tilespmem:$0x30];
	_ =	sdelay $0x4  }
0x11c: {  	v35 =	vshll.u32 v3, $0x2  }
0x11d: {  	v3 =	vand.u32 $0x7, v3;
	v4 =	vand.u32 $0xFFFFFFE0, v35  }
0x11e: {  	v3 =	vor.u32 v3, v4  }
0x11f: {  	v4 =	vperm.xlane v3, v0;
	_ =	sdelay $0x1  }
0x120: {  	v4 =	vadd.s32 v1, v4;
	_ =	sdelay $0x1  }
0x121: {  	v3 =	vperm.xlane v3, v2;
	_ =	sdelay $0x1  }
0x122: {  	s20 =	simm.s32 $0x6100;
	v3 =	vadd.s32 v1, v3  }
0x123: {  	[tilespmem:s20], [sflag:$0x3] =	stream.indirect_vreg.gather [hbm4b:s18+s24], $0x80, v4, vm0, $0xb8;
	[tilespmem:$0x10100] =	vst v63  }
0x124: {  	s30 =	simm.s32 $0x6900  }
0x125: {  	[tilespmem:s30], [sflag:$0x3] =	stream.indirect_vreg.gather [hbm4b:s21+s24], $0x80, v4, vm0, $0xb8;
	[tilespmem:$0x10100] =	vst v63  }
0x126: {  	s25 =	simm.s32 $0x7100  }
0x127: {  	[tilespmem:s25], [sflag:$0x3] =	stream.indirect_vreg.gather [hbm4b:s18+s24], $0x80, v3, vm0, $0xb8;
	[tilespmem:$0x10100] =	vst v63  }
0x128: {  	s26 =	simm.s32 $0x7900  }
0x129: {  	[tilespmem:s26], [sflag:$0x3] =	stream.indirect_vreg.gather [hbm4b:s21+s24], $0x80, v3, vm0, $0xb8;
	[tilespmem:$0x10100] =	vst v63  }
0x12a: {  	s7 =	simm.s32 $0x80;
	s6 =	rddreg [dreg:$0x6]  }
0x12b: {  	[tilespmem:s7], [sflag:$0x2] =	stream.linear.gather [hbm4b:s6+s24], $0x40, $0x38;
	[tilespmem:$0x10100] =	vst v63  }
0x12c: {  	_ =	swait.ge [sflag:s10], $0x8000  }
0x12d: {  	[sflag:s10] =	ssyncset.done $0x0  }
0x12e: {  	s12 =	rddreg [dreg:$0x1e];
	[sflag:s10] =	ssyncadd.s32 $0xFFFF8000  }
0x12f: {  	[hbm4b:s12+s24] =	stream.linear.scatter [tilespmem:s23], [sflag:$0x5], $0x8000, $0x38;
	[tilespmem:$0x10100] =	vst v63  }
0x130: {  	_ =	swait.ge [sflag:s16], $0x8000  }
0x131: {  	[sflag:s16] =	ssyncset.done $0x0  }
0x132: {  	[sflag:s16] =	ssyncadd.s32 $0xFFFF8000  }
0x133: {  	_ =	swait.ge [sflag:s11], $0x40  }
0x134: {  	[sflag:s11] =	ssyncset.done $0x0  }
0x135: {  	[sflag:s11] =	ssyncadd.s32 $0xFFFFFFC0  }
0x136: {  	v3 =	vld [tilespmem:$0x80];
	_ =	sdelay $0x4  }
0x137: {  	v36 =	vshll.u32 v3, $0x2  }
0x138: {  	v3 =	vand.u32 $0x7, v3;
	v4 =	vand.u32 $0xFFFFFFE0, v36  }
0x139: {  	v3 =	vor.u32 v3, v4  }
0x13a: {  	v4 =	vperm.xlane v3, v0;
	_ =	sdelay $0x1  }
0x13b: {  	v4 =	vadd.s32 v1, v4;
	_ =	sdelay $0x1  }
0x13c: {  	v3 =	vperm.xlane v3, v2;
	_ =	sdelay $0x1  }
0x13d: {  	s30 =	simm.s32 $0x8100;
	v3 =	vadd.s32 v1, v3  }
0x13e: {  	[tilespmem:s30], [sflag:$0x4] =	stream.indirect_vreg.gather [hbm4b:s18+s24], $0x80, v4, vm0, $0xb8;
	[tilespmem:$0x10100] =	vst v63  }
0x13f: {  	s29 =	simm.s32 $0x8900  }
0x140: {  	[tilespmem:s29], [sflag:$0x4] =	stream.indirect_vreg.gather [hbm4b:s21+s24], $0x80, v4, vm0, $0xb8;
	[tilespmem:$0x10100] =	vst v63  }
0x141: {  	s28 =	simm.s32 $0x9100  }
0x142: {  	[tilespmem:s28], [sflag:$0x4] =	stream.indirect_vreg.gather [hbm4b:s18+s24], $0x80, v3, vm0, $0xb8;
	[tilespmem:$0x10100] =	vst v63  }
0x143: {  	s0 =	simm.s32 $0x9900  }
0x144: {  	[tilespmem:s0], [sflag:$0x4] =	stream.indirect_vreg.gather [hbm4b:s21+s24], $0x80, v3, vm0, $0xb8;
	[tilespmem:$0x10100] =	vst v63  }
0x145: {  	v3 =	vld [tilespmem:$0x90];
	_ =	sdelay $0x4  }
0x146: {  	v37 =	vshll.u32 v3, $0x2  }
0x147: {  	v3 =	vand.u32 $0x7, v3;
	v4 =	vand.u32 $0xFFFFFFE0, v37  }
0x148: {  	v3 =	vor.u32 v3, v4  }
0x149: {  	v4 =	vperm.xlane v3, v0;
	_ =	sdelay $0x1  }
0x14a: {  	v4 =	vadd.s32 v1, v4;
	_ =	sdelay $0x1  }
0x14b: {  	v3 =	vperm.xlane v3, v2;
	_ =	sdelay $0x1  }
0x14c: {  	s6 =	simm.s32 $0xA100;
	v3 =	vadd.s32 v1, v3  }
0x14d: {  	[tilespmem:s6], [sflag:$0x4] =	stream.indirect_vreg.gather [hbm4b:s18+s24], $0x80, v4, vm0, $0xb8;
	[tilespmem:$0x10100] =	vst v63  }
0x14e: {  	s3 =	simm.s32 $0xA900  }
0x14f: {  	[tilespmem:s3], [sflag:$0x4] =	stream.indirect_vreg.gather [hbm4b:s21+s24], $0x80, v4, vm0, $0xb8;
	[tilespmem:$0x10100] =	vst v63  }
0x150: {  	s2 =	simm.s32 $0xB100  }
0x151: {  	[tilespmem:s2], [sflag:$0x4] =	stream.indirect_vreg.gather [hbm4b:s18+s24], $0x80, v3, vm0, $0xb8;
	[tilespmem:$0x10100] =	vst v63  }
0x152: {  	s1 =	simm.s32 $0xB900  }
0x153: {  	[tilespmem:s1], [sflag:$0x4] =	stream.indirect_vreg.gather [hbm4b:s21+s24], $0x80, v3, vm0, $0xb8;
	[tilespmem:$0x10100] =	vst v63  }
0x154: {  	v3 =	vld [tilespmem:$0xA0];
	_ =	sdelay $0x4  }
0x155: {  	v38 =	vshll.u32 v3, $0x2  }
0x156: {  	v3 =	vand.u32 $0x7, v3;
	v4 =	vand.u32 $0xFFFFFFE0, v38  }
0x157: {  	v3 =	vor.u32 v3, v4  }
0x158: {  	v4 =	vperm.xlane v3, v0;
	_ =	sdelay $0x1  }
0x159: {  	v4 =	vadd.s32 v1, v4;
	_ =	sdelay $0x1  }
0x15a: {  	v3 =	vperm.xlane v3, v2;
	_ =	sdelay $0x1  }
0x15b: {  	s5 =	simm.s32 $0xC100;
	v3 =	vadd.s32 v1, v3  }
0x15c: {  	[tilespmem:s5], [sflag:$0x4] =	stream.indirect_vreg.gather [hbm4b:s18+s24], $0x80, v4, vm0, $0xb8;
	[tilespmem:$0x10100] =	vst v63  }
0x15d: {  	s13 =	simm.s32 $0xC900  }
0x15e: {  	[tilespmem:s13], [sflag:$0x4] =	stream.indirect_vreg.gather [hbm4b:s21+s24], $0x80, v4, vm0, $0xb8;
	[tilespmem:$0x10100] =	vst v63  }
0x15f: {  	s17 =	simm.s32 $0xD100  }
0x160: {  	[tilespmem:s17], [sflag:$0x4] =	stream.indirect_vreg.gather [hbm4b:s18+s24], $0x80, v3, vm0, $0xb8;
	[tilespmem:$0x10100] =	vst v63  }
0x161: {  	s4 =	simm.s32 $0xD900  }
0x162: {  	[tilespmem:s4], [sflag:$0x4] =	stream.indirect_vreg.gather [hbm4b:s21+s24], $0x80, v3, vm0, $0xb8;
	[tilespmem:$0x10100] =	vst v63  }
0x163: {  	v3 =	vld [tilespmem:$0xB0];
	_ =	sdelay $0x4  }
0x164: {  	v39 =	vshll.u32 v3, $0x2  }
0x165: {  	v3 =	vand.u32 $0x7, v3;
	v4 =	vand.u32 $0xFFFFFFE0, v39  }
0x166: {  	v3 =	vor.u32 v3, v4  }
0x167: {  	v4 =	vperm.xlane v3, v0;
	_ =	sdelay $0x1  }
0x168: {  	v4 =	vadd.s32 v1, v4;
	_ =	sdelay $0x1  }
0x169: {  	v3 =	vperm.xlane v3, v2;
	_ =	sdelay $0x1  }
0x16a: {  	s26 =	simm.s32 $0xE100;
	v3 =	vadd.s32 v1, v3  }
0x16b: {  	[tilespmem:s26], [sflag:$0x4] =	stream.indirect_vreg.gather [hbm4b:s18+s24], $0x80, v4, vm0, $0xb8;
	[tilespmem:$0x10100] =	vst v63  }
0x16c: {  	s4 =	simm.s32 $0xE900  }
0x16d: {  	[tilespmem:s4], [sflag:$0x4] =	stream.indirect_vreg.gather [hbm4b:s21+s24], $0x80, v4, vm0, $0xb8;
	[tilespmem:$0x10100] =	vst v63  }
0x16e: {  	s0 =	simm.s32 $0xF100  }
0x16f: {  	[tilespmem:s0], [sflag:$0x4] =	stream.indirect_vreg.gather [hbm4b:s18+s24], $0x80, v3, vm0, $0xb8;
	[tilespmem:$0x10100] =	vst v63  }
0x170: {  	s17 =	simm.s32 $0xF900  }
0x171: {  	[tilespmem:s17], [sflag:$0x4] =	stream.indirect_vreg.gather [hbm4b:s21+s24], $0x80, v3, vm0, $0xb8;
	[tilespmem:$0x10100] =	vst v63  }
0x172: {  	s17 =	rddreg [dreg:$0x7]  }
0x173: {  	[tilespmem:s24], [sflag:$0x1] =	stream.linear.gather [hbm4b:s17+s24], $0x40, $0x38;
	[tilespmem:$0x10100] =	vst v63  }
0x174: {  	_ =	swait.ge [sflag:s14], $0x8000  }
0x175: {  	[sflag:s14] =	ssyncset.done $0x0  }
0x176: {  	s17 =	rddreg [dreg:$0x1f];
	[sflag:s14] =	ssyncadd.s32 $0xFFFF8000  }
0x177: {  	[hbm4b:s17+s24] =	stream.linear.scatter [tilespmem:s30], [sflag:$0x6], $0x8000, $0x38;
	[tilespmem:$0x10100] =	vst v63  }
0x178: {  	_ =	swait.ge [sflag:s31], $0x8000  }
0x179: {  	[sflag:s31] =	ssyncset.done $0x0  }
0x17a: {  	[sflag:s31] =	ssyncadd.s32 $0xFFFF8000  }
0x17b: {  	_ =	swait.ge [sflag:s22], $0x40  }
0x17c: {  	[sflag:s22] =	ssyncset.done $0x0  }
0x17d: {  	[sflag:s22] =	ssyncadd.s32 $0xFFFFFFC0  }
0x17e: {  	v3 =	vld [tilespmem:$0x0];
	_ =	sdelay $0x4  }
0x17f: {  	v40 =	vshll.u32 v3, $0x2  }
0x180: {  	v3 =	vand.u32 $0x7, v3;
	v4 =	vand.u32 $0xFFFFFFE0, v40  }
0x181: {  	v3 =	vor.u32 v3, v4  }
0x182: {  	v4 =	vperm.xlane v3, v0;
	_ =	sdelay $0x1  }
0x183: {  	v4 =	vadd.s32 v1, v4;
	_ =	sdelay $0x1  }
0x184: {  	v3 =	vperm.xlane v3, v2;
	_ =	sdelay $0x1  }
0x185: {  	v3 =	vadd.s32 v1, v3  }
0x186: {  	[tilespmem:s23], [sflag:$0x3] =	stream.indirect_vreg.gather [hbm4b:s18+s24], $0x80, v4, vm0, $0xb8;
	[tilespmem:$0x10100] =	vst v63  }
0x187: {  	s17 =	simm.s32 $0x900  }
0x188: {  	[tilespmem:s17], [sflag:$0x3] =	stream.indirect_vreg.gather [hbm4b:s21+s24], $0x80, v4, vm0, $0xb8;
	[tilespmem:$0x10100] =	vst v63  }
0x189: {  	s17 =	simm.s32 $0x1100  }
0x18a: {  	[tilespmem:s17], [sflag:$0x3] =	stream.indirect_vreg.gather [hbm4b:s18+s24], $0x80, v3, vm0, $0xb8;
	[tilespmem:$0x10100] =	vst v63  }
0x18b: {  	s17 =	simm.s32 $0x1900  }
0x18c: {  	[tilespmem:s17], [sflag:$0x3] =	stream.indirect_vreg.gather [hbm4b:s21+s24], $0x80, v3, vm0, $0xb8;
	[tilespmem:$0x10100] =	vst v63  }
0x18d: {  	v3 =	vld [tilespmem:$0x10];
	_ =	sdelay $0x4  }
0x18e: {  	v41 =	vshll.u32 v3, $0x2  }
0x18f: {  	v3 =	vand.u32 $0x7, v3;
	v4 =	vand.u32 $0xFFFFFFE0, v41  }
0x190: {  	v3 =	vor.u32 v3, v4  }
0x191: {  	v4 =	vperm.xlane v3, v0;
	_ =	sdelay $0x1  }
0x192: {  	v4 =	vadd.s32 v1, v4;
	_ =	sdelay $0x1  }
0x193: {  	v3 =	vperm.xlane v3, v2;
	_ =	sdelay $0x1  }
0x194: {  	s17 =	simm.s32 $0x2100;
	v3 =	vadd.s32 v1, v3  }
0x195: {  	[tilespmem:s17], [sflag:$0x3] =	stream.indirect_vreg.gather [hbm4b:s18+s24], $0x80, v4, vm0, $0xb8;
	[tilespmem:$0x10100] =	vst v63  }
0x196: {  	s17 =	simm.s32 $0x2900  }
0x197: {  	[tilespmem:s17], [sflag:$0x3] =	stream.indirect_vreg.gather [hbm4b:s21+s24], $0x80, v4, vm0, $0xb8;
	[tilespmem:$0x10100] =	vst v63  }
0x198: {  	s17 =	simm.s32 $0x3100  }
0x199: {  	[tilespmem:s17], [sflag:$0x3] =	stream.indirect_vreg.gather [hbm4b:s18+s24], $0x80, v3, vm0, $0xb8;
	[tilespmem:$0x10100] =	vst v63  }
0x19a: {  	s17 =	simm.s32 $0x3900  }
0x19b: {  	[tilespmem:s17], [sflag:$0x3] =	stream.indirect_vreg.gather [hbm4b:s21+s24], $0x80, v3, vm0, $0xb8;
	[tilespmem:$0x10100] =	vst v63  }
0x19c: {  	v3 =	vld [tilespmem:$0x20];
	_ =	sdelay $0x4  }
0x19d: {  	v42 =	vshll.u32 v3, $0x2  }
0x19e: {  	v3 =	vand.u32 $0x7, v3;
	v4 =	vand.u32 $0xFFFFFFE0, v42  }
0x19f: {  	v3 =	vor.u32 v3, v4  }
0x1a0: {  	v4 =	vperm.xlane v3, v0;
	_ =	sdelay $0x1  }
0x1a1: {  	v4 =	vadd.s32 v1, v4;
	_ =	sdelay $0x1  }
0x1a2: {  	v3 =	vperm.xlane v3, v2;
	_ =	sdelay $0x1  }
0x1a3: {  	s17 =	simm.s32 $0x4100;
	v3 =	vadd.s32 v1, v3  }
0x1a4: {  	[tilespmem:s17], [sflag:$0x3] =	stream.indirect_vreg.gather [hbm4b:s18+s24], $0x80, v4, vm0, $0xb8;
	[tilespmem:$0x10100] =	vst v63  }
0x1a5: {  	s17 =	simm.s32 $0x4900  }
0x1a6: {  	[tilespmem:s17], [sflag:$0x3] =	stream.indirect_vreg.gather [hbm4b:s21+s24], $0x80, v4, vm0, $0xb8;
	[tilespmem:$0x10100] =	vst v63  }
0x1a7: {  	s17 =	simm.s32 $0x5100  }
0x1a8: {  	[tilespmem:s17], [sflag:$0x3] =	stream.indirect_vreg.gather [hbm4b:s18+s24], $0x80, v3, vm0, $0xb8;
	[tilespmem:$0x10100] =	vst v63  }
0x1a9: {  	s9 =	simm.s32 $0x5900  }
0x1aa: {  	[tilespmem:s9], [sflag:$0x3] =	stream.indirect_vreg.gather [hbm4b:s21+s24], $0x80, v3, vm0, $0xb8;
	[tilespmem:$0x10100] =	vst v63  }
0x1ab: {  	v3 =	vld [tilespmem:$0x30];
	_ =	sdelay $0x4  }
0x1ac: {  	v43 =	vshll.u32 v3, $0x2  }
0x1ad: {  	v3 =	vand.u32 $0x7, v3;
	v4 =	vand.u32 $0xFFFFFFE0, v43  }
0x1ae: {  	v3 =	vor.u32 v3, v4  }
0x1af: {  	v4 =	vperm.xlane v3, v0;
	_ =	sdelay $0x1  }
0x1b0: {  	v4 =	vadd.s32 v1, v4;
	_ =	sdelay $0x1  }
0x1b1: {  	v3 =	vperm.xlane v3, v2;
	_ =	sdelay $0x1  }
0x1b2: {  	s8 =	simm.s32 $0x6100;
	v3 =	vadd.s32 v1, v3  }
0x1b3: {  	[tilespmem:s8], [sflag:$0x3] =	stream.indirect_vreg.gather [hbm4b:s18+s24], $0x80, v4, vm0, $0xb8;
	[tilespmem:$0x10100] =	vst v63  }
0x1b4: {  	s15 =	simm.s32 $0x6900  }
0x1b5: {  	[tilespmem:s15], [sflag:$0x3] =	stream.indirect_vreg.gather [hbm4b:s21+s24], $0x80, v4, vm0, $0xb8;
	[tilespmem:$0x10100] =	vst v63  }
0x1b6: {  	s19 =	simm.s32 $0x7100  }
0x1b7: {  	[tilespmem:s19], [sflag:$0x3] =	stream.indirect_vreg.gather [hbm4b:s18+s24], $0x80, v3, vm0, $0xb8;
	[tilespmem:$0x10100] =	vst v63  }
0x1b8: {  	s19 =	simm.s32 $0x7900  }
0x1b9: {  	[tilespmem:s19], [sflag:$0x3] =	stream.indirect_vreg.gather [hbm4b:s21+s24], $0x80, v3, vm0, $0xb8;
	[tilespmem:$0x10100] =	vst v63  }
0x1ba: {  	s9 =	rddreg [dreg:$0x8]  }
0x1bb: {  	[tilespmem:s7], [sflag:$0x2] =	stream.linear.gather [hbm4b:s9+s24], $0x40, $0x38;
	[tilespmem:$0x10100] =	vst v63  }
0x1bc: {  	_ =	swait.ge [sflag:s10], $0x8000  }
0x1bd: {  	s19 =	sld [smem:$0x7E9]  }
0x1be: {  	[sflag:s10] =	ssyncset.done $0x0  }
0x1bf: {  	[sflag:s10] =	ssyncadd.s32 $0xFFFF8000  }
0x1c0: {  	[hbm4b:s19+s24] =	stream.linear.scatter [tilespmem:s23], [sflag:$0x5], $0x8000, $0x38;
	[tilespmem:$0x10100] =	vst v63  }
0x1c1: {  	_ =	swait.ge [sflag:s16], $0x8000  }
0x1c2: {  	[sflag:s16] =	ssyncset.done $0x0  }
0x1c3: {  	[sflag:s16] =	ssyncadd.s32 $0xFFFF8000  }
0x1c4: {  	_ =	swait.ge [sflag:s11], $0x40  }
0x1c5: {  	[sflag:s11] =	ssyncset.done $0x0  }
0x1c6: {  	[sflag:s11] =	ssyncadd.s32 $0xFFFFFFC0  }
0x1c7: {  	v3 =	vld [tilespmem:$0x80];
	_ =	sdelay $0x4  }
0x1c8: {  	v44 =	vshll.u32 v3, $0x2  }
0x1c9: {  	v3 =	vand.u32 $0x7, v3;
	v4 =	vand.u32 $0xFFFFFFE0, v44  }
0x1ca: {  	v3 =	vor.u32 v3, v4  }
0x1cb: {  	v4 =	vperm.xlane v3, v0;
	_ =	sdelay $0x1  }
0x1cc: {  	v4 =	vadd.s32 v1, v4;
	_ =	sdelay $0x1  }
0x1cd: {  	v3 =	vperm.xlane v3, v2;
	_ =	sdelay $0x1  }
0x1ce: {  	v3 =	vadd.s32 v1, v3  }
0x1cf: {  	[tilespmem:s30], [sflag:$0x4] =	stream.indirect_vreg.gather [hbm4b:s18+s24], $0x80, v4, vm0, $0xb8;
	[tilespmem:$0x10100] =	vst v63  }
0x1d0: {  	s25 =	simm.s32 $0x8900  }
0x1d1: {  	[tilespmem:s25], [sflag:$0x4] =	stream.indirect_vreg.gather [hbm4b:s21+s24], $0x80, v4, vm0, $0xb8;
	[tilespmem:$0x10100] =	vst v63  }
0x1d2: {  	s28 =	simm.s32 $0x9100  }
0x1d3: {  	[tilespmem:s28], [sflag:$0x4] =	stream.indirect_vreg.gather [hbm4b:s18+s24], $0x80, v3, vm0, $0xb8;
	[tilespmem:$0x10100] =	vst v63  }
0x1d4: {  	s29 =	simm.s32 $0x9900  }
0x1d5: {  	[tilespmem:s29], [sflag:$0x4] =	stream.indirect_vreg.gather [hbm4b:s21+s24], $0x80, v3, vm0, $0xb8;
	[tilespmem:$0x10100] =	vst v63  }
0x1d6: {  	v3 =	vld [tilespmem:$0x90];
	_ =	sdelay $0x4  }
0x1d7: {  	v45 =	vshll.u32 v3, $0x2  }
0x1d8: {  	v3 =	vand.u32 $0x7, v3;
	v4 =	vand.u32 $0xFFFFFFE0, v45  }
0x1d9: {  	v3 =	vor.u32 v3, v4  }
0x1da: {  	v4 =	vperm.xlane v3, v0;
	_ =	sdelay $0x1  }
0x1db: {  	v4 =	vadd.s32 v1, v4;
	_ =	sdelay $0x1  }
0x1dc: {  	v3 =	vperm.xlane v3, v2;
	_ =	sdelay $0x1  }
0x1dd: {  	v3 =	vadd.s32 v1, v3  }
0x1de: {  	[tilespmem:s6], [sflag:$0x4] =	stream.indirect_vreg.gather [hbm4b:s18+s24], $0x80, v4, vm0, $0xb8;
	[tilespmem:$0x10100] =	vst v63  }
0x1df: {  	_ = 	snop  }
0x1e0: {  	[tilespmem:s3], [sflag:$0x4] =	stream.indirect_vreg.gather [hbm4b:s21+s24], $0x80, v4, vm0, $0xb8;
	[tilespmem:$0x10100] =	vst v63  }
0x1e1: {  	_ = 	snop  }
0x1e2: {  	[tilespmem:s2], [sflag:$0x4] =	stream.indirect_vreg.gather [hbm4b:s18+s24], $0x80, v3, vm0, $0xb8;
	[tilespmem:$0x10100] =	vst v63  }
0x1e3: {  	_ = 	snop  }
0x1e4: {  	[tilespmem:s1], [sflag:$0x4] =	stream.indirect_vreg.gather [hbm4b:s21+s24], $0x80, v3, vm0, $0xb8;
	[tilespmem:$0x10100] =	vst v63  }
0x1e5: {  	v3 =	vld [tilespmem:$0xA0];
	_ =	sdelay $0x4  }
0x1e6: {  	v46 =	vshll.u32 v3, $0x2  }
0x1e7: {  	v3 =	vand.u32 $0x7, v3;
	v4 =	vand.u32 $0xFFFFFFE0, v46  }
0x1e8: {  	v3 =	vor.u32 v3, v4  }
0x1e9: {  	v4 =	vperm.xlane v3, v0;
	_ =	sdelay $0x1  }
0x1ea: {  	v4 =	vadd.s32 v1, v4;
	_ =	sdelay $0x1  }
0x1eb: {  	v3 =	vperm.xlane v3, v2;
	_ =	sdelay $0x1  }
0x1ec: {  	v3 =	vadd.s32 v1, v3  }
0x1ed: {  	[tilespmem:s5], [sflag:$0x4] =	stream.indirect_vreg.gather [hbm4b:s18+s24], $0x80, v4, vm0, $0xb8;
	[tilespmem:$0x10100] =	vst v63  }
0x1ee: {  	s12 =	simm.s32 $0xC900  }
0x1ef: {  	[tilespmem:s12], [sflag:$0x4] =	stream.indirect_vreg.gather [hbm4b:s21+s24], $0x80, v4, vm0, $0xb8;
	[tilespmem:$0x10100] =	vst v63  }
0x1f0: {  	s13 =	simm.s32 $0xD100  }
0x1f1: {  	[tilespmem:s13], [sflag:$0x4] =	stream.indirect_vreg.gather [hbm4b:s18+s24], $0x80, v3, vm0, $0xb8;
	[tilespmem:$0x10100] =	vst v63  }
0x1f2: {  	s20 =	simm.s32 $0xD900  }
0x1f3: {  	[tilespmem:s20], [sflag:$0x4] =	stream.indirect_vreg.gather [hbm4b:s21+s24], $0x80, v3, vm0, $0xb8;
	[tilespmem:$0x10100] =	vst v63  }
0x1f4: {  	v3 =	vld [tilespmem:$0xB0];
	_ =	sdelay $0x4  }
0x1f5: {  	v47 =	vshll.u32 v3, $0x2  }
0x1f6: {  	v3 =	vand.u32 $0x7, v3;
	v4 =	vand.u32 $0xFFFFFFE0, v47  }
0x1f7: {  	v3 =	vor.u32 v3, v4  }
0x1f8: {  	v4 =	vperm.xlane v3, v0;
	_ =	sdelay $0x1  }
0x1f9: {  	v4 =	vadd.s32 v1, v4;
	_ =	sdelay $0x1  }
0x1fa: {  	v3 =	vperm.xlane v3, v2;
	_ =	sdelay $0x1  }
0x1fb: {  	v3 =	vadd.s32 v1, v3  }
0x1fc: {  	[tilespmem:s26], [sflag:$0x4] =	stream.indirect_vreg.gather [hbm4b:s18+s24], $0x80, v4, vm0, $0xb8;
	[tilespmem:$0x10100] =	vst v63  }
0x1fd: {  	_ = 	snop  }
0x1fe: {  	[tilespmem:s4], [sflag:$0x4] =	stream.indirect_vreg.gather [hbm4b:s21+s24], $0x80, v4, vm0, $0xb8;
	[tilespmem:$0x10100] =	vst v63  }
0x1ff: {  	_ = 	snop  }
0x200: {  	[tilespmem:s0], [sflag:$0x4] =	stream.indirect_vreg.gather [hbm4b:s18+s24], $0x80, v3, vm0, $0xb8;
	[tilespmem:$0x10100] =	vst v63  }
0x201: {  	s26 =	simm.s32 $0xF900  }
0x202: {  	[tilespmem:s26], [sflag:$0x4] =	stream.indirect_vreg.gather [hbm4b:s21+s24], $0x80, v3, vm0, $0xb8;
	[tilespmem:$0x10100] =	vst v63  }
0x203: {  	s0 =	rddreg [dreg:$0x9]  }
0x204: {  	[tilespmem:s24], [sflag:$0x1] =	stream.linear.gather [hbm4b:s0+s24], $0x40, $0x38;
	[tilespmem:$0x10100] =	vst v63  }
0x205: {  	_ =	swait.ge [sflag:s14], $0x8000  }
0x206: {  	s20 =	sld [smem:$0x7EA]  }
0x207: {  	[sflag:s14] =	ssyncset.done $0x0  }
0x208: {  	[sflag:s14] =	ssyncadd.s32 $0xFFFF8000  }
0x209: {  	[hbm4b:s20+s24] =	stream.linear.scatter [tilespmem:s30], [sflag:$0x6], $0x8000, $0x38;
	[tilespmem:$0x10100] =	vst v63  }
0x20a: {  	_ =	swait.ge [sflag:s31], $0x8000  }
0x20b: {  	[sflag:s31] =	ssyncset.done $0x0  }
0x20c: {  	[sflag:s31] =	ssyncadd.s32 $0xFFFF8000  }
0x20d: {  	_ =	swait.ge [sflag:s22], $0x40  }
0x20e: {  	[sflag:s22] =	ssyncset.done $0x0  }
0x20f: {  	[sflag:s22] =	ssyncadd.s32 $0xFFFFFFC0  }
0x210: {  	v3 =	vld [tilespmem:$0x0];
	_ =	sdelay $0x4  }
0x211: {  	v48 =	vshll.u32 v3, $0x2  }
0x212: {  	v3 =	vand.u32 $0x7, v3;
	v4 =	vand.u32 $0xFFFFFFE0, v48  }
0x213: {  	v3 =	vor.u32 v3, v4  }
0x214: {  	v4 =	vperm.xlane v3, v0;
	_ =	sdelay $0x1  }
0x215: {  	v4 =	vadd.s32 v1, v4;
	_ =	sdelay $0x1  }
0x216: {  	v3 =	vperm.xlane v3, v2;
	_ =	sdelay $0x1  }
0x217: {  	v3 =	vadd.s32 v1, v3  }
0x218: {  	[tilespmem:s23], [sflag:$0x3] =	stream.indirect_vreg.gather [hbm4b:s18+s24], $0x80, v4, vm0, $0xb8;
	[tilespmem:$0x10100] =	vst v63  }
0x219: {  	s26 =	simm.s32 $0x900  }
0x21a: {  	[tilespmem:s26], [sflag:$0x3] =	stream.indirect_vreg.gather [hbm4b:s21+s24], $0x80, v4, vm0, $0xb8;
	[tilespmem:$0x10100] =	vst v63  }
0x21b: {  	s17 =	simm.s32 $0x1100  }
0x21c: {  	[tilespmem:s17], [sflag:$0x3] =	stream.indirect_vreg.gather [hbm4b:s18+s24], $0x80, v3, vm0, $0xb8;
	[tilespmem:$0x10100] =	vst v63  }
0x21d: {  	s20 =	simm.s32 $0x1900  }
0x21e: {  	[tilespmem:s20], [sflag:$0x3] =	stream.indirect_vreg.gather [hbm4b:s21+s24], $0x80, v3, vm0, $0xb8;
	[tilespmem:$0x10100] =	vst v63  }
0x21f: {  	v3 =	vld [tilespmem:$0x10];
	_ =	sdelay $0x4  }
0x220: {  	v49 =	vshll.u32 v3, $0x2  }
0x221: {  	v3 =	vand.u32 $0x7, v3;
	v4 =	vand.u32 $0xFFFFFFE0, v49  }
0x222: {  	v3 =	vor.u32 v3, v4  }
0x223: {  	v4 =	vperm.xlane v3, v0;
	_ =	sdelay $0x1  }
0x224: {  	v4 =	vadd.s32 v1, v4;
	_ =	sdelay $0x1  }
0x225: {  	v3 =	vperm.xlane v3, v2;
	_ =	sdelay $0x1  }
0x226: {  	s26 =	simm.s32 $0x2100;
	v3 =	vadd.s32 v1, v3  }
0x227: {  	[tilespmem:s26], [sflag:$0x3] =	stream.indirect_vreg.gather [hbm4b:s18+s24], $0x80, v4, vm0, $0xb8;
	[tilespmem:$0x10100] =	vst v63  }
0x228: {  	s17 =	simm.s32 $0x2900  }
0x229: {  	[tilespmem:s17], [sflag:$0x3] =	stream.indirect_vreg.gather [hbm4b:s21+s24], $0x80, v4, vm0, $0xb8;
	[tilespmem:$0x10100] =	vst v63  }
0x22a: {  	s20 =	simm.s32 $0x3100  }
0x22b: {  	[tilespmem:s20], [sflag:$0x3] =	stream.indirect_vreg.gather [hbm4b:s18+s24], $0x80, v3, vm0, $0xb8;
	[tilespmem:$0x10100] =	vst v63  }
0x22c: {  	s26 =	simm.s32 $0x3900  }
0x22d: {  	[tilespmem:s26], [sflag:$0x3] =	stream.indirect_vreg.gather [hbm4b:s21+s24], $0x80, v3, vm0, $0xb8;
	[tilespmem:$0x10100] =	vst v63  }
0x22e: {  	v3 =	vld [tilespmem:$0x20];
	_ =	sdelay $0x4  }
0x22f: {  	v50 =	vshll.u32 v3, $0x2  }
0x230: {  	v3 =	vand.u32 $0x7, v3;
	v4 =	vand.u32 $0xFFFFFFE0, v50  }
0x231: {  	v3 =	vor.u32 v3, v4  }
0x232: {  	v4 =	vperm.xlane v3, v0;
	_ =	sdelay $0x1  }
0x233: {  	v4 =	vadd.s32 v1, v4;
	_ =	sdelay $0x1  }
0x234: {  	v3 =	vperm.xlane v3, v2;
	_ =	sdelay $0x1  }
0x235: {  	s17 =	simm.s32 $0x4100;
	v3 =	vadd.s32 v1, v3  }
0x236: {  	[tilespmem:s17], [sflag:$0x3] =	stream.indirect_vreg.gather [hbm4b:s18+s24], $0x80, v4, vm0, $0xb8;
	[tilespmem:$0x10100] =	vst v63  }
0x237: {  	s20 =	simm.s32 $0x4900  }
0x238: {  	[tilespmem:s20], [sflag:$0x3] =	stream.indirect_vreg.gather [hbm4b:s21+s24], $0x80, v4, vm0, $0xb8;
	[tilespmem:$0x10100] =	vst v63  }
0x239: {  	s26 =	simm.s32 $0x5100  }
0x23a: {  	[tilespmem:s26], [sflag:$0x3] =	stream.indirect_vreg.gather [hbm4b:s18+s24], $0x80, v3, vm0, $0xb8;
	[tilespmem:$0x10100] =	vst v63  }
0x23b: {  	s17 =	simm.s32 $0x5900  }
0x23c: {  	[tilespmem:s17], [sflag:$0x3] =	stream.indirect_vreg.gather [hbm4b:s21+s24], $0x80, v3, vm0, $0xb8;
	[tilespmem:$0x10100] =	vst v63  }
0x23d: {  	v3 =	vld [tilespmem:$0x30];
	_ =	sdelay $0x4  }
0x23e: {  	v51 =	vshll.u32 v3, $0x2  }
0x23f: {  	v3 =	vand.u32 $0x7, v3;
	v4 =	vand.u32 $0xFFFFFFE0, v51  }
0x240: {  	v3 =	vor.u32 v3, v4  }
0x241: {  	v4 =	vperm.xlane v3, v0;
	_ =	sdelay $0x1  }
0x242: {  	v4 =	vadd.s32 v1, v4;
	_ =	sdelay $0x1  }
0x243: {  	v3 =	vperm.xlane v3, v2;
	_ =	sdelay $0x1  }
0x244: {  	s20 =	simm.s32 $0x6100;
	v3 =	vadd.s32 v1, v3  }
0x245: {  	[tilespmem:s20], [sflag:$0x3] =	stream.indirect_vreg.gather [hbm4b:s18+s24], $0x80, v4, vm0, $0xb8;
	[tilespmem:$0x10100] =	vst v63  }
0x246: {  	s26 =	simm.s32 $0x6900  }
0x247: {  	[tilespmem:s26], [sflag:$0x3] =	stream.indirect_vreg.gather [hbm4b:s21+s24], $0x80, v4, vm0, $0xb8;
	[tilespmem:$0x10100] =	vst v63  }
0x248: {  	s15 =	simm.s32 $0x7100  }
0x249: {  	[tilespmem:s15], [sflag:$0x3] =	stream.indirect_vreg.gather [hbm4b:s18+s24], $0x80, v3, vm0, $0xb8;
	[tilespmem:$0x10100] =	vst v63  }
0x24a: {  	s17 =	simm.s32 $0x7900  }
0x24b: {  	[tilespmem:s17], [sflag:$0x3] =	stream.indirect_vreg.gather [hbm4b:s21+s24], $0x80, v3, vm0, $0xb8;
	[tilespmem:$0x10100] =	vst v63  }
0x24c: {  	s9 =	simm.s32 $0x80;
	s26 =	rddreg [dreg:$0xa]  }
0x24d: {  	[tilespmem:s9], [sflag:$0x2] =	stream.linear.gather [hbm4b:s26+s24], $0x40, $0x38;
	[tilespmem:$0x10100] =	vst v63  }
0x24e: {  	_ =	swait.ge [sflag:s10], $0x8000  }
0x24f: {  	s9 =	sld [smem:$0x7EB]  }
0x250: {  	[sflag:s10] =	ssyncset.done $0x0  }
0x251: {  	[sflag:s10] =	ssyncadd.s32 $0xFFFF8000  }
0x252: {  	[hbm4b:s9+s24] =	stream.linear.scatter [tilespmem:s23], [sflag:$0x5], $0x8000, $0x38;
	[tilespmem:$0x10100] =	vst v63  }
0x253: {  	_ =	swait.ge [sflag:s16], $0x8000  }
0x254: {  	[sflag:s16] =	ssyncset.done $0x0  }
0x255: {  	[sflag:s16] =	ssyncadd.s32 $0xFFFF8000  }
0x256: {  	_ =	swait.ge [sflag:s11], $0x40  }
0x257: {  	[sflag:s11] =	ssyncset.done $0x0  }
0x258: {  	[sflag:s11] =	ssyncadd.s32 $0xFFFFFFC0  }
0x259: {  	v3 =	vld [tilespmem:$0x80];
	_ =	sdelay $0x4  }
0x25a: {  	v52 =	vshll.u32 v3, $0x2  }
0x25b: {  	v3 =	vand.u32 $0x7, v3;
	v4 =	vand.u32 $0xFFFFFFE0, v52  }
0x25c: {  	v3 =	vor.u32 v3, v4  }
0x25d: {  	v4 =	vperm.xlane v3, v0;
	_ =	sdelay $0x1  }
0x25e: {  	v4 =	vadd.s32 v1, v4;
	_ =	sdelay $0x1  }
0x25f: {  	v3 =	vperm.xlane v3, v2;
	_ =	sdelay $0x1  }
0x260: {  	v3 =	vadd.s32 v1, v3  }
0x261: {  	[tilespmem:s30], [sflag:$0x4] =	stream.indirect_vreg.gather [hbm4b:s18+s24], $0x80, v4, vm0, $0xb8;
	[tilespmem:$0x10100] =	vst v63  }
0x262: {  	s25 =	simm.s32 $0x8900  }
0x263: {  	[tilespmem:s25], [sflag:$0x4] =	stream.indirect_vreg.gather [hbm4b:s21+s24], $0x80, v4, vm0, $0xb8;
	[tilespmem:$0x10100] =	vst v63  }
0x264: {  	s28 =	simm.s32 $0x9100  }
0x265: {  	[tilespmem:s28], [sflag:$0x4] =	stream.indirect_vreg.gather [hbm4b:s18+s24], $0x80, v3, vm0, $0xb8;
	[tilespmem:$0x10100] =	vst v63  }
0x266: {  	s29 =	simm.s32 $0x9900  }
0x267: {  	[tilespmem:s29], [sflag:$0x4] =	stream.indirect_vreg.gather [hbm4b:s21+s24], $0x80, v3, vm0, $0xb8;
	[tilespmem:$0x10100] =	vst v63  }
0x268: {  	v3 =	vld [tilespmem:$0x90];
	_ =	sdelay $0x4  }
0x269: {  	v53 =	vshll.u32 v3, $0x2  }
0x26a: {  	v3 =	vand.u32 $0x7, v3;
	v4 =	vand.u32 $0xFFFFFFE0, v53  }
0x26b: {  	v3 =	vor.u32 v3, v4  }
0x26c: {  	v4 =	vperm.xlane v3, v0;
	_ =	sdelay $0x1  }
0x26d: {  	v4 =	vadd.s32 v1, v4;
	_ =	sdelay $0x1  }
0x26e: {  	v3 =	vperm.xlane v3, v2;
	_ =	sdelay $0x1  }
0x26f: {  	s19 =	simm.s32 $0xA100;
	v3 =	vadd.s32 v1, v3  }
0x270: {  	[tilespmem:s19], [sflag:$0x4] =	stream.indirect_vreg.gather [hbm4b:s18+s24], $0x80, v4, vm0, $0xb8;
	[tilespmem:$0x10100] =	vst v63  }
0x271: {  	s8 =	simm.s32 $0xA900  }
0x272: {  	[tilespmem:s8], [sflag:$0x4] =	stream.indirect_vreg.gather [hbm4b:s21+s24], $0x80, v4, vm0, $0xb8;
	[tilespmem:$0x10100] =	vst v63  }
0x273: {  	s7 =	simm.s32 $0xB100  }
0x274: {  	[tilespmem:s7], [sflag:$0x4] =	stream.indirect_vreg.gather [hbm4b:s18+s24], $0x80, v3, vm0, $0xb8;
	[tilespmem:$0x10100] =	vst v63  }
0x275: {  	s6 =	simm.s32 $0xB900  }
0x276: {  	[tilespmem:s6], [sflag:$0x4] =	stream.indirect_vreg.gather [hbm4b:s21+s24], $0x80, v3, vm0, $0xb8;
	[tilespmem:$0x10100] =	vst v63  }
0x277: {  	v3 =	vld [tilespmem:$0xA0];
	_ =	sdelay $0x4  }
0x278: {  	v54 =	vshll.u32 v3, $0x2  }
0x279: {  	v3 =	vand.u32 $0x7, v3;
	v4 =	vand.u32 $0xFFFFFFE0, v54  }
0x27a: {  	v3 =	vor.u32 v3, v4  }
0x27b: {  	v4 =	vperm.xlane v3, v0;
	_ =	sdelay $0x1  }
0x27c: {  	v4 =	vadd.s32 v1, v4;
	_ =	sdelay $0x1  }
0x27d: {  	v3 =	vperm.xlane v3, v2;
	_ =	sdelay $0x1  }
0x27e: {  	s1 =	simm.s32 $0xC100;
	v3 =	vadd.s32 v1, v3  }
0x27f: {  	[tilespmem:s1], [sflag:$0x4] =	stream.indirect_vreg.gather [hbm4b:s18+s24], $0x80, v4, vm0, $0xb8;
	[tilespmem:$0x10100] =	vst v63  }
0x280: {  	s5 =	simm.s32 $0xC900  }
0x281: {  	[tilespmem:s5], [sflag:$0x4] =	stream.indirect_vreg.gather [hbm4b:s21+s24], $0x80, v4, vm0, $0xb8;
	[tilespmem:$0x10100] =	vst v63  }
0x282: {  	s12 =	simm.s32 $0xD100  }
0x283: {  	[tilespmem:s12], [sflag:$0x4] =	stream.indirect_vreg.gather [hbm4b:s18+s24], $0x80, v3, vm0, $0xb8;
	[tilespmem:$0x10100] =	vst v63  }
0x284: {  	s13 =	simm.s32 $0xD900  }
0x285: {  	[tilespmem:s13], [sflag:$0x4] =	stream.indirect_vreg.gather [hbm4b:s21+s24], $0x80, v3, vm0, $0xb8;
	[tilespmem:$0x10100] =	vst v63  }
0x286: {  	v3 =	vld [tilespmem:$0xB0];
	_ =	sdelay $0x4  }
0x287: {  	v55 =	vshll.u32 v3, $0x2  }
0x288: {  	v3 =	vand.u32 $0x7, v3;
	v4 =	vand.u32 $0xFFFFFFE0, v55  }
0x289: {  	v3 =	vor.u32 v3, v4  }
0x28a: {  	v4 =	vperm.xlane v3, v0;
	_ =	sdelay $0x1  }
0x28b: {  	v4 =	vadd.s32 v1, v4;
	_ =	sdelay $0x1  }
0x28c: {  	v3 =	vperm.xlane v3, v2;
	_ =	sdelay $0x1  }
0x28d: {  	s2 =	simm.s32 $0xE100;
	v3 =	vadd.s32 v1, v3  }
0x28e: {  	[tilespmem:s2], [sflag:$0x4] =	stream.indirect_vreg.gather [hbm4b:s18+s24], $0x80, v4, vm0, $0xb8;
	[tilespmem:$0x10100] =	vst v63  }
0x28f: {  	s3 =	simm.s32 $0xE900  }
0x290: {  	[tilespmem:s3], [sflag:$0x4] =	stream.indirect_vreg.gather [hbm4b:s21+s24], $0x80, v4, vm0, $0xb8;
	[tilespmem:$0x10100] =	vst v63  }
0x291: {  	s4 =	simm.s32 $0xF100  }
0x292: {  	[tilespmem:s4], [sflag:$0x4] =	stream.indirect_vreg.gather [hbm4b:s18+s24], $0x80, v3, vm0, $0xb8;
	[tilespmem:$0x10100] =	vst v63  }
0x293: {  	s19 =	simm.s32 $0xF900  }
0x294: {  	[tilespmem:s19], [sflag:$0x4] =	stream.indirect_vreg.gather [hbm4b:s21+s24], $0x80, v3, vm0, $0xb8;
	[tilespmem:$0x10100] =	vst v63  }
0x295: {  	s19 =	rddreg [dreg:$0xb]  }
0x296: {  	[tilespmem:s24], [sflag:$0x1] =	stream.linear.gather [hbm4b:s19+s24], $0x40, $0x38;
	[tilespmem:$0x10100] =	vst v63  }
0x297: {  	_ =	swait.ge [sflag:s14], $0x8000  }
0x298: {  	s19 =	sld [smem:$0x7EC]  }
0x299: {  	[sflag:s14] =	ssyncset.done $0x0  }
0x29a: {  	[sflag:s14] =	ssyncadd.s32 $0xFFFF8000  }
0x29b: {  	[hbm4b:s19+s24] =	stream.linear.scatter [tilespmem:s30], [sflag:$0x6], $0x8000, $0x38;
	[tilespmem:$0x10100] =	vst v63  }
0x29c: {  	_ =	swait.ge [sflag:s31], $0x8000  }
0x29d: {  	[sflag:s31] =	ssyncset.done $0x0  }
0x29e: {  	[sflag:s31] =	ssyncadd.s32 $0xFFFF8000  }
0x29f: {  	_ =	swait.ge [sflag:s22], $0x40  }
0x2a0: {  	[sflag:s22] =	ssyncset.done $0x0  }
0x2a1: {  	[sflag:s22] =	ssyncadd.s32 $0xFFFFFFC0  }
0x2a2: {  	v3 =	vld [tilespmem:$0x0];
	_ =	sdelay $0x4  }
0x2a3: {  	v56 =	vshll.u32 v3, $0x2  }
0x2a4: {  	v3 =	vand.u32 $0x7, v3;
	v4 =	vand.u32 $0xFFFFFFE0, v56  }
0x2a5: {  	v3 =	vor.u32 v3, v4  }
0x2a6: {  	v4 =	vperm.xlane v3, v0;
	_ =	sdelay $0x1  }
0x2a7: {  	v4 =	vadd.s32 v1, v4;
	_ =	sdelay $0x1  }
0x2a8: {  	v3 =	vperm.xlane v3, v2;
	_ =	sdelay $0x1  }
0x2a9: {  	v3 =	vadd.s32 v1, v3  }
0x2aa: {  	[tilespmem:s23], [sflag:$0x3] =	stream.indirect_vreg.gather [hbm4b:s18+s24], $0x80, v4, vm0, $0xb8;
	[tilespmem:$0x10100] =	vst v63  }
0x2ab: {  	s19 =	simm.s32 $0x900  }
0x2ac: {  	[tilespmem:s19], [sflag:$0x3] =	stream.indirect_vreg.gather [hbm4b:s21+s24], $0x80, v4, vm0, $0xb8;
	[tilespmem:$0x10100] =	vst v63  }
0x2ad: {  	s19 =	simm.s32 $0x1100  }
0x2ae: {  	[tilespmem:s19], [sflag:$0x3] =	stream.indirect_vreg.gather [hbm4b:s18+s24], $0x80, v3, vm0, $0xb8;
	[tilespmem:$0x10100] =	vst v63  }
0x2af: {  	s19 =	simm.s32 $0x1900  }
0x2b0: {  	[tilespmem:s19], [sflag:$0x3] =	stream.indirect_vreg.gather [hbm4b:s21+s24], $0x80, v3, vm0, $0xb8;
	[tilespmem:$0x10100] =	vst v63  }
0x2b1: {  	v3 =	vld [tilespmem:$0x10];
	_ =	sdelay $0x4  }
0x2b2: {  	v57 =	vshll.u32 v3, $0x2  }
0x2b3: {  	v3 =	vand.u32 $0x7, v3;
	v4 =	vand.u32 $0xFFFFFFE0, v57  }
0x2b4: {  	v3 =	vor.u32 v3, v4  }
0x2b5: {  	v4 =	vperm.xlane v3, v0;
	_ =	sdelay $0x1  }
0x2b6: {  	v4 =	vadd.s32 v1, v4;
	_ =	sdelay $0x1  }
0x2b7: {  	v3 =	vperm.xlane v3, v2;
	_ =	sdelay $0x1  }
0x2b8: {  	s19 =	simm.s32 $0x2100;
	v3 =	vadd.s32 v1, v3  }
0x2b9: {  	[tilespmem:s19], [sflag:$0x3] =	stream.indirect_vreg.gather [hbm4b:s18+s24], $0x80, v4, vm0, $0xb8;
	[tilespmem:$0x10100] =	vst v63  }
0x2ba: {  	s19 =	simm.s32 $0x2900  }
0x2bb: {  	[tilespmem:s19], [sflag:$0x3] =	stream.indirect_vreg.gather [hbm4b:s21+s24], $0x80, v4, vm0, $0xb8;
	[tilespmem:$0x10100] =	vst v63  }
0x2bc: {  	s19 =	simm.s32 $0x3100  }
0x2bd: {  	[tilespmem:s19], [sflag:$0x3] =	stream.indirect_vreg.gather [hbm4b:s18+s24], $0x80, v3, vm0, $0xb8;
	[tilespmem:$0x10100] =	vst v63  }
0x2be: {  	s19 =	simm.s32 $0x3900  }
0x2bf: {  	[tilespmem:s19], [sflag:$0x3] =	stream.indirect_vreg.gather [hbm4b:s21+s24], $0x80, v3, vm0, $0xb8;
	[tilespmem:$0x10100] =	vst v63  }
0x2c0: {  	v3 =	vld [tilespmem:$0x20];
	_ =	sdelay $0x4  }
0x2c1: {  	v58 =	vshll.u32 v3, $0x2  }
0x2c2: {  	v3 =	vand.u32 $0x7, v3;
	v4 =	vand.u32 $0xFFFFFFE0, v58  }
0x2c3: {  	v3 =	vor.u32 v3, v4  }
0x2c4: {  	v4 =	vperm.xlane v3, v0;
	_ =	sdelay $0x1  }
0x2c5: {  	v4 =	vadd.s32 v1, v4;
	_ =	sdelay $0x1  }
0x2c6: {  	v3 =	vperm.xlane v3, v2;
	_ =	sdelay $0x1  }
0x2c7: {  	s19 =	simm.s32 $0x4100;
	v3 =	vadd.s32 v1, v3  }
0x2c8: {  	[tilespmem:s19], [sflag:$0x3] =	stream.indirect_vreg.gather [hbm4b:s18+s24], $0x80, v4, vm0, $0xb8;
	[tilespmem:$0x10100] =	vst v63  }
0x2c9: {  	s19 =	simm.s32 $0x4900  }
0x2ca: {  	[tilespmem:s19], [sflag:$0x3] =	stream.indirect_vreg.gather [hbm4b:s21+s24], $0x80, v4, vm0, $0xb8;
	[tilespmem:$0x10100] =	vst v63  }
0x2cb: {  	s19 =	simm.s32 $0x5100  }
0x2cc: {  	[tilespmem:s19], [sflag:$0x3] =	stream.indirect_vreg.gather [hbm4b:s18+s24], $0x80, v3, vm0, $0xb8;
	[tilespmem:$0x10100] =	vst v63  }
0x2cd: {  	s19 =	simm.s32 $0x5900  }
0x2ce: {  	[tilespmem:s19], [sflag:$0x3] =	stream.indirect_vreg.gather [hbm4b:s21+s24], $0x80, v3, vm0, $0xb8;
	[tilespmem:$0x10100] =	vst v63  }
0x2cf: {  	v3 =	vld [tilespmem:$0x30];
	_ =	sdelay $0x4  }
0x2d0: {  	v59 =	vshll.u32 v3, $0x2  }
0x2d1: {  	v3 =	vand.u32 $0x7, v3;
	v4 =	vand.u32 $0xFFFFFFE0, v59  }
0x2d2: {  	v3 =	vor.u32 v3, v4  }
0x2d3: {  	v4 =	vperm.xlane v3, v0;
	_ =	sdelay $0x1  }
0x2d4: {  	v4 =	vadd.s32 v1, v4;
	_ =	sdelay $0x1  }
0x2d5: {  	v3 =	vperm.xlane v3, v2;
	_ =	sdelay $0x1  }
0x2d6: {  	s19 =	simm.s32 $0x6100;
	v3 =	vadd.s32 v1, v3  }
0x2d7: {  	[tilespmem:s19], [sflag:$0x3] =	stream.indirect_vreg.gather [hbm4b:s18+s24], $0x80, v4, vm0, $0xb8;
	[tilespmem:$0x10100] =	vst v63  }
0x2d8: {  	s20 =	simm.s32 $0x6900  }
0x2d9: {  	[tilespmem:s20], [sflag:$0x3] =	stream.indirect_vreg.gather [hbm4b:s21+s24], $0x80, v4, vm0, $0xb8;
	[tilespmem:$0x10100] =	vst v63  }
0x2da: {  	s0 =	simm.s32 $0x7100  }
0x2db: {  	[tilespmem:s0], [sflag:$0x3] =	stream.indirect_vreg.gather [hbm4b:s18+s24], $0x80, v3, vm0, $0xb8;
	[tilespmem:$0x10100] =	vst v63  }
0x2dc: {  	s15 =	simm.s32 $0x7900  }
0x2dd: {  	[tilespmem:s15], [sflag:$0x3] =	stream.indirect_vreg.gather [hbm4b:s21+s24], $0x80, v3, vm0, $0xb8;
	[tilespmem:$0x10100] =	vst v63  }
0x2de: {  	s26 =	simm.s32 $0x80;
	s20 =	rddreg [dreg:$0xc]  }
0x2df: {  	[tilespmem:s26], [sflag:$0x2] =	stream.linear.gather [hbm4b:s20+s24], $0x40, $0x38;
	[tilespmem:$0x10100] =	vst v63  }
0x2e0: {  	_ =	swait.ge [sflag:s10], $0x8000  }
0x2e1: {  	s26 =	sld [smem:$0x7ED]  }
0x2e2: {  	[sflag:s10] =	ssyncset.done $0x0  }
0x2e3: {  	[sflag:s10] =	ssyncadd.s32 $0xFFFF8000  }
0x2e4: {  	[hbm4b:s26+s24] =	stream.linear.scatter [tilespmem:s23], [sflag:$0x5], $0x8000, $0x38;
	[tilespmem:$0x10100] =	vst v63  }
0x2e5: {  	_ =	swait.ge [sflag:s16], $0x8000  }
0x2e6: {  	[sflag:s16] =	ssyncset.done $0x0  }
0x2e7: {  	[sflag:s16] =	ssyncadd.s32 $0xFFFF8000  }
0x2e8: {  	_ =	swait.ge [sflag:s11], $0x40  }
0x2e9: {  	[sflag:s11] =	ssyncset.done $0x0  }
0x2ea: {  	[sflag:s11] =	ssyncadd.s32 $0xFFFFFFC0  }
0x2eb: {  	v3 =	vld [tilespmem:$0x80];
	_ =	sdelay $0x4  }
0x2ec: {  	v60 =	vshll.u32 v3, $0x2  }
0x2ed: {  	v3 =	vand.u32 $0x7, v3;
	v4 =	vand.u32 $0xFFFFFFE0, v60  }
0x2ee: {  	v3 =	vor.u32 v3, v4  }
0x2ef: {  	v4 =	vperm.xlane v3, v0;
	_ =	sdelay $0x1  }
0x2f0: {  	v4 =	vadd.s32 v1, v4;
	_ =	sdelay $0x1  }
0x2f1: {  	v3 =	vperm.xlane v3, v2;
	_ =	sdelay $0x1  }
0x2f2: {  	v3 =	vadd.s32 v1, v3  }
0x2f3: {  	[tilespmem:s30], [sflag:$0x4] =	stream.indirect_vreg.gather [hbm4b:s18+s24], $0x80, v4, vm0, $0xb8;
	[tilespmem:$0x10100] =	vst v63  }
0x2f4: {  	s25 =	simm.s32 $0x8900  }
0x2f5: {  	[tilespmem:s25], [sflag:$0x4] =	stream.indirect_vreg.gather [hbm4b:s21+s24], $0x80, v4, vm0, $0xb8;
	[tilespmem:$0x10100] =	vst v63  }
0x2f6: {  	s28 =	simm.s32 $0x9100  }
0x2f7: {  	[tilespmem:s28], [sflag:$0x4] =	stream.indirect_vreg.gather [hbm4b:s18+s24], $0x80, v3, vm0, $0xb8;
	[tilespmem:$0x10100] =	vst v63  }
0x2f8: {  	s29 =	simm.s32 $0x9900  }
0x2f9: {  	[tilespmem:s29], [sflag:$0x4] =	stream.indirect_vreg.gather [hbm4b:s21+s24], $0x80, v3, vm0, $0xb8;
	[tilespmem:$0x10100] =	vst v63  }
0x2fa: {  	v3 =	vld [tilespmem:$0x90];
	_ =	sdelay $0x4  }
0x2fb: {  	v61 =	vshll.u32 v3, $0x2  }
0x2fc: {  	v3 =	vand.u32 $0x7, v3;
	v4 =	vand.u32 $0xFFFFFFE0, v61  }
0x2fd: {  	v3 =	vor.u32 v3, v4  }
0x2fe: {  	v4 =	vperm.xlane v3, v0;
	_ =	sdelay $0x1  }
0x2ff: {  	v4 =	vadd.s32 v1, v4;
	_ =	sdelay $0x1  }
0x300: {  	v3 =	vperm.xlane v3, v2;
	_ =	sdelay $0x1  }
0x301: {  	s9 =	simm.s32 $0xA100;
	v3 =	vadd.s32 v1, v3  }
0x302: {  	[tilespmem:s9], [sflag:$0x4] =	stream.indirect_vreg.gather [hbm4b:s18+s24], $0x80, v4, vm0, $0xb8;
	[tilespmem:$0x10100] =	vst v63  }
0x303: {  	s8 =	simm.s32 $0xA900  }
0x304: {  	[tilespmem:s8], [sflag:$0x4] =	stream.indirect_vreg.gather [hbm4b:s21+s24], $0x80, v4, vm0, $0xb8;
	[tilespmem:$0x10100] =	vst v63  }
0x305: {  	s7 =	simm.s32 $0xB100  }
0x306: {  	[tilespmem:s7], [sflag:$0x4] =	stream.indirect_vreg.gather [hbm4b:s18+s24], $0x80, v3, vm0, $0xb8;
	[tilespmem:$0x10100] =	vst v63  }
0x307: {  	s6 =	simm.s32 $0xB900  }
0x308: {  	[tilespmem:s6], [sflag:$0x4] =	stream.indirect_vreg.gather [hbm4b:s21+s24], $0x80, v3, vm0, $0xb8;
	[tilespmem:$0x10100] =	vst v63  }
0x309: {  	v3 =	vld [tilespmem:$0xA0];
	_ =	sdelay $0x4  }
0x30a: {  	v62 =	vshll.u32 v3, $0x2  }
0x30b: {  	v3 =	vand.u32 $0x7, v3;
	v4 =	vand.u32 $0xFFFFFFE0, v62  }
0x30c: {  	v3 =	vor.u32 v3, v4  }
0x30d: {  	v4 =	vperm.xlane v3, v0;
	_ =	sdelay $0x1  }
0x30e: {  	v4 =	vadd.s32 v1, v4;
	_ =	sdelay $0x1  }
0x30f: {  	v3 =	vperm.xlane v3, v2;
	_ =	sdelay $0x1  }
0x310: {  	s1 =	simm.s32 $0xC100;
	v3 =	vadd.s32 v1, v3  }
0x311: {  	[tilespmem:s1], [sflag:$0x4] =	stream.indirect_vreg.gather [hbm4b:s18+s24], $0x80, v4, vm0, $0xb8;
	[tilespmem:$0x10100] =	vst v63  }
0x312: {  	s5 =	simm.s32 $0xC900  }
0x313: {  	[tilespmem:s5], [sflag:$0x4] =	stream.indirect_vreg.gather [hbm4b:s21+s24], $0x80, v4, vm0, $0xb8;
	[tilespmem:$0x10100] =	vst v63  }
0x314: {  	s12 =	simm.s32 $0xD100  }
0x315: {  	[tilespmem:s12], [sflag:$0x4] =	stream.indirect_vreg.gather [hbm4b:s18+s24], $0x80, v3, vm0, $0xb8;
	[tilespmem:$0x10100] =	vst v63  }
0x316: {  	s13 =	simm.s32 $0xD900  }
0x317: {  	[tilespmem:s13], [sflag:$0x4] =	stream.indirect_vreg.gather [hbm4b:s21+s24], $0x80, v3, vm0, $0xb8;
	[tilespmem:$0x10100] =	vst v63  }
0x318: {  	v3 =	vld [tilespmem:$0xB0];
	_ =	sdelay $0x4  }
0x319: {  	v63 =	vshll.u32 v3, $0x2  }
0x31a: {  	v3 =	vand.u32 $0x7, v3;
	v4 =	vand.u32 $0xFFFFFFE0, v63  }
0x31b: {  	v3 =	vor.u32 v3, v4  }
0x31c: {  	v4 =	vperm.xlane v3, v0;
	_ =	sdelay $0x1  }
0x31d: {  	v4 =	vadd.s32 v1, v4;
	_ =	sdelay $0x1  }
0x31e: {  	v3 =	vperm.xlane v3, v2;
	_ =	sdelay $0x1  }
0x31f: {  	s2 =	simm.s32 $0xE100;
	v3 =	vadd.s32 v1, v3  }
0x320: {  	[tilespmem:s2], [sflag:$0x4] =	stream.indirect_vreg.gather [hbm4b:s18+s24], $0x80, v4, vm0, $0xb8;
	[tilespmem:$0x10100] =	vst v63  }
0x321: {  	s3 =	simm.s32 $0xE900  }
0x322: {  	[tilespmem:s3], [sflag:$0x4] =	stream.indirect_vreg.gather [hbm4b:s21+s24], $0x80, v4, vm0, $0xb8;
	[tilespmem:$0x10100] =	vst v63  }
0x323: {  	s4 =	simm.s32 $0xF100  }
0x324: {  	[tilespmem:s4], [sflag:$0x4] =	stream.indirect_vreg.gather [hbm4b:s18+s24], $0x80, v3, vm0, $0xb8;
	[tilespmem:$0x10100] =	vst v63  }
0x325: {  	s17 =	simm.s32 $0xF900  }
0x326: {  	[tilespmem:s17], [sflag:$0x4] =	stream.indirect_vreg.gather [hbm4b:s21+s24], $0x80, v3, vm0, $0xb8;
	[tilespmem:$0x10100] =	vst v63  }
0x327: {  	s29 =	rddreg [dreg:$0xd]  }
0x328: {  	[tilespmem:s24], [sflag:$0x1] =	stream.linear.gather [hbm4b:s29+s24], $0x40, $0x38;
	[tilespmem:$0x10100] =	vst v63  }
0x329: {  	_ =	swait.ge [sflag:s14], $0x8000  }
0x32a: {  	s4 =	sld [smem:$0x7EE]  }
0x32b: {  	[sflag:s14] =	ssyncset.done $0x0  }
0x32c: {  	[sflag:s14] =	ssyncadd.s32 $0xFFFF8000  }
0x32d: {  	[hbm4b:s4+s24] =	stream.linear.scatter [tilespmem:s30], [sflag:$0x6], $0x8000, $0x38;
	[tilespmem:$0x10100] =	vst v63  }
0x32e: {  	_ =	swait.ge [sflag:s31], $0x8000  }
0x32f: {  	[sflag:s31] =	ssyncset.done $0x0  }
0x330: {  	[sflag:s31] =	ssyncadd.s32 $0xFFFF8000  }
0x331: {  	_ =	swait.ge [sflag:s22], $0x40  }
0x332: {  	[sflag:s22] =	ssyncset.done $0x0  }
0x333: {  	[sflag:s22] =	ssyncadd.s32 $0xFFFFFFC0  }
0x334: {  	v3 =	vld [tilespmem:$0x0];
	_ =	sdelay $0x4  }
0x335: {  	v8 =	vshll.u32 v3, $0x2  }
0x336: {  	v3 =	vand.u32 $0x7, v3;
	v4 =	vand.u32 $0xFFFFFFE0, v8  }
0x337: {  	v3 =	vor.u32 v3, v4  }
0x338: {  	v4 =	vperm.xlane v3, v0;
	_ =	sdelay $0x1  }
0x339: {  	v4 =	vadd.s32 v1, v4;
	_ =	sdelay $0x1  }
0x33a: {  	v3 =	vperm.xlane v3, v2;
	_ =	sdelay $0x1  }
0x33b: {  	v3 =	vadd.s32 v1, v3  }
0x33c: {  	[tilespmem:s23], [sflag:$0x3] =	stream.indirect_vreg.gather [hbm4b:s18+s24], $0x80, v4, vm0, $0xb8;
	[tilespmem:$0x10100] =	vst v63  }
0x33d: {  	s29 =	simm.s32 $0x900  }
0x33e: {  	[tilespmem:s29], [sflag:$0x3] =	stream.indirect_vreg.gather [hbm4b:s21+s24], $0x80, v4, vm0, $0xb8;
	[tilespmem:$0x10100] =	vst v63  }
0x33f: {  	s17 =	simm.s32 $0x1100  }
0x340: {  	[tilespmem:s17], [sflag:$0x3] =	stream.indirect_vreg.gather [hbm4b:s18+s24], $0x80, v3, vm0, $0xb8;
	[tilespmem:$0x10100] =	vst v63  }
0x341: {  	s29 =	simm.s32 $0x1900  }
0x342: {  	[tilespmem:s29], [sflag:$0x3] =	stream.indirect_vreg.gather [hbm4b:s21+s24], $0x80, v3, vm0, $0xb8;
	[tilespmem:$0x10100] =	vst v63  }
0x343: {  	v3 =	vld [tilespmem:$0x10];
	_ =	sdelay $0x4  }
0x344: {  	v9 =	vshll.u32 v3, $0x2  }
0x345: {  	v3 =	vand.u32 $0x7, v3;
	v4 =	vand.u32 $0xFFFFFFE0, v9  }
0x346: {  	v3 =	vor.u32 v3, v4  }
0x347: {  	v4 =	vperm.xlane v3, v0;
	_ =	sdelay $0x1  }
0x348: {  	v4 =	vadd.s32 v1, v4;
	_ =	sdelay $0x1  }
0x349: {  	v3 =	vperm.xlane v3, v2;
	_ =	sdelay $0x1  }
0x34a: {  	s17 =	simm.s32 $0x2100;
	v3 =	vadd.s32 v1, v3  }
0x34b: {  	[tilespmem:s17], [sflag:$0x3] =	stream.indirect_vreg.gather [hbm4b:s18+s24], $0x80, v4, vm0, $0xb8;
	[tilespmem:$0x10100] =	vst v63  }
0x34c: {  	s29 =	simm.s32 $0x2900  }
0x34d: {  	[tilespmem:s29], [sflag:$0x3] =	stream.indirect_vreg.gather [hbm4b:s21+s24], $0x80, v4, vm0, $0xb8;
	[tilespmem:$0x10100] =	vst v63  }
0x34e: {  	s17 =	simm.s32 $0x3100  }
0x34f: {  	[tilespmem:s17], [sflag:$0x3] =	stream.indirect_vreg.gather [hbm4b:s18+s24], $0x80, v3, vm0, $0xb8;
	[tilespmem:$0x10100] =	vst v63  }
0x350: {  	s29 =	simm.s32 $0x3900  }
0x351: {  	[tilespmem:s29], [sflag:$0x3] =	stream.indirect_vreg.gather [hbm4b:s21+s24], $0x80, v3, vm0, $0xb8;
	[tilespmem:$0x10100] =	vst v63  }
0x352: {  	v3 =	vld [tilespmem:$0x20];
	_ =	sdelay $0x4  }
0x353: {  	v10 =	vshll.u32 v3, $0x2  }
0x354: {  	v3 =	vand.u32 $0x7, v3;
	v4 =	vand.u32 $0xFFFFFFE0, v10  }
0x355: {  	v3 =	vor.u32 v3, v4  }
0x356: {  	v4 =	vperm.xlane v3, v0;
	_ =	sdelay $0x1  }
0x357: {  	v4 =	vadd.s32 v1, v4;
	_ =	sdelay $0x1  }
0x358: {  	v3 =	vperm.xlane v3, v2;
	_ =	sdelay $0x1  }
0x359: {  	s17 =	simm.s32 $0x4100;
	v3 =	vadd.s32 v1, v3  }
0x35a: {  	[tilespmem:s17], [sflag:$0x3] =	stream.indirect_vreg.gather [hbm4b:s18+s24], $0x80, v4, vm0, $0xb8;
	[tilespmem:$0x10100] =	vst v63  }
0x35b: {  	s29 =	simm.s32 $0x4900  }
0x35c: {  	[tilespmem:s29], [sflag:$0x3] =	stream.indirect_vreg.gather [hbm4b:s21+s24], $0x80, v4, vm0, $0xb8;
	[tilespmem:$0x10100] =	vst v63  }
0x35d: {  	s17 =	simm.s32 $0x5100  }
0x35e: {  	[tilespmem:s17], [sflag:$0x3] =	stream.indirect_vreg.gather [hbm4b:s18+s24], $0x80, v3, vm0, $0xb8;
	[tilespmem:$0x10100] =	vst v63  }
0x35f: {  	s29 =	simm.s32 $0x5900  }
0x360: {  	[tilespmem:s29], [sflag:$0x3] =	stream.indirect_vreg.gather [hbm4b:s21+s24], $0x80, v3, vm0, $0xb8;
	[tilespmem:$0x10100] =	vst v63  }
0x361: {  	v3 =	vld [tilespmem:$0x30];
	_ =	sdelay $0x4  }
0x362: {  	v11 =	vshll.u32 v3, $0x2  }
0x363: {  	v3 =	vand.u32 $0x7, v3;
	v4 =	vand.u32 $0xFFFFFFE0, v11  }
0x364: {  	v3 =	vor.u32 v3, v4  }
0x365: {  	v4 =	vperm.xlane v3, v0;
	_ =	sdelay $0x1  }
0x366: {  	v4 =	vadd.s32 v1, v4;
	_ =	sdelay $0x1  }
0x367: {  	v3 =	vperm.xlane v3, v2;
	_ =	sdelay $0x1  }
0x368: {  	s17 =	simm.s32 $0x6100;
	v3 =	vadd.s32 v1, v3  }
0x369: {  	[tilespmem:s17], [sflag:$0x3] =	stream.indirect_vreg.gather [hbm4b:s18+s24], $0x80, v4, vm0, $0xb8;
	[tilespmem:$0x10100] =	vst v63  }
0x36a: {  	s19 =	simm.s32 $0x6900  }
0x36b: {  	[tilespmem:s19], [sflag:$0x3] =	stream.indirect_vreg.gather [hbm4b:s21+s24], $0x80, v4, vm0, $0xb8;
	[tilespmem:$0x10100] =	vst v63  }
0x36c: {  	s0 =	simm.s32 $0x7100  }
0x36d: {  	[tilespmem:s0], [sflag:$0x3] =	stream.indirect_vreg.gather [hbm4b:s18+s24], $0x80, v3, vm0, $0xb8;
	[tilespmem:$0x10100] =	vst v63  }
0x36e: {  	s19 =	simm.s32 $0x7900  }
0x36f: {  	[tilespmem:s19], [sflag:$0x3] =	stream.indirect_vreg.gather [hbm4b:s21+s24], $0x80, v3, vm0, $0xb8;
	[tilespmem:$0x10100] =	vst v63  }
0x370: {  	s15 =	simm.s32 $0x80;
	s19 =	rddreg [dreg:$0xe]  }
0x371: {  	[tilespmem:s15], [sflag:$0x2] =	stream.linear.gather [hbm4b:s19+s24], $0x40, $0x38;
	[tilespmem:$0x10100] =	vst v63  }
0x372: {  	_ =	swait.ge [sflag:s10], $0x8000  }
0x373: {  	s15 =	sld [smem:$0x7EF]  }
0x374: {  	[sflag:s10] =	ssyncset.done $0x0  }
0x375: {  	[sflag:s10] =	ssyncadd.s32 $0xFFFF8000  }
0x376: {  	[hbm4b:s15+s24] =	stream.linear.scatter [tilespmem:s23], [sflag:$0x5], $0x8000, $0x38;
	[tilespmem:$0x10100] =	vst v63  }
0x377: {  	_ =	swait.ge [sflag:s16], $0x8000  }
0x378: {  	[sflag:s16] =	ssyncset.done $0x0  }
0x379: {  	[sflag:s16] =	ssyncadd.s32 $0xFFFF8000  }
0x37a: {  	_ =	swait.ge [sflag:s11], $0x40  }
0x37b: {  	[sflag:s11] =	ssyncset.done $0x0  }
0x37c: {  	[sflag:s11] =	ssyncadd.s32 $0xFFFFFFC0  }
0x37d: {  	v3 =	vld [tilespmem:$0x80];
	_ =	sdelay $0x4  }
0x37e: {  	v12 =	vshll.u32 v3, $0x2  }
0x37f: {  	v3 =	vand.u32 $0x7, v3;
	v4 =	vand.u32 $0xFFFFFFE0, v12  }
0x380: {  	v3 =	vor.u32 v3, v4  }
0x381: {  	v4 =	vperm.xlane v3, v0;
	_ =	sdelay $0x1  }
0x382: {  	v4 =	vadd.s32 v1, v4;
	_ =	sdelay $0x1  }
0x383: {  	v3 =	vperm.xlane v3, v2;
	_ =	sdelay $0x1  }
0x384: {  	v3 =	vadd.s32 v1, v3  }
0x385: {  	[tilespmem:s30], [sflag:$0x4] =	stream.indirect_vreg.gather [hbm4b:s18+s24], $0x80, v4, vm0, $0xb8;
	[tilespmem:$0x10100] =	vst v63  }
0x386: {  	s25 =	simm.s32 $0x8900  }
0x387: {  	[tilespmem:s25], [sflag:$0x4] =	stream.indirect_vreg.gather [hbm4b:s21+s24], $0x80, v4, vm0, $0xb8;
	[tilespmem:$0x10100] =	vst v63  }
0x388: {  	s26 =	simm.s32 $0x9100  }
0x389: {  	[tilespmem:s26], [sflag:$0x4] =	stream.indirect_vreg.gather [hbm4b:s18+s24], $0x80, v3, vm0, $0xb8;
	[tilespmem:$0x10100] =	vst v63  }
0x38a: {  	s28 =	simm.s32 $0x9900  }
0x38b: {  	[tilespmem:s28], [sflag:$0x4] =	stream.indirect_vreg.gather [hbm4b:s21+s24], $0x80, v3, vm0, $0xb8;
	[tilespmem:$0x10100] =	vst v63  }
0x38c: {  	v3 =	vld [tilespmem:$0x90];
	_ =	sdelay $0x4  }
0x38d: {  	v13 =	vshll.u32 v3, $0x2  }
0x38e: {  	v3 =	vand.u32 $0x7, v3;
	v4 =	vand.u32 $0xFFFFFFE0, v13  }
0x38f: {  	v3 =	vor.u32 v3, v4  }
0x390: {  	v4 =	vperm.xlane v3, v0;
	_ =	sdelay $0x1  }
0x391: {  	v4 =	vadd.s32 v1, v4;
	_ =	sdelay $0x1  }
0x392: {  	v3 =	vperm.xlane v3, v2;
	_ =	sdelay $0x1  }
0x393: {  	s9 =	simm.s32 $0xA100;
	v3 =	vadd.s32 v1, v3  }
0x394: {  	[tilespmem:s9], [sflag:$0x4] =	stream.indirect_vreg.gather [hbm4b:s18+s24], $0x80, v4, vm0, $0xb8;
	[tilespmem:$0x10100] =	vst v63  }
0x395: {  	s8 =	simm.s32 $0xA900  }
0x396: {  	[tilespmem:s8], [sflag:$0x4] =	stream.indirect_vreg.gather [hbm4b:s21+s24], $0x80, v4, vm0, $0xb8;
	[tilespmem:$0x10100] =	vst v63  }
0x397: {  	s7 =	simm.s32 $0xB100  }
0x398: {  	[tilespmem:s7], [sflag:$0x4] =	stream.indirect_vreg.gather [hbm4b:s18+s24], $0x80, v3, vm0, $0xb8;
	[tilespmem:$0x10100] =	vst v63  }
0x399: {  	s6 =	simm.s32 $0xB900  }
0x39a: {  	[tilespmem:s6], [sflag:$0x4] =	stream.indirect_vreg.gather [hbm4b:s21+s24], $0x80, v3, vm0, $0xb8;
	[tilespmem:$0x10100] =	vst v63  }
0x39b: {  	v3 =	vld [tilespmem:$0xA0];
	_ =	sdelay $0x4  }
0x39c: {  	v14 =	vshll.u32 v3, $0x2  }
0x39d: {  	v3 =	vand.u32 $0x7, v3;
	v4 =	vand.u32 $0xFFFFFFE0, v14  }
0x39e: {  	v3 =	vor.u32 v3, v4  }
0x39f: {  	v4 =	vperm.xlane v3, v0;
	_ =	sdelay $0x1  }
0x3a0: {  	v4 =	vadd.s32 v1, v4;
	_ =	sdelay $0x1  }
0x3a1: {  	v3 =	vperm.xlane v3, v2;
	_ =	sdelay $0x1  }
0x3a2: {  	s1 =	simm.s32 $0xC100;
	v3 =	vadd.s32 v1, v3  }
0x3a3: {  	[tilespmem:s1], [sflag:$0x4] =	stream.indirect_vreg.gather [hbm4b:s18+s24], $0x80, v4, vm0, $0xb8;
	[tilespmem:$0x10100] =	vst v63  }
0x3a4: {  	s20 =	simm.s32 $0xC900  }
0x3a5: {  	[tilespmem:s20], [sflag:$0x4] =	stream.indirect_vreg.gather [hbm4b:s21+s24], $0x80, v4, vm0, $0xb8;
	[tilespmem:$0x10100] =	vst v63  }
0x3a6: {  	s12 =	simm.s32 $0xD100  }
0x3a7: {  	[tilespmem:s12], [sflag:$0x4] =	stream.indirect_vreg.gather [hbm4b:s18+s24], $0x80, v3, vm0, $0xb8;
	[tilespmem:$0x10100] =	vst v63  }
0x3a8: {  	s13 =	simm.s32 $0xD900  }
0x3a9: {  	[tilespmem:s13], [sflag:$0x4] =	stream.indirect_vreg.gather [hbm4b:s21+s24], $0x80, v3, vm0, $0xb8;
	[tilespmem:$0x10100] =	vst v63  }
0x3aa: {  	v3 =	vld [tilespmem:$0xB0];
	_ =	sdelay $0x4  }
0x3ab: {  	v15 =	vshll.u32 v3, $0x2  }
0x3ac: {  	v3 =	vand.u32 $0x7, v3;
	v4 =	vand.u32 $0xFFFFFFE0, v15  }
0x3ad: {  	v3 =	vor.u32 v3, v4  }
0x3ae: {  	v4 =	vperm.xlane v3, v0;
	_ =	sdelay $0x1  }
0x3af: {  	v4 =	vadd.s32 v1, v4;
	_ =	sdelay $0x1  }
0x3b0: {  	v3 =	vperm.xlane v3, v2;
	_ =	sdelay $0x1  }
0x3b1: {  	s2 =	simm.s32 $0xE100;
	v3 =	vadd.s32 v1, v3  }
0x3b2: {  	[tilespmem:s2], [sflag:$0x4] =	stream.indirect_vreg.gather [hbm4b:s18+s24], $0x80, v4, vm0, $0xb8;
	[tilespmem:$0x10100] =	vst v63  }
0x3b3: {  	s3 =	simm.s32 $0xE900  }
0x3b4: {  	[tilespmem:s3], [sflag:$0x4] =	stream.indirect_vreg.gather [hbm4b:s21+s24], $0x80, v4, vm0, $0xb8;
	[tilespmem:$0x10100] =	vst v63  }
0x3b5: {  	s5 =	simm.s32 $0xF100  }
0x3b6: {  	[tilespmem:s5], [sflag:$0x4] =	stream.indirect_vreg.gather [hbm4b:s18+s24], $0x80, v3, vm0, $0xb8;
	[tilespmem:$0x10100] =	vst v63  }
0x3b7: {  	s17 =	simm.s32 $0xF900  }
0x3b8: {  	[tilespmem:s17], [sflag:$0x4] =	stream.indirect_vreg.gather [hbm4b:s21+s24], $0x80, v3, vm0, $0xb8;
	[tilespmem:$0x10100] =	vst v63  }
0x3b9: {  	s1 =	rddreg [dreg:$0xf]  }
0x3ba: {  	[tilespmem:s24], [sflag:$0x1] =	stream.linear.gather [hbm4b:s1+s24], $0x40, $0x38;
	[tilespmem:$0x10100] =	vst v63  }
0x3bb: {  	_ =	swait.ge [sflag:s14], $0x8000  }
0x3bc: {  	s1 =	sld [smem:$0x7F0]  }
0x3bd: {  	[sflag:s14] =	ssyncset.done $0x0  }
0x3be: {  	[sflag:s14] =	ssyncadd.s32 $0xFFFF8000  }
0x3bf: {  	[hbm4b:s1+s24] =	stream.linear.scatter [tilespmem:s30], [sflag:$0x6], $0x8000, $0x38;
	[tilespmem:$0x10100] =	vst v63  }
0x3c0: {  	_ =	swait.ge [sflag:s31], $0x8000  }
0x3c1: {  	[sflag:s31] =	ssyncset.done $0x0  }
0x3c2: {  	[sflag:s31] =	ssyncadd.s32 $0xFFFF8000  }
0x3c3: {  	_ =	swait.ge [sflag:s22], $0x40  }
0x3c4: {  	[sflag:s22] =	ssyncset.done $0x0  }
0x3c5: {  	[sflag:s22] =	ssyncadd.s32 $0xFFFFFFC0  }
0x3c6: {  	v3 =	vld [tilespmem:$0x0];
	_ =	sdelay $0x4  }
0x3c7: {  	v16 =	vshll.u32 v3, $0x2  }
0x3c8: {  	v3 =	vand.u32 $0x7, v3;
	v4 =	vand.u32 $0xFFFFFFE0, v16  }
0x3c9: {  	v3 =	vor.u32 v3, v4  }
0x3ca: {  	v4 =	vperm.xlane v3, v0;
	_ =	sdelay $0x1  }
0x3cb: {  	v4 =	vadd.s32 v1, v4;
	_ =	sdelay $0x1  }
0x3cc: {  	v3 =	vperm.xlane v3, v2;
	_ =	sdelay $0x1  }
0x3cd: {  	v3 =	vadd.s32 v1, v3  }
0x3ce: {  	[tilespmem:s23], [sflag:$0x3] =	stream.indirect_vreg.gather [hbm4b:s18+s24], $0x80, v4, vm0, $0xb8;
	[tilespmem:$0x10100] =	vst v63  }
0x3cf: {  	s17 =	simm.s32 $0x900  }
0x3d0: {  	[tilespmem:s17], [sflag:$0x3] =	stream.indirect_vreg.gather [hbm4b:s21+s24], $0x80, v4, vm0, $0xb8;
	[tilespmem:$0x10100] =	vst v63  }
0x3d1: {  	s17 =	simm.s32 $0x1100  }
0x3d2: {  	[tilespmem:s17], [sflag:$0x3] =	stream.indirect_vreg.gather [hbm4b:s18+s24], $0x80, v3, vm0, $0xb8;
	[tilespmem:$0x10100] =	vst v63  }
0x3d3: {  	s17 =	simm.s32 $0x1900  }
0x3d4: {  	[tilespmem:s17], [sflag:$0x3] =	stream.indirect_vreg.gather [hbm4b:s21+s24], $0x80, v3, vm0, $0xb8;
	[tilespmem:$0x10100] =	vst v63  }
0x3d5: {  	v3 =	vld [tilespmem:$0x10];
	_ =	sdelay $0x4  }
0x3d6: {  	v17 =	vshll.u32 v3, $0x2  }
0x3d7: {  	v3 =	vand.u32 $0x7, v3;
	v4 =	vand.u32 $0xFFFFFFE0, v17  }
0x3d8: {  	v3 =	vor.u32 v3, v4  }
0x3d9: {  	v4 =	vperm.xlane v3, v0;
	_ =	sdelay $0x1  }
0x3da: {  	v4 =	vadd.s32 v1, v4;
	_ =	sdelay $0x1  }
0x3db: {  	v3 =	vperm.xlane v3, v2;
	_ =	sdelay $0x1  }
0x3dc: {  	s17 =	simm.s32 $0x2100;
	v3 =	vadd.s32 v1, v3  }
0x3dd: {  	[tilespmem:s17], [sflag:$0x3] =	stream.indirect_vreg.gather [hbm4b:s18+s24], $0x80, v4, vm0, $0xb8;
	[tilespmem:$0x10100] =	vst v63  }
0x3de: {  	s17 =	simm.s32 $0x2900  }
0x3df: {  	[tilespmem:s17], [sflag:$0x3] =	stream.indirect_vreg.gather [hbm4b:s21+s24], $0x80, v4, vm0, $0xb8;
	[tilespmem:$0x10100] =	vst v63  }
0x3e0: {  	s17 =	simm.s32 $0x3100  }
0x3e1: {  	[tilespmem:s17], [sflag:$0x3] =	stream.indirect_vreg.gather [hbm4b:s18+s24], $0x80, v3, vm0, $0xb8;
	[tilespmem:$0x10100] =	vst v63  }
0x3e2: {  	s17 =	simm.s32 $0x3900  }
0x3e3: {  	[tilespmem:s17], [sflag:$0x3] =	stream.indirect_vreg.gather [hbm4b:s21+s24], $0x80, v3, vm0, $0xb8;
	[tilespmem:$0x10100] =	vst v63  }
0x3e4: {  	v3 =	vld [tilespmem:$0x20];
	_ =	sdelay $0x4  }
0x3e5: {  	v18 =	vshll.u32 v3, $0x2  }
0x3e6: {  	v3 =	vand.u32 $0x7, v3;
	v4 =	vand.u32 $0xFFFFFFE0, v18  }
0x3e7: {  	v3 =	vor.u32 v3, v4  }
0x3e8: {  	v4 =	vperm.xlane v3, v0;
	_ =	sdelay $0x1  }
0x3e9: {  	v4 =	vadd.s32 v1, v4;
	_ =	sdelay $0x1  }
0x3ea: {  	v3 =	vperm.xlane v3, v2;
	_ =	sdelay $0x1  }
0x3eb: {  	s17 =	simm.s32 $0x4100;
	v3 =	vadd.s32 v1, v3  }
0x3ec: {  	[tilespmem:s17], [sflag:$0x3] =	stream.indirect_vreg.gather [hbm4b:s18+s24], $0x80, v4, vm0, $0xb8;
	[tilespmem:$0x10100] =	vst v63  }
0x3ed: {  	s17 =	simm.s32 $0x4900  }
0x3ee: {  	[tilespmem:s17], [sflag:$0x3] =	stream.indirect_vreg.gather [hbm4b:s21+s24], $0x80, v4, vm0, $0xb8;
	[tilespmem:$0x10100] =	vst v63  }
0x3ef: {  	s17 =	simm.s32 $0x5100  }
0x3f0: {  	[tilespmem:s17], [sflag:$0x3] =	stream.indirect_vreg.gather [hbm4b:s18+s24], $0x80, v3, vm0, $0xb8;
	[tilespmem:$0x10100] =	vst v63  }
0x3f1: {  	s17 =	simm.s32 $0x5900  }
0x3f2: {  	[tilespmem:s17], [sflag:$0x3] =	stream.indirect_vreg.gather [hbm4b:s21+s24], $0x80, v3, vm0, $0xb8;
	[tilespmem:$0x10100] =	vst v63  }
0x3f3: {  	v3 =	vld [tilespmem:$0x30];
	_ =	sdelay $0x4  }
0x3f4: {  	v19 =	vshll.u32 v3, $0x2  }
0x3f5: {  	v3 =	vand.u32 $0x7, v3;
	v4 =	vand.u32 $0xFFFFFFE0, v19  }
0x3f6: {  	v3 =	vor.u32 v3, v4  }
0x3f7: {  	v4 =	vperm.xlane v3, v0;
	_ =	sdelay $0x1  }
0x3f8: {  	v4 =	vadd.s32 v1, v4;
	_ =	sdelay $0x1  }
0x3f9: {  	v3 =	vperm.xlane v3, v2;
	_ =	sdelay $0x1  }
0x3fa: {  	s4 =	simm.s32 $0x6100;
	v3 =	vadd.s32 v1, v3  }
0x3fb: {  	[tilespmem:s4], [sflag:$0x3] =	stream.indirect_vreg.gather [hbm4b:s18+s24], $0x80, v4, vm0, $0xb8;
	[tilespmem:$0x10100] =	vst v63  }
0x3fc: {  	s29 =	simm.s32 $0x6900  }
0x3fd: {  	[tilespmem:s29], [sflag:$0x3] =	stream.indirect_vreg.gather [hbm4b:s21+s24], $0x80, v4, vm0, $0xb8;
	[tilespmem:$0x10100] =	vst v63  }
0x3fe: {  	s0 =	simm.s32 $0x7100  }
0x3ff: {  	[tilespmem:s0], [sflag:$0x3] =	stream.indirect_vreg.gather [hbm4b:s18+s24], $0x80, v3, vm0, $0xb8;
	[tilespmem:$0x10100] =	vst v63  }
0x400: {  	s17 =	simm.s32 $0x7900  }
0x401: {  	[tilespmem:s17], [sflag:$0x3] =	stream.indirect_vreg.gather [hbm4b:s21+s24], $0x80, v3, vm0, $0xb8;
	[tilespmem:$0x10100] =	vst v63  }
0x402: {  	s19 =	simm.s32 $0x80;
	s4 =	rddreg [dreg:$0x10]  }
0x403: {  	[tilespmem:s19], [sflag:$0x2] =	stream.linear.gather [hbm4b:s4+s24], $0x40, $0x38;
	[tilespmem:$0x10100] =	vst v63  }
0x404: {  	_ =	swait.ge [sflag:s10], $0x8000  }
0x405: {  	s4 =	sld [smem:$0x7F1]  }
0x406: {  	[sflag:s10] =	ssyncset.done $0x0  }
0x407: {  	[sflag:s10] =	ssyncadd.s32 $0xFFFF8000  }
0x408: {  	[hbm4b:s4+s24] =	stream.linear.scatter [tilespmem:s23], [sflag:$0x5], $0x8000, $0x38;
	[tilespmem:$0x10100] =	vst v63  }
0x409: {  	_ =	swait.ge [sflag:s16], $0x8000  }
0x40a: {  	[sflag:s16] =	ssyncset.done $0x0  }
0x40b: {  	[sflag:s16] =	ssyncadd.s32 $0xFFFF8000  }
0x40c: {  	_ =	swait.ge [sflag:s11], $0x40  }
0x40d: {  	[sflag:s11] =	ssyncset.done $0x0  }
0x40e: {  	[sflag:s11] =	ssyncadd.s32 $0xFFFFFFC0  }
0x40f: {  	v3 =	vld [tilespmem:$0x80];
	_ =	sdelay $0x4  }
0x410: {  	v20 =	vshll.u32 v3, $0x2  }
0x411: {  	v3 =	vand.u32 $0x7, v3;
	v4 =	vand.u32 $0xFFFFFFE0, v20  }
0x412: {  	v3 =	vor.u32 v3, v4  }
0x413: {  	v4 =	vperm.xlane v3, v0;
	_ =	sdelay $0x1  }
0x414: {  	v4 =	vadd.s32 v1, v4;
	_ =	sdelay $0x1  }
0x415: {  	v3 =	vperm.xlane v3, v2;
	_ =	sdelay $0x1  }
0x416: {  	v3 =	vadd.s32 v1, v3  }
0x417: {  	[tilespmem:s30], [sflag:$0x4] =	stream.indirect_vreg.gather [hbm4b:s18+s24], $0x80, v4, vm0, $0xb8;
	[tilespmem:$0x10100] =	vst v63  }
0x418: {  	s25 =	simm.s32 $0x8900  }
0x419: {  	[tilespmem:s25], [sflag:$0x4] =	stream.indirect_vreg.gather [hbm4b:s21+s24], $0x80, v4, vm0, $0xb8;
	[tilespmem:$0x10100] =	vst v63  }
0x41a: {  	s26 =	simm.s32 $0x9100  }
0x41b: {  	[tilespmem:s26], [sflag:$0x4] =	stream.indirect_vreg.gather [hbm4b:s18+s24], $0x80, v3, vm0, $0xb8;
	[tilespmem:$0x10100] =	vst v63  }
0x41c: {  	s28 =	simm.s32 $0x9900  }
0x41d: {  	[tilespmem:s28], [sflag:$0x4] =	stream.indirect_vreg.gather [hbm4b:s21+s24], $0x80, v3, vm0, $0xb8;
	[tilespmem:$0x10100] =	vst v63  }
0x41e: {  	v3 =	vld [tilespmem:$0x90];
	_ =	sdelay $0x4  }
0x41f: {  	v21 =	vshll.u32 v3, $0x2  }
0x420: {  	v3 =	vand.u32 $0x7, v3;
	v4 =	vand.u32 $0xFFFFFFE0, v21  }
0x421: {  	v3 =	vor.u32 v3, v4  }
0x422: {  	v4 =	vperm.xlane v3, v0;
	_ =	sdelay $0x1  }
0x423: {  	v4 =	vadd.s32 v1, v4;
	_ =	sdelay $0x1  }
0x424: {  	v3 =	vperm.xlane v3, v2;
	_ =	sdelay $0x1  }
0x425: {  	s15 =	simm.s32 $0xA100;
	v3 =	vadd.s32 v1, v3  }
0x426: {  	[tilespmem:s15], [sflag:$0x4] =	stream.indirect_vreg.gather [hbm4b:s18+s24], $0x80, v4, vm0, $0xb8;
	[tilespmem:$0x10100] =	vst v63  }
0x427: {  	s9 =	simm.s32 $0xA900  }
0x428: {  	[tilespmem:s9], [sflag:$0x4] =	stream.indirect_vreg.gather [hbm4b:s21+s24], $0x80, v4, vm0, $0xb8;
	[tilespmem:$0x10100] =	vst v63  }
0x429: {  	s8 =	simm.s32 $0xB100  }
0x42a: {  	[tilespmem:s8], [sflag:$0x4] =	stream.indirect_vreg.gather [hbm4b:s18+s24], $0x80, v3, vm0, $0xb8;
	[tilespmem:$0x10100] =	vst v63  }
0x42b: {  	s7 =	simm.s32 $0xB900  }
0x42c: {  	[tilespmem:s7], [sflag:$0x4] =	stream.indirect_vreg.gather [hbm4b:s21+s24], $0x80, v3, vm0, $0xb8;
	[tilespmem:$0x10100] =	vst v63  }
0x42d: {  	v3 =	vld [tilespmem:$0xA0];
	_ =	sdelay $0x4  }
0x42e: {  	v22 =	vshll.u32 v3, $0x2  }
0x42f: {  	v3 =	vand.u32 $0x7, v3;
	v4 =	vand.u32 $0xFFFFFFE0, v22  }
0x430: {  	v3 =	vor.u32 v3, v4  }
0x431: {  	v4 =	vperm.xlane v3, v0;
	_ =	sdelay $0x1  }
0x432: {  	v4 =	vadd.s32 v1, v4;
	_ =	sdelay $0x1  }
0x433: {  	v3 =	vperm.xlane v3, v2;
	_ =	sdelay $0x1  }
0x434: {  	s6 =	simm.s32 $0xC100;
	v3 =	vadd.s32 v1, v3  }
0x435: {  	[tilespmem:s6], [sflag:$0x4] =	stream.indirect_vreg.gather [hbm4b:s18+s24], $0x80, v4, vm0, $0xb8;
	[tilespmem:$0x10100] =	vst v63  }
0x436: {  	s20 =	simm.s32 $0xC900  }
0x437: {  	[tilespmem:s20], [sflag:$0x4] =	stream.indirect_vreg.gather [hbm4b:s21+s24], $0x80, v4, vm0, $0xb8;
	[tilespmem:$0x10100] =	vst v63  }
0x438: {  	s12 =	simm.s32 $0xD100  }
0x439: {  	[tilespmem:s12], [sflag:$0x4] =	stream.indirect_vreg.gather [hbm4b:s18+s24], $0x80, v3, vm0, $0xb8;
	[tilespmem:$0x10100] =	vst v63  }
0x43a: {  	s13 =	simm.s32 $0xD900  }
0x43b: {  	[tilespmem:s13], [sflag:$0x4] =	stream.indirect_vreg.gather [hbm4b:s21+s24], $0x80, v3, vm0, $0xb8;
	[tilespmem:$0x10100] =	vst v63  }
0x43c: {  	v3 =	vld [tilespmem:$0xB0];
	_ =	sdelay $0x4  }
0x43d: {  	v23 =	vshll.u32 v3, $0x2  }
0x43e: {  	v3 =	vand.u32 $0x7, v3;
	v4 =	vand.u32 $0xFFFFFFE0, v23  }
0x43f: {  	v3 =	vor.u32 v3, v4  }
0x440: {  	v4 =	vperm.xlane v3, v0;
	_ =	sdelay $0x1  }
0x441: {  	v4 =	vadd.s32 v1, v4;
	_ =	sdelay $0x1  }
0x442: {  	v3 =	vperm.xlane v3, v2;
	_ =	sdelay $0x1  }
0x443: {  	s2 =	simm.s32 $0xE100;
	v3 =	vadd.s32 v1, v3  }
0x444: {  	[tilespmem:s2], [sflag:$0x4] =	stream.indirect_vreg.gather [hbm4b:s18+s24], $0x80, v4, vm0, $0xb8;
	[tilespmem:$0x10100] =	vst v63  }
0x445: {  	s3 =	simm.s32 $0xE900  }
0x446: {  	[tilespmem:s3], [sflag:$0x4] =	stream.indirect_vreg.gather [hbm4b:s21+s24], $0x80, v4, vm0, $0xb8;
	[tilespmem:$0x10100] =	vst v63  }
0x447: {  	s5 =	simm.s32 $0xF100  }
0x448: {  	[tilespmem:s5], [sflag:$0x4] =	stream.indirect_vreg.gather [hbm4b:s18+s24], $0x80, v3, vm0, $0xb8;
	[tilespmem:$0x10100] =	vst v63  }
0x449: {  	s17 =	simm.s32 $0xF900  }
0x44a: {  	[tilespmem:s17], [sflag:$0x4] =	stream.indirect_vreg.gather [hbm4b:s21+s24], $0x80, v3, vm0, $0xb8;
	[tilespmem:$0x10100] =	vst v63  }
0x44b: {  	s6 =	rddreg [dreg:$0x11]  }
0x44c: {  	[tilespmem:s24], [sflag:$0x1] =	stream.linear.gather [hbm4b:s6+s24], $0x40, $0x38;
	[tilespmem:$0x10100] =	vst v63  }
0x44d: {  	_ =	swait.ge [sflag:s14], $0x8000  }
0x44e: {  	s6 =	sld [smem:$0x7F2]  }
0x44f: {  	[sflag:s14] =	ssyncset.done $0x0  }
0x450: {  	[sflag:s14] =	ssyncadd.s32 $0xFFFF8000  }
0x451: {  	[hbm4b:s6+s24] =	stream.linear.scatter [tilespmem:s30], [sflag:$0x6], $0x8000, $0x38;
	[tilespmem:$0x10100] =	vst v63  }
0x452: {  	_ =	swait.ge [sflag:s31], $0x8000  }
0x453: {  	[sflag:s31] =	ssyncset.done $0x0  }
0x454: {  	[sflag:s31] =	ssyncadd.s32 $0xFFFF8000  }
0x455: {  	_ =	swait.ge [sflag:s22], $0x40  }
0x456: {  	[sflag:s22] =	ssyncset.done $0x0  }
0x457: {  	[sflag:s22] =	ssyncadd.s32 $0xFFFFFFC0  }
0x458: {  	v3 =	vld [tilespmem:$0x0];
	_ =	sdelay $0x4  }
0x459: {  	v24 =	vshll.u32 v3, $0x2  }
0x45a: {  	v3 =	vand.u32 $0x7, v3;
	v4 =	vand.u32 $0xFFFFFFE0, v24  }
0x45b: {  	v3 =	vor.u32 v3, v4  }
0x45c: {  	v4 =	vperm.xlane v3, v0;
	_ =	sdelay $0x1  }
0x45d: {  	v4 =	vadd.s32 v1, v4;
	_ =	sdelay $0x1  }
0x45e: {  	v3 =	vperm.xlane v3, v2;
	_ =	sdelay $0x1  }
0x45f: {  	v3 =	vadd.s32 v1, v3  }
0x460: {  	[tilespmem:s23], [sflag:$0x3] =	stream.indirect_vreg.gather [hbm4b:s18+s24], $0x80, v4, vm0, $0xb8;
	[tilespmem:$0x10100] =	vst v63  }
0x461: {  	s17 =	simm.s32 $0x900  }
0x462: {  	[tilespmem:s17], [sflag:$0x3] =	stream.indirect_vreg.gather [hbm4b:s21+s24], $0x80, v4, vm0, $0xb8;
	[tilespmem:$0x10100] =	vst v63  }
0x463: {  	s17 =	simm.s32 $0x1100  }
0x464: {  	[tilespmem:s17], [sflag:$0x3] =	stream.indirect_vreg.gather [hbm4b:s18+s24], $0x80, v3, vm0, $0xb8;
	[tilespmem:$0x10100] =	vst v63  }
0x465: {  	s17 =	simm.s32 $0x1900  }
0x466: {  	[tilespmem:s17], [sflag:$0x3] =	stream.indirect_vreg.gather [hbm4b:s21+s24], $0x80, v3, vm0, $0xb8;
	[tilespmem:$0x10100] =	vst v63  }
0x467: {  	v3 =	vld [tilespmem:$0x10];
	_ =	sdelay $0x4  }
0x468: {  	v25 =	vshll.u32 v3, $0x2  }
0x469: {  	v3 =	vand.u32 $0x7, v3;
	v4 =	vand.u32 $0xFFFFFFE0, v25  }
0x46a: {  	v3 =	vor.u32 v3, v4  }
0x46b: {  	v4 =	vperm.xlane v3, v0;
	_ =	sdelay $0x1  }
0x46c: {  	v4 =	vadd.s32 v1, v4;
	_ =	sdelay $0x1  }
0x46d: {  	v3 =	vperm.xlane v3, v2;
	_ =	sdelay $0x1  }
0x46e: {  	s17 =	simm.s32 $0x2100;
	v3 =	vadd.s32 v1, v3  }
0x46f: {  	[tilespmem:s17], [sflag:$0x3] =	stream.indirect_vreg.gather [hbm4b:s18+s24], $0x80, v4, vm0, $0xb8;
	[tilespmem:$0x10100] =	vst v63  }
0x470: {  	s17 =	simm.s32 $0x2900  }
0x471: {  	[tilespmem:s17], [sflag:$0x3] =	stream.indirect_vreg.gather [hbm4b:s21+s24], $0x80, v4, vm0, $0xb8;
	[tilespmem:$0x10100] =	vst v63  }
0x472: {  	s17 =	simm.s32 $0x3100  }
0x473: {  	[tilespmem:s17], [sflag:$0x3] =	stream.indirect_vreg.gather [hbm4b:s18+s24], $0x80, v3, vm0, $0xb8;
	[tilespmem:$0x10100] =	vst v63  }
0x474: {  	s17 =	simm.s32 $0x3900  }
0x475: {  	[tilespmem:s17], [sflag:$0x3] =	stream.indirect_vreg.gather [hbm4b:s21+s24], $0x80, v3, vm0, $0xb8;
	[tilespmem:$0x10100] =	vst v63  }
0x476: {  	v3 =	vld [tilespmem:$0x20];
	_ =	sdelay $0x4  }
0x477: {  	v26 =	vshll.u32 v3, $0x2  }
0x478: {  	v3 =	vand.u32 $0x7, v3;
	v4 =	vand.u32 $0xFFFFFFE0, v26  }
0x479: {  	v3 =	vor.u32 v3, v4  }
0x47a: {  	v4 =	vperm.xlane v3, v0;
	_ =	sdelay $0x1  }
0x47b: {  	v4 =	vadd.s32 v1, v4;
	_ =	sdelay $0x1  }
0x47c: {  	v3 =	vperm.xlane v3, v2;
	_ =	sdelay $0x1  }
0x47d: {  	s17 =	simm.s32 $0x4100;
	v3 =	vadd.s32 v1, v3  }
0x47e: {  	[tilespmem:s17], [sflag:$0x3] =	stream.indirect_vreg.gather [hbm4b:s18+s24], $0x80, v4, vm0, $0xb8;
	[tilespmem:$0x10100] =	vst v63  }
0x47f: {  	s17 =	simm.s32 $0x4900  }
0x480: {  	[tilespmem:s17], [sflag:$0x3] =	stream.indirect_vreg.gather [hbm4b:s21+s24], $0x80, v4, vm0, $0xb8;
	[tilespmem:$0x10100] =	vst v63  }
0x481: {  	s17 =	simm.s32 $0x5100  }
0x482: {  	[tilespmem:s17], [sflag:$0x3] =	stream.indirect_vreg.gather [hbm4b:s18+s24], $0x80, v3, vm0, $0xb8;
	[tilespmem:$0x10100] =	vst v63  }
0x483: {  	s17 =	simm.s32 $0x5900  }
0x484: {  	[tilespmem:s17], [sflag:$0x3] =	stream.indirect_vreg.gather [hbm4b:s21+s24], $0x80, v3, vm0, $0xb8;
	[tilespmem:$0x10100] =	vst v63  }
0x485: {  	v3 =	vld [tilespmem:$0x30];
	_ =	sdelay $0x4  }
0x486: {  	v27 =	vshll.u32 v3, $0x2  }
0x487: {  	v3 =	vand.u32 $0x7, v3;
	v4 =	vand.u32 $0xFFFFFFE0, v27  }
0x488: {  	v3 =	vor.u32 v3, v4  }
0x489: {  	v4 =	vperm.xlane v3, v0;
	_ =	sdelay $0x1  }
0x48a: {  	v4 =	vadd.s32 v1, v4;
	_ =	sdelay $0x1  }
0x48b: {  	v3 =	vperm.xlane v3, v2;
	_ =	sdelay $0x1  }
0x48c: {  	s17 =	simm.s32 $0x6100;
	v3 =	vadd.s32 v1, v3  }
0x48d: {  	[tilespmem:s17], [sflag:$0x3] =	stream.indirect_vreg.gather [hbm4b:s18+s24], $0x80, v4, vm0, $0xb8;
	[tilespmem:$0x10100] =	vst v63  }
0x48e: {  	s1 =	simm.s32 $0x6900  }
0x48f: {  	[tilespmem:s1], [sflag:$0x3] =	stream.indirect_vreg.gather [hbm4b:s21+s24], $0x80, v4, vm0, $0xb8;
	[tilespmem:$0x10100] =	vst v63  }
0x490: {  	s29 =	simm.s32 $0x7100  }
0x491: {  	[tilespmem:s29], [sflag:$0x3] =	stream.indirect_vreg.gather [hbm4b:s18+s24], $0x80, v3, vm0, $0xb8;
	[tilespmem:$0x10100] =	vst v63  }
0x492: {  	s0 =	simm.s32 $0x7900  }
0x493: {  	[tilespmem:s0], [sflag:$0x3] =	stream.indirect_vreg.gather [hbm4b:s21+s24], $0x80, v3, vm0, $0xb8;
	[tilespmem:$0x10100] =	vst v63  }
0x494: {  	s19 =	simm.s32 $0x80;
	s0 =	rddreg [dreg:$0x12]  }
0x495: {  	[tilespmem:s19], [sflag:$0x2] =	stream.linear.gather [hbm4b:s0+s24], $0x40, $0x38;
	[tilespmem:$0x10100] =	vst v63  }
0x496: {  	_ =	swait.ge [sflag:s10], $0x8000  }
0x497: {  	s1 =	sld [smem:$0x7F3]  }
0x498: {  	[sflag:s10] =	ssyncset.done $0x0  }
0x499: {  	[sflag:s10] =	ssyncadd.s32 $0xFFFF8000  }
0x49a: {  	[hbm4b:s1+s24] =	stream.linear.scatter [tilespmem:s23], [sflag:$0x5], $0x8000, $0x38;
	[tilespmem:$0x10100] =	vst v63  }
0x49b: {  	_ =	swait.ge [sflag:s16], $0x8000  }
0x49c: {  	[sflag:s16] =	ssyncset.done $0x0  }
0x49d: {  	[sflag:s16] =	ssyncadd.s32 $0xFFFF8000  }
0x49e: {  	_ =	swait.ge [sflag:s11], $0x40  }
0x49f: {  	[sflag:s11] =	ssyncset.done $0x0  }
0x4a0: {  	[sflag:s11] =	ssyncadd.s32 $0xFFFFFFC0  }
0x4a1: {  	v3 =	vld [tilespmem:$0x80];
	_ =	sdelay $0x4  }
0x4a2: {  	v28 =	vshll.u32 v3, $0x2  }
0x4a3: {  	v3 =	vand.u32 $0x7, v3;
	v4 =	vand.u32 $0xFFFFFFE0, v28  }
0x4a4: {  	v3 =	vor.u32 v3, v4  }
0x4a5: {  	v4 =	vperm.xlane v3, v0;
	_ =	sdelay $0x1  }
0x4a6: {  	v4 =	vadd.s32 v1, v4;
	_ =	sdelay $0x1  }
0x4a7: {  	v3 =	vperm.xlane v3, v2;
	_ =	sdelay $0x1  }
0x4a8: {  	v3 =	vadd.s32 v1, v3  }
0x4a9: {  	[tilespmem:s30], [sflag:$0x4] =	stream.indirect_vreg.gather [hbm4b:s18+s24], $0x80, v4, vm0, $0xb8;
	[tilespmem:$0x10100] =	vst v63  }
0x4aa: {  	s25 =	simm.s32 $0x8900  }
0x4ab: {  	[tilespmem:s25], [sflag:$0x4] =	stream.indirect_vreg.gather [hbm4b:s21+s24], $0x80, v4, vm0, $0xb8;
	[tilespmem:$0x10100] =	vst v63  }
0x4ac: {  	s26 =	simm.s32 $0x9100  }
0x4ad: {  	[tilespmem:s26], [sflag:$0x4] =	stream.indirect_vreg.gather [hbm4b:s18+s24], $0x80, v3, vm0, $0xb8;
	[tilespmem:$0x10100] =	vst v63  }
0x4ae: {  	s28 =	simm.s32 $0x9900  }
0x4af: {  	[tilespmem:s28], [sflag:$0x4] =	stream.indirect_vreg.gather [hbm4b:s21+s24], $0x80, v3, vm0, $0xb8;
	[tilespmem:$0x10100] =	vst v63  }
0x4b0: {  	v3 =	vld [tilespmem:$0x90];
	_ =	sdelay $0x4  }
0x4b1: {  	v29 =	vshll.u32 v3, $0x2  }
0x4b2: {  	v3 =	vand.u32 $0x7, v3;
	v4 =	vand.u32 $0xFFFFFFE0, v29  }
0x4b3: {  	v3 =	vor.u32 v3, v4  }
0x4b4: {  	v4 =	vperm.xlane v3, v0;
	_ =	sdelay $0x1  }
0x4b5: {  	v4 =	vadd.s32 v1, v4;
	_ =	sdelay $0x1  }
0x4b6: {  	v3 =	vperm.xlane v3, v2;
	_ =	sdelay $0x1  }
0x4b7: {  	s15 =	simm.s32 $0xA100;
	v3 =	vadd.s32 v1, v3  }
0x4b8: {  	[tilespmem:s15], [sflag:$0x4] =	stream.indirect_vreg.gather [hbm4b:s18+s24], $0x80, v4, vm0, $0xb8;
	[tilespmem:$0x10100] =	vst v63  }
0x4b9: {  	s9 =	simm.s32 $0xA900  }
0x4ba: {  	[tilespmem:s9], [sflag:$0x4] =	stream.indirect_vreg.gather [hbm4b:s21+s24], $0x80, v4, vm0, $0xb8;
	[tilespmem:$0x10100] =	vst v63  }
0x4bb: {  	s8 =	simm.s32 $0xB100  }
0x4bc: {  	[tilespmem:s8], [sflag:$0x4] =	stream.indirect_vreg.gather [hbm4b:s18+s24], $0x80, v3, vm0, $0xb8;
	[tilespmem:$0x10100] =	vst v63  }
0x4bd: {  	s7 =	simm.s32 $0xB900  }
0x4be: {  	[tilespmem:s7], [sflag:$0x4] =	stream.indirect_vreg.gather [hbm4b:s21+s24], $0x80, v3, vm0, $0xb8;
	[tilespmem:$0x10100] =	vst v63  }
0x4bf: {  	v3 =	vld [tilespmem:$0xA0];
	_ =	sdelay $0x4  }
0x4c0: {  	v30 =	vshll.u32 v3, $0x2  }
0x4c1: {  	v3 =	vand.u32 $0x7, v3;
	v4 =	vand.u32 $0xFFFFFFE0, v30  }
0x4c2: {  	v3 =	vor.u32 v3, v4  }
0x4c3: {  	v4 =	vperm.xlane v3, v0;
	_ =	sdelay $0x1  }
0x4c4: {  	v4 =	vadd.s32 v1, v4;
	_ =	sdelay $0x1  }
0x4c5: {  	v3 =	vperm.xlane v3, v2;
	_ =	sdelay $0x1  }
0x4c6: {  	s4 =	simm.s32 $0xC100;
	v3 =	vadd.s32 v1, v3  }
0x4c7: {  	[tilespmem:s4], [sflag:$0x4] =	stream.indirect_vreg.gather [hbm4b:s18+s24], $0x80, v4, vm0, $0xb8;
	[tilespmem:$0x10100] =	vst v63  }
0x4c8: {  	s20 =	simm.s32 $0xC900  }
0x4c9: {  	[tilespmem:s20], [sflag:$0x4] =	stream.indirect_vreg.gather [hbm4b:s21+s24], $0x80, v4, vm0, $0xb8;
	[tilespmem:$0x10100] =	vst v63  }
0x4ca: {  	s12 =	simm.s32 $0xD100  }
0x4cb: {  	[tilespmem:s12], [sflag:$0x4] =	stream.indirect_vreg.gather [hbm4b:s18+s24], $0x80, v3, vm0, $0xb8;
	[tilespmem:$0x10100] =	vst v63  }
0x4cc: {  	s13 =	simm.s32 $0xD900  }
0x4cd: {  	[tilespmem:s13], [sflag:$0x4] =	stream.indirect_vreg.gather [hbm4b:s21+s24], $0x80, v3, vm0, $0xb8;
	[tilespmem:$0x10100] =	vst v63  }
0x4ce: {  	v3 =	vld [tilespmem:$0xB0];
	_ =	sdelay $0x4  }
0x4cf: {  	v31 =	vshll.u32 v3, $0x2  }
0x4d0: {  	v3 =	vand.u32 $0x7, v3;
	v4 =	vand.u32 $0xFFFFFFE0, v31  }
0x4d1: {  	v3 =	vor.u32 v3, v4  }
0x4d2: {  	v4 =	vperm.xlane v3, v0;
	_ =	sdelay $0x1  }
0x4d3: {  	v4 =	vadd.s32 v1, v4;
	_ =	sdelay $0x1  }
0x4d4: {  	v3 =	vperm.xlane v3, v2;
	_ =	sdelay $0x1  }
0x4d5: {  	s2 =	simm.s32 $0xE100;
	v3 =	vadd.s32 v1, v3  }
0x4d6: {  	[tilespmem:s2], [sflag:$0x4] =	stream.indirect_vreg.gather [hbm4b:s18+s24], $0x80, v4, vm0, $0xb8;
	[tilespmem:$0x10100] =	vst v63  }
0x4d7: {  	s3 =	simm.s32 $0xE900  }
0x4d8: {  	[tilespmem:s3], [sflag:$0x4] =	stream.indirect_vreg.gather [hbm4b:s21+s24], $0x80, v4, vm0, $0xb8;
	[tilespmem:$0x10100] =	vst v63  }
0x4d9: {  	s5 =	simm.s32 $0xF100  }
0x4da: {  	[tilespmem:s5], [sflag:$0x4] =	stream.indirect_vreg.gather [hbm4b:s18+s24], $0x80, v3, vm0, $0xb8;
	[tilespmem:$0x10100] =	vst v63  }
0x4db: {  	s3 =	simm.s32 $0xF900  }
0x4dc: {  	[tilespmem:s3], [sflag:$0x4] =	stream.indirect_vreg.gather [hbm4b:s21+s24], $0x80, v3, vm0, $0xb8;
	[tilespmem:$0x10100] =	vst v63  }
0x4dd: {  	s12 =	rddreg [dreg:$0x13]  }
0x4de: {  	[tilespmem:s24], [sflag:$0x1] =	stream.linear.gather [hbm4b:s12+s24], $0x40, $0x38;
	[tilespmem:$0x10100] =	vst v63  }
0x4df: {  	_ =	swait.ge [sflag:s14], $0x8000  }
0x4e0: {  	s13 =	sld [smem:$0x7F4]  }
0x4e1: {  	[sflag:s14] =	ssyncset.done $0x0  }
0x4e2: {  	[sflag:s14] =	ssyncadd.s32 $0xFFFF8000  }
0x4e3: {  	[hbm4b:s13+s24] =	stream.linear.scatter [tilespmem:s30], [sflag:$0x6], $0x8000, $0x38;
	[tilespmem:$0x10100] =	vst v63  }
0x4e4: {  	_ =	swait.ge [sflag:s31], $0x8000  }
0x4e5: {  	[sflag:s31] =	ssyncset.done $0x0  }
0x4e6: {  	[sflag:s31] =	ssyncadd.s32 $0xFFFF8000  }
0x4e7: {  	_ =	swait.ge [sflag:s22], $0x40  }
0x4e8: {  	[sflag:s22] =	ssyncset.done $0x0  }
0x4e9: {  	[sflag:s22] =	ssyncadd.s32 $0xFFFFFFC0  }
0x4ea: {  	v3 =	vld [tilespmem:$0x0];
	_ =	sdelay $0x4  }
0x4eb: {  	v32 =	vshll.u32 v3, $0x2  }
0x4ec: {  	v3 =	vand.u32 $0x7, v3;
	v4 =	vand.u32 $0xFFFFFFE0, v32  }
0x4ed: {  	v3 =	vor.u32 v3, v4  }
0x4ee: {  	v4 =	vperm.xlane v3, v0;
	_ =	sdelay $0x1  }
0x4ef: {  	v4 =	vadd.s32 v1, v4;
	_ =	sdelay $0x1  }
0x4f0: {  	v3 =	vperm.xlane v3, v2;
	_ =	sdelay $0x1  }
0x4f1: {  	v3 =	vadd.s32 v1, v3  }
0x4f2: {  	[tilespmem:s23], [sflag:$0x3] =	stream.indirect_vreg.gather [hbm4b:s18+s24], $0x80, v4, vm0, $0xb8;
	[tilespmem:$0x10100] =	vst v63  }
0x4f3: {  	s20 =	simm.s32 $0x900  }
0x4f4: {  	[tilespmem:s20], [sflag:$0x3] =	stream.indirect_vreg.gather [hbm4b:s21+s24], $0x80, v4, vm0, $0xb8;
	[tilespmem:$0x10100] =	vst v63  }
0x4f5: {  	s3 =	simm.s32 $0x1100  }
0x4f6: {  	[tilespmem:s3], [sflag:$0x3] =	stream.indirect_vreg.gather [hbm4b:s18+s24], $0x80, v3, vm0, $0xb8;
	[tilespmem:$0x10100] =	vst v63  }
0x4f7: {  	s12 =	simm.s32 $0x1900  }
0x4f8: {  	[tilespmem:s12], [sflag:$0x3] =	stream.indirect_vreg.gather [hbm4b:s21+s24], $0x80, v3, vm0, $0xb8;
	[tilespmem:$0x10100] =	vst v63  }
0x4f9: {  	v3 =	vld [tilespmem:$0x10];
	_ =	sdelay $0x4  }
0x4fa: {  	v33 =	vshll.u32 v3, $0x2  }
0x4fb: {  	v3 =	vand.u32 $0x7, v3;
	v4 =	vand.u32 $0xFFFFFFE0, v33  }
0x4fc: {  	v3 =	vor.u32 v3, v4  }
0x4fd: {  	v4 =	vperm.xlane v3, v0;
	_ =	sdelay $0x1  }
0x4fe: {  	v4 =	vadd.s32 v1, v4;
	_ =	sdelay $0x1  }
0x4ff: {  	v3 =	vperm.xlane v3, v2;
	_ =	sdelay $0x1  }
0x500: {  	s13 =	simm.s32 $0x2100;
	v3 =	vadd.s32 v1, v3  }
0x501: {  	[tilespmem:s13], [sflag:$0x3] =	stream.indirect_vreg.gather [hbm4b:s18+s24], $0x80, v4, vm0, $0xb8;
	[tilespmem:$0x10100] =	vst v63  }
0x502: {  	s17 =	simm.s32 $0x2900  }
0x503: {  	[tilespmem:s17], [sflag:$0x3] =	stream.indirect_vreg.gather [hbm4b:s21+s24], $0x80, v4, vm0, $0xb8;
	[tilespmem:$0x10100] =	vst v63  }
0x504: {  	s20 =	simm.s32 $0x3100  }
0x505: {  	[tilespmem:s20], [sflag:$0x3] =	stream.indirect_vreg.gather [hbm4b:s18+s24], $0x80, v3, vm0, $0xb8;
	[tilespmem:$0x10100] =	vst v63  }
0x506: {  	s3 =	simm.s32 $0x3900  }
0x507: {  	[tilespmem:s3], [sflag:$0x3] =	stream.indirect_vreg.gather [hbm4b:s21+s24], $0x80, v3, vm0, $0xb8;
	[tilespmem:$0x10100] =	vst v63  }
0x508: {  	v3 =	vld [tilespmem:$0x20];
	_ =	sdelay $0x4  }
0x509: {  	v34 =	vshll.u32 v3, $0x2  }
0x50a: {  	v3 =	vand.u32 $0x7, v3;
	v4 =	vand.u32 $0xFFFFFFE0, v34  }
0x50b: {  	v3 =	vor.u32 v3, v4  }
0x50c: {  	v4 =	vperm.xlane v3, v0;
	_ =	sdelay $0x1  }
0x50d: {  	v4 =	vadd.s32 v1, v4;
	_ =	sdelay $0x1  }
0x50e: {  	v3 =	vperm.xlane v3, v2;
	_ =	sdelay $0x1  }
0x50f: {  	s12 =	simm.s32 $0x4100;
	v3 =	vadd.s32 v1, v3  }
0x510: {  	[tilespmem:s12], [sflag:$0x3] =	stream.indirect_vreg.gather [hbm4b:s18+s24], $0x80, v4, vm0, $0xb8;
	[tilespmem:$0x10100] =	vst v63  }
0x511: {  	s13 =	simm.s32 $0x4900  }
0x512: {  	[tilespmem:s13], [sflag:$0x3] =	stream.indirect_vreg.gather [hbm4b:s21+s24], $0x80, v4, vm0, $0xb8;
	[tilespmem:$0x10100] =	vst v63  }
0x513: {  	s17 =	simm.s32 $0x5100  }
0x514: {  	[tilespmem:s17], [sflag:$0x3] =	stream.indirect_vreg.gather [hbm4b:s18+s24], $0x80, v3, vm0, $0xb8;
	[tilespmem:$0x10100] =	vst v63  }
0x515: {  	s20 =	simm.s32 $0x5900  }
0x516: {  	[tilespmem:s20], [sflag:$0x3] =	stream.indirect_vreg.gather [hbm4b:s21+s24], $0x80, v3, vm0, $0xb8;
	[tilespmem:$0x10100] =	vst v63  }
0x517: {  	v3 =	vld [tilespmem:$0x30];
	_ =	sdelay $0x4  }
0x518: {  	v35 =	vshll.u32 v3, $0x2  }
0x519: {  	v3 =	vand.u32 $0x7, v3;
	v4 =	vand.u32 $0xFFFFFFE0, v35  }
0x51a: {  	v3 =	vor.u32 v3, v4  }
0x51b: {  	v4 =	vperm.xlane v3, v0;
	_ =	sdelay $0x1  }
0x51c: {  	v4 =	vadd.s32 v1, v4;
	_ =	sdelay $0x1  }
0x51d: {  	v3 =	vperm.xlane v3, v2;
	_ =	sdelay $0x1  }
0x51e: {  	s3 =	simm.s32 $0x6100;
	v3 =	vadd.s32 v1, v3  }
0x51f: {  	[tilespmem:s3], [sflag:$0x3] =	stream.indirect_vreg.gather [hbm4b:s18+s24], $0x80, v4, vm0, $0xb8;
	[tilespmem:$0x10100] =	vst v63  }
0x520: {  	s12 =	simm.s32 $0x6900  }
0x521: {  	[tilespmem:s12], [sflag:$0x3] =	stream.indirect_vreg.gather [hbm4b:s21+s24], $0x80, v4, vm0, $0xb8;
	[tilespmem:$0x10100] =	vst v63  }
0x522: {  	s13 =	simm.s32 $0x7100  }
0x523: {  	[tilespmem:s13], [sflag:$0x3] =	stream.indirect_vreg.gather [hbm4b:s18+s24], $0x80, v3, vm0, $0xb8;
	[tilespmem:$0x10100] =	vst v63  }
0x524: {  	s17 =	simm.s32 $0x7900  }
0x525: {  	[tilespmem:s17], [sflag:$0x3] =	stream.indirect_vreg.gather [hbm4b:s21+s24], $0x80, v3, vm0, $0xb8;
	[tilespmem:$0x10100] =	vst v63  }
0x526: {  	s0 =	simm.s32 $0x80;
	s3 =	rddreg [dreg:$0x14]  }
0x527: {  	[tilespmem:s0], [sflag:$0x2] =	stream.linear.gather [hbm4b:s3+s24], $0x40, $0x38;
	[tilespmem:$0x10100] =	vst v63  }
0x528: {  	_ =	swait.ge [sflag:s10], $0x8000  }
0x529: {  	s12 =	sld [smem:$0x7F5]  }
0x52a: {  	[sflag:s10] =	ssyncset.done $0x0  }
0x52b: {  	[sflag:s10] =	ssyncadd.s32 $0xFFFF8000  }
0x52c: {  	[hbm4b:s12+s24] =	stream.linear.scatter [tilespmem:s23], [sflag:$0x5], $0x8000, $0x38;
	[tilespmem:$0x10100] =	vst v63  }
0x52d: {  	_ =	swait.ge [sflag:s16], $0x8000  }
0x52e: {  	[sflag:s16] =	ssyncset.done $0x0  }
0x52f: {  	[sflag:s16] =	ssyncadd.s32 $0xFFFF8000  }
0x530: {  	_ =	swait.ge [sflag:s11], $0x40  }
0x531: {  	[sflag:s11] =	ssyncset.done $0x0  }
0x532: {  	[sflag:s11] =	ssyncadd.s32 $0xFFFFFFC0  }
0x533: {  	v3 =	vld [tilespmem:$0x80];
	_ =	sdelay $0x4  }
0x534: {  	v36 =	vshll.u32 v3, $0x2  }
0x535: {  	v3 =	vand.u32 $0x7, v3;
	v4 =	vand.u32 $0xFFFFFFE0, v36  }
0x536: {  	v3 =	vor.u32 v3, v4  }
0x537: {  	v4 =	vperm.xlane v3, v0;
	_ =	sdelay $0x1  }
0x538: {  	v4 =	vadd.s32 v1, v4;
	_ =	sdelay $0x1  }
0x539: {  	v3 =	vperm.xlane v3, v2;
	_ =	sdelay $0x1  }
0x53a: {  	v3 =	vadd.s32 v1, v3  }
0x53b: {  	[tilespmem:s30], [sflag:$0x4] =	stream.indirect_vreg.gather [hbm4b:s18+s24], $0x80, v4, vm0, $0xb8;
	[tilespmem:$0x10100] =	vst v63  }
0x53c: {  	s29 =	simm.s32 $0x8900  }
0x53d: {  	[tilespmem:s29], [sflag:$0x4] =	stream.indirect_vreg.gather [hbm4b:s21+s24], $0x80, v4, vm0, $0xb8;
	[tilespmem:$0x10100] =	vst v63  }
0x53e: {  	s26 =	simm.s32 $0x9100  }
0x53f: {  	[tilespmem:s26], [sflag:$0x4] =	stream.indirect_vreg.gather [hbm4b:s18+s24], $0x80, v3, vm0, $0xb8;
	[tilespmem:$0x10100] =	vst v63  }
0x540: {  	s13 =	simm.s32 $0x9900  }
0x541: {  	[tilespmem:s13], [sflag:$0x4] =	stream.indirect_vreg.gather [hbm4b:s21+s24], $0x80, v3, vm0, $0xb8;
	[tilespmem:$0x10100] =	vst v63  }
0x542: {  	v3 =	vld [tilespmem:$0x90];
	_ =	sdelay $0x4  }
0x543: {  	v37 =	vshll.u32 v3, $0x2  }
0x544: {  	v3 =	vand.u32 $0x7, v3;
	v4 =	vand.u32 $0xFFFFFFE0, v37  }
0x545: {  	v3 =	vor.u32 v3, v4  }
0x546: {  	v4 =	vperm.xlane v3, v0;
	_ =	sdelay $0x1  }
0x547: {  	v4 =	vadd.s32 v1, v4;
	_ =	sdelay $0x1  }
0x548: {  	v3 =	vperm.xlane v3, v2;
	_ =	sdelay $0x1  }
0x549: {  	s25 =	simm.s32 $0xA100;
	v3 =	vadd.s32 v1, v3  }
0x54a: {  	[tilespmem:s25], [sflag:$0x4] =	stream.indirect_vreg.gather [hbm4b:s18+s24], $0x80, v4, vm0, $0xb8;
	[tilespmem:$0x10100] =	vst v63  }
0x54b: {  	s19 =	simm.s32 $0xA900  }
0x54c: {  	[tilespmem:s19], [sflag:$0x4] =	stream.indirect_vreg.gather [hbm4b:s21+s24], $0x80, v4, vm0, $0xb8;
	[tilespmem:$0x10100] =	vst v63  }
0x54d: {  	s15 =	simm.s32 $0xB100  }
0x54e: {  	[tilespmem:s15], [sflag:$0x4] =	stream.indirect_vreg.gather [hbm4b:s18+s24], $0x80, v3, vm0, $0xb8;
	[tilespmem:$0x10100] =	vst v63  }
0x54f: {  	s9 =	simm.s32 $0xB900  }
0x550: {  	[tilespmem:s9], [sflag:$0x4] =	stream.indirect_vreg.gather [hbm4b:s21+s24], $0x80, v3, vm0, $0xb8;
	[tilespmem:$0x10100] =	vst v63  }
0x551: {  	v3 =	vld [tilespmem:$0xA0];
	_ =	sdelay $0x4  }
0x552: {  	v38 =	vshll.u32 v3, $0x2  }
0x553: {  	v3 =	vand.u32 $0x7, v3;
	v4 =	vand.u32 $0xFFFFFFE0, v38  }
0x554: {  	v3 =	vor.u32 v3, v4  }
0x555: {  	v4 =	vperm.xlane v3, v0;
	_ =	sdelay $0x1  }
0x556: {  	v4 =	vadd.s32 v1, v4;
	_ =	sdelay $0x1  }
0x557: {  	v3 =	vperm.xlane v3, v2;
	_ =	sdelay $0x1  }
0x558: {  	s4 =	simm.s32 $0xC100;
	v3 =	vadd.s32 v1, v3  }
0x559: {  	[tilespmem:s4], [sflag:$0x4] =	stream.indirect_vreg.gather [hbm4b:s18+s24], $0x80, v4, vm0, $0xb8;
	[tilespmem:$0x10100] =	vst v63  }
0x55a: {  	s28 =	simm.s32 $0xC900  }
0x55b: {  	[tilespmem:s28], [sflag:$0x4] =	stream.indirect_vreg.gather [hbm4b:s21+s24], $0x80, v4, vm0, $0xb8;
	[tilespmem:$0x10100] =	vst v63  }
0x55c: {  	s1 =	simm.s32 $0xD100  }
0x55d: {  	[tilespmem:s1], [sflag:$0x4] =	stream.indirect_vreg.gather [hbm4b:s18+s24], $0x80, v3, vm0, $0xb8;
	[tilespmem:$0x10100] =	vst v63  }
0x55e: {  	s6 =	simm.s32 $0xD900  }
0x55f: {  	[tilespmem:s6], [sflag:$0x4] =	stream.indirect_vreg.gather [hbm4b:s21+s24], $0x80, v3, vm0, $0xb8;
	[tilespmem:$0x10100] =	vst v63  }
0x560: {  	v3 =	vld [tilespmem:$0xB0];
	_ =	sdelay $0x4  }
0x561: {  	v39 =	vshll.u32 v3, $0x2  }
0x562: {  	v3 =	vand.u32 $0x7, v3;
	v4 =	vand.u32 $0xFFFFFFE0, v39  }
0x563: {  	v3 =	vor.u32 v3, v4  }
0x564: {  	v4 =	vperm.xlane v3, v0;
	_ =	sdelay $0x1  }
0x565: {  	v4 =	vadd.s32 v1, v4;
	_ =	sdelay $0x1  }
0x566: {  	v3 =	vperm.xlane v3, v2;
	_ =	sdelay $0x1  }
0x567: {  	s7 =	simm.s32 $0xE100;
	v3 =	vadd.s32 v1, v3  }
0x568: {  	[tilespmem:s7], [sflag:$0x4] =	stream.indirect_vreg.gather [hbm4b:s18+s24], $0x80, v4, vm0, $0xb8;
	[tilespmem:$0x10100] =	vst v63  }
0x569: {  	s8 =	simm.s32 $0xE900  }
0x56a: {  	[tilespmem:s8], [sflag:$0x4] =	stream.indirect_vreg.gather [hbm4b:s21+s24], $0x80, v4, vm0, $0xb8;
	[tilespmem:$0x10100] =	vst v63  }
0x56b: {  	s5 =	simm.s32 $0xF100  }
0x56c: {  	[tilespmem:s5], [sflag:$0x4] =	stream.indirect_vreg.gather [hbm4b:s18+s24], $0x80, v3, vm0, $0xb8;
	[tilespmem:$0x10100] =	vst v63  }
0x56d: {  	s17 =	simm.s32 $0xF900  }
0x56e: {  	[tilespmem:s17], [sflag:$0x4] =	stream.indirect_vreg.gather [hbm4b:s21+s24], $0x80, v3, vm0, $0xb8;
	[tilespmem:$0x10100] =	vst v63  }
0x56f: {  	s28 =	rddreg [dreg:$0x15]  }
0x570: {  	[tilespmem:s24], [sflag:$0x1] =	stream.linear.gather [hbm4b:s28+s24], $0x40, $0x38;
	[tilespmem:$0x10100] =	vst v63  }
0x571: {  	_ =	swait.ge [sflag:s14], $0x8000  }
0x572: {  	s5 =	sld [smem:$0x7F6]  }
0x573: {  	[sflag:s14] =	ssyncset.done $0x0  }
0x574: {  	[sflag:s14] =	ssyncadd.s32 $0xFFFF8000  }
0x575: {  	[hbm4b:s5+s24] =	stream.linear.scatter [tilespmem:s30], [sflag:$0x6], $0x8000, $0x38;
	[tilespmem:$0x10100] =	vst v63  }
0x576: {  	_ =	swait.ge [sflag:s31], $0x8000  }
0x577: {  	[sflag:s31] =	ssyncset.done $0x0  }
0x578: {  	[sflag:s31] =	ssyncadd.s32 $0xFFFF8000  }
0x579: {  	_ =	swait.ge [sflag:s22], $0x40  }
0x57a: {  	[sflag:s22] =	ssyncset.done $0x0  }
0x57b: {  	[sflag:s22] =	ssyncadd.s32 $0xFFFFFFC0  }
0x57c: {  	v3 =	vld [tilespmem:$0x0];
	_ =	sdelay $0x4  }
0x57d: {  	v40 =	vshll.u32 v3, $0x2  }
0x57e: {  	v3 =	vand.u32 $0x7, v3;
	v4 =	vand.u32 $0xFFFFFFE0, v40  }
0x57f: {  	v3 =	vor.u32 v3, v4  }
0x580: {  	v4 =	vperm.xlane v3, v0;
	_ =	sdelay $0x1  }
0x581: {  	v4 =	vadd.s32 v1, v4;
	_ =	sdelay $0x1  }
0x582: {  	v3 =	vperm.xlane v3, v2;
	_ =	sdelay $0x1  }
0x583: {  	v3 =	vadd.s32 v1, v3  }
0x584: {  	[tilespmem:s23], [sflag:$0x3] =	stream.indirect_vreg.gather [hbm4b:s18+s24], $0x80, v4, vm0, $0xb8;
	[tilespmem:$0x10100] =	vst v63  }
0x585: {  	s8 =	simm.s32 $0x900  }
0x586: {  	[tilespmem:s8], [sflag:$0x3] =	stream.indirect_vreg.gather [hbm4b:s21+s24], $0x80, v4, vm0, $0xb8;
	[tilespmem:$0x10100] =	vst v63  }
0x587: {  	s17 =	simm.s32 $0x1100  }
0x588: {  	[tilespmem:s17], [sflag:$0x3] =	stream.indirect_vreg.gather [hbm4b:s18+s24], $0x80, v3, vm0, $0xb8;
	[tilespmem:$0x10100] =	vst v63  }
0x589: {  	s28 =	simm.s32 $0x1900  }
0x58a: {  	[tilespmem:s28], [sflag:$0x3] =	stream.indirect_vreg.gather [hbm4b:s21+s24], $0x80, v3, vm0, $0xb8;
	[tilespmem:$0x10100] =	vst v63  }
0x58b: {  	v3 =	vld [tilespmem:$0x10];
	_ =	sdelay $0x4  }
0x58c: {  	v41 =	vshll.u32 v3, $0x2  }
0x58d: {  	v3 =	vand.u32 $0x7, v3;
	v4 =	vand.u32 $0xFFFFFFE0, v41  }
0x58e: {  	v3 =	vor.u32 v3, v4  }
0x58f: {  	v4 =	vperm.xlane v3, v0;
	_ =	sdelay $0x1  }
0x590: {  	v4 =	vadd.s32 v1, v4;
	_ =	sdelay $0x1  }
0x591: {  	v3 =	vperm.xlane v3, v2;
	_ =	sdelay $0x1  }
0x592: {  	s8 =	simm.s32 $0x2100;
	v3 =	vadd.s32 v1, v3  }
0x593: {  	[tilespmem:s8], [sflag:$0x3] =	stream.indirect_vreg.gather [hbm4b:s18+s24], $0x80, v4, vm0, $0xb8;
	[tilespmem:$0x10100] =	vst v63  }
0x594: {  	s17 =	simm.s32 $0x2900  }
0x595: {  	[tilespmem:s17], [sflag:$0x3] =	stream.indirect_vreg.gather [hbm4b:s21+s24], $0x80, v4, vm0, $0xb8;
	[tilespmem:$0x10100] =	vst v63  }
0x596: {  	s28 =	simm.s32 $0x3100  }
0x597: {  	[tilespmem:s28], [sflag:$0x3] =	stream.indirect_vreg.gather [hbm4b:s18+s24], $0x80, v3, vm0, $0xb8;
	[tilespmem:$0x10100] =	vst v63  }
0x598: {  	s8 =	simm.s32 $0x3900  }
0x599: {  	[tilespmem:s8], [sflag:$0x3] =	stream.indirect_vreg.gather [hbm4b:s21+s24], $0x80, v3, vm0, $0xb8;
	[tilespmem:$0x10100] =	vst v63  }
0x59a: {  	v3 =	vld [tilespmem:$0x20];
	_ =	sdelay $0x4  }
0x59b: {  	v42 =	vshll.u32 v3, $0x2  }
0x59c: {  	v3 =	vand.u32 $0x7, v3;
	v4 =	vand.u32 $0xFFFFFFE0, v42  }
0x59d: {  	v3 =	vor.u32 v3, v4  }
0x59e: {  	v4 =	vperm.xlane v3, v0;
	_ =	sdelay $0x1  }
0x59f: {  	v4 =	vadd.s32 v1, v4;
	_ =	sdelay $0x1  }
0x5a0: {  	v3 =	vperm.xlane v3, v2;
	_ =	sdelay $0x1  }
0x5a1: {  	s17 =	simm.s32 $0x4100;
	v3 =	vadd.s32 v1, v3  }
0x5a2: {  	[tilespmem:s17], [sflag:$0x3] =	stream.indirect_vreg.gather [hbm4b:s18+s24], $0x80, v4, vm0, $0xb8;
	[tilespmem:$0x10100] =	vst v63  }
0x5a3: {  	s28 =	simm.s32 $0x4900  }
0x5a4: {  	[tilespmem:s28], [sflag:$0x3] =	stream.indirect_vreg.gather [hbm4b:s21+s24], $0x80, v4, vm0, $0xb8;
	[tilespmem:$0x10100] =	vst v63  }
0x5a5: {  	s8 =	simm.s32 $0x5100  }
0x5a6: {  	[tilespmem:s8], [sflag:$0x3] =	stream.indirect_vreg.gather [hbm4b:s18+s24], $0x80, v3, vm0, $0xb8;
	[tilespmem:$0x10100] =	vst v63  }
0x5a7: {  	s17 =	simm.s32 $0x5900  }
0x5a8: {  	[tilespmem:s17], [sflag:$0x3] =	stream.indirect_vreg.gather [hbm4b:s21+s24], $0x80, v3, vm0, $0xb8;
	[tilespmem:$0x10100] =	vst v63  }
0x5a9: {  	v3 =	vld [tilespmem:$0x30];
	_ =	sdelay $0x4  }
0x5aa: {  	v43 =	vshll.u32 v3, $0x2  }
0x5ab: {  	v3 =	vand.u32 $0x7, v3;
	v4 =	vand.u32 $0xFFFFFFE0, v43  }
0x5ac: {  	v3 =	vor.u32 v3, v4  }
0x5ad: {  	v4 =	vperm.xlane v3, v0;
	_ =	sdelay $0x1  }
0x5ae: {  	v4 =	vadd.s32 v1, v4;
	_ =	sdelay $0x1  }
0x5af: {  	v3 =	vperm.xlane v3, v2;
	_ =	sdelay $0x1  }
0x5b0: {  	s28 =	simm.s32 $0x6100;
	v3 =	vadd.s32 v1, v3  }
0x5b1: {  	[tilespmem:s28], [sflag:$0x3] =	stream.indirect_vreg.gather [hbm4b:s18+s24], $0x80, v4, vm0, $0xb8;
	[tilespmem:$0x10100] =	vst v63  }
0x5b2: {  	s8 =	simm.s32 $0x6900  }
0x5b3: {  	[tilespmem:s8], [sflag:$0x3] =	stream.indirect_vreg.gather [hbm4b:s21+s24], $0x80, v4, vm0, $0xb8;
	[tilespmem:$0x10100] =	vst v63  }
0x5b4: {  	s20 =	simm.s32 $0x7100  }
0x5b5: {  	[tilespmem:s20], [sflag:$0x3] =	stream.indirect_vreg.gather [hbm4b:s18+s24], $0x80, v3, vm0, $0xb8;
	[tilespmem:$0x10100] =	vst v63  }
0x5b6: {  	s17 =	simm.s32 $0x7900  }
0x5b7: {  	[tilespmem:s17], [sflag:$0x3] =	stream.indirect_vreg.gather [hbm4b:s21+s24], $0x80, v3, vm0, $0xb8;
	[tilespmem:$0x10100] =	vst v63  }
0x5b8: {  	s0 =	simm.s32 $0x80;
	s20 =	rddreg [dreg:$0x16]  }
0x5b9: {  	[tilespmem:s0], [sflag:$0x2] =	stream.linear.gather [hbm4b:s20+s24], $0x40, $0x38;
	[tilespmem:$0x10100] =	vst v63  }
0x5ba: {  	_ =	swait.ge [sflag:s10], $0x8000  }
0x5bb: {  	s8 =	sld [smem:$0x7F7]  }
0x5bc: {  	[sflag:s10] =	ssyncset.done $0x0  }
0x5bd: {  	[sflag:s10] =	ssyncadd.s32 $0xFFFF8000  }
0x5be: {  	[hbm4b:s8+s24] =	stream.linear.scatter [tilespmem:s23], [sflag:$0x5], $0x8000, $0x38;
	[tilespmem:$0x10100] =	vst v63  }
0x5bf: {  	_ =	swait.ge [sflag:s16], $0x8000  }
0x5c0: {  	[sflag:s16] =	ssyncset.done $0x0  }
0x5c1: {  	[sflag:s16] =	ssyncadd.s32 $0xFFFF8000  }
0x5c2: {  	_ =	swait.ge [sflag:s11], $0x40  }
0x5c3: {  	[sflag:s11] =	ssyncset.done $0x0  }
0x5c4: {  	[sflag:s11] =	ssyncadd.s32 $0xFFFFFFC0  }
0x5c5: {  	v3 =	vld [tilespmem:$0x80];
	_ =	sdelay $0x4  }
0x5c6: {  	v44 =	vshll.u32 v3, $0x2  }
0x5c7: {  	v3 =	vand.u32 $0x7, v3;
	v4 =	vand.u32 $0xFFFFFFE0, v44  }
0x5c8: {  	v3 =	vor.u32 v3, v4  }
0x5c9: {  	v4 =	vperm.xlane v3, v0;
	_ =	sdelay $0x1  }
0x5ca: {  	v4 =	vadd.s32 v1, v4;
	_ =	sdelay $0x1  }
0x5cb: {  	v3 =	vperm.xlane v3, v2;
	_ =	sdelay $0x1  }
0x5cc: {  	v3 =	vadd.s32 v1, v3  }
0x5cd: {  	[tilespmem:s30], [sflag:$0x4] =	stream.indirect_vreg.gather [hbm4b:s18+s24], $0x80, v4, vm0, $0xb8;
	[tilespmem:$0x10100] =	vst v63  }
0x5ce: {  	s2 =	simm.s32 $0x8900  }
0x5cf: {  	[tilespmem:s2], [sflag:$0x4] =	stream.indirect_vreg.gather [hbm4b:s21+s24], $0x80, v4, vm0, $0xb8;
	[tilespmem:$0x10100] =	vst v63  }
0x5d0: {  	s29 =	simm.s32 $0x9100  }
0x5d1: {  	[tilespmem:s29], [sflag:$0x4] =	stream.indirect_vreg.gather [hbm4b:s18+s24], $0x80, v3, vm0, $0xb8;
	[tilespmem:$0x10100] =	vst v63  }
0x5d2: {  	s26 =	simm.s32 $0x9900  }
0x5d3: {  	[tilespmem:s26], [sflag:$0x4] =	stream.indirect_vreg.gather [hbm4b:s21+s24], $0x80, v3, vm0, $0xb8;
	[tilespmem:$0x10100] =	vst v63  }
0x5d4: {  	v3 =	vld [tilespmem:$0x90];
	_ =	sdelay $0x4  }
0x5d5: {  	v45 =	vshll.u32 v3, $0x2  }
0x5d6: {  	v3 =	vand.u32 $0x7, v3;
	v4 =	vand.u32 $0xFFFFFFE0, v45  }
0x5d7: {  	v3 =	vor.u32 v3, v4  }
0x5d8: {  	v4 =	vperm.xlane v3, v0;
	_ =	sdelay $0x1  }
0x5d9: {  	v4 =	vadd.s32 v1, v4;
	_ =	sdelay $0x1  }
0x5da: {  	v3 =	vperm.xlane v3, v2;
	_ =	sdelay $0x1  }
0x5db: {  	s13 =	simm.s32 $0xA100;
	v3 =	vadd.s32 v1, v3  }
0x5dc: {  	[tilespmem:s13], [sflag:$0x4] =	stream.indirect_vreg.gather [hbm4b:s18+s24], $0x80, v4, vm0, $0xb8;
	[tilespmem:$0x10100] =	vst v63  }
0x5dd: {  	s12 =	simm.s32 $0xA900  }
0x5de: {  	[tilespmem:s12], [sflag:$0x4] =	stream.indirect_vreg.gather [hbm4b:s21+s24], $0x80, v4, vm0, $0xb8;
	[tilespmem:$0x10100] =	vst v63  }
0x5df: {  	s3 =	simm.s32 $0xB100  }
0x5e0: {  	[tilespmem:s3], [sflag:$0x4] =	stream.indirect_vreg.gather [hbm4b:s18+s24], $0x80, v3, vm0, $0xb8;
	[tilespmem:$0x10100] =	vst v63  }
0x5e1: {  	s9 =	simm.s32 $0xB900  }
0x5e2: {  	[tilespmem:s9], [sflag:$0x4] =	stream.indirect_vreg.gather [hbm4b:s21+s24], $0x80, v3, vm0, $0xb8;
	[tilespmem:$0x10100] =	vst v63  }
0x5e3: {  	v3 =	vld [tilespmem:$0xA0];
	_ =	sdelay $0x4  }
0x5e4: {  	v46 =	vshll.u32 v3, $0x2  }
0x5e5: {  	v3 =	vand.u32 $0x7, v3;
	v4 =	vand.u32 $0xFFFFFFE0, v46  }
0x5e6: {  	v3 =	vor.u32 v3, v4  }
0x5e7: {  	v4 =	vperm.xlane v3, v0;
	_ =	sdelay $0x1  }
0x5e8: {  	v4 =	vadd.s32 v1, v4;
	_ =	sdelay $0x1  }
0x5e9: {  	v3 =	vperm.xlane v3, v2;
	_ =	sdelay $0x1  }
0x5ea: {  	s25 =	simm.s32 $0xC100;
	v3 =	vadd.s32 v1, v3  }
0x5eb: {  	[tilespmem:s25], [sflag:$0x4] =	stream.indirect_vreg.gather [hbm4b:s18+s24], $0x80, v4, vm0, $0xb8;
	[tilespmem:$0x10100] =	vst v63  }
0x5ec: {  	s15 =	simm.s32 $0xC900  }
0x5ed: {  	[tilespmem:s15], [sflag:$0x4] =	stream.indirect_vreg.gather [hbm4b:s21+s24], $0x80, v4, vm0, $0xb8;
	[tilespmem:$0x10100] =	vst v63  }
0x5ee: {  	s19 =	simm.s32 $0xD100  }
0x5ef: {  	[tilespmem:s19], [sflag:$0x4] =	stream.indirect_vreg.gather [hbm4b:s18+s24], $0x80, v3, vm0, $0xb8;
	[tilespmem:$0x10100] =	vst v63  }
0x5f0: {  	s1 =	simm.s32 $0xD900  }
0x5f1: {  	[tilespmem:s1], [sflag:$0x4] =	stream.indirect_vreg.gather [hbm4b:s21+s24], $0x80, v3, vm0, $0xb8;
	[tilespmem:$0x10100] =	vst v63  }
0x5f2: {  	v3 =	vld [tilespmem:$0xB0];
	_ =	sdelay $0x4  }
0x5f3: {  	v47 =	vshll.u32 v3, $0x2  }
0x5f4: {  	v3 =	vand.u32 $0x7, v3;
	v4 =	vand.u32 $0xFFFFFFE0, v47  }
0x5f5: {  	v3 =	vor.u32 v3, v4  }
0x5f6: {  	v4 =	vperm.xlane v3, v0;
	_ =	sdelay $0x1  }
0x5f7: {  	v4 =	vadd.s32 v1, v4;
	_ =	sdelay $0x1  }
0x5f8: {  	v3 =	vperm.xlane v3, v2;
	_ =	sdelay $0x1  }
0x5f9: {  	s6 =	simm.s32 $0xE100;
	v3 =	vadd.s32 v1, v3  }
0x5fa: {  	[tilespmem:s6], [sflag:$0x4] =	stream.indirect_vreg.gather [hbm4b:s18+s24], $0x80, v4, vm0, $0xb8;
	[tilespmem:$0x10100] =	vst v63  }
0x5fb: {  	s7 =	simm.s32 $0xE900  }
0x5fc: {  	[tilespmem:s7], [sflag:$0x4] =	stream.indirect_vreg.gather [hbm4b:s21+s24], $0x80, v4, vm0, $0xb8;
	[tilespmem:$0x10100] =	vst v63  }
0x5fd: {  	s4 =	simm.s32 $0xF100  }
0x5fe: {  	[tilespmem:s4], [sflag:$0x4] =	stream.indirect_vreg.gather [hbm4b:s18+s24], $0x80, v3, vm0, $0xb8;
	[tilespmem:$0x10100] =	vst v63  }
0x5ff: {  	s17 =	simm.s32 $0xF900  }
0x600: {  	[tilespmem:s17], [sflag:$0x4] =	stream.indirect_vreg.gather [hbm4b:s21+s24], $0x80, v3, vm0, $0xb8;
	[tilespmem:$0x10100] =	vst v63  }
0x601: {  	s29 =	rddreg [dreg:$0x17]  }
0x602: {  	[tilespmem:s24], [sflag:$0x1] =	stream.linear.gather [hbm4b:s29+s24], $0x40, $0x38;
	[tilespmem:$0x10100] =	vst v63  }
0x603: {  	_ =	swait.ge [sflag:s14], $0x8000  }
0x604: {  	s4 =	sld [smem:$0x7F8]  }
0x605: {  	[sflag:s14] =	ssyncset.done $0x0  }
0x606: {  	[sflag:s14] =	ssyncadd.s32 $0xFFFF8000  }
0x607: {  	[hbm4b:s4+s24] =	stream.linear.scatter [tilespmem:s30], [sflag:$0x6], $0x8000, $0x38;
	[tilespmem:$0x10100] =	vst v63  }
0x608: {  	_ =	swait.ge [sflag:s31], $0x8000  }
0x609: {  	[sflag:s31] =	ssyncset.done $0x0  }
0x60a: {  	[sflag:s31] =	ssyncadd.s32 $0xFFFF8000  }
0x60b: {  	_ =	swait.ge [sflag:s22], $0x40  }
0x60c: {  	[sflag:s22] =	ssyncset.done $0x0  }
0x60d: {  	[sflag:s22] =	ssyncadd.s32 $0xFFFFFFC0  }
0x60e: {  	v3 =	vld [tilespmem:$0x0];
	_ =	sdelay $0x4  }
0x60f: {  	v48 =	vshll.u32 v3, $0x2  }
0x610: {  	v3 =	vand.u32 $0x7, v3;
	v4 =	vand.u32 $0xFFFFFFE0, v48  }
0x611: {  	v3 =	vor.u32 v3, v4  }
0x612: {  	v4 =	vperm.xlane v3, v0;
	_ =	sdelay $0x1  }
0x613: {  	v4 =	vadd.s32 v1, v4;
	_ =	sdelay $0x1  }
0x614: {  	v3 =	vperm.xlane v3, v2;
	_ =	sdelay $0x1  }
0x615: {  	v3 =	vadd.s32 v1, v3  }
0x616: {  	[tilespmem:s23], [sflag:$0x3] =	stream.indirect_vreg.gather [hbm4b:s18+s24], $0x80, v4, vm0, $0xb8;
	[tilespmem:$0x10100] =	vst v63  }
0x617: {  	s17 =	simm.s32 $0x900  }
0x618: {  	[tilespmem:s17], [sflag:$0x3] =	stream.indirect_vreg.gather [hbm4b:s21+s24], $0x80, v4, vm0, $0xb8;
	[tilespmem:$0x10100] =	vst v63  }
0x619: {  	s29 =	simm.s32 $0x1100  }
0x61a: {  	[tilespmem:s29], [sflag:$0x3] =	stream.indirect_vreg.gather [hbm4b:s18+s24], $0x80, v3, vm0, $0xb8;
	[tilespmem:$0x10100] =	vst v63  }
0x61b: {  	s17 =	simm.s32 $0x1900  }
0x61c: {  	[tilespmem:s17], [sflag:$0x3] =	stream.indirect_vreg.gather [hbm4b:s21+s24], $0x80, v3, vm0, $0xb8;
	[tilespmem:$0x10100] =	vst v63  }
0x61d: {  	v3 =	vld [tilespmem:$0x10];
	_ =	sdelay $0x4  }
0x61e: {  	v49 =	vshll.u32 v3, $0x2  }
0x61f: {  	v3 =	vand.u32 $0x7, v3;
	v4 =	vand.u32 $0xFFFFFFE0, v49  }
0x620: {  	v3 =	vor.u32 v3, v4  }
0x621: {  	v4 =	vperm.xlane v3, v0;
	_ =	sdelay $0x1  }
0x622: {  	v4 =	vadd.s32 v1, v4;
	_ =	sdelay $0x1  }
0x623: {  	v3 =	vperm.xlane v3, v2;
	_ =	sdelay $0x1  }
0x624: {  	s29 =	simm.s32 $0x2100;
	v3 =	vadd.s32 v1, v3  }
0x625: {  	[tilespmem:s29], [sflag:$0x3] =	stream.indirect_vreg.gather [hbm4b:s18+s24], $0x80, v4, vm0, $0xb8;
	[tilespmem:$0x10100] =	vst v63  }
0x626: {  	s17 =	simm.s32 $0x2900  }
0x627: {  	[tilespmem:s17], [sflag:$0x3] =	stream.indirect_vreg.gather [hbm4b:s21+s24], $0x80, v4, vm0, $0xb8;
	[tilespmem:$0x10100] =	vst v63  }
0x628: {  	s29 =	simm.s32 $0x3100  }
0x629: {  	[tilespmem:s29], [sflag:$0x3] =	stream.indirect_vreg.gather [hbm4b:s18+s24], $0x80, v3, vm0, $0xb8;
	[tilespmem:$0x10100] =	vst v63  }
0x62a: {  	s17 =	simm.s32 $0x3900  }
0x62b: {  	[tilespmem:s17], [sflag:$0x3] =	stream.indirect_vreg.gather [hbm4b:s21+s24], $0x80, v3, vm0, $0xb8;
	[tilespmem:$0x10100] =	vst v63  }
0x62c: {  	v3 =	vld [tilespmem:$0x20];
	_ =	sdelay $0x4  }
0x62d: {  	v50 =	vshll.u32 v3, $0x2  }
0x62e: {  	v3 =	vand.u32 $0x7, v3;
	v4 =	vand.u32 $0xFFFFFFE0, v50  }
0x62f: {  	v3 =	vor.u32 v3, v4  }
0x630: {  	v4 =	vperm.xlane v3, v0;
	_ =	sdelay $0x1  }
0x631: {  	v4 =	vadd.s32 v1, v4;
	_ =	sdelay $0x1  }
0x632: {  	v3 =	vperm.xlane v3, v2;
	_ =	sdelay $0x1  }
0x633: {  	s29 =	simm.s32 $0x4100;
	v3 =	vadd.s32 v1, v3  }
0x634: {  	[tilespmem:s29], [sflag:$0x3] =	stream.indirect_vreg.gather [hbm4b:s18+s24], $0x80, v4, vm0, $0xb8;
	[tilespmem:$0x10100] =	vst v63  }
0x635: {  	s17 =	simm.s32 $0x4900  }
0x636: {  	[tilespmem:s17], [sflag:$0x3] =	stream.indirect_vreg.gather [hbm4b:s21+s24], $0x80, v4, vm0, $0xb8;
	[tilespmem:$0x10100] =	vst v63  }
0x637: {  	s29 =	simm.s32 $0x5100  }
0x638: {  	[tilespmem:s29], [sflag:$0x3] =	stream.indirect_vreg.gather [hbm4b:s18+s24], $0x80, v3, vm0, $0xb8;
	[tilespmem:$0x10100] =	vst v63  }
0x639: {  	s17 =	simm.s32 $0x5900  }
0x63a: {  	[tilespmem:s17], [sflag:$0x3] =	stream.indirect_vreg.gather [hbm4b:s21+s24], $0x80, v3, vm0, $0xb8;
	[tilespmem:$0x10100] =	vst v63  }
0x63b: {  	v3 =	vld [tilespmem:$0x30];
	_ =	sdelay $0x4  }
0x63c: {  	v51 =	vshll.u32 v3, $0x2  }
0x63d: {  	v3 =	vand.u32 $0x7, v3;
	v4 =	vand.u32 $0xFFFFFFE0, v51  }
0x63e: {  	v3 =	vor.u32 v3, v4  }
0x63f: {  	v4 =	vperm.xlane v3, v0;
	_ =	sdelay $0x1  }
0x640: {  	v4 =	vadd.s32 v1, v4;
	_ =	sdelay $0x1  }
0x641: {  	v3 =	vperm.xlane v3, v2;
	_ =	sdelay $0x1  }
0x642: {  	s29 =	simm.s32 $0x6100;
	v3 =	vadd.s32 v1, v3  }
0x643: {  	[tilespmem:s29], [sflag:$0x3] =	stream.indirect_vreg.gather [hbm4b:s18+s24], $0x80, v4, vm0, $0xb8;
	[tilespmem:$0x10100] =	vst v63  }
0x644: {  	s28 =	simm.s32 $0x6900  }
0x645: {  	[tilespmem:s28], [sflag:$0x3] =	stream.indirect_vreg.gather [hbm4b:s21+s24], $0x80, v4, vm0, $0xb8;
	[tilespmem:$0x10100] =	vst v63  }
0x646: {  	s5 =	simm.s32 $0x7100  }
0x647: {  	[tilespmem:s5], [sflag:$0x3] =	stream.indirect_vreg.gather [hbm4b:s18+s24], $0x80, v3, vm0, $0xb8;
	[tilespmem:$0x10100] =	vst v63  }
0x648: {  	s17 =	simm.s32 $0x7900  }
0x649: {  	[tilespmem:s17], [sflag:$0x3] =	stream.indirect_vreg.gather [hbm4b:s21+s24], $0x80, v3, vm0, $0xb8;
	[tilespmem:$0x10100] =	vst v63  }
0x64a: {  	s0 =	simm.s32 $0x80;
	s28 =	rddreg [dreg:$0x18]  }
0x64b: {  	[tilespmem:s0], [sflag:$0x2] =	stream.linear.gather [hbm4b:s28+s24], $0x40, $0x38;
	[tilespmem:$0x10100] =	vst v63  }
0x64c: {  	_ =	swait.ge [sflag:s10], $0x8000  }
0x64d: {  	s0 =	sld [smem:$0x7F9]  }
0x64e: {  	[sflag:s10] =	ssyncset.done $0x0  }
0x64f: {  	[sflag:s10] =	ssyncadd.s32 $0xFFFF8000  }
0x650: {  	[hbm4b:s0+s24] =	stream.linear.scatter [tilespmem:s23], [sflag:$0x5], $0x8000, $0x38;
	[tilespmem:$0x10100] =	vst v63  }
0x651: {  	_ =	swait.ge [sflag:s16], $0x8000  }
0x652: {  	[sflag:s16] =	ssyncset.done $0x0  }
0x653: {  	[sflag:s16] =	ssyncadd.s32 $0xFFFF8000  }
0x654: {  	_ =	swait.ge [sflag:s11], $0x40  }
0x655: {  	[sflag:s11] =	ssyncset.done $0x0  }
0x656: {  	[sflag:s11] =	ssyncadd.s32 $0xFFFFFFC0  }
0x657: {  	v3 =	vld [tilespmem:$0x80];
	_ =	sdelay $0x4  }
0x658: {  	v52 =	vshll.u32 v3, $0x2  }
0x659: {  	v3 =	vand.u32 $0x7, v3;
	v4 =	vand.u32 $0xFFFFFFE0, v52  }
0x65a: {  	v3 =	vor.u32 v3, v4  }
0x65b: {  	v4 =	vperm.xlane v3, v0;
	_ =	sdelay $0x1  }
0x65c: {  	v4 =	vadd.s32 v1, v4;
	_ =	sdelay $0x1  }
0x65d: {  	v3 =	vperm.xlane v3, v2;
	_ =	sdelay $0x1  }
0x65e: {  	v3 =	vadd.s32 v1, v3  }
0x65f: {  	[tilespmem:s30], [sflag:$0x4] =	stream.indirect_vreg.gather [hbm4b:s18+s24], $0x80, v4, vm0, $0xb8;
	[tilespmem:$0x10100] =	vst v63  }
0x660: {  	s2 =	simm.s32 $0x8900  }
0x661: {  	[tilespmem:s2], [sflag:$0x4] =	stream.indirect_vreg.gather [hbm4b:s21+s24], $0x80, v4, vm0, $0xb8;
	[tilespmem:$0x10100] =	vst v63  }
0x662: {  	s8 =	simm.s32 $0x9100  }
0x663: {  	[tilespmem:s8], [sflag:$0x4] =	stream.indirect_vreg.gather [hbm4b:s18+s24], $0x80, v3, vm0, $0xb8;
	[tilespmem:$0x10100] =	vst v63  }
0x664: {  	s26 =	simm.s32 $0x9900  }
0x665: {  	[tilespmem:s26], [sflag:$0x4] =	stream.indirect_vreg.gather [hbm4b:s21+s24], $0x80, v3, vm0, $0xb8;
	[tilespmem:$0x10100] =	vst v63  }
0x666: {  	v3 =	vld [tilespmem:$0x90];
	_ =	sdelay $0x4  }
0x667: {  	v53 =	vshll.u32 v3, $0x2  }
0x668: {  	v3 =	vand.u32 $0x7, v3;
	v4 =	vand.u32 $0xFFFFFFE0, v53  }
0x669: {  	v3 =	vor.u32 v3, v4  }
0x66a: {  	v4 =	vperm.xlane v3, v0;
	_ =	sdelay $0x1  }
0x66b: {  	v4 =	vadd.s32 v1, v4;
	_ =	sdelay $0x1  }
0x66c: {  	v3 =	vperm.xlane v3, v2;
	_ =	sdelay $0x1  }
0x66d: {  	s20 =	simm.s32 $0xA100;
	v3 =	vadd.s32 v1, v3  }
0x66e: {  	[tilespmem:s20], [sflag:$0x4] =	stream.indirect_vreg.gather [hbm4b:s18+s24], $0x80, v4, vm0, $0xb8;
	[tilespmem:$0x10100] =	vst v63  }
0x66f: {  	s13 =	simm.s32 $0xA900  }
0x670: {  	[tilespmem:s13], [sflag:$0x4] =	stream.indirect_vreg.gather [hbm4b:s21+s24], $0x80, v4, vm0, $0xb8;
	[tilespmem:$0x10100] =	vst v63  }
0x671: {  	s12 =	simm.s32 $0xB100  }
0x672: {  	[tilespmem:s12], [sflag:$0x4] =	stream.indirect_vreg.gather [hbm4b:s18+s24], $0x80, v3, vm0, $0xb8;
	[tilespmem:$0x10100] =	vst v63  }
0x673: {  	s9 =	simm.s32 $0xB900  }
0x674: {  	[tilespmem:s9], [sflag:$0x4] =	stream.indirect_vreg.gather [hbm4b:s21+s24], $0x80, v3, vm0, $0xb8;
	[tilespmem:$0x10100] =	vst v63  }
0x675: {  	v3 =	vld [tilespmem:$0xA0];
	_ =	sdelay $0x4  }
0x676: {  	v54 =	vshll.u32 v3, $0x2  }
0x677: {  	v3 =	vand.u32 $0x7, v3;
	v4 =	vand.u32 $0xFFFFFFE0, v54  }
0x678: {  	v3 =	vor.u32 v3, v4  }
0x679: {  	v4 =	vperm.xlane v3, v0;
	_ =	sdelay $0x1  }
0x67a: {  	v4 =	vadd.s32 v1, v4;
	_ =	sdelay $0x1  }
0x67b: {  	v3 =	vperm.xlane v3, v2;
	_ =	sdelay $0x1  }
0x67c: {  	s25 =	simm.s32 $0xC100;
	v3 =	vadd.s32 v1, v3  }
0x67d: {  	[tilespmem:s25], [sflag:$0x4] =	stream.indirect_vreg.gather [hbm4b:s18+s24], $0x80, v4, vm0, $0xb8;
	[tilespmem:$0x10100] =	vst v63  }
0x67e: {  	s15 =	simm.s32 $0xC900  }
0x67f: {  	[tilespmem:s15], [sflag:$0x4] =	stream.indirect_vreg.gather [hbm4b:s21+s24], $0x80, v4, vm0, $0xb8;
	[tilespmem:$0x10100] =	vst v63  }
0x680: {  	s19 =	simm.s32 $0xD100  }
0x681: {  	[tilespmem:s19], [sflag:$0x4] =	stream.indirect_vreg.gather [hbm4b:s18+s24], $0x80, v3, vm0, $0xb8;
	[tilespmem:$0x10100] =	vst v63  }
0x682: {  	s1 =	simm.s32 $0xD900  }
0x683: {  	[tilespmem:s1], [sflag:$0x4] =	stream.indirect_vreg.gather [hbm4b:s21+s24], $0x80, v3, vm0, $0xb8;
	[tilespmem:$0x10100] =	vst v63  }
0x684: {  	v3 =	vld [tilespmem:$0xB0];
	_ =	sdelay $0x4  }
0x685: {  	v55 =	vshll.u32 v3, $0x2  }
0x686: {  	v3 =	vand.u32 $0x7, v3;
	v4 =	vand.u32 $0xFFFFFFE0, v55  }
0x687: {  	v3 =	vor.u32 v3, v4  }
0x688: {  	v4 =	vperm.xlane v3, v0;
	_ =	sdelay $0x1  }
0x689: {  	v4 =	vadd.s32 v1, v4;
	_ =	sdelay $0x1  }
0x68a: {  	v3 =	vperm.xlane v3, v2;
	_ =	sdelay $0x1  }
0x68b: {  	s3 =	simm.s32 $0xE100;
	v3 =	vadd.s32 v1, v3  }
0x68c: {  	[tilespmem:s3], [sflag:$0x4] =	stream.indirect_vreg.gather [hbm4b:s18+s24], $0x80, v4, vm0, $0xb8;
	[tilespmem:$0x10100] =	vst v63  }
0x68d: {  	s7 =	simm.s32 $0xE900  }
0x68e: {  	[tilespmem:s7], [sflag:$0x4] =	stream.indirect_vreg.gather [hbm4b:s21+s24], $0x80, v4, vm0, $0xb8;
	[tilespmem:$0x10100] =	vst v63  }
0x68f: {  	s6 =	simm.s32 $0xF100  }
0x690: {  	[tilespmem:s6], [sflag:$0x4] =	stream.indirect_vreg.gather [hbm4b:s18+s24], $0x80, v3, vm0, $0xb8;
	[tilespmem:$0x10100] =	vst v63  }
0x691: {  	s17 =	simm.s32 $0xF900  }
0x692: {  	[tilespmem:s17], [sflag:$0x4] =	stream.indirect_vreg.gather [hbm4b:s21+s24], $0x80, v3, vm0, $0xb8;
	[tilespmem:$0x10100] =	vst v63  }
0x693: {  	s6 =	rddreg [dreg:$0x19]  }
0x694: {  	[tilespmem:s24], [sflag:$0x1] =	stream.linear.gather [hbm4b:s6+s24], $0x40, $0x38;
	[tilespmem:$0x10100] =	vst v63  }
0x695: {  	_ =	swait.ge [sflag:s14], $0x8000  }
0x696: {  	s6 =	sld [smem:$0x7FA]  }
0x697: {  	[sflag:s14] =	ssyncset.done $0x0  }
0x698: {  	[sflag:s14] =	ssyncadd.s32 $0xFFFF8000  }
0x699: {  	[hbm4b:s6+s24] =	stream.linear.scatter [tilespmem:s30], [sflag:$0x6], $0x8000, $0x38;
	[tilespmem:$0x10100] =	vst v63  }
0x69a: {  	_ =	swait.ge [sflag:s31], $0x8000  }
0x69b: {  	[sflag:s31] =	ssyncset.done $0x0  }
0x69c: {  	[sflag:s31] =	ssyncadd.s32 $0xFFFF8000  }
0x69d: {  	_ =	swait.ge [sflag:s22], $0x40  }
0x69e: {  	[sflag:s22] =	ssyncset.done $0x0  }
0x69f: {  	[sflag:s22] =	ssyncadd.s32 $0xFFFFFFC0  }
0x6a0: {  	v3 =	vld [tilespmem:$0x0];
	_ =	sdelay $0x4  }
0x6a1: {  	v56 =	vshll.u32 v3, $0x2  }
0x6a2: {  	v3 =	vand.u32 $0x7, v3;
	v4 =	vand.u32 $0xFFFFFFE0, v56  }
0x6a3: {  	v3 =	vor.u32 v3, v4  }
0x6a4: {  	v4 =	vperm.xlane v3, v0;
	_ =	sdelay $0x1  }
0x6a5: {  	v4 =	vadd.s32 v1, v4;
	_ =	sdelay $0x1  }
0x6a6: {  	v3 =	vperm.xlane v3, v2;
	_ =	sdelay $0x1  }
0x6a7: {  	v3 =	vadd.s32 v1, v3  }
0x6a8: {  	[tilespmem:s23], [sflag:$0x3] =	stream.indirect_vreg.gather [hbm4b:s18+s24], $0x80, v4, vm0, $0xb8;
	[tilespmem:$0x10100] =	vst v63  }
0x6a9: {  	s17 =	simm.s32 $0x900  }
0x6aa: {  	[tilespmem:s17], [sflag:$0x3] =	stream.indirect_vreg.gather [hbm4b:s21+s24], $0x80, v4, vm0, $0xb8;
	[tilespmem:$0x10100] =	vst v63  }
0x6ab: {  	s17 =	simm.s32 $0x1100  }
0x6ac: {  	[tilespmem:s17], [sflag:$0x3] =	stream.indirect_vreg.gather [hbm4b:s18+s24], $0x80, v3, vm0, $0xb8;
	[tilespmem:$0x10100] =	vst v63  }
0x6ad: {  	s17 =	simm.s32 $0x1900  }
0x6ae: {  	[tilespmem:s17], [sflag:$0x3] =	stream.indirect_vreg.gather [hbm4b:s21+s24], $0x80, v3, vm0, $0xb8;
	[tilespmem:$0x10100] =	vst v63  }
0x6af: {  	v3 =	vld [tilespmem:$0x10];
	_ =	sdelay $0x4  }
0x6b0: {  	v57 =	vshll.u32 v3, $0x2  }
0x6b1: {  	v3 =	vand.u32 $0x7, v3;
	v4 =	vand.u32 $0xFFFFFFE0, v57  }
0x6b2: {  	v3 =	vor.u32 v3, v4  }
0x6b3: {  	v4 =	vperm.xlane v3, v0;
	_ =	sdelay $0x1  }
0x6b4: {  	v4 =	vadd.s32 v1, v4;
	_ =	sdelay $0x1  }
0x6b5: {  	v3 =	vperm.xlane v3, v2;
	_ =	sdelay $0x1  }
0x6b6: {  	s17 =	simm.s32 $0x2100;
	v3 =	vadd.s32 v1, v3  }
0x6b7: {  	[tilespmem:s17], [sflag:$0x3] =	stream.indirect_vreg.gather [hbm4b:s18+s24], $0x80, v4, vm0, $0xb8;
	[tilespmem:$0x10100] =	vst v63  }
0x6b8: {  	s17 =	simm.s32 $0x2900  }
0x6b9: {  	[tilespmem:s17], [sflag:$0x3] =	stream.indirect_vreg.gather [hbm4b:s21+s24], $0x80, v4, vm0, $0xb8;
	[tilespmem:$0x10100] =	vst v63  }
0x6ba: {  	s17 =	simm.s32 $0x3100  }
0x6bb: {  	[tilespmem:s17], [sflag:$0x3] =	stream.indirect_vreg.gather [hbm4b:s18+s24], $0x80, v3, vm0, $0xb8;
	[tilespmem:$0x10100] =	vst v63  }
0x6bc: {  	s17 =	simm.s32 $0x3900  }
0x6bd: {  	[tilespmem:s17], [sflag:$0x3] =	stream.indirect_vreg.gather [hbm4b:s21+s24], $0x80, v3, vm0, $0xb8;
	[tilespmem:$0x10100] =	vst v63  }
0x6be: {  	v3 =	vld [tilespmem:$0x20];
	_ =	sdelay $0x4  }
0x6bf: {  	v58 =	vshll.u32 v3, $0x2  }
0x6c0: {  	v3 =	vand.u32 $0x7, v3;
	v4 =	vand.u32 $0xFFFFFFE0, v58  }
0x6c1: {  	v3 =	vor.u32 v3, v4  }
0x6c2: {  	v4 =	vperm.xlane v3, v0;
	_ =	sdelay $0x1  }
0x6c3: {  	v4 =	vadd.s32 v1, v4;
	_ =	sdelay $0x1  }
0x6c4: {  	v3 =	vperm.xlane v3, v2;
	_ =	sdelay $0x1  }
0x6c5: {  	s17 =	simm.s32 $0x4100;
	v3 =	vadd.s32 v1, v3  }
0x6c6: {  	[tilespmem:s17], [sflag:$0x3] =	stream.indirect_vreg.gather [hbm4b:s18+s24], $0x80, v4, vm0, $0xb8;
	[tilespmem:$0x10100] =	vst v63  }
0x6c7: {  	s17 =	simm.s32 $0x4900  }
0x6c8: {  	[tilespmem:s17], [sflag:$0x3] =	stream.indirect_vreg.gather [hbm4b:s21+s24], $0x80, v4, vm0, $0xb8;
	[tilespmem:$0x10100] =	vst v63  }
0x6c9: {  	s17 =	simm.s32 $0x5100  }
0x6ca: {  	[tilespmem:s17], [sflag:$0x3] =	stream.indirect_vreg.gather [hbm4b:s18+s24], $0x80, v3, vm0, $0xb8;
	[tilespmem:$0x10100] =	vst v63  }
0x6cb: {  	s17 =	simm.s32 $0x5900  }
0x6cc: {  	[tilespmem:s17], [sflag:$0x3] =	stream.indirect_vreg.gather [hbm4b:s21+s24], $0x80, v3, vm0, $0xb8;
	[tilespmem:$0x10100] =	vst v63  }
0x6cd: {  	v3 =	vld [tilespmem:$0x30];
	_ =	sdelay $0x4  }
0x6ce: {  	v59 =	vshll.u32 v3, $0x2  }
0x6cf: {  	v3 =	vand.u32 $0x7, v3;
	v4 =	vand.u32 $0xFFFFFFE0, v59  }
0x6d0: {  	v3 =	vor.u32 v3, v4  }
0x6d1: {  	v4 =	vperm.xlane v3, v0;
	_ =	sdelay $0x1  }
0x6d2: {  	v4 =	vadd.s32 v1, v4;
	_ =	sdelay $0x1  }
0x6d3: {  	v3 =	vperm.xlane v3, v2;
	_ =	sdelay $0x1  }
0x6d4: {  	s17 =	simm.s32 $0x6100;
	v3 =	vadd.s32 v1, v3  }
0x6d5: {  	[tilespmem:s17], [sflag:$0x3] =	stream.indirect_vreg.gather [hbm4b:s18+s24], $0x80, v4, vm0, $0xb8;
	[tilespmem:$0x10100] =	vst v63  }
0x6d6: {  	s29 =	simm.s32 $0x6900  }
0x6d7: {  	[tilespmem:s29], [sflag:$0x3] =	stream.indirect_vreg.gather [hbm4b:s21+s24], $0x80, v4, vm0, $0xb8;
	[tilespmem:$0x10100] =	vst v63  }
0x6d8: {  	s4 =	simm.s32 $0x7100  }
0x6d9: {  	[tilespmem:s4], [sflag:$0x3] =	stream.indirect_vreg.gather [hbm4b:s18+s24], $0x80, v3, vm0, $0xb8;
	[tilespmem:$0x10100] =	vst v63  }
0x6da: {  	s29 =	simm.s32 $0x7900  }
0x6db: {  	[tilespmem:s29], [sflag:$0x3] =	stream.indirect_vreg.gather [hbm4b:s21+s24], $0x80, v3, vm0, $0xb8;
	[tilespmem:$0x10100] =	vst v63  }
0x6dc: {  	s5 =	simm.s32 $0x80;
	s4 =	rddreg [dreg:$0x1a]  }
0x6dd: {  	[tilespmem:s5], [sflag:$0x2] =	stream.linear.gather [hbm4b:s4+s24], $0x40, $0x38;
	[tilespmem:$0x10100] =	vst v63  }
0x6de: {  	_ =	swait.ge [sflag:s10], $0x8000  }
0x6df: {  	s29 =	sld [smem:$0x7FB]  }
0x6e0: {  	[sflag:s10] =	ssyncset.done $0x0  }
0x6e1: {  	[sflag:s10] =	ssyncadd.s32 $0xFFFF8000  }
0x6e2: {  	[hbm4b:s29+s24] =	stream.linear.scatter [tilespmem:s23], [sflag:$0x5], $0x8000, $0x38;
	[tilespmem:$0x10100] =	vst v63  }
0x6e3: {  	_ =	swait.ge [sflag:s16], $0x8000  }
0x6e4: {  	[sflag:s16] =	ssyncset.done $0x0  }
0x6e5: {  	[sflag:s16] =	ssyncadd.s32 $0xFFFF8000  }
0x6e6: {  	_ =	swait.ge [sflag:s11], $0x40  }
0x6e7: {  	[sflag:s11] =	ssyncset.done $0x0  }
0x6e8: {  	[sflag:s11] =	ssyncadd.s32 $0xFFFFFFC0  }
0x6e9: {  	v3 =	vld [tilespmem:$0x80];
	_ =	sdelay $0x4  }
0x6ea: {  	v60 =	vshll.u32 v3, $0x2  }
0x6eb: {  	v3 =	vand.u32 $0x7, v3;
	v4 =	vand.u32 $0xFFFFFFE0, v60  }
0x6ec: {  	v3 =	vor.u32 v3, v4  }
0x6ed: {  	v4 =	vperm.xlane v3, v0;
	_ =	sdelay $0x1  }
0x6ee: {  	v4 =	vadd.s32 v1, v4;
	_ =	sdelay $0x1  }
0x6ef: {  	v3 =	vperm.xlane v3, v2;
	_ =	sdelay $0x1  }
0x6f0: {  	v3 =	vadd.s32 v1, v3  }
0x6f1: {  	[tilespmem:s30], [sflag:$0x4] =	stream.indirect_vreg.gather [hbm4b:s18+s24], $0x80, v4, vm0, $0xb8;
	[tilespmem:$0x10100] =	vst v63  }
0x6f2: {  	s0 =	simm.s32 $0x8900  }
0x6f3: {  	[tilespmem:s0], [sflag:$0x4] =	stream.indirect_vreg.gather [hbm4b:s21+s24], $0x80, v4, vm0, $0xb8;
	[tilespmem:$0x10100] =	vst v63  }
0x6f4: {  	s28 =	simm.s32 $0x9100  }
0x6f5: {  	[tilespmem:s28], [sflag:$0x4] =	stream.indirect_vreg.gather [hbm4b:s18+s24], $0x80, v3, vm0, $0xb8;
	[tilespmem:$0x10100] =	vst v63  }
0x6f6: {  	s26 =	simm.s32 $0x9900  }
0x6f7: {  	[tilespmem:s26], [sflag:$0x4] =	stream.indirect_vreg.gather [hbm4b:s21+s24], $0x80, v3, vm0, $0xb8;
	[tilespmem:$0x10100] =	vst v63  }
0x6f8: {  	v3 =	vld [tilespmem:$0x90];
	_ =	sdelay $0x4  }
0x6f9: {  	v61 =	vshll.u32 v3, $0x2  }
0x6fa: {  	v3 =	vand.u32 $0x7, v3;
	v4 =	vand.u32 $0xFFFFFFE0, v61  }
0x6fb: {  	v3 =	vor.u32 v3, v4  }
0x6fc: {  	v4 =	vperm.xlane v3, v0;
	_ =	sdelay $0x1  }
0x6fd: {  	v4 =	vadd.s32 v1, v4;
	_ =	sdelay $0x1  }
0x6fe: {  	v3 =	vperm.xlane v3, v2;
	_ =	sdelay $0x1  }
0x6ff: {  	s20 =	simm.s32 $0xA100;
	v3 =	vadd.s32 v1, v3  }
0x700: {  	[tilespmem:s20], [sflag:$0x4] =	stream.indirect_vreg.gather [hbm4b:s18+s24], $0x80, v4, vm0, $0xb8;
	[tilespmem:$0x10100] =	vst v63  }
0x701: {  	s13 =	simm.s32 $0xA900  }
0x702: {  	[tilespmem:s13], [sflag:$0x4] =	stream.indirect_vreg.gather [hbm4b:s21+s24], $0x80, v4, vm0, $0xb8;
	[tilespmem:$0x10100] =	vst v63  }
0x703: {  	s12 =	simm.s32 $0xB100  }
0x704: {  	[tilespmem:s12], [sflag:$0x4] =	stream.indirect_vreg.gather [hbm4b:s18+s24], $0x80, v3, vm0, $0xb8;
	[tilespmem:$0x10100] =	vst v63  }
0x705: {  	s9 =	simm.s32 $0xB900  }
0x706: {  	[tilespmem:s9], [sflag:$0x4] =	stream.indirect_vreg.gather [hbm4b:s21+s24], $0x80, v3, vm0, $0xb8;
	[tilespmem:$0x10100] =	vst v63  }
0x707: {  	v3 =	vld [tilespmem:$0xA0];
	_ =	sdelay $0x4  }
0x708: {  	v62 =	vshll.u32 v3, $0x2  }
0x709: {  	v3 =	vand.u32 $0x7, v3;
	v4 =	vand.u32 $0xFFFFFFE0, v62  }
0x70a: {  	v3 =	vor.u32 v3, v4  }
0x70b: {  	v4 =	vperm.xlane v3, v0;
	_ =	sdelay $0x1  }
0x70c: {  	v4 =	vadd.s32 v1, v4;
	_ =	sdelay $0x1  }
0x70d: {  	v3 =	vperm.xlane v3, v2;
	_ =	sdelay $0x1  }
0x70e: {  	s25 =	simm.s32 $0xC100;
	v3 =	vadd.s32 v1, v3  }
0x70f: {  	[tilespmem:s25], [sflag:$0x4] =	stream.indirect_vreg.gather [hbm4b:s18+s24], $0x80, v4, vm0, $0xb8;
	[tilespmem:$0x10100] =	vst v63  }
0x710: {  	s15 =	simm.s32 $0xC900  }
0x711: {  	[tilespmem:s15], [sflag:$0x4] =	stream.indirect_vreg.gather [hbm4b:s21+s24], $0x80, v4, vm0, $0xb8;
	[tilespmem:$0x10100] =	vst v63  }
0x712: {  	s19 =	simm.s32 $0xD100  }
0x713: {  	[tilespmem:s19], [sflag:$0x4] =	stream.indirect_vreg.gather [hbm4b:s18+s24], $0x80, v3, vm0, $0xb8;
	[tilespmem:$0x10100] =	vst v63  }
0x714: {  	s2 =	simm.s32 $0xD900  }
0x715: {  	[tilespmem:s2], [sflag:$0x4] =	stream.indirect_vreg.gather [hbm4b:s21+s24], $0x80, v3, vm0, $0xb8;
	[tilespmem:$0x10100] =	vst v63  }
0x716: {  	v3 =	vld [tilespmem:$0xB0];
	_ =	sdelay $0x4  }
0x717: {  	v63 =	vshll.u32 v3, $0x2  }
0x718: {  	v3 =	vand.u32 $0x7, v3;
	v4 =	vand.u32 $0xFFFFFFE0, v63  }
0x719: {  	v3 =	vor.u32 v3, v4  }
0x71a: {  	v4 =	vperm.xlane v3, v0;
	_ =	sdelay $0x1  }
0x71b: {  	v4 =	vadd.s32 v1, v4;
	_ =	sdelay $0x2  }
0x71c: {  	v3 =	vperm.xlane v3, v2  }
0x71d: {  	s1 =	simm.s32 $0xE100  }
0x71e: {  	v3 =	vadd.s32 v1, v3;
	[tilespmem:s1], [sflag:$0x4] =	stream.indirect_vreg.gather [hbm4b:s18+s24], $0x80, v4, vm0, $0xb8;
	[tilespmem:$0x10100] =	vst v63  }
0x71f: {  	s8 =	simm.s32 $0xE900  }
0x720: {  	[tilespmem:s8], [sflag:$0x4] =	stream.indirect_vreg.gather [hbm4b:s21+s24], $0x80, v4, vm0, $0xb8;
	[tilespmem:$0x10100] =	vst v63  }
.Ltmp2:
0x721: {  	_ = 	snop;
	(pc) =	sbr.rel @p0 .LBB2_3-.Ltmp2, $4  }
0x722: {  	s3 =	simm.s32 $0xF100  }
0x723: {  	[tilespmem:s3], [sflag:$0x4] =	stream.indirect_vreg.gather [hbm4b:s18+s24], $0x80, v3, vm0, $0xb8;
	[tilespmem:$0x10100] =	vst v63  }
0x724: {  	s7 =	simm.s32 $0xF900;
	s6 =	simm.s32 $0x6900  }
0x725: {  	[tilespmem:s7], [sflag:$0x4] =	stream.indirect_vreg.gather [hbm4b:s21+s24], $0x80, v3, vm0, $0xb8;
	[tilespmem:$0x10100] =	vst v63  }
0x726: {  	s17 =	rddreg [dreg:$0x1b]  }
0x727: {  	[tilespmem:s24], [sflag:$0x1] =	stream.linear.gather [hbm4b:s17+s24], $0x40, $0x38;
	[tilespmem:$0x10100] =	vst v63  }
0x728: {  	_ =	swait.ge [sflag:s14], $0x8000  }
0x729: {  	s2 =	sld [smem:$0x7FC]  }
0x72a: {  	[sflag:s14] =	ssyncset.done $0x0  }
0x72b: {  	s17 =	simm.s32 $0x5;
	[sflag:s14] =	ssyncadd.s32 $0xFFFF8000  }
0x72c: {  	[hbm4b:s2+s24] =	stream.linear.scatter [tilespmem:s30], [sflag:$0x6], $0x8000, $0x38;
	[tilespmem:$0x10100] =	vst v63  }
0x72d: {  	_ =	swait.ge [sflag:s17], $0x8000  }
0x72e: {  	[sflag:s17] =	ssyncset.done $0x0  }
0x72f: {  	[sflag:s17] =	ssyncadd.s32 $0xFFFF8000  }
0x730: {  	_ =	swait.ge [sflag:s22], $0x40  }
0x731: {  	[sflag:s22] =	ssyncset.done $0x0  }
0x732: {  	[sflag:s22] =	ssyncadd.s32 $0xFFFFFFC0  }
0x733: {  	v3 =	vld [tilespmem:$0x0];
	_ =	sdelay $0x4  }
0x734: {  	v4 =	vshll.u32 v3, $0x2  }
0x735: {  	v3 =	vand.u32 $0x7, v3;
	v4 =	vand.u32 $0xFFFFFFE0, v4  }
0x736: {  	v3 =	vor.u32 v3, v4  }
0x737: {  	v4 =	vperm.xlane v3, v0;
	_ =	sdelay $0x1  }
0x738: {  	v4 =	vadd.s32 v1, v4;
	_ =	sdelay $0x1  }
0x739: {  	v3 =	vperm.xlane v3, v2;
	_ =	sdelay $0x1  }
0x73a: {  	v3 =	vadd.s32 v1, v3  }
0x73b: {  	[tilespmem:s23], [sflag:$0x3] =	stream.indirect_vreg.gather [hbm4b:s18+s24], $0x80, v4, vm0, $0xb8;
	[tilespmem:$0x10100] =	vst v63  }
0x73c: {  	s0 =	simm.s32 $0x900  }
0x73d: {  	[tilespmem:s0], [sflag:$0x3] =	stream.indirect_vreg.gather [hbm4b:s21+s24], $0x80, v4, vm0, $0xb8;
	[tilespmem:$0x10100] =	vst v63  }
0x73e: {  	s3 =	simm.s32 $0x1100  }
0x73f: {  	[tilespmem:s3], [sflag:$0x3] =	stream.indirect_vreg.gather [hbm4b:s18+s24], $0x80, v3, vm0, $0xb8;
	[tilespmem:$0x10100] =	vst v63  }
0x740: {  	s4 =	simm.s32 $0x1900  }
0x741: {  	[tilespmem:s4], [sflag:$0x3] =	stream.indirect_vreg.gather [hbm4b:s21+s24], $0x80, v3, vm0, $0xb8;
	[tilespmem:$0x10100] =	vst v63  }
0x742: {  	v3 =	vld [tilespmem:$0x10];
	_ =	sdelay $0x4  }
0x743: {  	v61 =	vshll.u32 v3, $0x2  }
0x744: {  	v3 =	vand.u32 $0x7, v3;
	v4 =	vand.u32 $0xFFFFFFE0, v61  }
0x745: {  	v3 =	vor.u32 v3, v4  }
0x746: {  	v4 =	vperm.xlane v3, v0;
	_ =	sdelay $0x1  }
0x747: {  	v4 =	vadd.s32 v1, v4;
	_ =	sdelay $0x1  }
0x748: {  	v3 =	vperm.xlane v3, v2;
	_ =	sdelay $0x1  }
0x749: {  	s5 =	simm.s32 $0x2100;
	v3 =	vadd.s32 v1, v3  }
0x74a: {  	[tilespmem:s5], [sflag:$0x3] =	stream.indirect_vreg.gather [hbm4b:s18+s24], $0x80, v4, vm0, $0xb8;
	[tilespmem:$0x10100] =	vst v63  }
0x74b: {  	s7 =	simm.s32 $0x2900  }
0x74c: {  	[tilespmem:s7], [sflag:$0x3] =	stream.indirect_vreg.gather [hbm4b:s21+s24], $0x80, v4, vm0, $0xb8;
	[tilespmem:$0x10100] =	vst v63  }
0x74d: {  	s8 =	simm.s32 $0x3100  }
0x74e: {  	[tilespmem:s8], [sflag:$0x3] =	stream.indirect_vreg.gather [hbm4b:s18+s24], $0x80, v3, vm0, $0xb8;
	[tilespmem:$0x10100] =	vst v63  }
0x74f: {  	s9 =	simm.s32 $0x3900  }
0x750: {  	[tilespmem:s9], [sflag:$0x3] =	stream.indirect_vreg.gather [hbm4b:s21+s24], $0x80, v3, vm0, $0xb8;
	[tilespmem:$0x10100] =	vst v63  }
0x751: {  	v3 =	vld [tilespmem:$0x20];
	_ =	sdelay $0x4  }
0x752: {  	v62 =	vshll.u32 v3, $0x2  }
0x753: {  	v3 =	vand.u32 $0x7, v3;
	v4 =	vand.u32 $0xFFFFFFE0, v62  }
0x754: {  	v3 =	vor.u32 v3, v4  }
0x755: {  	v4 =	vperm.xlane v3, v0;
	_ =	sdelay $0x1  }
0x756: {  	v4 =	vadd.s32 v1, v4;
	_ =	sdelay $0x1  }
0x757: {  	v3 =	vperm.xlane v3, v2;
	_ =	sdelay $0x1  }
0x758: {  	s12 =	simm.s32 $0x4100;
	v3 =	vadd.s32 v1, v3  }
0x759: {  	[tilespmem:s12], [sflag:$0x3] =	stream.indirect_vreg.gather [hbm4b:s18+s24], $0x80, v4, vm0, $0xb8;
	[tilespmem:$0x10100] =	vst v63  }
0x75a: {  	s13 =	simm.s32 $0x4900  }
0x75b: {  	[tilespmem:s13], [sflag:$0x3] =	stream.indirect_vreg.gather [hbm4b:s21+s24], $0x80, v4, vm0, $0xb8;
	[tilespmem:$0x10100] =	vst v63  }
0x75c: {  	s15 =	simm.s32 $0x5100  }
0x75d: {  	[tilespmem:s15], [sflag:$0x3] =	stream.indirect_vreg.gather [hbm4b:s18+s24], $0x80, v3, vm0, $0xb8;
	[tilespmem:$0x10100] =	vst v63  }
0x75e: {  	s19 =	simm.s32 $0x5900  }
0x75f: {  	[tilespmem:s19], [sflag:$0x3] =	stream.indirect_vreg.gather [hbm4b:s21+s24], $0x80, v3, vm0, $0xb8;
	[tilespmem:$0x10100] =	vst v63  }
0x760: {  	v3 =	vld [tilespmem:$0x30];
	_ =	sdelay $0x4  }
0x761: {  	v63 =	vshll.u32 v3, $0x2  }
0x762: {  	v3 =	vand.u32 $0x7, v3;
	v4 =	vand.u32 $0xFFFFFFE0, v63  }
0x763: {  	v3 =	vor.u32 v3, v4  }
0x764: {  	v4 =	vperm.xlane v3, v0;
	_ =	sdelay $0x1  }
0x765: {  	v4 =	vadd.s32 v1, v4;
	_ =	sdelay $0x1  }
0x766: {  	v3 =	vperm.xlane v3, v2;
	_ =	sdelay $0x1  }
0x767: {  	s20 =	simm.s32 $0x6100;
	v3 =	vadd.s32 v1, v3  }
0x768: {  	[tilespmem:s20], [sflag:$0x3] =	stream.indirect_vreg.gather [hbm4b:s18+s24], $0x80, v4, vm0, $0xb8;
	[tilespmem:$0x10100] =	vst v63  }
0x769: {  	s25 =	simm.s32 $0x7100;
	s26 =	simm.s32 $0x7900;
	s28 =	simm.s32 $0x2100  }
0x76a: {  	[tilespmem:s6], [sflag:$0x3] =	stream.indirect_vreg.gather [hbm4b:s21+s24], $0x80, v4, vm0, $0xb8;
	[tilespmem:$0x10100] =	vst v63  }
0x76b: {  	s1 =	simm.s32 $0x3900;
	s29 =	simm.s32 $0x7900;
	s2 =	simm.s32 $0x4100  }
0x76c: {  	[tilespmem:s25], [sflag:$0x3] =	stream.indirect_vreg.gather [hbm4b:s18+s24], $0x80, v3, vm0, $0xb8;
	[tilespmem:$0x10100] =	vst v63  }
0x76d: {  	s0 =	simm.s32 $0x2900;
	s3 =	simm.s32 $0x4900;
	s4 =	simm.s32 $0x5100  }
0x76e: {  	[tilespmem:s26], [sflag:$0x3] =	stream.indirect_vreg.gather [hbm4b:s21+s24], $0x80, v3, vm0, $0xb8;
	[tilespmem:$0x10100] =	vst v63  }
0x76f: {  	s5 =	simm.s32 $0x5900;
	s7 =	simm.s32 $0x6900;
	_ =	swait.ge [sflag:s10], $0x8000  }
.Ltmp3:
0x770: {  	s8 =	simm.s32 $0x7100;
	s19 =	sld [smem:$0x7FD];
	(pc) =	sbr.rel .LBB2_4-.Ltmp3, $4  }
0x771: {  	s9 =	simm.s32 $0x900;
	s13 =	simm.s32 $0x1100;
	[sflag:s10] =	ssyncset.done $0x0  }
0x772: {  	s6 =	simm.s32 $0x6100;
	s25 =	simm.s32 $0x1900;
	[sflag:s10] =	ssyncadd.s32 $0xFFFF8000  }
0x773: {  	[hbm4b:s19+s24] =	stream.linear.scatter [tilespmem:s23], [sflag:$0x5], $0x8000, $0x38;
	[tilespmem:$0x10100] =	vst v63  }
0x774: {  	s26 =	simm.s32 $0x3100;
	s20 =	sld [smem:$0x7E8];
	s19 =	simm.s32 $0x6  }
.LBB2_5:
0x775: {  	_ =	sfence.sel $0x180000  }
0x776: {  	[bflag:$0x0] =	sbarrier.arrive $0xFFFF  }
0x777: {  	_ =	strace $0x90000047  }
0x778: {  	s0 =	stileid.u32;
	[bflag:$0x2] =	sbarrier.arrive $0xFFFF  }
0x779: {  	p0 =	sne.s32 s0, $0x0;
	s0 =	rddreg [dreg:$0x2]  }
0x77a: {  	s0 =	sadd.s32 @!p0 $0x100000, s0  }
0x77b: {  	[sflag:s0] =	ssyncadd.tile.s32 @!p0 $0x1;
	_ =	shalt  }
.Lfunc_end2:
_tile_overlayer_lowered:
.L_overlay_start_2:
0x77c: {  	(tag) =	ssettag $0x2  }
0x77d: {  	s0 =	rddreg [dreg:$0x0];
	s2 =	stileid.u32  }
0x77e: {  	s1 =	rddreg [dreg:$0x1];
	p0 =	sne.s32 s2, $0x0  }
0x77f: {  	s3 =	rddreg [dreg:$0x2];
	[bflag:$0x3] =	sbarrier.arrive $0xFFFF;
	s2 =	simm.s32 @!p0 $0x1C07  }
0x780: {  	[timem:s3], [sflag:s2] =	dma.local @!p0 [hbm:s0], s1  }
0x781: {  	s0 =	simm.s32 @!p0 $0x7  }
0x782: {  	_ =	swait.ge @!p0 [sflag:s0], s1  }
0x783: {  	s1 =	ssub.s32 @!p0 $0x0, s1;
	[sflag:s0] =	ssyncset.done @!p0 $0x0  }
0x784: {  	[sflag:s0] =	ssyncadd.s32 @!p0 s1  }
0x785: {  	[bflag:$0x3] =	sbarrier.arrive $0xFFFF  }
0x786: {  	_ =	shalt  }

</sc_bundles>
